<compile_context>
chip_gen: v7x
topology: tpu7x:2x2x1
jax: 0.10.2.dev20260603
libtpu: 0.0.44.dev20260713+nightly
codegen_flags: <defaults>
</compile_context>

<pallas_src>
import functools

import jax
import jax.numpy as jnp
from jax import lax
from jax.experimental import pallas as pl
from jax.experimental.pallas import tpu as pltpu
from jax.experimental.pallas import tpu_sc as plsc

_N = 10000
_E = 320000
_B = 2
_F = 128
_NT = 16
_NC = 2
_CHUNK = _E // _NT
_HALF = _CHUNK // _NC
_PIECE = 2000
_NPP = _HALF // _PIECE
_NPAD = 10240
_SLICE = _NPAD // _NT

_SC_PARAMS = pltpu.CompilerParams(use_tc_tiling_on_sc=False,
                                  needs_layout_passes=False)
_SC_MESH = plsc.VectorSubcoreMesh(core_axis_name="c", subcore_axis_name="s")


def _rsqrt16(d):
    i = plsc.bitcast(d, jnp.int32)
    i = jnp.int32(0x5F3759DF) - (i >> 1)
    y = plsc.bitcast(i, jnp.float32)
    for _ in range(3):
        y = y * (1.5 - 0.5 * d * y * y)
    return jnp.where(d > 0.0, y, 0.0)


def _piece_starter(ei_hbm, w_hbm, bufs):
    def start_piece(q, off):
        sv, dv, wv, sem = bufs[q]
        cps = (pltpu.make_async_copy(ei_hbm.at[0, pl.ds(off, _PIECE)], sv, sem),
               pltpu.make_async_copy(ei_hbm.at[1, pl.ds(off, _PIECE)], dv, sem),
               pltpu.make_async_copy(w_hbm.at[pl.ds(off, _PIECE)], wv, sem))
        for cp in cps:
            cp.start()
        return cps
    return start_piece


def _deg_body(ei_hbm, w_hbm, degp_hbm,
              sA, dA, wA, sB, dB, wB, deg_v, red_v, slc_v, semA, semB,
              deg_sh):
    c = lax.axis_index("c")
    s = lax.axis_index("s")
    bufs = ((sA, dA, wA, semA), (sB, dB, wB, semB))
    start_piece = _piece_starter(ei_hbm, w_hbm, bufs)
    base = s * _CHUNK + c * _HALF

    pend = start_piece(0, base)

    def _zero(i, carry):
        for u in range(5):
            deg_v[pl.ds(i * 80 + u * 16, 16)] = jnp.zeros((16,), jnp.float32)
        return carry
    lax.fori_loop(0, _N // 80, _zero, None)

    def _make_deg(q):
        sv, dv, wv, _ = bufs[q]

        def _deg(i, carry):
            for u in range(5):
                off = i * 80 + u * 16
                a = sv[pl.ds(off, 16)]
                b = dv[pl.ds(off, 16)]
                w16 = wv[pl.ds(off, 16)]
                plsc.addupdate_scatter(deg_v, [a], jnp.where(a != b, w16, 0.0))
            return carry
        return _deg

    degs = (_make_deg(0), _make_deg(1))
    for p in range(_NPP):
        q = p & 1
        cur = pend
        if p + 1 < _NPP:
            pend = start_piece(q ^ 1, base + (p + 1) * _PIECE)
        for cp in cur:
            cp.wait()
        lax.fori_loop(0, _PIECE // 80, degs[q], None)

    pltpu.sync_copy(deg_v, deg_sh.at[s, pl.ds(0, _N)])
    plsc.subcore_barrier()

    pltpu.sync_copy(deg_sh.at[:, pl.ds(s * _SLICE, _SLICE)], red_v)

    def _dred(j, carry):
        acc = red_v[0, pl.ds(j * 16, 16)]
        for k in range(1, _NT):
            acc = acc + red_v[k, pl.ds(j * 16, 16)]
        slc_v[pl.ds(j * 16, 16)] = acc
        return carry
    lax.fori_loop(0, _SLICE // 16, _dred, None)
    pltpu.sync_copy(slc_v, degp_hbm.at[c, pl.ds(s * _SLICE, _SLICE)])


_deg_sc = functools.partial(
    pl.kernel,
    out_type=jax.ShapeDtypeStruct((_NC, _NPAD), jnp.float32),
    mesh=_SC_MESH,
    compiler_params=_SC_PARAMS,
    scratch_types=[
        pltpu.VMEM((_PIECE,), jnp.int32),
        pltpu.VMEM((_PIECE,), jnp.int32),
        pltpu.VMEM((_PIECE,), jnp.float32),
        pltpu.VMEM((_PIECE,), jnp.int32),
        pltpu.VMEM((_PIECE,), jnp.int32),
        pltpu.VMEM((_PIECE,), jnp.float32),
        pltpu.VMEM((_N,), jnp.float32),
        pltpu.VMEM((_NT, _SLICE), jnp.float32),
        pltpu.VMEM((_SLICE,), jnp.float32),
        pltpu.SemaphoreType.DMA,
        pltpu.SemaphoreType.DMA,
        pltpu.VMEM_SHARED((_NT, _NPAD), jnp.float32),
    ],
)(_deg_body)


def _msg_body(ei_hbm, w_hbm, z1_hbm, degp_hbm, t_hbm,
              sA, dA, wA, sB, dB, wB, z1_v, dinv_v, t_v, red_v, slc_v, dp_v,
              z1_sem, semA, semB, dinv_sh, t_sh):
    c = lax.axis_index("c")
    s = lax.axis_index("s")
    bufs = ((sA, dA, wA, semA), (sB, dB, wB, semB))
    start_piece = _piece_starter(ei_hbm, w_hbm, bufs)
    base = s * _CHUNK + c * _HALF

    pend = start_piece(0, base)
    z1_cp = pltpu.make_async_copy(z1_hbm, z1_v, z1_sem)
    z1_cp.start()

    pltpu.sync_copy(degp_hbm.at[:, pl.ds(s * _SLICE, _SLICE)], dp_v)

    def _dinv(j, carry):
        acc = dp_v[0, pl.ds(j * 16, 16)] + dp_v[1, pl.ds(j * 16, 16)]
        slc_v[pl.ds(j * 16, 16)] = _rsqrt16(acc)
        return carry
    lax.fori_loop(0, _SLICE // 16, _dinv, None)
    pltpu.sync_copy(slc_v, dinv_sh.at[pl.ds(s * _SLICE, _SLICE)])

    def _zero(i, carry):
        for u in range(5):
            t_v[pl.ds(i * 80 + u * 16, 16)] = jnp.zeros((16,), jnp.float32)
        return carry
    lax.fori_loop(0, (_B * _N) // 80, _zero, None)

    plsc.subcore_barrier()
    pltpu.sync_copy(dinv_sh.at[pl.ds(0, _N)], dinv_v)
    z1_cp.wait()

    def _make_msg(q):
        sv, dv, wv, _ = bufs[q]

        def _msg(i, carry):
            for u in range(5):
                off = i * 80 + u * 16
                a = sv[pl.ds(off, 16)]
                b = dv[pl.ds(off, 16)]
                w16 = wv[pl.ds(off, 16)]
                dsrc = plsc.load_gather(dinv_v, [a])
                ddst = plsc.load_gather(dinv_v, [b])
                ce = jnp.where(a != b, -(dsrc * w16 * ddst), 0.0)
                g0 = plsc.load_gather(z1_v, [a])
                g1 = plsc.load_gather(z1_v, [a + _N])
                plsc.addupdate_scatter(t_v, [b], ce * g0)
                plsc.addupdate_scatter(t_v, [b + _N], ce * g1)
            return carry
        return _msg

    msgs = (_make_msg(0), _make_msg(1))
    for p in range(_NPP):
        q = p & 1
        cur = pend
        if p + 1 < _NPP:
            pend = start_piece(q ^ 1, base + (p + 1) * _PIECE)
        for cp in cur:
            cp.wait()
        lax.fori_loop(0, _PIECE // 80, msgs[q], None)

    pltpu.sync_copy(t_v.at[pl.ds(0, _N)], t_sh.at[s, 0, pl.ds(0, _N)])
    pltpu.sync_copy(t_v.at[pl.ds(_N, _N)], t_sh.at[s, 1, pl.ds(0, _N)])
    plsc.subcore_barrier()

    for b in range(_B):
        pltpu.sync_copy(t_sh.at[:, b, pl.ds(s * _SLICE, _SLICE)], red_v)

        def _tred(j, carry):
            acc = red_v[0, pl.ds(j * 16, 16)]
            for k in range(1, _NT):
                acc = acc + red_v[k, pl.ds(j * 16, 16)]
            slc_v[pl.ds(j * 16, 16)] = acc
            return carry
        lax.fori_loop(0, _SLICE // 16, _tred, None)
        pltpu.sync_copy(slc_v, t_hbm.at[b, c, pl.ds(s * _SLICE, _SLICE)])


_msg_sc = functools.partial(
    pl.kernel,
    out_type=jax.ShapeDtypeStruct((_B, _NC, _NPAD), jnp.float32),
    mesh=_SC_MESH,
    compiler_params=_SC_PARAMS,
    scratch_types=[
        pltpu.VMEM((_PIECE,), jnp.int32),
        pltpu.VMEM((_PIECE,), jnp.int32),
        pltpu.VMEM((_PIECE,), jnp.float32),
        pltpu.VMEM((_PIECE,), jnp.int32),
        pltpu.VMEM((_PIECE,), jnp.int32),
        pltpu.VMEM((_PIECE,), jnp.float32),
        pltpu.VMEM((_B * _N,), jnp.float32),
        pltpu.VMEM((_N,), jnp.float32),
        pltpu.VMEM((_B * _N,), jnp.float32),
        pltpu.VMEM((_NT, _SLICE), jnp.float32),
        pltpu.VMEM((_SLICE,), jnp.float32),
        pltpu.VMEM((_NC, _SLICE), jnp.float32),
        pltpu.SemaphoreType.DMA,
        pltpu.SemaphoreType.DMA,
        pltpu.SemaphoreType.DMA,
        pltpu.VMEM_SHARED((_NPAD,), jnp.float32),
        pltpu.VMEM_SHARED((_NT, _B, _NPAD), jnp.float32),
    ],
)(_msg_body)


def _mv_body(x_ref, w0_ref, w1_ref, z0_ref, z1_ref):
    xb = x_ref[...]
    wcat = jnp.concatenate([w0_ref[...], w1_ref[...]], axis=1)
    zt = lax.dot_general(wcat, xb, dimension_numbers=(((0,), (1,)), ((), ())),
                         preferred_element_type=jnp.float32)
    z0_ref[0, 0] = zt[0]
    z1_ref[0, 0] = zt[1]


def _matvec(x2, w0, w1):
    return pl.pallas_call(
        _mv_body,
        grid=(10,),
        in_specs=[
            pl.BlockSpec((2000, _F), lambda i: (i, 0)),
            pl.BlockSpec((_F, 1), lambda i: (0, 0)),
            pl.BlockSpec((_F, 1), lambda i: (0, 0)),
        ],
        out_specs=[
            pl.BlockSpec((1, 1, 2000), lambda i: (i, 0, 0)),
            pl.BlockSpec((1, 1, 2000), lambda i: (i, 0, 0)),
        ],
        out_shape=[
            jax.ShapeDtypeStruct((10, 1, 2000), jnp.float32),
            jax.ShapeDtypeStruct((10, 1, 2000), jnp.float32),
        ],
    )(x2, w0, w1)


def _y_body(z0_ref, t_ref, b_ref, y_ref):
    sv = z0_ref[0, 0] + t_ref[0, 0, :_N] + t_ref[0, 1, :_N] + b_ref[0]
    y_ref[0, 0] = jax.nn.sigmoid(sv)


def _sigmoid_y(z0, t, bias):
    return pl.pallas_call(
        _y_body,
        grid=(_B,),
        in_specs=[
            pl.BlockSpec((1, 1, _N), lambda b: (b, 0, 0)),
            pl.BlockSpec((1, _NC, _NPAD), lambda b: (b, 0, 0)),
            pl.BlockSpec((1,), lambda b: (0,)),
        ],
        out_specs=pl.BlockSpec((1, 1, _N), lambda b: (b, 0, 0)),
        out_shape=jax.ShapeDtypeStruct((_B, 1, _N), jnp.float32),
    )(z0, t, bias)


def kernel(x, edge_index, edge_w, W0, W1, bias):
    ei = edge_index.astype(jnp.int32)
    x2 = x.reshape(_B * _N, _F)
    degp = _deg_sc(ei, edge_w)
    z0, z1 = _matvec(x2, W0, W1)
    t = _msg_sc(ei, edge_w, z1.reshape(_B * _N), degp)
    y = _sigmoid_y(z0.reshape(_B, 1, _N), t, bias)
    return jnp.concatenate([x, y.reshape(_B, _N, 1)], axis=-1)

# --- scband reference (transcript-rebuilt; emitter-appended) ---
"""Pipeline reference for scband-gc-22445499089747 (READ-ONLY COPY).

The authoritative reference and input builder live on the scoring server;
editing this copy changes nothing except your own understanding.
"""

import jax, jax.numpy as jnp
import numpy as np

N = 10000
E = 320000
F_IN = 128
F_OUT = 1
B = 2
EPS = 1e-05
LAMBDA_MAX = 2.0


def setup_inputs(seed: int = 0) -> dict:
    key = jax.random.key(seed)
    k1, k2, k3, k4, k5, k6 = jax.random.split(key, 6)
    x = jax.random.normal(k1, (B, N, F_IN), dtype=jnp.float32)
    src = jax.random.randint(k2, (E,), 0, N)
    dst = jax.random.randint(k3, (E,), 0, N)
    edge_index = jnp.stack([src, dst], axis=0).astype(jnp.int64)
    dist = jax.random.uniform(k4, (E,), minval=1.0, maxval=200000.0)
    edge_w = (1.0 / (dist + EPS)).astype(jnp.float32)
    W0 = (jax.random.normal(k5, (F_IN, F_OUT)) / np.sqrt(F_IN)).astype(jnp.float32)
    W1 = (jax.random.normal(k6, (F_IN, F_OUT)) / np.sqrt(F_IN)).astype(jnp.float32)
    bias = jnp.zeros((F_OUT,), dtype=jnp.float32)
    return {"x": x, "edge_index": edge_index, "edge_w": edge_w, "W0": W0, "W1": W1, "bias": bias}


def _cheb_conv_k2(x, edge_index, edge_w, W0, W1, bias):
    # Faithful PyG ChebConv(K=2, normalization='sym', lambda_max=2.0) with node_dim=-2 batching.
    src = edge_index[0]
    dst = edge_index[1]
    # remove_self_loops (weight-zeroing keeps static shapes; identical under scatter-add)
    keep = (src != dst)
    w = jnp.where(keep, edge_w, 0.0)
    # get_laplacian, sym: deg over row
    deg = jnp.zeros((N,), dtype=x.dtype).at[src].add(w)
    deg_safe = jnp.where(deg > 0, deg, 1.0)
    dinv = jnp.where(deg > 0, 1.0 / jnp.sqrt(deg_safe), 0.0)  # deg^-0.5 with inf -> 0
    a_norm = dinv[src] * w * dinv[dst]
    scale = 2.0 / LAMBDA_MAX
    lap_w = (-a_norm) * scale  # off-diagonal of L_hat = (2/lmax) * L
    # get_laplacian appends diagonal 1, ChebConv appends self-loops with -1 -> combined diagonal
    diag_w = jnp.full((N,), 1.0 * scale - 1.0, dtype=x.dtype)
    loop = jnp.arange(N, dtype=src.dtype)
    src_all = jnp.concatenate([src, loop])
    dst_all = jnp.concatenate([dst, loop])
    w_all = jnp.concatenate([lap_w, diag_w])
    Tx_0 = x
    out = Tx_0 @ W0
    # propagate: message = norm * x_j (gather at source), scatter-add at target, along node dim
    msgs = jnp.take(x, src_all, axis=1) * w_all[None, :, None]
    Tx_1 = jnp.zeros_like(x).at[:, dst_all, :].add(msgs)
    out = out + Tx_1 @ W1
    out = out + bias
    return out


def reference(x, edge_index, edge_w, W0, W1, bias):
    y = _cheb_conv_k2(x, edge_index, edge_w, W0, W1, bias)
    y = jax.nn.sigmoid(y)
    y = y.reshape(-1, N, F_OUT)
    return jnp.concatenate([x, y], axis=-1)

if __name__ == "__main__":
    import jax
    _d = setup_inputs()
    print(jax.jit(kernel)(*tuple(_d.values())))

</pallas_src>

<mosaic_0001>
#map = affine_map<(d0, d1) -> (0, 0)>
#map1 = affine_map<(d0, d1) -> (0)>
module attributes {stable_mosaic.version = 14 : i64} {
  func.func @_deg_body(%arg0: i32, %arg1: i32, %arg2: memref<2x320000xi32, #tpu.memory_space<hbm>>, %arg3: memref<320000xf32, #tpu.memory_space<hbm>>, %arg4: memref<2x10240xf32, #tpu.memory_space<hbm>>, %arg5: memref<2000xi32, #tpu.memory_space<vmem>>, %arg6: memref<2000xi32, #tpu.memory_space<vmem>>, %arg7: memref<2000xf32, #tpu.memory_space<vmem>>, %arg8: memref<2000xi32, #tpu.memory_space<vmem>>, %arg9: memref<2000xi32, #tpu.memory_space<vmem>>, %arg10: memref<2000xf32, #tpu.memory_space<vmem>>, %arg11: memref<10000xf32, #tpu.memory_space<vmem>>, %arg12: memref<16x640xf32, #tpu.memory_space<vmem>>, %arg13: memref<640xf32, #tpu.memory_space<vmem>>, %arg14: memref<!tpu.dma_semaphore, #tpu.memory_space<semaphore_mem>>, %arg15: memref<!tpu.dma_semaphore, #tpu.memory_space<semaphore_mem>>, %arg16: memref<16x10240xf32, #tpu.memory_space<vmem_shared>>) attributes {dimension_semantics = [#tpu.dimension_semantics<core_parallel>, #tpu.dimension_semantics<subcore_parallel>], iteration_bounds = array<i64: 2, 16>, scalar_prefetch = 0 : i64, scratch_operands = 12 : i64, tpu.core_type = #tpu.core_type<sc_vector_subcore>, window_params = [{transform_indices = #map}, {transform_indices = #map1}, {transform_indices = #map}]} {
    %mul3A = arith.constant 20000 : i32
    %mul3A_0 = arith.muli %arg1, %mul3A : i32
    %mul3A_1 = arith.constant 10000 : i32
    %mul3A_2 = arith.muli %arg0, %mul3A_1 : i32
    %add3A = arith.addi %mul3A_0, %mul3A_2 : i32
    %dma_start3A = arith.constant 0 : i32
    %dma_start3A_3 = tpu.memref_slice %arg2[%dma_start3A, %add3A] : memref<2x320000xi32, #tpu.memory_space<hbm>> -> memref<1x2000xi32, #tpu.memory_space<hbm>>
    %dma_start3A_4 = tpu.memref_squeeze %dma_start3A_3 : memref<1x2000xi32, #tpu.memory_space<hbm>> -> memref<2000xi32, #tpu.memory_space<hbm>>
    %dma_start3A_5 = tpu.memref_slice %arg2[%dma_start3A, %add3A] : memref<2x320000xi32, #tpu.memory_space<hbm>> -> memref<1x2000xi32, #tpu.memory_space<hbm>>
    %dma_start3A_6 = tpu.memref_squeeze %dma_start3A_5 : memref<1x2000xi32, #tpu.memory_space<hbm>> -> memref<2000xi32, #tpu.memory_space<hbm>>
    tpu.enqueue_dma source(%dma_start3A_6 : memref<2000xi32, #tpu.memory_space<hbm>>) target(%arg5 : memref<2000xi32, #tpu.memory_space<vmem>>) target_semaphore(%arg14 : memref<!tpu.dma_semaphore, #tpu.memory_space<semaphore_mem>>)
    %dma_start3A_7 = arith.constant 1 : i32
    %dma_start3A_8 = tpu.memref_slice %arg2[%dma_start3A_7, %add3A] : memref<2x320000xi32, #tpu.memory_space<hbm>> -> memref<1x2000xi32, #tpu.memory_space<hbm>>
    %dma_start3A_9 = tpu.memref_squeeze %dma_start3A_8 : memref<1x2000xi32, #tpu.memory_space<hbm>> -> memref<2000xi32, #tpu.memory_space<hbm>>
    %dma_start3A_10 = tpu.memref_slice %arg2[%dma_start3A_7, %add3A] : memref<2x320000xi32, #tpu.memory_space<hbm>> -> memref<1x2000xi32, #tpu.memory_space<hbm>>
    %dma_start3A_11 = tpu.memref_squeeze %dma_start3A_10 : memref<1x2000xi32, #tpu.memory_space<hbm>> -> memref<2000xi32, #tpu.memory_space<hbm>>
    tpu.enqueue_dma source(%dma_start3A_11 : memref<2000xi32, #tpu.memory_space<hbm>>) target(%arg6 : memref<2000xi32, #tpu.memory_space<vmem>>) target_semaphore(%arg14 : memref<!tpu.dma_semaphore, #tpu.memory_space<semaphore_mem>>)
    %dma_start3A_12 = tpu.memref_slice %arg3[%add3A] : memref<320000xf32, #tpu.memory_space<hbm>> -> memref<2000xf32, #tpu.memory_space<hbm>>
    %dma_start3A_13 = tpu.memref_slice %arg3[%add3A] : memref<320000xf32, #tpu.memory_space<hbm>> -> memref<2000xf32, #tpu.memory_space<hbm>>
    tpu.enqueue_dma source(%dma_start3A_13 : memref<2000xf32, #tpu.memory_space<hbm>>) target(%arg7 : memref<2000xf32, #tpu.memory_space<vmem>>) target_semaphore(%arg14 : memref<!tpu.dma_semaphore, #tpu.memory_space<semaphore_mem>>)
    %scan3A = arith.constant 0 : i32
    %scan3A_14 = arith.constant 125 : i32
    %scan3A_15 = arith.addi %scan3A, %scan3A_14 : i32
    %scan3A_16 = arith.constant 1 : i32
    scf.for %scan3A_167 = %scan3A to %scan3A_15 step %scan3A_16  : i32 {
      %broadcast_in_dim3A = arith.constant 0.000000e+00 : f32
      %broadcast_in_dim3A_168 = vector.broadcast %broadcast_in_dim3A : f32 to vector<16xf32>
      %mul3A_169 = arith.constant 80 : i32
      %mul3A_170 = arith.muli %scan3A_167, %mul3A_169 : i32
      %add3A_171 = arith.constant 0 : i32
      %add3A_172 = arith.addi %mul3A_170, %add3A_171 : i32
      %swap3A = arith.index_cast %add3A_172 : i32 to index
      %swap3A_173 = tpu.vector_load %arg11[%swap3A] {strides = array<i32>} : memref<10000xf32, #tpu.memory_space<vmem>>, vector<16xf32>,
      tpu.vector_store %arg11[%swap3A], %broadcast_in_dim3A_168 {strides = array<i32>} : memref<10000xf32, #tpu.memory_space<vmem>>, vector<16xf32>,
      %broadcast_in_dim3A_174 = arith.constant 0.000000e+00 : f32
      %broadcast_in_dim3A_175 = vector.broadcast %broadcast_in_dim3A_174 : f32 to vector<16xf32>
      %mul3A_176 = arith.constant 80 : i32
      %mul3A_177 = arith.muli %scan3A_167, %mul3A_176 : i32
      %add3A_178 = arith.constant 16 : i32
      %add3A_179 = arith.addi %mul3A_177, %add3A_178 : i32
      %swap3A_180 = arith.index_cast %add3A_179 : i32 to index
      %swap3A_181 = tpu.vector_load %arg11[%swap3A_180] {strides = array<i32>} : memref<10000xf32, #tpu.memory_space<vmem>>, vector<16xf32>,
      tpu.vector_store %arg11[%swap3A_180], %broadcast_in_dim3A_175 {strides = array<i32>} : memref<10000xf32, #tpu.memory_space<vmem>>, vector<16xf32>,
      %broadcast_in_dim3A_182 = arith.constant 0.000000e+00 : f32
      %broadcast_in_dim3A_183 = vector.broadcast %broadcast_in_dim3A_182 : f32 to vector<16xf32>
      %mul3A_184 = arith.constant 80 : i32
      %mul3A_185 = arith.muli %scan3A_167, %mul3A_184 : i32
      %add3A_186 = arith.constant 32 : i32
      %add3A_187 = arith.addi %mul3A_185, %add3A_186 : i32
      %swap3A_188 = arith.index_cast %add3A_187 : i32 to index
      %swap3A_189 = tpu.vector_load %arg11[%swap3A_188] {strides = array<i32>} : memref<10000xf32, #tpu.memory_space<vmem>>, vector<16xf32>,
      tpu.vector_store %arg11[%swap3A_188], %broadcast_in_dim3A_183 {strides = array<i32>} : memref<10000xf32, #tpu.memory_space<vmem>>, vector<16xf32>,
      %broadcast_in_dim3A_190 = arith.constant 0.000000e+00 : f32
      %broadcast_in_dim3A_191 = vector.broadcast %broadcast_in_dim3A_190 : f32 to vector<16xf32>
      %mul3A_192 = arith.constant 80 : i32
      %mul3A_193 = arith.muli %scan3A_167, %mul3A_192 : i32
      %add3A_194 = arith.constant 48 : i32
      %add3A_195 = arith.addi %mul3A_193, %add3A_194 : i32
      %swap3A_196 = arith.index_cast %add3A_195 : i32 to index
      %swap3A_197 = tpu.vector_load %arg11[%swap3A_196] {strides = array<i32>} : memref<10000xf32, #tpu.memory_space<vmem>>, vector<16xf32>,
      tpu.vector_store %arg11[%swap3A_196], %broadcast_in_dim3A_191 {strides = array<i32>} : memref<10000xf32, #tpu.memory_space<vmem>>, vector<16xf32>,
      %broadcast_in_dim3A_198 = arith.constant 0.000000e+00 : f32
      %broadcast_in_dim3A_199 = vector.broadcast %broadcast_in_dim3A_198 : f32 to vector<16xf32>
      %mul3A_200 = arith.constant 80 : i32
      %mul3A_201 = arith.muli %scan3A_167, %mul3A_200 : i32
      %add3A_202 = arith.constant 64 : i32
      %add3A_203 = arith.addi %mul3A_201, %add3A_202 : i32
      %swap3A_204 = arith.index_cast %add3A_203 : i32 to index
      %swap3A_205 = tpu.vector_load %arg11[%swap3A_204] {strides = array<i32>} : memref<10000xf32, #tpu.memory_space<vmem>>, vector<16xf32>,
      tpu.vector_store %arg11[%swap3A_204], %broadcast_in_dim3A_199 {strides = array<i32>} : memref<10000xf32, #tpu.memory_space<vmem>>, vector<16xf32>,
    }
    %scan3A_17 = arith.constant 125 : i32
    %add3A_18 = arith.constant 2000 : i32
    %add3A_19 = arith.addi %add3A, %add3A_18 : i32
    %dma_start3A_20 = arith.constant 0 : i32
    %dma_start3A_21 = tpu.memref_slice %arg2[%dma_start3A_20, %add3A_19] : memref<2x320000xi32, #tpu.memory_space<hbm>> -> memref<1x2000xi32, #tpu.memory_space<hbm>>
    %dma_start3A_22 = tpu.memref_squeeze %dma_start3A_21 : memref<1x2000xi32, #tpu.memory_space<hbm>> -> memref<2000xi32, #tpu.memory_space<hbm>>
    %dma_start3A_23 = tpu.memref_slice %arg2[%dma_start3A_20, %add3A_19] : memref<2x320000xi32, #tpu.memory_space<hbm>> -> memref<1x2000xi32, #tpu.memory_space<hbm>>
    %dma_start3A_24 = tpu.memref_squeeze %dma_start3A_23 : memref<1x2000xi32, #tpu.memory_space<hbm>> -> memref<2000xi32, #tpu.memory_space<hbm>>
    tpu.enqueue_dma source(%dma_start3A_24 : memref<2000xi32, #tpu.memory_space<hbm>>) target(%arg8 : memref<2000xi32, #tpu.memory_space<vmem>>) target_semaphore(%arg15 : memref<!tpu.dma_semaphore, #tpu.memory_space<semaphore_mem>>)
    %dma_start3A_25 = arith.constant 1 : i32
    %dma_start3A_26 = tpu.memref_slice %arg2[%dma_start3A_25, %add3A_19] : memref<2x320000xi32, #tpu.memory_space<hbm>> -> memref<1x2000xi32, #tpu.memory_space<hbm>>
    %dma_start3A_27 = tpu.memref_squeeze %dma_start3A_26 : memref<1x2000xi32, #tpu.memory_space<hbm>> -> memref<2000xi32, #tpu.memory_space<hbm>>
    %dma_start3A_28 = tpu.memref_slice %arg2[%dma_start3A_25, %add3A_19] : memref<2x320000xi32, #tpu.memory_space<hbm>> -> memref<1x2000xi32, #tpu.memory_space<hbm>>
    %dma_start3A_29 = tpu.memref_squeeze %dma_start3A_28 : memref<1x2000xi32, #tpu.memory_space<hbm>> -> memref<2000xi32, #tpu.memory_space<hbm>>
    tpu.enqueue_dma source(%dma_start3A_29 : memref<2000xi32, #tpu.memory_space<hbm>>) target(%arg9 : memref<2000xi32, #tpu.memory_space<vmem>>) target_semaphore(%arg15 : memref<!tpu.dma_semaphore, #tpu.memory_space<semaphore_mem>>)
    %dma_start3A_30 = tpu.memref_slice %arg3[%add3A_19] : memref<320000xf32, #tpu.memory_space<hbm>> -> memref<2000xf32, #tpu.memory_space<hbm>>
    %dma_start3A_31 = tpu.memref_slice %arg3[%add3A_19] : memref<320000xf32, #tpu.memory_space<hbm>> -> memref<2000xf32, #tpu.memory_space<hbm>>
    tpu.enqueue_dma source(%dma_start3A_31 : memref<2000xf32, #tpu.memory_space<hbm>>) target(%arg10 : memref<2000xf32, #tpu.memory_space<vmem>>) target_semaphore(%arg15 : memref<!tpu.dma_semaphore, #tpu.memory_space<semaphore_mem>>)
    %dma_wait3A = arith.constant 0 : i32
    %dma_wait3A_32 = tpu.memref_slice %arg2[%dma_wait3A, %add3A] : memref<2x320000xi32, #tpu.memory_space<hbm>> -> memref<1x2000xi32, #tpu.memory_space<hbm>>
    %dma_wait3A_33 = tpu.memref_squeeze %dma_wait3A_32 : memref<1x2000xi32, #tpu.memory_space<hbm>> -> memref<2000xi32, #tpu.memory_space<hbm>>
    %dma_wait3A_34 = tpu.memref_slice %arg2[%dma_wait3A, %add3A] : memref<2x320000xi32, #tpu.memory_space<hbm>> -> memref<1x2000xi32, #tpu.memory_space<hbm>>
    %dma_wait3A_35 = tpu.memref_squeeze %dma_wait3A_34 : memref<1x2000xi32, #tpu.memory_space<hbm>> -> memref<2000xi32, #tpu.memory_space<hbm>>
    tpu.wait_dma2 semaphore(%arg14 : memref<!tpu.dma_semaphore, #tpu.memory_space<semaphore_mem>>) src(%dma_wait3A_35 : memref<2000xi32, #tpu.memory_space<hbm>>) dst(%arg5 : memref<2000xi32, #tpu.memory_space<vmem>>)
    %dma_wait3A_36 = arith.constant 1 : i32
    %dma_wait3A_37 = tpu.memref_slice %arg2[%dma_wait3A_36, %add3A] : memref<2x320000xi32, #tpu.memory_space<hbm>> -> memref<1x2000xi32, #tpu.memory_space<hbm>>
    %dma_wait3A_38 = tpu.memref_squeeze %dma_wait3A_37 : memref<1x2000xi32, #tpu.memory_space<hbm>> -> memref<2000xi32, #tpu.memory_space<hbm>>
    %dma_wait3A_39 = tpu.memref_slice %arg2[%dma_wait3A_36, %add3A] : memref<2x320000xi32, #tpu.memory_space<hbm>> -> memref<1x2000xi32, #tpu.memory_space<hbm>>
    %dma_wait3A_40 = tpu.memref_squeeze %dma_wait3A_39 : memref<1x2000xi32, #tpu.memory_space<hbm>> -> memref<2000xi32, #tpu.memory_space<hbm>>
    tpu.wait_dma2 semaphore(%arg14 : memref<!tpu.dma_semaphore, #tpu.memory_space<semaphore_mem>>) src(%dma_wait3A_40 : memref<2000xi32, #tpu.memory_space<hbm>>) dst(%arg6 : memref<2000xi32, #tpu.memory_space<vmem>>)
    %dma_wait3A_41 = tpu.memref_slice %arg3[%add3A] : memref<320000xf32, #tpu.memory_space<hbm>> -> memref<2000xf32, #tpu.memory_space<hbm>>
    %dma_wait3A_42 = tpu.memref_slice %arg3[%add3A] : memref<320000xf32, #tpu.memory_space<hbm>> -> memref<2000xf32, #tpu.memory_space<hbm>>
    tpu.wait_dma2 semaphore(%arg14 : memref<!tpu.dma_semaphore, #tpu.memory_space<semaphore_mem>>) src(%dma_wait3A_42 : memref<2000xf32, #tpu.memory_space<hbm>>) dst(%arg7 : memref<2000xf32, #tpu.memory_space<vmem>>)
    %scan3A_43 = arith.constant 0 : i32
    %scan3A_44 = arith.constant 25 : i32
    %scan3A_45 = arith.addi %scan3A_43, %scan3A_44 : i32
    %scan3A_46 = arith.constant 1 : i32
    scf.for %scan3A_167 = %scan3A_43 to %scan3A_45 step %scan3A_46  : i32 {
      %mul3A_168 = arith.constant 80 : i32
      %mul3A_169 = arith.muli %scan3A_167, %mul3A_168 : i32
      %add3A_170 = arith.constant 0 : i32
      %add3A_171 = arith.addi %mul3A_169, %add3A_170 : i32
      %get3A = arith.index_cast %add3A_171 : i32 to index
      %get3A_172 = tpu.vector_load %arg5[%get3A] {strides = array<i32>} : memref<2000xi32, #tpu.memory_space<vmem>>, vector<16xi32>,
      %get3A_173 = arith.index_cast %add3A_171 : i32 to index
      %get3A_174 = tpu.vector_load %arg6[%get3A_173] {strides = array<i32>} : memref<2000xi32, #tpu.memory_space<vmem>>, vector<16xi32>,
      %get3A_175 = arith.index_cast %add3A_171 : i32 to index
      %get3A_176 = tpu.vector_load %arg7[%get3A_175] {strides = array<i32>} : memref<2000xf32, #tpu.memory_space<vmem>>, vector<16xf32>,
      %ne3A = arith.cmpi ne, %get3A_172, %get3A_174 : vector<16xi32>
      %jit3A = arith.constant 0.000000e+00 : f32
      %broadcast_in_dim3A = vector.broadcast %jit3A : f32 to vector<16xf32>
      %select_n3A = arith.select %ne3A, %get3A_176, %broadcast_in_dim3A : vector<16xi1>, vector<16xf32>
      tpu.vector_store_idx %arg11[%get3A_172], %select_n3A {add = true} : memref<10000xf32, #tpu.memory_space<vmem>>[vector<16xi32>], vector<16xf32>,
      %mul3A_177 = arith.constant 80 : i32
      %mul3A_178 = arith.muli %scan3A_167, %mul3A_177 : i32
      %add3A_179 = arith.constant 16 : i32
      %add3A_180 = arith.addi %mul3A_178, %add3A_179 : i32
      %get3A_181 = arith.index_cast %add3A_180 : i32 to index
      %get3A_182 = tpu.vector_load %arg5[%get3A_181] {strides = array<i32>} : memref<2000xi32, #tpu.memory_space<vmem>>, vector<16xi32>,
      %get3A_183 = arith.index_cast %add3A_180 : i32 to index
      %get3A_184 = tpu.vector_load %arg6[%get3A_183] {strides = array<i32>} : memref<2000xi32, #tpu.memory_space<vmem>>, vector<16xi32>,
      %get3A_185 = arith.index_cast %add3A_180 : i32 to index
      %get3A_186 = tpu.vector_load %arg7[%get3A_185] {strides = array<i32>} : memref<2000xf32, #tpu.memory_space<vmem>>, vector<16xf32>,
      %ne3A_187 = arith.cmpi ne, %get3A_182, %get3A_184 : vector<16xi32>
      %jit3A_188 = arith.constant 0.000000e+00 : f32
      %broadcast_in_dim3A_189 = vector.broadcast %jit3A_188 : f32 to vector<16xf32>
      %select_n3A_190 = arith.select %ne3A_187, %get3A_186, %broadcast_in_dim3A_189 : vector<16xi1>, vector<16xf32>
      tpu.vector_store_idx %arg11[%get3A_182], %select_n3A_190 {add = true} : memref<10000xf32, #tpu.memory_space<vmem>>[vector<16xi32>], vector<16xf32>,
      %mul3A_191 = arith.constant 80 : i32
      %mul3A_192 = arith.muli %scan3A_167, %mul3A_191 : i32
      %add3A_193 = arith.constant 32 : i32
      %add3A_194 = arith.addi %mul3A_192, %add3A_193 : i32
      %get3A_195 = arith.index_cast %add3A_194 : i32 to index
      %get3A_196 = tpu.vector_load %arg5[%get3A_195] {strides = array<i32>} : memref<2000xi32, #tpu.memory_space<vmem>>, vector<16xi32>,
      %get3A_197 = arith.index_cast %add3A_194 : i32 to index
      %get3A_198 = tpu.vector_load %arg6[%get3A_197] {strides = array<i32>} : memref<2000xi32, #tpu.memory_space<vmem>>, vector<16xi32>,
      %get3A_199 = arith.index_cast %add3A_194 : i32 to index
      %get3A_200 = tpu.vector_load %arg7[%get3A_199] {strides = array<i32>} : memref<2000xf32, #tpu.memory_space<vmem>>, vector<16xf32>,
      %ne3A_201 = arith.cmpi ne, %get3A_196, %get3A_198 : vector<16xi32>
      %jit3A_202 = arith.constant 0.000000e+00 : f32
      %broadcast_in_dim3A_203 = vector.broadcast %jit3A_202 : f32 to vector<16xf32>
      %select_n3A_204 = arith.select %ne3A_201, %get3A_200, %broadcast_in_dim3A_203 : vector<16xi1>, vector<16xf32>
      tpu.vector_store_idx %arg11[%get3A_196], %select_n3A_204 {add = true} : memref<10000xf32, #tpu.memory_space<vmem>>[vector<16xi32>], vector<16xf32>,
      %mul3A_205 = arith.constant 80 : i32
      %mul3A_206 = arith.muli %scan3A_167, %mul3A_205 : i32
      %add3A_207 = arith.constant 48 : i32
      %add3A_208 = arith.addi %mul3A_206, %add3A_207 : i32
      %get3A_209 = arith.index_cast %add3A_208 : i32 to index
      %get3A_210 = tpu.vector_load %arg5[%get3A_209] {strides = array<i32>} : memref<2000xi32, #tpu.memory_space<vmem>>, vector<16xi32>,
      %get3A_211 = arith.index_cast %add3A_208 : i32 to index
      %get3A_212 = tpu.vector_load %arg6[%get3A_211] {strides = array<i32>} : memref<2000xi32, #tpu.memory_space<vmem>>, vector<16xi32>,
      %get3A_213 = arith.index_cast %add3A_208 : i32 to index
      %get3A_214 = tpu.vector_load %arg7[%get3A_213] {strides = array<i32>} : memref<2000xf32, #tpu.memory_space<vmem>>, vector<16xf32>,
      %ne3A_215 = arith.cmpi ne, %get3A_210, %get3A_212 : vector<16xi32>
      %jit3A_216 = arith.constant 0.000000e+00 : f32
      %broadcast_in_dim3A_217 = vector.broadcast %jit3A_216 : f32 to vector<16xf32>
      %select_n3A_218 = arith.select %ne3A_215, %get3A_214, %broadcast_in_dim3A_217 : vector<16xi1>, vector<16xf32>
      tpu.vector_store_idx %arg11[%get3A_210], %select_n3A_218 {add = true} : memref<10000xf32, #tpu.memory_space<vmem>>[vector<16xi32>], vector<16xf32>,
      %mul3A_219 = arith.constant 80 : i32
      %mul3A_220 = arith.muli %scan3A_167, %mul3A_219 : i32
      %add3A_221 = arith.constant 64 : i32
      %add3A_222 = arith.addi %mul3A_220, %add3A_221 : i32
      %get3A_223 = arith.index_cast %add3A_222 : i32 to index
      %get3A_224 = tpu.vector_load %arg5[%get3A_223] {strides = array<i32>} : memref<2000xi32, #tpu.memory_space<vmem>>, vector<16xi32>,
      %get3A_225 = arith.index_cast %add3A_222 : i32 to index
      %get3A_226 = tpu.vector_load %arg6[%get3A_225] {strides = array<i32>} : memref<2000xi32, #tpu.memory_space<vmem>>, vector<16xi32>,
      %get3A_227 = arith.index_cast %add3A_222 : i32 to index
      %get3A_228 = tpu.vector_load %arg7[%get3A_227] {strides = array<i32>} : memref<2000xf32, #tpu.memory_space<vmem>>, vector<16xf32>,
      %ne3A_229 = arith.cmpi ne, %get3A_224, %get3A_226 : vector<16xi32>
      %jit3A_230 = arith.constant 0.000000e+00 : f32
      %broadcast_in_dim3A_231 = vector.broadcast %jit3A_230 : f32 to vector<16xf32>
      %select_n3A_232 = arith.select %ne3A_229, %get3A_228, %broadcast_in_dim3A_231 : vector<16xi1>, vector<16xf32>
      tpu.vector_store_idx %arg11[%get3A_224], %select_n3A_232 {add = true} : memref<10000xf32, #tpu.memory_space<vmem>>[vector<16xi32>], vector<16xf32>,
    }
    %scan3A_47 = arith.constant 25 : i32
    %add3A_48 = arith.constant 4000 : i32
    %add3A_49 = arith.addi %add3A, %add3A_48 : i32
    %dma_start3A_50 = arith.constant 0 : i32
    %dma_start3A_51 = tpu.memref_slice %arg2[%dma_start3A_50, %add3A_49] : memref<2x320000xi32, #tpu.memory_space<hbm>> -> memref<1x2000xi32, #tpu.memory_space<hbm>>
    %dma_start3A_52 = tpu.memref_squeeze %dma_start3A_51 : memref<1x2000xi32, #tpu.memory_space<hbm>> -> memref<2000xi32, #tpu.memory_space<hbm>>
    %dma_start3A_53 = tpu.memref_slice %arg2[%dma_start3A_50, %add3A_49] : memref<2x320000xi32, #tpu.memory_space<hbm>> -> memref<1x2000xi32, #tpu.memory_space<hbm>>
    %dma_start3A_54 = tpu.memref_squeeze %dma_start3A_53 : memref<1x2000xi32, #tpu.memory_space<hbm>> -> memref<2000xi32, #tpu.memory_space<hbm>>
    tpu.enqueue_dma source(%dma_start3A_54 : memref<2000xi32, #tpu.memory_space<hbm>>) target(%arg5 : memref<2000xi32, #tpu.memory_space<vmem>>) target_semaphore(%arg14 : memref<!tpu.dma_semaphore, #tpu.memory_space<semaphore_mem>>)
    %dma_start3A_55 = arith.constant 1 : i32
    %dma_start3A_56 = tpu.memref_slice %arg2[%dma_start3A_55, %add3A_49] : memref<2x320000xi32, #tpu.memory_space<hbm>> -> memref<1x2000xi32, #tpu.memory_space<hbm>>
    %dma_start3A_57 = tpu.memref_squeeze %dma_start3A_56 : memref<1x2000xi32, #tpu.memory_space<hbm>> -> memref<2000xi32, #tpu.memory_space<hbm>>
    %dma_start3A_58 = tpu.memref_slice %arg2[%dma_start3A_55, %add3A_49] : memref<2x320000xi32, #tpu.memory_space<hbm>> -> memref<1x2000xi32, #tpu.memory_space<hbm>>
    %dma_start3A_59 = tpu.memref_squeeze %dma_start3A_58 : memref<1x2000xi32, #tpu.memory_space<hbm>> -> memref<2000xi32, #tpu.memory_space<hbm>>
    tpu.enqueue_dma source(%dma_start3A_59 : memref<2000xi32, #tpu.memory_space<hbm>>) target(%arg6 : memref<2000xi32, #tpu.memory_space<vmem>>) target_semaphore(%arg14 : memref<!tpu.dma_semaphore, #tpu.memory_space<semaphore_mem>>)
    %dma_start3A_60 = tpu.memref_slice %arg3[%add3A_49] : memref<320000xf32, #tpu.memory_space<hbm>> -> memref<2000xf32, #tpu.memory_space<hbm>>
    %dma_start3A_61 = tpu.memref_slice %arg3[%add3A_49] : memref<320000xf32, #tpu.memory_space<hbm>> -> memref<2000xf32, #tpu.memory_space<hbm>>
    tpu.enqueue_dma source(%dma_start3A_61 : memref<2000xf32, #tpu.memory_space<hbm>>) target(%arg7 : memref<2000xf32, #tpu.memory_space<vmem>>) target_semaphore(%arg14 : memref<!tpu.dma_semaphore, #tpu.memory_space<semaphore_mem>>)
    %dma_wait3A_62 = arith.constant 0 : i32
    %dma_wait3A_63 = tpu.memref_slice %arg2[%dma_wait3A_62, %add3A_19] : memref<2x320000xi32, #tpu.memory_space<hbm>> -> memref<1x2000xi32, #tpu.memory_space<hbm>>
    %dma_wait3A_64 = tpu.memref_squeeze %dma_wait3A_63 : memref<1x2000xi32, #tpu.memory_space<hbm>> -> memref<2000xi32, #tpu.memory_space<hbm>>
    %dma_wait3A_65 = tpu.memref_slice %arg2[%dma_wait3A_62, %add3A_19] : memref<2x320000xi32, #tpu.memory_space<hbm>> -> memref<1x2000xi32, #tpu.memory_space<hbm>>
    %dma_wait3A_66 = tpu.memref_squeeze %dma_wait3A_65 : memref<1x2000xi32, #tpu.memory_space<hbm>> -> memref<2000xi32, #tpu.memory_space<hbm>>
    tpu.wait_dma2 semaphore(%arg15 : memref<!tpu.dma_semaphore, #tpu.memory_space<semaphore_mem>>) src(%dma_wait3A_66 : memref<2000xi32, #tpu.memory_space<hbm>>) dst(%arg8 : memref<2000xi32, #tpu.memory_space<vmem>>)
    %dma_wait3A_67 = arith.constant 1 : i32
    %dma_wait3A_68 = tpu.memref_slice %arg2[%dma_wait3A_67, %add3A_19] : memref<2x320000xi32, #tpu.memory_space<hbm>> -> memref<1x2000xi32, #tpu.memory_space<hbm>>
    %dma_wait3A_69 = tpu.memref_squeeze %dma_wait3A_68 : memref<1x2000xi32, #tpu.memory_space<hbm>> -> memref<2000xi32, #tpu.memory_space<hbm>>
    %dma_wait3A_70 = tpu.memref_slice %arg2[%dma_wait3A_67, %add3A_19] : memref<2x320000xi32, #tpu.memory_space<hbm>> -> memref<1x2000xi32, #tpu.memory_space<hbm>>
    %dma_wait3A_71 = tpu.memref_squeeze %dma_wait3A_70 : memref<1x2000xi32, #tpu.memory_space<hbm>> -> memref<2000xi32, #tpu.memory_space<hbm>>
    tpu.wait_dma2 semaphore(%arg15 : memref<!tpu.dma_semaphore, #tpu.memory_space<semaphore_mem>>) src(%dma_wait3A_71 : memref<2000xi32, #tpu.memory_space<hbm>>) dst(%arg9 : memref<2000xi32, #tpu.memory_space<vmem>>)
    %dma_wait3A_72 = tpu.memref_slice %arg3[%add3A_19] : memref<320000xf32, #tpu.memory_space<hbm>> -> memref<2000xf32, #tpu.memory_space<hbm>>
    %dma_wait3A_73 = tpu.memref_slice %arg3[%add3A_19] : memref<320000xf32, #tpu.memory_space<hbm>> -> memref<2000xf32, #tpu.memory_space<hbm>>
    tpu.wait_dma2 semaphore(%arg15 : memref<!tpu.dma_semaphore, #tpu.memory_space<semaphore_mem>>) src(%dma_wait3A_73 : memref<2000xf32, #tpu.memory_space<hbm>>) dst(%arg10 : memref<2000xf32, #tpu.memory_space<vmem>>)
    %scan3A_74 = arith.constant 0 : i32
    %scan3A_75 = arith.constant 25 : i32
    %scan3A_76 = arith.addi %scan3A_74, %scan3A_75 : i32
    %scan3A_77 = arith.constant 1 : i32
    scf.for %scan3A_167 = %scan3A_74 to %scan3A_76 step %scan3A_77  : i32 {
      %mul3A_168 = arith.constant 80 : i32
      %mul3A_169 = arith.muli %scan3A_167, %mul3A_168 : i32
      %add3A_170 = arith.constant 0 : i32
      %add3A_171 = arith.addi %mul3A_169, %add3A_170 : i32
      %get3A = arith.index_cast %add3A_171 : i32 to index
      %get3A_172 = tpu.vector_load %arg8[%get3A] {strides = array<i32>} : memref<2000xi32, #tpu.memory_space<vmem>>, vector<16xi32>,
      %get3A_173 = arith.index_cast %add3A_171 : i32 to index
      %get3A_174 = tpu.vector_load %arg9[%get3A_173] {strides = array<i32>} : memref<2000xi32, #tpu.memory_space<vmem>>, vector<16xi32>,
      %get3A_175 = arith.index_cast %add3A_171 : i32 to index
      %get3A_176 = tpu.vector_load %arg10[%get3A_175] {strides = array<i32>} : memref<2000xf32, #tpu.memory_space<vmem>>, vector<16xf32>,
      %ne3A = arith.cmpi ne, %get3A_172, %get3A_174 : vector<16xi32>
      %jit3A = arith.constant 0.000000e+00 : f32
      %broadcast_in_dim3A = vector.broadcast %jit3A : f32 to vector<16xf32>
      %select_n3A = arith.select %ne3A, %get3A_176, %broadcast_in_dim3A : vector<16xi1>, vector<16xf32>
      tpu.vector_store_idx %arg11[%get3A_172], %select_n3A {add = true} : memref<10000xf32, #tpu.memory_space<vmem>>[vector<16xi32>], vector<16xf32>,
      %mul3A_177 = arith.constant 80 : i32
      %mul3A_178 = arith.muli %scan3A_167, %mul3A_177 : i32
      %add3A_179 = arith.constant 16 : i32
      %add3A_180 = arith.addi %mul3A_178, %add3A_179 : i32
      %get3A_181 = arith.index_cast %add3A_180 : i32 to index
      %get3A_182 = tpu.vector_load %arg8[%get3A_181] {strides = array<i32>} : memref<2000xi32, #tpu.memory_space<vmem>>, vector<16xi32>,
      %get3A_183 = arith.index_cast %add3A_180 : i32 to index
      %get3A_184 = tpu.vector_load %arg9[%get3A_183] {strides = array<i32>} : memref<2000xi32, #tpu.memory_space<vmem>>, vector<16xi32>,
      %get3A_185 = arith.index_cast %add3A_180 : i32 to index
      %get3A_186 = tpu.vector_load %arg10[%get3A_185] {strides = array<i32>} : memref<2000xf32, #tpu.memory_space<vmem>>, vector<16xf32>,
      %ne3A_187 = arith.cmpi ne, %get3A_182, %get3A_184 : vector<16xi32>
      %jit3A_188 = arith.constant 0.000000e+00 : f32
      %broadcast_in_dim3A_189 = vector.broadcast %jit3A_188 : f32 to vector<16xf32>
      %select_n3A_190 = arith.select %ne3A_187, %get3A_186, %broadcast_in_dim3A_189 : vector<16xi1>, vector<16xf32>
      tpu.vector_store_idx %arg11[%get3A_182], %select_n3A_190 {add = true} : memref<10000xf32, #tpu.memory_space<vmem>>[vector<16xi32>], vector<16xf32>,
      %mul3A_191 = arith.constant 80 : i32
      %mul3A_192 = arith.muli %scan3A_167, %mul3A_191 : i32
      %add3A_193 = arith.constant 32 : i32
      %add3A_194 = arith.addi %mul3A_192, %add3A_193 : i32
      %get3A_195 = arith.index_cast %add3A_194 : i32 to index
      %get3A_196 = tpu.vector_load %arg8[%get3A_195] {strides = array<i32>} : memref<2000xi32, #tpu.memory_space<vmem>>, vector<16xi32>,
      %get3A_197 = arith.index_cast %add3A_194 : i32 to index
      %get3A_198 = tpu.vector_load %arg9[%get3A_197] {strides = array<i32>} : memref<2000xi32, #tpu.memory_space<vmem>>, vector<16xi32>,
      %get3A_199 = arith.index_cast %add3A_194 : i32 to index
      %get3A_200 = tpu.vector_load %arg10[%get3A_199] {strides = array<i32>} : memref<2000xf32, #tpu.memory_space<vmem>>, vector<16xf32>,
      %ne3A_201 = arith.cmpi ne, %get3A_196, %get3A_198 : vector<16xi32>
      %jit3A_202 = arith.constant 0.000000e+00 : f32
      %broadcast_in_dim3A_203 = vector.broadcast %jit3A_202 : f32 to vector<16xf32>
      %select_n3A_204 = arith.select %ne3A_201, %get3A_200, %broadcast_in_dim3A_203 : vector<16xi1>, vector<16xf32>
      tpu.vector_store_idx %arg11[%get3A_196], %select_n3A_204 {add = true} : memref<10000xf32, #tpu.memory_space<vmem>>[vector<16xi32>], vector<16xf32>,
      %mul3A_205 = arith.constant 80 : i32
      %mul3A_206 = arith.muli %scan3A_167, %mul3A_205 : i32
      %add3A_207 = arith.constant 48 : i32
      %add3A_208 = arith.addi %mul3A_206, %add3A_207 : i32
      %get3A_209 = arith.index_cast %add3A_208 : i32 to index
      %get3A_210 = tpu.vector_load %arg8[%get3A_209] {strides = array<i32>} : memref<2000xi32, #tpu.memory_space<vmem>>, vector<16xi32>,
      %get3A_211 = arith.index_cast %add3A_208 : i32 to index
      %get3A_212 = tpu.vector_load %arg9[%get3A_211] {strides = array<i32>} : memref<2000xi32, #tpu.memory_space<vmem>>, vector<16xi32>,
      %get3A_213 = arith.index_cast %add3A_208 : i32 to index
      %get3A_214 = tpu.vector_load %arg10[%get3A_213] {strides = array<i32>} : memref<2000xf32, #tpu.memory_space<vmem>>, vector<16xf32>,
      %ne3A_215 = arith.cmpi ne, %get3A_210, %get3A_212 : vector<16xi32>
      %jit3A_216 = arith.constant 0.000000e+00 : f32
      %broadcast_in_dim3A_217 = vector.broadcast %jit3A_216 : f32 to vector<16xf32>
      %select_n3A_218 = arith.select %ne3A_215, %get3A_214, %broadcast_in_dim3A_217 : vector<16xi1>, vector<16xf32>
      tpu.vector_store_idx %arg11[%get3A_210], %select_n3A_218 {add = true} : memref<10000xf32, #tpu.memory_space<vmem>>[vector<16xi32>], vector<16xf32>,
      %mul3A_219 = arith.constant 80 : i32
      %mul3A_220 = arith.muli %scan3A_167, %mul3A_219 : i32
      %add3A_221 = arith.constant 64 : i32
      %add3A_222 = arith.addi %mul3A_220, %add3A_221 : i32
      %get3A_223 = arith.index_cast %add3A_222 : i32 to index
      %get3A_224 = tpu.vector_load %arg8[%get3A_223] {strides = array<i32>} : memref<2000xi32, #tpu.memory_space<vmem>>, vector<16xi32>,
      %get3A_225 = arith.index_cast %add3A_222 : i32 to index
      %get3A_226 = tpu.vector_load %arg9[%get3A_225] {strides = array<i32>} : memref<2000xi32, #tpu.memory_space<vmem>>, vector<16xi32>,
      %get3A_227 = arith.index_cast %add3A_222 : i32 to index
      %get3A_228 = tpu.vector_load %arg10[%get3A_227] {strides = array<i32>} : memref<2000xf32, #tpu.memory_space<vmem>>, vector<16xf32>,
      %ne3A_229 = arith.cmpi ne, %get3A_224, %get3A_226 : vector<16xi32>
      %jit3A_230 = arith.constant 0.000000e+00 : f32
      %broadcast_in_dim3A_231 = vector.broadcast %jit3A_230 : f32 to vector<16xf32>
      %select_n3A_232 = arith.select %ne3A_229, %get3A_228, %broadcast_in_dim3A_231 : vector<16xi1>, vector<16xf32>
      tpu.vector_store_idx %arg11[%get3A_224], %select_n3A_232 {add = true} : memref<10000xf32, #tpu.memory_space<vmem>>[vector<16xi32>], vector<16xf32>,
    }
    %scan3A_78 = arith.constant 25 : i32
    %add3A_79 = arith.constant 6000 : i32
    %add3A_80 = arith.addi %add3A, %add3A_79 : i32
    %dma_start3A_81 = arith.constant 0 : i32
    %dma_start3A_82 = tpu.memref_slice %arg2[%dma_start3A_81, %add3A_80] : memref<2x320000xi32, #tpu.memory_space<hbm>> -> memref<1x2000xi32, #tpu.memory_space<hbm>>
    %dma_start3A_83 = tpu.memref_squeeze %dma_start3A_82 : memref<1x2000xi32, #tpu.memory_space<hbm>> -> memref<2000xi32, #tpu.memory_space<hbm>>
    %dma_start3A_84 = tpu.memref_slice %arg2[%dma_start3A_81, %add3A_80] : memref<2x320000xi32, #tpu.memory_space<hbm>> -> memref<1x2000xi32, #tpu.memory_space<hbm>>
    %dma_start3A_85 = tpu.memref_squeeze %dma_start3A_84 : memref<1x2000xi32, #tpu.memory_space<hbm>> -> memref<2000xi32, #tpu.memory_space<hbm>>
    tpu.enqueue_dma source(%dma_start3A_85 : memref<2000xi32, #tpu.memory_space<hbm>>) target(%arg8 : memref<2000xi32, #tpu.memory_space<vmem>>) target_semaphore(%arg15 : memref<!tpu.dma_semaphore, #tpu.memory_space<semaphore_mem>>)
    %dma_start3A_86 = arith.constant 1 : i32
    %dma_start3A_87 = tpu.memref_slice %arg2[%dma_start3A_86, %add3A_80] : memref<2x320000xi32, #tpu.memory_space<hbm>> -> memref<1x2000xi32, #tpu.memory_space<hbm>>
    %dma_start3A_88 = tpu.memref_squeeze %dma_start3A_87 : memref<1x2000xi32, #tpu.memory_space<hbm>> -> memref<2000xi32, #tpu.memory_space<hbm>>
    %dma_start3A_89 = tpu.memref_slice %arg2[%dma_start3A_86, %add3A_80] : memref<2x320000xi32, #tpu.memory_space<hbm>> -> memref<1x2000xi32, #tpu.memory_space<hbm>>
    %dma_start3A_90 = tpu.memref_squeeze %dma_start3A_89 : memref<1x2000xi32, #tpu.memory_space<hbm>> -> memref<2000xi32, #tpu.memory_space<hbm>>
    tpu.enqueue_dma source(%dma_start3A_90 : memref<2000xi32, #tpu.memory_space<hbm>>) target(%arg9 : memref<2000xi32, #tpu.memory_space<vmem>>) target_semaphore(%arg15 : memref<!tpu.dma_semaphore, #tpu.memory_space<semaphore_mem>>)
    %dma_start3A_91 = tpu.memref_slice %arg3[%add3A_80] : memref<320000xf32, #tpu.memory_space<hbm>> -> memref<2000xf32, #tpu.memory_space<hbm>>
    %dma_start3A_92 = tpu.memref_slice %arg3[%add3A_80] : memref<320000xf32, #tpu.memory_space<hbm>> -> memref<2000xf32, #tpu.memory_space<hbm>>
    tpu.enqueue_dma source(%dma_start3A_92 : memref<2000xf32, #tpu.memory_space<hbm>>) target(%arg10 : memref<2000xf32, #tpu.memory_space<vmem>>) target_semaphore(%arg15 : memref<!tpu.dma_semaphore, #tpu.memory_space<semaphore_mem>>)
    %dma_wait3A_93 = arith.constant 0 : i32
    %dma_wait3A_94 = tpu.memref_slice %arg2[%dma_wait3A_93, %add3A_49] : memref<2x320000xi32, #tpu.memory_space<hbm>> -> memref<1x2000xi32, #tpu.memory_space<hbm>>
    %dma_wait3A_95 = tpu.memref_squeeze %dma_wait3A_94 : memref<1x2000xi32, #tpu.memory_space<hbm>> -> memref<2000xi32, #tpu.memory_space<hbm>>
    %dma_wait3A_96 = tpu.memref_slice %arg2[%dma_wait3A_93, %add3A_49] : memref<2x320000xi32, #tpu.memory_space<hbm>> -> memref<1x2000xi32, #tpu.memory_space<hbm>>
    %dma_wait3A_97 = tpu.memref_squeeze %dma_wait3A_96 : memref<1x2000xi32, #tpu.memory_space<hbm>> -> memref<2000xi32, #tpu.memory_space<hbm>>
    tpu.wait_dma2 semaphore(%arg14 : memref<!tpu.dma_semaphore, #tpu.memory_space<semaphore_mem>>) src(%dma_wait3A_97 : memref<2000xi32, #tpu.memory_space<hbm>>) dst(%arg5 : memref<2000xi32, #tpu.memory_space<vmem>>)
    %dma_wait3A_98 = arith.constant 1 : i32
    %dma_wait3A_99 = tpu.memref_slice %arg2[%dma_wait3A_98, %add3A_49] : memref<2x320000xi32, #tpu.memory_space<hbm>> -> memref<1x2000xi32, #tpu.memory_space<hbm>>
    %dma_wait3A_100 = tpu.memref_squeeze %dma_wait3A_99 : memref<1x2000xi32, #tpu.memory_space<hbm>> -> memref<2000xi32, #tpu.memory_space<hbm>>
    %dma_wait3A_101 = tpu.memref_slice %arg2[%dma_wait3A_98, %add3A_49] : memref<2x320000xi32, #tpu.memory_space<hbm>> -> memref<1x2000xi32, #tpu.memory_space<hbm>>
    %dma_wait3A_102 = tpu.memref_squeeze %dma_wait3A_101 : memref<1x2000xi32, #tpu.memory_space<hbm>> -> memref<2000xi32, #tpu.memory_space<hbm>>
    tpu.wait_dma2 semaphore(%arg14 : memref<!tpu.dma_semaphore, #tpu.memory_space<semaphore_mem>>) src(%dma_wait3A_102 : memref<2000xi32, #tpu.memory_space<hbm>>) dst(%arg6 : memref<2000xi32, #tpu.memory_space<vmem>>)
    %dma_wait3A_103 = tpu.memref_slice %arg3[%add3A_49] : memref<320000xf32, #tpu.memory_space<hbm>> -> memref<2000xf32, #tpu.memory_space<hbm>>
    %dma_wait3A_104 = tpu.memref_slice %arg3[%add3A_49] : memref<320000xf32, #tpu.memory_space<hbm>> -> memref<2000xf32, #tpu.memory_space<hbm>>
    tpu.wait_dma2 semaphore(%arg14 : memref<!tpu.dma_semaphore, #tpu.memory_space<semaphore_mem>>) src(%dma_wait3A_104 : memref<2000xf32, #tpu.memory_space<hbm>>) dst(%arg7 : memref<2000xf32, #tpu.memory_space<vmem>>)
    %scan3A_105 = arith.constant 0 : i32
    %scan3A_106 = arith.constant 25 : i32
    %scan3A_107 = arith.addi %scan3A_105, %scan3A_106 : i32
    %scan3A_108 = arith.constant 1 : i32
    scf.for %scan3A_167 = %scan3A_105 to %scan3A_107 step %scan3A_108  : i32 {
      %mul3A_168 = arith.constant 80 : i32
      %mul3A_169 = arith.muli %scan3A_167, %mul3A_168 : i32
      %add3A_170 = arith.constant 0 : i32
      %add3A_171 = arith.addi %mul3A_169, %add3A_170 : i32
      %get3A = arith.index_cast %add3A_171 : i32 to index
      %get3A_172 = tpu.vector_load %arg5[%get3A] {strides = array<i32>} : memref<2000xi32, #tpu.memory_space<vmem>>, vector<16xi32>,
      %get3A_173 = arith.index_cast %add3A_171 : i32 to index
      %get3A_174 = tpu.vector_load %arg6[%get3A_173] {strides = array<i32>} : memref<2000xi32, #tpu.memory_space<vmem>>, vector<16xi32>,
      %get3A_175 = arith.index_cast %add3A_171 : i32 to index
      %get3A_176 = tpu.vector_load %arg7[%get3A_175] {strides = array<i32>} : memref<2000xf32, #tpu.memory_space<vmem>>, vector<16xf32>,
      %ne3A = arith.cmpi ne, %get3A_172, %get3A_174 : vector<16xi32>
      %jit3A = arith.constant 0.000000e+00 : f32
      %broadcast_in_dim3A = vector.broadcast %jit3A : f32 to vector<16xf32>
      %select_n3A = arith.select %ne3A, %get3A_176, %broadcast_in_dim3A : vector<16xi1>, vector<16xf32>
      tpu.vector_store_idx %arg11[%get3A_172], %select_n3A {add = true} : memref<10000xf32, #tpu.memory_space<vmem>>[vector<16xi32>], vector<16xf32>,
      %mul3A_177 = arith.constant 80 : i32
      %mul3A_178 = arith.muli %scan3A_167, %mul3A_177 : i32
      %add3A_179 = arith.constant 16 : i32
      %add3A_180 = arith.addi %mul3A_178, %add3A_179 : i32
      %get3A_181 = arith.index_cast %add3A_180 : i32 to index
      %get3A_182 = tpu.vector_load %arg5[%get3A_181] {strides = array<i32>} : memref<2000xi32, #tpu.memory_space<vmem>>, vector<16xi32>,
      %get3A_183 = arith.index_cast %add3A_180 : i32 to index
      %get3A_184 = tpu.vector_load %arg6[%get3A_183] {strides = array<i32>} : memref<2000xi32, #tpu.memory_space<vmem>>, vector<16xi32>,
      %get3A_185 = arith.index_cast %add3A_180 : i32 to index
      %get3A_186 = tpu.vector_load %arg7[%get3A_185] {strides = array<i32>} : memref<2000xf32, #tpu.memory_space<vmem>>, vector<16xf32>,
      %ne3A_187 = arith.cmpi ne, %get3A_182, %get3A_184 : vector<16xi32>
      %jit3A_188 = arith.constant 0.000000e+00 : f32
      %broadcast_in_dim3A_189 = vector.broadcast %jit3A_188 : f32 to vector<16xf32>
      %select_n3A_190 = arith.select %ne3A_187, %get3A_186, %broadcast_in_dim3A_189 : vector<16xi1>, vector<16xf32>
      tpu.vector_store_idx %arg11[%get3A_182], %select_n3A_190 {add = true} : memref<10000xf32, #tpu.memory_space<vmem>>[vector<16xi32>], vector<16xf32>,
      %mul3A_191 = arith.constant 80 : i32
      %mul3A_192 = arith.muli %scan3A_167, %mul3A_191 : i32
      %add3A_193 = arith.constant 32 : i32
      %add3A_194 = arith.addi %mul3A_192, %add3A_193 : i32
      %get3A_195 = arith.index_cast %add3A_194 : i32 to index
      %get3A_196 = tpu.vector_load %arg5[%get3A_195] {strides = array<i32>} : memref<2000xi32, #tpu.memory_space<vmem>>, vector<16xi32>,
      %get3A_197 = arith.index_cast %add3A_194 : i32 to index
      %get3A_198 = tpu.vector_load %arg6[%get3A_197] {strides = array<i32>} : memref<2000xi32, #tpu.memory_space<vmem>>, vector<16xi32>,
      %get3A_199 = arith.index_cast %add3A_194 : i32 to index
      %get3A_200 = tpu.vector_load %arg7[%get3A_199] {strides = array<i32>} : memref<2000xf32, #tpu.memory_space<vmem>>, vector<16xf32>,
      %ne3A_201 = arith.cmpi ne, %get3A_196, %get3A_198 : vector<16xi32>
      %jit3A_202 = arith.constant 0.000000e+00 : f32
      %broadcast_in_dim3A_203 = vector.broadcast %jit3A_202 : f32 to vector<16xf32>
      %select_n3A_204 = arith.select %ne3A_201, %get3A_200, %broadcast_in_dim3A_203 : vector<16xi1>, vector<16xf32>
      tpu.vector_store_idx %arg11[%get3A_196], %select_n3A_204 {add = true} : memref<10000xf32, #tpu.memory_space<vmem>>[vector<16xi32>], vector<16xf32>,
      %mul3A_205 = arith.constant 80 : i32
      %mul3A_206 = arith.muli %scan3A_167, %mul3A_205 : i32
      %add3A_207 = arith.constant 48 : i32
      %add3A_208 = arith.addi %mul3A_206, %add3A_207 : i32
      %get3A_209 = arith.index_cast %add3A_208 : i32 to index
      %get3A_210 = tpu.vector_load %arg5[%get3A_209] {strides = array<i32>} : memref<2000xi32, #tpu.memory_space<vmem>>, vector<16xi32>,
      %get3A_211 = arith.index_cast %add3A_208 : i32 to index
      %get3A_212 = tpu.vector_load %arg6[%get3A_211] {strides = array<i32>} : memref<2000xi32, #tpu.memory_space<vmem>>, vector<16xi32>,
      %get3A_213 = arith.index_cast %add3A_208 : i32 to index
      %get3A_214 = tpu.vector_load %arg7[%get3A_213] {strides = array<i32>} : memref<2000xf32, #tpu.memory_space<vmem>>, vector<16xf32>,
      %ne3A_215 = arith.cmpi ne, %get3A_210, %get3A_212 : vector<16xi32>
      %jit3A_216 = arith.constant 0.000000e+00 : f32
      %broadcast_in_dim3A_217 = vector.broadcast %jit3A_216 : f32 to vector<16xf32>
      %select_n3A_218 = arith.select %ne3A_215, %get3A_214, %broadcast_in_dim3A_217 : vector<16xi1>, vector<16xf32>
      tpu.vector_store_idx %arg11[%get3A_210], %select_n3A_218 {add = true} : memref<10000xf32, #tpu.memory_space<vmem>>[vector<16xi32>], vector<16xf32>,
      %mul3A_219 = arith.constant 80 : i32
      %mul3A_220 = arith.muli %scan3A_167, %mul3A_219 : i32
      %add3A_221 = arith.constant 64 : i32
      %add3A_222 = arith.addi %mul3A_220, %add3A_221 : i32
      %get3A_223 = arith.index_cast %add3A_222 : i32 to index
      %get3A_224 = tpu.vector_load %arg5[%get3A_223] {strides = array<i32>} : memref<2000xi32, #tpu.memory_space<vmem>>, vector<16xi32>,
      %get3A_225 = arith.index_cast %add3A_222 : i32 to index
      %get3A_226 = tpu.vector_load %arg6[%get3A_225] {strides = array<i32>} : memref<2000xi32, #tpu.memory_space<vmem>>, vector<16xi32>,
      %get3A_227 = arith.index_cast %add3A_222 : i32 to index
      %get3A_228 = tpu.vector_load %arg7[%get3A_227] {strides = array<i32>} : memref<2000xf32, #tpu.memory_space<vmem>>, vector<16xf32>,
      %ne3A_229 = arith.cmpi ne, %get3A_224, %get3A_226 : vector<16xi32>
      %jit3A_230 = arith.constant 0.000000e+00 : f32
      %broadcast_in_dim3A_231 = vector.broadcast %jit3A_230 : f32 to vector<16xf32>
      %select_n3A_232 = arith.select %ne3A_229, %get3A_228, %broadcast_in_dim3A_231 : vector<16xi1>, vector<16xf32>
      tpu.vector_store_idx %arg11[%get3A_224], %select_n3A_232 {add = true} : memref<10000xf32, #tpu.memory_space<vmem>>[vector<16xi32>], vector<16xf32>,
    }
    %scan3A_109 = arith.constant 25 : i32
    %add3A_110 = arith.constant 8000 : i32
    %add3A_111 = arith.addi %add3A, %add3A_110 : i32
    %dma_start3A_112 = arith.constant 0 : i32
    %dma_start3A_113 = tpu.memref_slice %arg2[%dma_start3A_112, %add3A_111] : memref<2x320000xi32, #tpu.memory_space<hbm>> -> memref<1x2000xi32, #tpu.memory_space<hbm>>
    %dma_start3A_114 = tpu.memref_squeeze %dma_start3A_113 : memref<1x2000xi32, #tpu.memory_space<hbm>> -> memref<2000xi32, #tpu.memory_space<hbm>>
    %dma_start3A_115 = tpu.memref_slice %arg2[%dma_start3A_112, %add3A_111] : memref<2x320000xi32, #tpu.memory_space<hbm>> -> memref<1x2000xi32, #tpu.memory_space<hbm>>
    %dma_start3A_116 = tpu.memref_squeeze %dma_start3A_115 : memref<1x2000xi32, #tpu.memory_space<hbm>> -> memref<2000xi32, #tpu.memory_space<hbm>>
    tpu.enqueue_dma source(%dma_start3A_116 : memref<2000xi32, #tpu.memory_space<hbm>>) target(%arg5 : memref<2000xi32, #tpu.memory_space<vmem>>) target_semaphore(%arg14 : memref<!tpu.dma_semaphore, #tpu.memory_space<semaphore_mem>>)
    %dma_start3A_117 = arith.constant 1 : i32
    %dma_start3A_118 = tpu.memref_slice %arg2[%dma_start3A_117, %add3A_111] : memref<2x320000xi32, #tpu.memory_space<hbm>> -> memref<1x2000xi32, #tpu.memory_space<hbm>>
    %dma_start3A_119 = tpu.memref_squeeze %dma_start3A_118 : memref<1x2000xi32, #tpu.memory_space<hbm>> -> memref<2000xi32, #tpu.memory_space<hbm>>
    %dma_start3A_120 = tpu.memref_slice %arg2[%dma_start3A_117, %add3A_111] : memref<2x320000xi32, #tpu.memory_space<hbm>> -> memref<1x2000xi32, #tpu.memory_space<hbm>>
    %dma_start3A_121 = tpu.memref_squeeze %dma_start3A_120 : memref<1x2000xi32, #tpu.memory_space<hbm>> -> memref<2000xi32, #tpu.memory_space<hbm>>
    tpu.enqueue_dma source(%dma_start3A_121 : memref<2000xi32, #tpu.memory_space<hbm>>) target(%arg6 : memref<2000xi32, #tpu.memory_space<vmem>>) target_semaphore(%arg14 : memref<!tpu.dma_semaphore, #tpu.memory_space<semaphore_mem>>)
    %dma_start3A_122 = tpu.memref_slice %arg3[%add3A_111] : memref<320000xf32, #tpu.memory_space<hbm>> -> memref<2000xf32, #tpu.memory_space<hbm>>
    %dma_start3A_123 = tpu.memref_slice %arg3[%add3A_111] : memref<320000xf32, #tpu.memory_space<hbm>> -> memref<2000xf32, #tpu.memory_space<hbm>>
    tpu.enqueue_dma source(%dma_start3A_123 : memref<2000xf32, #tpu.memory_space<hbm>>) target(%arg7 : memref<2000xf32, #tpu.memory_space<vmem>>) target_semaphore(%arg14 : memref<!tpu.dma_semaphore, #tpu.memory_space<semaphore_mem>>)
    %dma_wait3A_124 = arith.constant 0 : i32
    %dma_wait3A_125 = tpu.memref_slice %arg2[%dma_wait3A_124, %add3A_80] : memref<2x320000xi32, #tpu.memory_space<hbm>> -> memref<1x2000xi32, #tpu.memory_space<hbm>>
    %dma_wait3A_126 = tpu.memref_squeeze %dma_wait3A_125 : memref<1x2000xi32, #tpu.memory_space<hbm>> -> memref<2000xi32, #tpu.memory_space<hbm>>
    %dma_wait3A_127 = tpu.memref_slice %arg2[%dma_wait3A_124, %add3A_80] : memref<2x320000xi32, #tpu.memory_space<hbm>> -> memref<1x2000xi32, #tpu.memory_space<hbm>>
    %dma_wait3A_128 = tpu.memref_squeeze %dma_wait3A_127 : memref<1x2000xi32, #tpu.memory_space<hbm>> -> memref<2000xi32, #tpu.memory_space<hbm>>
    tpu.wait_dma2 semaphore(%arg15 : memref<!tpu.dma_semaphore, #tpu.memory_space<semaphore_mem>>) src(%dma_wait3A_128 : memref<2000xi32, #tpu.memory_space<hbm>>) dst(%arg8 : memref<2000xi32, #tpu.memory_space<vmem>>)
    %dma_wait3A_129 = arith.constant 1 : i32
    %dma_wait3A_130 = tpu.memref_slice %arg2[%dma_wait3A_129, %add3A_80] : memref<2x320000xi32, #tpu.memory_space<hbm>> -> memref<1x2000xi32, #tpu.memory_space<hbm>>
    %dma_wait3A_131 = tpu.memref_squeeze %dma_wait3A_130 : memref<1x2000xi32, #tpu.memory_space<hbm>> -> memref<2000xi32, #tpu.memory_space<hbm>>
    %dma_wait3A_132 = tpu.memref_slice %arg2[%dma_wait3A_129, %add3A_80] : memref<2x320000xi32, #tpu.memory_space<hbm>> -> memref<1x2000xi32, #tpu.memory_space<hbm>>
    %dma_wait3A_133 = tpu.memref_squeeze %dma_wait3A_132 : memref<1x2000xi32, #tpu.memory_space<hbm>> -> memref<2000xi32, #tpu.memory_space<hbm>>
    tpu.wait_dma2 semaphore(%arg15 : memref<!tpu.dma_semaphore, #tpu.memory_space<semaphore_mem>>) src(%dma_wait3A_133 : memref<2000xi32, #tpu.memory_space<hbm>>) dst(%arg9 : memref<2000xi32, #tpu.memory_space<vmem>>)
    %dma_wait3A_134 = tpu.memref_slice %arg3[%add3A_80] : memref<320000xf32, #tpu.memory_space<hbm>> -> memref<2000xf32, #tpu.memory_space<hbm>>
    %dma_wait3A_135 = tpu.memref_slice %arg3[%add3A_80] : memref<320000xf32, #tpu.memory_space<hbm>> -> memref<2000xf32, #tpu.memory_space<hbm>>
    tpu.wait_dma2 semaphore(%arg15 : memref<!tpu.dma_semaphore, #tpu.memory_space<semaphore_mem>>) src(%dma_wait3A_135 : memref<2000xf32, #tpu.memory_space<hbm>>) dst(%arg10 : memref<2000xf32, #tpu.memory_space<vmem>>)
    %scan3A_136 = arith.constant 0 : i32
    %scan3A_137 = arith.constant 25 : i32
    %scan3A_138 = arith.addi %scan3A_136, %scan3A_137 : i32
    %scan3A_139 = arith.constant 1 : i32
    scf.for %scan3A_167 = %scan3A_136 to %scan3A_138 step %scan3A_139  : i32 {
      %mul3A_168 = arith.constant 80 : i32
      %mul3A_169 = arith.muli %scan3A_167, %mul3A_168 : i32
      %add3A_170 = arith.constant 0 : i32
      %add3A_171 = arith.addi %mul3A_169, %add3A_170 : i32
      %get3A = arith.index_cast %add3A_171 : i32 to index
      %get3A_172 = tpu.vector_load %arg8[%get3A] {strides = array<i32>} : memref<2000xi32, #tpu.memory_space<vmem>>, vector<16xi32>,
      %get3A_173 = arith.index_cast %add3A_171 : i32 to index
      %get3A_174 = tpu.vector_load %arg9[%get3A_173] {strides = array<i32>} : memref<2000xi32, #tpu.memory_space<vmem>>, vector<16xi32>,
      %get3A_175 = arith.index_cast %add3A_171 : i32 to index
      %get3A_176 = tpu.vector_load %arg10[%get3A_175] {strides = array<i32>} : memref<2000xf32, #tpu.memory_space<vmem>>, vector<16xf32>,
      %ne3A = arith.cmpi ne, %get3A_172, %get3A_174 : vector<16xi32>
      %jit3A = arith.constant 0.000000e+00 : f32
      %broadcast_in_dim3A = vector.broadcast %jit3A : f32 to vector<16xf32>
      %select_n3A = arith.select %ne3A, %get3A_176, %broadcast_in_dim3A : vector<16xi1>, vector<16xf32>
      tpu.vector_store_idx %arg11[%get3A_172], %select_n3A {add = true} : memref<10000xf32, #tpu.memory_space<vmem>>[vector<16xi32>], vector<16xf32>,
      %mul3A_177 = arith.constant 80 : i32
      %mul3A_178 = arith.muli %scan3A_167, %mul3A_177 : i32
      %add3A_179 = arith.constant 16 : i32
      %add3A_180 = arith.addi %mul3A_178, %add3A_179 : i32
      %get3A_181 = arith.index_cast %add3A_180 : i32 to index
      %get3A_182 = tpu.vector_load %arg8[%get3A_181] {strides = array<i32>} : memref<2000xi32, #tpu.memory_space<vmem>>, vector<16xi32>,
      %get3A_183 = arith.index_cast %add3A_180 : i32 to index
      %get3A_184 = tpu.vector_load %arg9[%get3A_183] {strides = array<i32>} : memref<2000xi32, #tpu.memory_space<vmem>>, vector<16xi32>,
      %get3A_185 = arith.index_cast %add3A_180 : i32 to index
      %get3A_186 = tpu.vector_load %arg10[%get3A_185] {strides = array<i32>} : memref<2000xf32, #tpu.memory_space<vmem>>, vector<16xf32>,
      %ne3A_187 = arith.cmpi ne, %get3A_182, %get3A_184 : vector<16xi32>
      %jit3A_188 = arith.constant 0.000000e+00 : f32
      %broadcast_in_dim3A_189 = vector.broadcast %jit3A_188 : f32 to vector<16xf32>
      %select_n3A_190 = arith.select %ne3A_187, %get3A_186, %broadcast_in_dim3A_189 : vector<16xi1>, vector<16xf32>
      tpu.vector_store_idx %arg11[%get3A_182], %select_n3A_190 {add = true} : memref<10000xf32, #tpu.memory_space<vmem>>[vector<16xi32>], vector<16xf32>,
      %mul3A_191 = arith.constant 80 : i32
      %mul3A_192 = arith.muli %scan3A_167, %mul3A_191 : i32
      %add3A_193 = arith.constant 32 : i32
      %add3A_194 = arith.addi %mul3A_192, %add3A_193 : i32
      %get3A_195 = arith.index_cast %add3A_194 : i32 to index
      %get3A_196 = tpu.vector_load %arg8[%get3A_195] {strides = array<i32>} : memref<2000xi32, #tpu.memory_space<vmem>>, vector<16xi32>,
      %get3A_197 = arith.index_cast %add3A_194 : i32 to index
      %get3A_198 = tpu.vector_load %arg9[%get3A_197] {strides = array<i32>} : memref<2000xi32, #tpu.memory_space<vmem>>, vector<16xi32>,
      %get3A_199 = arith.index_cast %add3A_194 : i32 to index
      %get3A_200 = tpu.vector_load %arg10[%get3A_199] {strides = array<i32>} : memref<2000xf32, #tpu.memory_space<vmem>>, vector<16xf32>,
      %ne3A_201 = arith.cmpi ne, %get3A_196, %get3A_198 : vector<16xi32>
      %jit3A_202 = arith.constant 0.000000e+00 : f32
      %broadcast_in_dim3A_203 = vector.broadcast %jit3A_202 : f32 to vector<16xf32>
      %select_n3A_204 = arith.select %ne3A_201, %get3A_200, %broadcast_in_dim3A_203 : vector<16xi1>, vector<16xf32>
      tpu.vector_store_idx %arg11[%get3A_196], %select_n3A_204 {add = true} : memref<10000xf32, #tpu.memory_space<vmem>>[vector<16xi32>], vector<16xf32>,
      %mul3A_205 = arith.constant 80 : i32
      %mul3A_206 = arith.muli %scan3A_167, %mul3A_205 : i32
      %add3A_207 = arith.constant 48 : i32
      %add3A_208 = arith.addi %mul3A_206, %add3A_207 : i32
      %get3A_209 = arith.index_cast %add3A_208 : i32 to index
      %get3A_210 = tpu.vector_load %arg8[%get3A_209] {strides = array<i32>} : memref<2000xi32, #tpu.memory_space<vmem>>, vector<16xi32>,
      %get3A_211 = arith.index_cast %add3A_208 : i32 to index
      %get3A_212 = tpu.vector_load %arg9[%get3A_211] {strides = array<i32>} : memref<2000xi32, #tpu.memory_space<vmem>>, vector<16xi32>,
      %get3A_213 = arith.index_cast %add3A_208 : i32 to index
      %get3A_214 = tpu.vector_load %arg10[%get3A_213] {strides = array<i32>} : memref<2000xf32, #tpu.memory_space<vmem>>, vector<16xf32>,
      %ne3A_215 = arith.cmpi ne, %get3A_210, %get3A_212 : vector<16xi32>
      %jit3A_216 = arith.constant 0.000000e+00 : f32
      %broadcast_in_dim3A_217 = vector.broadcast %jit3A_216 : f32 to vector<16xf32>
      %select_n3A_218 = arith.select %ne3A_215, %get3A_214, %broadcast_in_dim3A_217 : vector<16xi1>, vector<16xf32>
      tpu.vector_store_idx %arg11[%get3A_210], %select_n3A_218 {add = true} : memref<10000xf32, #tpu.memory_space<vmem>>[vector<16xi32>], vector<16xf32>,
      %mul3A_219 = arith.constant 80 : i32
      %mul3A_220 = arith.muli %scan3A_167, %mul3A_219 : i32
      %add3A_221 = arith.constant 64 : i32
      %add3A_222 = arith.addi %mul3A_220, %add3A_221 : i32
      %get3A_223 = arith.index_cast %add3A_222 : i32 to index
      %get3A_224 = tpu.vector_load %arg8[%get3A_223] {strides = array<i32>} : memref<2000xi32, #tpu.memory_space<vmem>>, vector<16xi32>,
      %get3A_225 = arith.index_cast %add3A_222 : i32 to index
      %get3A_226 = tpu.vector_load %arg9[%get3A_225] {strides = array<i32>} : memref<2000xi32, #tpu.memory_space<vmem>>, vector<16xi32>,
      %get3A_227 = arith.index_cast %add3A_222 : i32 to index
      %get3A_228 = tpu.vector_load %arg10[%get3A_227] {strides = array<i32>} : memref<2000xf32, #tpu.memory_space<vmem>>, vector<16xf32>,
      %ne3A_229 = arith.cmpi ne, %get3A_224, %get3A_226 : vector<16xi32>
      %jit3A_230 = arith.constant 0.000000e+00 : f32
      %broadcast_in_dim3A_231 = vector.broadcast %jit3A_230 : f32 to vector<16xf32>
      %select_n3A_232 = arith.select %ne3A_229, %get3A_228, %broadcast_in_dim3A_231 : vector<16xi1>, vector<16xf32>
      tpu.vector_store_idx %arg11[%get3A_224], %select_n3A_232 {add = true} : memref<10000xf32, #tpu.memory_space<vmem>>[vector<16xi32>], vector<16xf32>,
    }
    %scan3A_140 = arith.constant 25 : i32
    %dma_wait3A_141 = arith.constant 0 : i32
    %dma_wait3A_142 = tpu.memref_slice %arg2[%dma_wait3A_141, %add3A_111] : memref<2x320000xi32, #tpu.memory_space<hbm>> -> memref<1x2000xi32, #tpu.memory_space<hbm>>
    %dma_wait3A_143 = tpu.memref_squeeze %dma_wait3A_142 : memref<1x2000xi32, #tpu.memory_space<hbm>> -> memref<2000xi32, #tpu.memory_space<hbm>>
    %dma_wait3A_144 = tpu.memref_slice %arg2[%dma_wait3A_141, %add3A_111] : memref<2x320000xi32, #tpu.memory_space<hbm>> -> memref<1x2000xi32, #tpu.memory_space<hbm>>
    %dma_wait3A_145 = tpu.memref_squeeze %dma_wait3A_144 : memref<1x2000xi32, #tpu.memory_space<hbm>> -> memref<2000xi32, #tpu.memory_space<hbm>>
    tpu.wait_dma2 semaphore(%arg14 : memref<!tpu.dma_semaphore, #tpu.memory_space<semaphore_mem>>) src(%dma_wait3A_145 : memref<2000xi32, #tpu.memory_space<hbm>>) dst(%arg5 : memref<2000xi32, #tpu.memory_space<vmem>>)
    %dma_wait3A_146 = arith.constant 1 : i32
    %dma_wait3A_147 = tpu.memref_slice %arg2[%dma_wait3A_146, %add3A_111] : memref<2x320000xi32, #tpu.memory_space<hbm>> -> memref<1x2000xi32, #tpu.memory_space<hbm>>
    %dma_wait3A_148 = tpu.memref_squeeze %dma_wait3A_147 : memref<1x2000xi32, #tpu.memory_space<hbm>> -> memref<2000xi32, #tpu.memory_space<hbm>>
    %dma_wait3A_149 = tpu.memref_slice %arg2[%dma_wait3A_146, %add3A_111] : memref<2x320000xi32, #tpu.memory_space<hbm>> -> memref<1x2000xi32, #tpu.memory_space<hbm>>
    %dma_wait3A_150 = tpu.memref_squeeze %dma_wait3A_149 : memref<1x2000xi32, #tpu.memory_space<hbm>> -> memref<2000xi32, #tpu.memory_space<hbm>>
    tpu.wait_dma2 semaphore(%arg14 : memref<!tpu.dma_semaphore, #tpu.memory_space<semaphore_mem>>) src(%dma_wait3A_150 : memref<2000xi32, #tpu.memory_space<hbm>>) dst(%arg6 : memref<2000xi32, #tpu.memory_space<vmem>>)
    %dma_wait3A_151 = tpu.memref_slice %arg3[%add3A_111] : memref<320000xf32, #tpu.memory_space<hbm>> -> memref<2000xf32, #tpu.memory_space<hbm>>
    %dma_wait3A_152 = tpu.memref_slice %arg3[%add3A_111] : memref<320000xf32, #tpu.memory_space<hbm>> -> memref<2000xf32, #tpu.memory_space<hbm>>
    tpu.wait_dma2 semaphore(%arg14 : memref<!tpu.dma_semaphore, #tpu.memory_space<semaphore_mem>>) src(%dma_wait3A_152 : memref<2000xf32, #tpu.memory_space<hbm>>) dst(%arg7 : memref<2000xf32, #tpu.memory_space<vmem>>)
    %scan3A_153 = arith.constant 0 : i32
    %scan3A_154 = arith.constant 25 : i32
    %scan3A_155 = arith.addi %scan3A_153, %scan3A_154 : i32
    %scan3A_156 = arith.constant 1 : i32
    scf.for %scan3A_167 = %scan3A_153 to %scan3A_155 step %scan3A_156  : i32 {
      %mul3A_168 = arith.constant 80 : i32
      %mul3A_169 = arith.muli %scan3A_167, %mul3A_168 : i32
      %add3A_170 = arith.constant 0 : i32
      %add3A_171 = arith.addi %mul3A_169, %add3A_170 : i32
      %get3A = arith.index_cast %add3A_171 : i32 to index
      %get3A_172 = tpu.vector_load %arg5[%get3A] {strides = array<i32>} : memref<2000xi32, #tpu.memory_space<vmem>>, vector<16xi32>,
      %get3A_173 = arith.index_cast %add3A_171 : i32 to index
      %get3A_174 = tpu.vector_load %arg6[%get3A_173] {strides = array<i32>} : memref<2000xi32, #tpu.memory_space<vmem>>, vector<16xi32>,
      %get3A_175 = arith.index_cast %add3A_171 : i32 to index
      %get3A_176 = tpu.vector_load %arg7[%get3A_175] {strides = array<i32>} : memref<2000xf32, #tpu.memory_space<vmem>>, vector<16xf32>,
      %ne3A = arith.cmpi ne, %get3A_172, %get3A_174 : vector<16xi32>
      %jit3A = arith.constant 0.000000e+00 : f32
      %broadcast_in_dim3A = vector.broadcast %jit3A : f32 to vector<16xf32>
      %select_n3A = arith.select %ne3A, %get3A_176, %broadcast_in_dim3A : vector<16xi1>, vector<16xf32>
      tpu.vector_store_idx %arg11[%get3A_172], %select_n3A {add = true} : memref<10000xf32, #tpu.memory_space<vmem>>[vector<16xi32>], vector<16xf32>,
      %mul3A_177 = arith.constant 80 : i32
      %mul3A_178 = arith.muli %scan3A_167, %mul3A_177 : i32
      %add3A_179 = arith.constant 16 : i32
      %add3A_180 = arith.addi %mul3A_178, %add3A_179 : i32
      %get3A_181 = arith.index_cast %add3A_180 : i32 to index
      %get3A_182 = tpu.vector_load %arg5[%get3A_181] {strides = array<i32>} : memref<2000xi32, #tpu.memory_space<vmem>>, vector<16xi32>,
      %get3A_183 = arith.index_cast %add3A_180 : i32 to index
      %get3A_184 = tpu.vector_load %arg6[%get3A_183] {strides = array<i32>} : memref<2000xi32, #tpu.memory_space<vmem>>, vector<16xi32>,
      %get3A_185 = arith.index_cast %add3A_180 : i32 to index
      %get3A_186 = tpu.vector_load %arg7[%get3A_185] {strides = array<i32>} : memref<2000xf32, #tpu.memory_space<vmem>>, vector<16xf32>,
      %ne3A_187 = arith.cmpi ne, %get3A_182, %get3A_184 : vector<16xi32>
      %jit3A_188 = arith.constant 0.000000e+00 : f32
      %broadcast_in_dim3A_189 = vector.broadcast %jit3A_188 : f32 to vector<16xf32>
      %select_n3A_190 = arith.select %ne3A_187, %get3A_186, %broadcast_in_dim3A_189 : vector<16xi1>, vector<16xf32>
      tpu.vector_store_idx %arg11[%get3A_182], %select_n3A_190 {add = true} : memref<10000xf32, #tpu.memory_space<vmem>>[vector<16xi32>], vector<16xf32>,
      %mul3A_191 = arith.constant 80 : i32
      %mul3A_192 = arith.muli %scan3A_167, %mul3A_191 : i32
      %add3A_193 = arith.constant 32 : i32
      %add3A_194 = arith.addi %mul3A_192, %add3A_193 : i32
      %get3A_195 = arith.index_cast %add3A_194 : i32 to index
      %get3A_196 = tpu.vector_load %arg5[%get3A_195] {strides = array<i32>} : memref<2000xi32, #tpu.memory_space<vmem>>, vector<16xi32>,
      %get3A_197 = arith.index_cast %add3A_194 : i32 to index
      %get3A_198 = tpu.vector_load %arg6[%get3A_197] {strides = array<i32>} : memref<2000xi32, #tpu.memory_space<vmem>>, vector<16xi32>,
      %get3A_199 = arith.index_cast %add3A_194 : i32 to index
      %get3A_200 = tpu.vector_load %arg7[%get3A_199] {strides = array<i32>} : memref<2000xf32, #tpu.memory_space<vmem>>, vector<16xf32>,
      %ne3A_201 = arith.cmpi ne, %get3A_196, %get3A_198 : vector<16xi32>
      %jit3A_202 = arith.constant 0.000000e+00 : f32
      %broadcast_in_dim3A_203 = vector.broadcast %jit3A_202 : f32 to vector<16xf32>
      %select_n3A_204 = arith.select %ne3A_201, %get3A_200, %broadcast_in_dim3A_203 : vector<16xi1>, vector<16xf32>
      tpu.vector_store_idx %arg11[%get3A_196], %select_n3A_204 {add = true} : memref<10000xf32, #tpu.memory_space<vmem>>[vector<16xi32>], vector<16xf32>,
      %mul3A_205 = arith.constant 80 : i32
      %mul3A_206 = arith.muli %scan3A_167, %mul3A_205 : i32
      %add3A_207 = arith.constant 48 : i32
      %add3A_208 = arith.addi %mul3A_206, %add3A_207 : i32
      %get3A_209 = arith.index_cast %add3A_208 : i32 to index
      %get3A_210 = tpu.vector_load %arg5[%get3A_209] {strides = array<i32>} : memref<2000xi32, #tpu.memory_space<vmem>>, vector<16xi32>,
      %get3A_211 = arith.index_cast %add3A_208 : i32 to index
      %get3A_212 = tpu.vector_load %arg6[%get3A_211] {strides = array<i32>} : memref<2000xi32, #tpu.memory_space<vmem>>, vector<16xi32>,
      %get3A_213 = arith.index_cast %add3A_208 : i32 to index
      %get3A_214 = tpu.vector_load %arg7[%get3A_213] {strides = array<i32>} : memref<2000xf32, #tpu.memory_space<vmem>>, vector<16xf32>,
      %ne3A_215 = arith.cmpi ne, %get3A_210, %get3A_212 : vector<16xi32>
      %jit3A_216 = arith.constant 0.000000e+00 : f32
      %broadcast_in_dim3A_217 = vector.broadcast %jit3A_216 : f32 to vector<16xf32>
      %select_n3A_218 = arith.select %ne3A_215, %get3A_214, %broadcast_in_dim3A_217 : vector<16xi1>, vector<16xf32>
      tpu.vector_store_idx %arg11[%get3A_210], %select_n3A_218 {add = true} : memref<10000xf32, #tpu.memory_space<vmem>>[vector<16xi32>], vector<16xf32>,
      %mul3A_219 = arith.constant 80 : i32
      %mul3A_220 = arith.muli %scan3A_167, %mul3A_219 : i32
      %add3A_221 = arith.constant 64 : i32
      %add3A_222 = arith.addi %mul3A_220, %add3A_221 : i32
      %get3A_223 = arith.index_cast %add3A_222 : i32 to index
      %get3A_224 = tpu.vector_load %arg5[%get3A_223] {strides = array<i32>} : memref<2000xi32, #tpu.memory_space<vmem>>, vector<16xi32>,
      %get3A_225 = arith.index_cast %add3A_222 : i32 to index
      %get3A_226 = tpu.vector_load %arg6[%get3A_225] {strides = array<i32>} : memref<2000xi32, #tpu.memory_space<vmem>>, vector<16xi32>,
      %get3A_227 = arith.index_cast %add3A_222 : i32 to index
      %get3A_228 = tpu.vector_load %arg7[%get3A_227] {strides = array<i32>} : memref<2000xf32, #tpu.memory_space<vmem>>, vector<16xf32>,
      %ne3A_229 = arith.cmpi ne, %get3A_224, %get3A_226 : vector<16xi32>
      %jit3A_230 = arith.constant 0.000000e+00 : f32
      %broadcast_in_dim3A_231 = vector.broadcast %jit3A_230 : f32 to vector<16xf32>
      %select_n3A_232 = arith.select %ne3A_229, %get3A_228, %broadcast_in_dim3A_231 : vector<16xi1>, vector<16xf32>
      tpu.vector_store_idx %arg11[%get3A_224], %select_n3A_232 {add = true} : memref<10000xf32, #tpu.memory_space<vmem>>[vector<16xi32>], vector<16xf32>,
    }
    %scan3A_157 = arith.constant 25 : i32
    "tpu.region"() ({
      %run_scoped3A = tpu.sem_alloc : memref<!tpu.dma_semaphore, #tpu.memory_space<semaphore_mem>>
      %dma_start3A_167 = arith.constant 0 : i32
      %dma_start3A_168 = tpu.memref_slice %arg16[%arg1, %dma_start3A_167] : memref<16x10240xf32, #tpu.memory_space<vmem_shared>> -> memref<1x10000xf32, #tpu.memory_space<vmem_shared>>
      %dma_start3A_169 = tpu.memref_squeeze %dma_start3A_168 : memref<1x10000xf32, #tpu.memory_space<vmem_shared>> -> memref<10000xf32, #tpu.memory_space<vmem_shared>>
      %dma_start3A_170 = arith.constant 0 : i32
      %dma_start3A_171 = tpu.memref_slice %arg16[%arg1, %dma_start3A_170] : memref<16x10240xf32, #tpu.memory_space<vmem_shared>> -> memref<1x10000xf32, #tpu.memory_space<vmem_shared>>
      %dma_start3A_172 = tpu.memref_squeeze %dma_start3A_171 : memref<1x10000xf32, #tpu.memory_space<vmem_shared>> -> memref<10000xf32, #tpu.memory_space<vmem_shared>>
      tpu.enqueue_dma source(%arg11 : memref<10000xf32, #tpu.memory_space<vmem>>) target(%dma_start3A_172 : memref<10000xf32, #tpu.memory_space<vmem_shared>>) target_semaphore(%run_scoped3A : memref<!tpu.dma_semaphore, #tpu.memory_space<semaphore_mem>>)
      %dma_wait3A_173 = arith.constant 0 : i32
      %dma_wait3A_174 = tpu.memref_slice %arg16[%arg1, %dma_wait3A_173] : memref<16x10240xf32, #tpu.memory_space<vmem_shared>> -> memref<1x10000xf32, #tpu.memory_space<vmem_shared>>
      %dma_wait3A_175 = tpu.memref_squeeze %dma_wait3A_174 : memref<1x10000xf32, #tpu.memory_space<vmem_shared>> -> memref<10000xf32, #tpu.memory_space<vmem_shared>>
      %dma_wait3A_176 = arith.constant 0 : i32
      %dma_wait3A_177 = tpu.memref_slice %arg16[%arg1, %dma_wait3A_176] : memref<16x10240xf32, #tpu.memory_space<vmem_shared>> -> memref<1x10000xf32, #tpu.memory_space<vmem_shared>>
      %dma_wait3A_178 = tpu.memref_squeeze %dma_wait3A_177 : memref<1x10000xf32, #tpu.memory_space<vmem_shared>> -> memref<10000xf32, #tpu.memory_space<vmem_shared>>
      tpu.wait_dma2 semaphore(%run_scoped3A : memref<!tpu.dma_semaphore, #tpu.memory_space<semaphore_mem>>) src(%arg11 : memref<10000xf32, #tpu.memory_space<vmem>>) dst(%dma_wait3A_178 : memref<10000xf32, #tpu.memory_space<vmem_shared>>)
      tpu.yield
    }) : () -> ()
    %barrier3A = arith.constant 0 : index
    tpu.barrier barrier_id(%barrier3A)
    %mul3A_158 = arith.constant 640 : i32
    %mul3A_159 = arith.muli %arg1, %mul3A_158 : i32
    "tpu.region"() ({
      %run_scoped3A = tpu.sem_alloc : memref<!tpu.dma_semaphore, #tpu.memory_space<semaphore_mem>>
      %dma_start3A_167 = arith.constant 0 : i32
      %dma_start3A_168 = tpu.memref_slice %arg16[%dma_start3A_167, %mul3A_159] : memref<16x10240xf32, #tpu.memory_space<vmem_shared>> -> memref<16x640xf32, #tpu.memory_space<vmem_shared>>
      %dma_start3A_169 = arith.constant 0 : i32
      %dma_start3A_170 = tpu.memref_slice %arg16[%dma_start3A_169, %mul3A_159] : memref<16x10240xf32, #tpu.memory_space<vmem_shared>> -> memref<16x640xf32, #tpu.memory_space<vmem_shared>>
      tpu.enqueue_dma source(%dma_start3A_170 : memref<16x640xf32, #tpu.memory_space<vmem_shared>>) target(%arg12 : memref<16x640xf32, #tpu.memory_space<vmem>>) target_semaphore(%run_scoped3A : memref<!tpu.dma_semaphore, #tpu.memory_space<semaphore_mem>>)
      %dma_wait3A_171 = arith.constant 0 : i32
      %dma_wait3A_172 = tpu.memref_slice %arg16[%dma_wait3A_171, %mul3A_159] : memref<16x10240xf32, #tpu.memory_space<vmem_shared>> -> memref<16x640xf32, #tpu.memory_space<vmem_shared>>
      %dma_wait3A_173 = arith.constant 0 : i32
      %dma_wait3A_174 = tpu.memref_slice %arg16[%dma_wait3A_173, %mul3A_159] : memref<16x10240xf32, #tpu.memory_space<vmem_shared>> -> memref<16x640xf32, #tpu.memory_space<vmem_shared>>
      tpu.wait_dma2 semaphore(%run_scoped3A : memref<!tpu.dma_semaphore, #tpu.memory_space<semaphore_mem>>) src(%dma_wait3A_174 : memref<16x640xf32, #tpu.memory_space<vmem_shared>>) dst(%arg12 : memref<16x640xf32, #tpu.memory_space<vmem>>)
      tpu.yield
    }) : () -> ()
    %scan3A_160 = arith.constant 0 : i32
    %scan3A_161 = arith.constant 40 : i32
    %scan3A_162 = arith.addi %scan3A_160, %scan3A_161 : i32
    %scan3A_163 = arith.constant 1 : i32
    scf.for %scan3A_167 = %scan3A_160 to %scan3A_162 step %scan3A_163  : i32 {
      %mul3A_168 = arith.constant 16 : i32
      %mul3A_169 = arith.muli %scan3A_167, %mul3A_168 : i32
      %get3A = arith.constant 0 : i32
      %get3A_170 = arith.index_cast %get3A : i32 to index
      %get3A_171 = arith.index_cast %mul3A_169 : i32 to index
      %get3A_172 = tpu.vector_load %arg12[%get3A_170, %get3A_171] {strides = array<i32>} : memref<16x640xf32, #tpu.memory_space<vmem>>, vector<16xf32>,
      %mul3A_173 = arith.constant 16 : i32
      %mul3A_174 = arith.muli %scan3A_167, %mul3A_173 : i32
      %get3A_175 = arith.constant 1 : i32
      %get3A_176 = arith.index_cast %get3A_175 : i32 to index
      %get3A_177 = arith.index_cast %mul3A_174 : i32 to index
      %get3A_178 = tpu.vector_load %arg12[%get3A_176, %get3A_177] {strides = array<i32>} : memref<16x640xf32, #tpu.memory_space<vmem>>, vector<16xf32>,
      %add3A_179 = arith.addf %get3A_172, %get3A_178 : vector<16xf32>
      %mul3A_180 = arith.constant 16 : i32
      %mul3A_181 = arith.muli %scan3A_167, %mul3A_180 : i32
      %get3A_182 = arith.constant 2 : i32
      %get3A_183 = arith.index_cast %get3A_182 : i32 to index
      %get3A_184 = arith.index_cast %mul3A_181 : i32 to index
      %get3A_185 = tpu.vector_load %arg12[%get3A_183, %get3A_184] {strides = array<i32>} : memref<16x640xf32, #tpu.memory_space<vmem>>, vector<16xf32>,
      %add3A_186 = arith.addf %add3A_179, %get3A_185 : vector<16xf32>
      %mul3A_187 = arith.constant 16 : i32
      %mul3A_188 = arith.muli %scan3A_167, %mul3A_187 : i32
      %get3A_189 = arith.constant 3 : i32
      %get3A_190 = arith.index_cast %get3A_189 : i32 to index
      %get3A_191 = arith.index_cast %mul3A_188 : i32 to index
      %get3A_192 = tpu.vector_load %arg12[%get3A_190, %get3A_191] {strides = array<i32>} : memref<16x640xf32, #tpu.memory_space<vmem>>, vector<16xf32>,
      %add3A_193 = arith.addf %add3A_186, %get3A_192 : vector<16xf32>
      %mul3A_194 = arith.constant 16 : i32
      %mul3A_195 = arith.muli %scan3A_167, %mul3A_194 : i32
      %get3A_196 = arith.constant 4 : i32
      %get3A_197 = arith.index_cast %get3A_196 : i32 to index
      %get3A_198 = arith.index_cast %mul3A_195 : i32 to index
      %get3A_199 = tpu.vector_load %arg12[%get3A_197, %get3A_198] {strides = array<i32>} : memref<16x640xf32, #tpu.memory_space<vmem>>, vector<16xf32>,
      %add3A_200 = arith.addf %add3A_193, %get3A_199 : vector<16xf32>
      %mul3A_201 = arith.constant 16 : i32
      %mul3A_202 = arith.muli %scan3A_167, %mul3A_201 : i32
      %get3A_203 = arith.constant 5 : i32
      %get3A_204 = arith.index_cast %get3A_203 : i32 to index
      %get3A_205 = arith.index_cast %mul3A_202 : i32 to index
      %get3A_206 = tpu.vector_load %arg12[%get3A_204, %get3A_205] {strides = array<i32>} : memref<16x640xf32, #tpu.memory_space<vmem>>, vector<16xf32>,
      %add3A_207 = arith.addf %add3A_200, %get3A_206 : vector<16xf32>
      %mul3A_208 = arith.constant 16 : i32
      %mul3A_209 = arith.muli %scan3A_167, %mul3A_208 : i32
      %get3A_210 = arith.constant 6 : i32
      %get3A_211 = arith.index_cast %get3A_210 : i32 to index
      %get3A_212 = arith.index_cast %mul3A_209 : i32 to index
      %get3A_213 = tpu.vector_load %arg12[%get3A_211, %get3A_212] {strides = array<i32>} : memref<16x640xf32, #tpu.memory_space<vmem>>, vector<16xf32>,
      %add3A_214 = arith.addf %add3A_207, %get3A_213 : vector<16xf32>
      %mul3A_215 = arith.constant 16 : i32
      %mul3A_216 = arith.muli %scan3A_167, %mul3A_215 : i32
      %get3A_217 = arith.constant 7 : i32
      %get3A_218 = arith.index_cast %get3A_217 : i32 to index
      %get3A_219 = arith.index_cast %mul3A_216 : i32 to index
      %get3A_220 = tpu.vector_load %arg12[%get3A_218, %get3A_219] {strides = array<i32>} : memref<16x640xf32, #tpu.memory_space<vmem>>, vector<16xf32>,
      %add3A_221 = arith.addf %add3A_214, %get3A_220 : vector<16xf32>
      %mul3A_222 = arith.constant 16 : i32
      %mul3A_223 = arith.muli %scan3A_167, %mul3A_222 : i32
      %get3A_224 = arith.constant 8 : i32
      %get3A_225 = arith.index_cast %get3A_224 : i32 to index
      %get3A_226 = arith.index_cast %mul3A_223 : i32 to index
      %get3A_227 = tpu.vector_load %arg12[%get3A_225, %get3A_226] {strides = array<i32>} : memref<16x640xf32, #tpu.memory_space<vmem>>, vector<16xf32>,
      %add3A_228 = arith.addf %add3A_221, %get3A_227 : vector<16xf32>
      %mul3A_229 = arith.constant 16 : i32
      %mul3A_230 = arith.muli %scan3A_167, %mul3A_229 : i32
      %get3A_231 = arith.constant 9 : i32
      %get3A_232 = arith.index_cast %get3A_231 : i32 to index
      %get3A_233 = arith.index_cast %mul3A_230 : i32 to index
      %get3A_234 = tpu.vector_load %arg12[%get3A_232, %get3A_233] {strides = array<i32>} : memref<16x640xf32, #tpu.memory_space<vmem>>, vector<16xf32>,
      %add3A_235 = arith.addf %add3A_228, %get3A_234 : vector<16xf32>
      %mul3A_236 = arith.constant 16 : i32
      %mul3A_237 = arith.muli %scan3A_167, %mul3A_236 : i32
      %get3A_238 = arith.constant 10 : i32
      %get3A_239 = arith.index_cast %get3A_238 : i32 to index
      %get3A_240 = arith.index_cast %mul3A_237 : i32 to index
      %get3A_241 = tpu.vector_load %arg12[%get3A_239, %get3A_240] {strides = array<i32>} : memref<16x640xf32, #tpu.memory_space<vmem>>, vector<16xf32>,
      %add3A_242 = arith.addf %add3A_235, %get3A_241 : vector<16xf32>
      %mul3A_243 = arith.constant 16 : i32
      %mul3A_244 = arith.muli %scan3A_167, %mul3A_243 : i32
      %get3A_245 = arith.constant 11 : i32
      %get3A_246 = arith.index_cast %get3A_245 : i32 to index
      %get3A_247 = arith.index_cast %mul3A_244 : i32 to index
      %get3A_248 = tpu.vector_load %arg12[%get3A_246, %get3A_247] {strides = array<i32>} : memref<16x640xf32, #tpu.memory_space<vmem>>, vector<16xf32>,
      %add3A_249 = arith.addf %add3A_242, %get3A_248 : vector<16xf32>
      %mul3A_250 = arith.constant 16 : i32
      %mul3A_251 = arith.muli %scan3A_167, %mul3A_250 : i32
      %get3A_252 = arith.constant 12 : i32
      %get3A_253 = arith.index_cast %get3A_252 : i32 to index
      %get3A_254 = arith.index_cast %mul3A_251 : i32 to index
      %get3A_255 = tpu.vector_load %arg12[%get3A_253, %get3A_254] {strides = array<i32>} : memref<16x640xf32, #tpu.memory_space<vmem>>, vector<16xf32>,
      %add3A_256 = arith.addf %add3A_249, %get3A_255 : vector<16xf32>
      %mul3A_257 = arith.constant 16 : i32
      %mul3A_258 = arith.muli %scan3A_167, %mul3A_257 : i32
      %get3A_259 = arith.constant 13 : i32
      %get3A_260 = arith.index_cast %get3A_259 : i32 to index
      %get3A_261 = arith.index_cast %mul3A_258 : i32 to index
      %get3A_262 = tpu.vector_load %arg12[%get3A_260, %get3A_261] {strides = array<i32>} : memref<16x640xf32, #tpu.memory_space<vmem>>, vector<16xf32>,
      %add3A_263 = arith.addf %add3A_256, %get3A_262 : vector<16xf32>
      %mul3A_264 = arith.constant 16 : i32
      %mul3A_265 = arith.muli %scan3A_167, %mul3A_264 : i32
      %get3A_266 = arith.constant 14 : i32
      %get3A_267 = arith.index_cast %get3A_266 : i32 to index
      %get3A_268 = arith.index_cast %mul3A_265 : i32 to index
      %get3A_269 = tpu.vector_load %arg12[%get3A_267, %get3A_268] {strides = array<i32>} : memref<16x640xf32, #tpu.memory_space<vmem>>, vector<16xf32>,
      %add3A_270 = arith.addf %add3A_263, %get3A_269 : vector<16xf32>
      %mul3A_271 = arith.constant 16 : i32
      %mul3A_272 = arith.muli %scan3A_167, %mul3A_271 : i32
      %get3A_273 = arith.constant 15 : i32
      %get3A_274 = arith.index_cast %get3A_273 : i32 to index
      %get3A_275 = arith.index_cast %mul3A_272 : i32 to index
      %get3A_276 = tpu.vector_load %arg12[%get3A_274, %get3A_275] {strides = array<i32>} : memref<16x640xf32, #tpu.memory_space<vmem>>, vector<16xf32>,
      %add3A_277 = arith.addf %add3A_270, %get3A_276 : vector<16xf32>
      %mul3A_278 = arith.constant 16 : i32
      %mul3A_279 = arith.muli %scan3A_167, %mul3A_278 : i32
      %swap3A = arith.index_cast %mul3A_279 : i32 to index
      %swap3A_280 = tpu.vector_load %arg13[%swap3A] {strides = array<i32>} : memref<640xf32, #tpu.memory_space<vmem>>, vector<16xf32>,
      tpu.vector_store %arg13[%swap3A], %add3A_277 {strides = array<i32>} : memref<640xf32, #tpu.memory_space<vmem>>, vector<16xf32>,
    }
    %scan3A_164 = arith.constant 40 : i32
    %mul3A_165 = arith.constant 640 : i32
    %mul3A_166 = arith.muli %arg1, %mul3A_165 : i32
    "tpu.region"() ({
      %run_scoped3A = tpu.sem_alloc : memref<!tpu.dma_semaphore, #tpu.memory_space<semaphore_mem>>
      %dma_start3A_167 = tpu.memref_slice %arg4[%arg0, %mul3A_166] : memref<2x10240xf32, #tpu.memory_space<hbm>> -> memref<1x640xf32, #tpu.memory_space<hbm>>
      %dma_start3A_168 = tpu.memref_squeeze %dma_start3A_167 : memref<1x640xf32, #tpu.memory_space<hbm>> -> memref<640xf32, #tpu.memory_space<hbm>>
      %dma_start3A_169 = tpu.memref_slice %arg4[%arg0, %mul3A_166] : memref<2x10240xf32, #tpu.memory_space<hbm>> -> memref<1x640xf32, #tpu.memory_space<hbm>>
      %dma_start3A_170 = tpu.memref_squeeze %dma_start3A_169 : memref<1x640xf32, #tpu.memory_space<hbm>> -> memref<640xf32, #tpu.memory_space<hbm>>
      tpu.enqueue_dma source(%arg13 : memref<640xf32, #tpu.memory_space<vmem>>) target(%dma_start3A_170 : memref<640xf32, #tpu.memory_space<hbm>>) target_semaphore(%run_scoped3A : memref<!tpu.dma_semaphore, #tpu.memory_space<semaphore_mem>>)
      %dma_wait3A_171 = tpu.memref_slice %arg4[%arg0, %mul3A_166] : memref<2x10240xf32, #tpu.memory_space<hbm>> -> memref<1x640xf32, #tpu.memory_space<hbm>>
      %dma_wait3A_172 = tpu.memref_squeeze %dma_wait3A_171 : memref<1x640xf32, #tpu.memory_space<hbm>> -> memref<640xf32, #tpu.memory_space<hbm>>
      %dma_wait3A_173 = tpu.memref_slice %arg4[%arg0, %mul3A_166] : memref<2x10240xf32, #tpu.memory_space<hbm>> -> memref<1x640xf32, #tpu.memory_space<hbm>>
      %dma_wait3A_174 = tpu.memref_squeeze %dma_wait3A_173 : memref<1x640xf32, #tpu.memory_space<hbm>> -> memref<640xf32, #tpu.memory_space<hbm>>
      tpu.wait_dma2 semaphore(%run_scoped3A : memref<!tpu.dma_semaphore, #tpu.memory_space<semaphore_mem>>) src(%arg13 : memref<640xf32, #tpu.memory_space<vmem>>) dst(%dma_wait3A_174 : memref<640xf32, #tpu.memory_space<hbm>>)
      tpu.yield
    }) : () -> ()
    return
  }
}

#map = affine_map<(d0, d1) -> (0, 0)>
#map1 = affine_map<(d0, d1) -> (0)>
#map2 = affine_map<(d0, d1) -> (0, 0, 0)>
module attributes {stable_mosaic.version = 14 : i64} {
  func.func @_msg_body(%arg0: i32, %arg1: i32, %arg2: memref<2x320000xi32, #tpu.memory_space<hbm>>, %arg3: memref<320000xf32, #tpu.memory_space<hbm>>, %arg4: memref<20000xf32, #tpu.memory_space<hbm>>, %arg5: memref<2x10240xf32, #tpu.memory_space<hbm>>, %arg6: memref<2x2x10240xf32, #tpu.memory_space<hbm>>, %arg7: memref<2000xi32, #tpu.memory_space<vmem>>, %arg8: memref<2000xi32, #tpu.memory_space<vmem>>, %arg9: memref<2000xf32, #tpu.memory_space<vmem>>, %arg10: memref<2000xi32, #tpu.memory_space<vmem>>, %arg11: memref<2000xi32, #tpu.memory_space<vmem>>, %arg12: memref<2000xf32, #tpu.memory_space<vmem>>, %arg13: memref<20000xf32, #tpu.memory_space<vmem>>, %arg14: memref<10000xf32, #tpu.memory_space<vmem>>, %arg15: memref<20000xf32, #tpu.memory_space<vmem>>, %arg16: memref<16x640xf32, #tpu.memory_space<vmem>>, %arg17: memref<640xf32, #tpu.memory_space<vmem>>, %arg18: memref<2x640xf32, #tpu.memory_space<vmem>>, %arg19: memref<!tpu.dma_semaphore, #tpu.memory_space<semaphore_mem>>, %arg20: memref<!tpu.dma_semaphore, #tpu.memory_space<semaphore_mem>>, %arg21: memref<!tpu.dma_semaphore, #tpu.memory_space<semaphore_mem>>, %arg22: memref<10240xf32, #tpu.memory_space<vmem_shared>>, %arg23: memref<16x2x10240xf32, #tpu.memory_space<vmem_shared>>) attributes {dimension_semantics = [#tpu.dimension_semantics<core_parallel>, #tpu.dimension_semantics<subcore_parallel>], iteration_bounds = array<i64: 2, 16>, scalar_prefetch = 0 : i64, scratch_operands = 17 : i64, tpu.core_type = #tpu.core_type<sc_vector_subcore>, window_params = [{transform_indices = #map}, {transform_indices = #map1}, {transform_indices = #map1}, {transform_indices = #map}, {transform_indices = #map2}]} {
    %mul3A = arith.constant 20000 : i32
    %mul3A_0 = arith.muli %arg1, %mul3A : i32
    %mul3A_1 = arith.constant 10000 : i32
    %mul3A_2 = arith.muli %arg0, %mul3A_1 : i32
    %add3A = arith.addi %mul3A_0, %mul3A_2 : i32
    %dma_start3A = arith.constant 0 : i32
    %dma_start3A_3 = tpu.memref_slice %arg2[%dma_start3A, %add3A] : memref<2x320000xi32, #tpu.memory_space<hbm>> -> memref<1x2000xi32, #tpu.memory_space<hbm>>
    %dma_start3A_4 = tpu.memref_squeeze %dma_start3A_3 : memref<1x2000xi32, #tpu.memory_space<hbm>> -> memref<2000xi32, #tpu.memory_space<hbm>>
    %dma_start3A_5 = tpu.memref_slice %arg2[%dma_start3A, %add3A] : memref<2x320000xi32, #tpu.memory_space<hbm>> -> memref<1x2000xi32, #tpu.memory_space<hbm>>
    %dma_start3A_6 = tpu.memref_squeeze %dma_start3A_5 : memref<1x2000xi32, #tpu.memory_space<hbm>> -> memref<2000xi32, #tpu.memory_space<hbm>>
    tpu.enqueue_dma source(%dma_start3A_6 : memref<2000xi32, #tpu.memory_space<hbm>>) target(%arg7 : memref<2000xi32, #tpu.memory_space<vmem>>) target_semaphore(%arg20 : memref<!tpu.dma_semaphore, #tpu.memory_space<semaphore_mem>>)
    %dma_start3A_7 = arith.constant 1 : i32
    %dma_start3A_8 = tpu.memref_slice %arg2[%dma_start3A_7, %add3A] : memref<2x320000xi32, #tpu.memory_space<hbm>> -> memref<1x2000xi32, #tpu.memory_space<hbm>>
    %dma_start3A_9 = tpu.memref_squeeze %dma_start3A_8 : memref<1x2000xi32, #tpu.memory_space<hbm>> -> memref<2000xi32, #tpu.memory_space<hbm>>
    %dma_start3A_10 = tpu.memref_slice %arg2[%dma_start3A_7, %add3A] : memref<2x320000xi32, #tpu.memory_space<hbm>> -> memref<1x2000xi32, #tpu.memory_space<hbm>>
    %dma_start3A_11 = tpu.memref_squeeze %dma_start3A_10 : memref<1x2000xi32, #tpu.memory_space<hbm>> -> memref<2000xi32, #tpu.memory_space<hbm>>
    tpu.enqueue_dma source(%dma_start3A_11 : memref<2000xi32, #tpu.memory_space<hbm>>) target(%arg8 : memref<2000xi32, #tpu.memory_space<vmem>>) target_semaphore(%arg20 : memref<!tpu.dma_semaphore, #tpu.memory_space<semaphore_mem>>)
    %dma_start3A_12 = tpu.memref_slice %arg3[%add3A] : memref<320000xf32, #tpu.memory_space<hbm>> -> memref<2000xf32, #tpu.memory_space<hbm>>
    %dma_start3A_13 = tpu.memref_slice %arg3[%add3A] : memref<320000xf32, #tpu.memory_space<hbm>> -> memref<2000xf32, #tpu.memory_space<hbm>>
    tpu.enqueue_dma source(%dma_start3A_13 : memref<2000xf32, #tpu.memory_space<hbm>>) target(%arg9 : memref<2000xf32, #tpu.memory_space<vmem>>) target_semaphore(%arg20 : memref<!tpu.dma_semaphore, #tpu.memory_space<semaphore_mem>>)
    tpu.enqueue_dma source(%arg4 : memref<20000xf32, #tpu.memory_space<hbm>>) target(%arg13 : memref<20000xf32, #tpu.memory_space<vmem>>) target_semaphore(%arg19 : memref<!tpu.dma_semaphore, #tpu.memory_space<semaphore_mem>>)
    %mul3A_14 = arith.constant 640 : i32
    %mul3A_15 = arith.muli %arg1, %mul3A_14 : i32
    "tpu.region"() ({
      %run_scoped3A_191 = tpu.sem_alloc : memref<!tpu.dma_semaphore, #tpu.memory_space<semaphore_mem>>
      %dma_start3A_192 = arith.constant 0 : i32
      %dma_start3A_193 = tpu.memref_slice %arg5[%dma_start3A_192, %mul3A_15] : memref<2x10240xf32, #tpu.memory_space<hbm>> -> memref<2x640xf32, #tpu.memory_space<hbm>>
      %dma_start3A_194 = arith.constant 0 : i32
      %dma_start3A_195 = tpu.memref_slice %arg5[%dma_start3A_194, %mul3A_15] : memref<2x10240xf32, #tpu.memory_space<hbm>> -> memref<2x640xf32, #tpu.memory_space<hbm>>
      tpu.enqueue_dma source(%dma_start3A_195 : memref<2x640xf32, #tpu.memory_space<hbm>>) target(%arg18 : memref<2x640xf32, #tpu.memory_space<vmem>>) target_semaphore(%run_scoped3A_191 : memref<!tpu.dma_semaphore, #tpu.memory_space<semaphore_mem>>)
      %dma_wait3A_196 = arith.constant 0 : i32
      %dma_wait3A_197 = tpu.memref_slice %arg5[%dma_wait3A_196, %mul3A_15] : memref<2x10240xf32, #tpu.memory_space<hbm>> -> memref<2x640xf32, #tpu.memory_space<hbm>>
      %dma_wait3A_198 = arith.constant 0 : i32
      %dma_wait3A_199 = tpu.memref_slice %arg5[%dma_wait3A_198, %mul3A_15] : memref<2x10240xf32, #tpu.memory_space<hbm>> -> memref<2x640xf32, #tpu.memory_space<hbm>>
      tpu.wait_dma2 semaphore(%run_scoped3A_191 : memref<!tpu.dma_semaphore, #tpu.memory_space<semaphore_mem>>) src(%dma_wait3A_199 : memref<2x640xf32, #tpu.memory_space<hbm>>) dst(%arg18 : memref<2x640xf32, #tpu.memory_space<vmem>>)
      tpu.yield
    }) : () -> ()
    %scan3A = arith.constant 0 : i32
    %scan3A_16 = arith.constant 40 : i32
    %scan3A_17 = arith.addi %scan3A, %scan3A_16 : i32
    %scan3A_18 = arith.constant 1 : i32
    scf.for %scan3A_191 = %scan3A to %scan3A_17 step %scan3A_18  : i32 {
      %mul3A_192 = arith.constant 16 : i32
      %mul3A_193 = arith.muli %scan3A_191, %mul3A_192 : i32
      %get3A = arith.constant 0 : i32
      %get3A_194 = arith.index_cast %get3A : i32 to index
      %get3A_195 = arith.index_cast %mul3A_193 : i32 to index
      %get3A_196 = tpu.vector_load %arg18[%get3A_194, %get3A_195] {strides = array<i32>} : memref<2x640xf32, #tpu.memory_space<vmem>>, vector<16xf32>,
      %mul3A_197 = arith.constant 16 : i32
      %mul3A_198 = arith.muli %scan3A_191, %mul3A_197 : i32
      %get3A_199 = arith.constant 1 : i32
      %get3A_200 = arith.index_cast %get3A_199 : i32 to index
      %get3A_201 = arith.index_cast %mul3A_198 : i32 to index
      %get3A_202 = tpu.vector_load %arg18[%get3A_200, %get3A_201] {strides = array<i32>} : memref<2x640xf32, #tpu.memory_space<vmem>>, vector<16xf32>,
      %add3A_203 = arith.addf %get3A_196, %get3A_202 : vector<16xf32>
      %bitcast3A = vector.bitcast %add3A_203 : vector<16xf32> to vector<16xi32>
      %shift_right_arithmetic3A = arith.constant 1 : i32
      %shift_right_arithmetic3A_204 = vector.broadcast %shift_right_arithmetic3A : i32 to vector<16xi32>
      %shift_right_arithmetic3A_205 = arith.shrsi %bitcast3A, %shift_right_arithmetic3A_204 : vector<16xi32>
      %sub3A = arith.constant 1597463007 : i32
      %sub3A_206 = vector.broadcast %sub3A : i32 to vector<16xi32>
      %sub3A_207 = arith.subi %sub3A_206, %shift_right_arithmetic3A_205 : vector<16xi32>
      %bitcast3A_208 = vector.bitcast %sub3A_207 : vector<16xi32> to vector<16xf32>
      %mul3A_209 = arith.constant 5.000000e-01 : f32
      %mul3A_210 = vector.broadcast %mul3A_209 : f32 to vector<16xf32>
      %mul3A_211 = arith.mulf %mul3A_210, %add3A_203 : vector<16xf32>
      %mul3A_212 = arith.mulf %mul3A_211, %bitcast3A_208 : vector<16xf32>
      %mul3A_213 = arith.mulf %mul3A_212, %bitcast3A_208 : vector<16xf32>
      %sub3A_214 = arith.constant 1.500000e+00 : f32
      %sub3A_215 = vector.broadcast %sub3A_214 : f32 to vector<16xf32>
      %sub3A_216 = arith.subf %sub3A_215, %mul3A_213 : vector<16xf32>
      %mul3A_217 = arith.mulf %bitcast3A_208, %sub3A_216 : vector<16xf32>
      %mul3A_218 = arith.constant 5.000000e-01 : f32
      %mul3A_219 = vector.broadcast %mul3A_218 : f32 to vector<16xf32>
      %mul3A_220 = arith.mulf %mul3A_219, %add3A_203 : vector<16xf32>
      %mul3A_221 = arith.mulf %mul3A_220, %mul3A_217 : vector<16xf32>
      %mul3A_222 = arith.mulf %mul3A_221, %mul3A_217 : vector<16xf32>
      %sub3A_223 = arith.constant 1.500000e+00 : f32
      %sub3A_224 = vector.broadcast %sub3A_223 : f32 to vector<16xf32>
      %sub3A_225 = arith.subf %sub3A_224, %mul3A_222 : vector<16xf32>
      %mul3A_226 = arith.mulf %mul3A_217, %sub3A_225 : vector<16xf32>
      %mul3A_227 = arith.constant 5.000000e-01 : f32
      %mul3A_228 = vector.broadcast %mul3A_227 : f32 to vector<16xf32>
      %mul3A_229 = arith.mulf %mul3A_228, %add3A_203 : vector<16xf32>
      %mul3A_230 = arith.mulf %mul3A_229, %mul3A_226 : vector<16xf32>
      %mul3A_231 = arith.mulf %mul3A_230, %mul3A_226 : vector<16xf32>
      %sub3A_232 = arith.constant 1.500000e+00 : f32
      %sub3A_233 = vector.broadcast %sub3A_232 : f32 to vector<16xf32>
      %sub3A_234 = arith.subf %sub3A_233, %mul3A_231 : vector<16xf32>
      %mul3A_235 = arith.mulf %mul3A_226, %sub3A_234 : vector<16xf32>
      %gt3A = arith.constant 0.000000e+00 : f32
      %gt3A_236 = vector.broadcast %gt3A : f32 to vector<16xf32>
      %gt3A_237 = arith.cmpf ogt, %add3A_203, %gt3A_236 : vector<16xf32>
      %jit3A = arith.constant 0.000000e+00 : f32
      %broadcast_in_dim3A = vector.broadcast %jit3A : f32 to vector<16xf32>
      %select_n3A = arith.select %gt3A_237, %mul3A_235, %broadcast_in_dim3A : vector<16xi1>, vector<16xf32>
      %mul3A_238 = arith.constant 16 : i32
      %mul3A_239 = arith.muli %scan3A_191, %mul3A_238 : i32
      %swap3A = arith.index_cast %mul3A_239 : i32 to index
      %swap3A_240 = tpu.vector_load %arg17[%swap3A] {strides = array<i32>} : memref<640xf32, #tpu.memory_space<vmem>>, vector<16xf32>,
      tpu.vector_store %arg17[%swap3A], %select_n3A {strides = array<i32>} : memref<640xf32, #tpu.memory_space<vmem>>, vector<16xf32>,
    }
    %scan3A_19 = arith.constant 40 : i32
    %mul3A_20 = arith.constant 640 : i32
    %mul3A_21 = arith.muli %arg1, %mul3A_20 : i32
    "tpu.region"() ({
      %run_scoped3A_191 = tpu.sem_alloc : memref<!tpu.dma_semaphore, #tpu.memory_space<semaphore_mem>>
      %dma_start3A_192 = tpu.memref_slice %arg22[%mul3A_21] : memref<10240xf32, #tpu.memory_space<vmem_shared>> -> memref<640xf32, #tpu.memory_space<vmem_shared>>
      %dma_start3A_193 = tpu.memref_slice %arg22[%mul3A_21] : memref<10240xf32, #tpu.memory_space<vmem_shared>> -> memref<640xf32, #tpu.memory_space<vmem_shared>>
      tpu.enqueue_dma source(%arg17 : memref<640xf32, #tpu.memory_space<vmem>>) target(%dma_start3A_193 : memref<640xf32, #tpu.memory_space<vmem_shared>>) target_semaphore(%run_scoped3A_191 : memref<!tpu.dma_semaphore, #tpu.memory_space<semaphore_mem>>)
      %dma_wait3A_194 = tpu.memref_slice %arg22[%mul3A_21] : memref<10240xf32, #tpu.memory_space<vmem_shared>> -> memref<640xf32, #tpu.memory_space<vmem_shared>>
      %dma_wait3A_195 = tpu.memref_slice %arg22[%mul3A_21] : memref<10240xf32, #tpu.memory_space<vmem_shared>> -> memref<640xf32, #tpu.memory_space<vmem_shared>>
      tpu.wait_dma2 semaphore(%run_scoped3A_191 : memref<!tpu.dma_semaphore, #tpu.memory_space<semaphore_mem>>) src(%arg17 : memref<640xf32, #tpu.memory_space<vmem>>) dst(%dma_wait3A_195 : memref<640xf32, #tpu.memory_space<vmem_shared>>)
      tpu.yield
    }) : () -> ()
    %scan3A_22 = arith.constant 0 : i32
    %scan3A_23 = arith.constant 250 : i32
    %scan3A_24 = arith.addi %scan3A_22, %scan3A_23 : i32
    %scan3A_25 = arith.constant 1 : i32
    scf.for %scan3A_191 = %scan3A_22 to %scan3A_24 step %scan3A_25  : i32 {
      %broadcast_in_dim3A = arith.constant 0.000000e+00 : f32
      %broadcast_in_dim3A_192 = vector.broadcast %broadcast_in_dim3A : f32 to vector<16xf32>
      %mul3A_193 = arith.constant 80 : i32
      %mul3A_194 = arith.muli %scan3A_191, %mul3A_193 : i32
      %add3A_195 = arith.constant 0 : i32
      %add3A_196 = arith.addi %mul3A_194, %add3A_195 : i32
      %swap3A = arith.index_cast %add3A_196 : i32 to index
      %swap3A_197 = tpu.vector_load %arg15[%swap3A] {strides = array<i32>} : memref<20000xf32, #tpu.memory_space<vmem>>, vector<16xf32>,
      tpu.vector_store %arg15[%swap3A], %broadcast_in_dim3A_192 {strides = array<i32>} : memref<20000xf32, #tpu.memory_space<vmem>>, vector<16xf32>,
      %broadcast_in_dim3A_198 = arith.constant 0.000000e+00 : f32
      %broadcast_in_dim3A_199 = vector.broadcast %broadcast_in_dim3A_198 : f32 to vector<16xf32>
      %mul3A_200 = arith.constant 80 : i32
      %mul3A_201 = arith.muli %scan3A_191, %mul3A_200 : i32
      %add3A_202 = arith.constant 16 : i32
      %add3A_203 = arith.addi %mul3A_201, %add3A_202 : i32
      %swap3A_204 = arith.index_cast %add3A_203 : i32 to index
      %swap3A_205 = tpu.vector_load %arg15[%swap3A_204] {strides = array<i32>} : memref<20000xf32, #tpu.memory_space<vmem>>, vector<16xf32>,
      tpu.vector_store %arg15[%swap3A_204], %broadcast_in_dim3A_199 {strides = array<i32>} : memref<20000xf32, #tpu.memory_space<vmem>>, vector<16xf32>,
      %broadcast_in_dim3A_206 = arith.constant 0.000000e+00 : f32
      %broadcast_in_dim3A_207 = vector.broadcast %broadcast_in_dim3A_206 : f32 to vector<16xf32>
      %mul3A_208 = arith.constant 80 : i32
      %mul3A_209 = arith.muli %scan3A_191, %mul3A_208 : i32
      %add3A_210 = arith.constant 32 : i32
      %add3A_211 = arith.addi %mul3A_209, %add3A_210 : i32
      %swap3A_212 = arith.index_cast %add3A_211 : i32 to index
      %swap3A_213 = tpu.vector_load %arg15[%swap3A_212] {strides = array<i32>} : memref<20000xf32, #tpu.memory_space<vmem>>, vector<16xf32>,
      tpu.vector_store %arg15[%swap3A_212], %broadcast_in_dim3A_207 {strides = array<i32>} : memref<20000xf32, #tpu.memory_space<vmem>>, vector<16xf32>,
      %broadcast_in_dim3A_214 = arith.constant 0.000000e+00 : f32
      %broadcast_in_dim3A_215 = vector.broadcast %broadcast_in_dim3A_214 : f32 to vector<16xf32>
      %mul3A_216 = arith.constant 80 : i32
      %mul3A_217 = arith.muli %scan3A_191, %mul3A_216 : i32
      %add3A_218 = arith.constant 48 : i32
      %add3A_219 = arith.addi %mul3A_217, %add3A_218 : i32
      %swap3A_220 = arith.index_cast %add3A_219 : i32 to index
      %swap3A_221 = tpu.vector_load %arg15[%swap3A_220] {strides = array<i32>} : memref<20000xf32, #tpu.memory_space<vmem>>, vector<16xf32>,
      tpu.vector_store %arg15[%swap3A_220], %broadcast_in_dim3A_215 {strides = array<i32>} : memref<20000xf32, #tpu.memory_space<vmem>>, vector<16xf32>,
      %broadcast_in_dim3A_222 = arith.constant 0.000000e+00 : f32
      %broadcast_in_dim3A_223 = vector.broadcast %broadcast_in_dim3A_222 : f32 to vector<16xf32>
      %mul3A_224 = arith.constant 80 : i32
      %mul3A_225 = arith.muli %scan3A_191, %mul3A_224 : i32
      %add3A_226 = arith.constant 64 : i32
      %add3A_227 = arith.addi %mul3A_225, %add3A_226 : i32
      %swap3A_228 = arith.index_cast %add3A_227 : i32 to index
      %swap3A_229 = tpu.vector_load %arg15[%swap3A_228] {strides = array<i32>} : memref<20000xf32, #tpu.memory_space<vmem>>, vector<16xf32>,
      tpu.vector_store %arg15[%swap3A_228], %broadcast_in_dim3A_223 {strides = array<i32>} : memref<20000xf32, #tpu.memory_space<vmem>>, vector<16xf32>,
    }
    %scan3A_26 = arith.constant 250 : i32
    %barrier3A = arith.constant 0 : index
    tpu.barrier barrier_id(%barrier3A)
    "tpu.region"() ({
      %run_scoped3A_191 = tpu.sem_alloc : memref<!tpu.dma_semaphore, #tpu.memory_space<semaphore_mem>>
      %dma_start3A_192 = arith.constant 0 : i32
      %dma_start3A_193 = tpu.memref_slice %arg22[%dma_start3A_192] : memref<10240xf32, #tpu.memory_space<vmem_shared>> -> memref<10000xf32, #tpu.memory_space<vmem_shared>>
      %dma_start3A_194 = arith.constant 0 : i32
      %dma_start3A_195 = tpu.memref_slice %arg22[%dma_start3A_194] : memref<10240xf32, #tpu.memory_space<vmem_shared>> -> memref<10000xf32, #tpu.memory_space<vmem_shared>>
      tpu.enqueue_dma source(%dma_start3A_195 : memref<10000xf32, #tpu.memory_space<vmem_shared>>) target(%arg14 : memref<10000xf32, #tpu.memory_space<vmem>>) target_semaphore(%run_scoped3A_191 : memref<!tpu.dma_semaphore, #tpu.memory_space<semaphore_mem>>)
      %dma_wait3A_196 = arith.constant 0 : i32
      %dma_wait3A_197 = tpu.memref_slice %arg22[%dma_wait3A_196] : memref<10240xf32, #tpu.memory_space<vmem_shared>> -> memref<10000xf32, #tpu.memory_space<vmem_shared>>
      %dma_wait3A_198 = arith.constant 0 : i32
      %dma_wait3A_199 = tpu.memref_slice %arg22[%dma_wait3A_198] : memref<10240xf32, #tpu.memory_space<vmem_shared>> -> memref<10000xf32, #tpu.memory_space<vmem_shared>>
      tpu.wait_dma2 semaphore(%run_scoped3A_191 : memref<!tpu.dma_semaphore, #tpu.memory_space<semaphore_mem>>) src(%dma_wait3A_199 : memref<10000xf32, #tpu.memory_space<vmem_shared>>) dst(%arg14 : memref<10000xf32, #tpu.memory_space<vmem>>)
      tpu.yield
    }) : () -> ()
    tpu.wait_dma2 semaphore(%arg19 : memref<!tpu.dma_semaphore, #tpu.memory_space<semaphore_mem>>) src(%arg4 : memref<20000xf32, #tpu.memory_space<hbm>>) dst(%arg13 : memref<20000xf32, #tpu.memory_space<vmem>>)
    %add3A_27 = arith.constant 2000 : i32
    %add3A_28 = arith.addi %add3A, %add3A_27 : i32
    %dma_start3A_29 = arith.constant 0 : i32
    %dma_start3A_30 = tpu.memref_slice %arg2[%dma_start3A_29, %add3A_28] : memref<2x320000xi32, #tpu.memory_space<hbm>> -> memref<1x2000xi32, #tpu.memory_space<hbm>>
    %dma_start3A_31 = tpu.memref_squeeze %dma_start3A_30 : memref<1x2000xi32, #tpu.memory_space<hbm>> -> memref<2000xi32, #tpu.memory_space<hbm>>
    %dma_start3A_32 = tpu.memref_slice %arg2[%dma_start3A_29, %add3A_28] : memref<2x320000xi32, #tpu.memory_space<hbm>> -> memref<1x2000xi32, #tpu.memory_space<hbm>>
    %dma_start3A_33 = tpu.memref_squeeze %dma_start3A_32 : memref<1x2000xi32, #tpu.memory_space<hbm>> -> memref<2000xi32, #tpu.memory_space<hbm>>
    tpu.enqueue_dma source(%dma_start3A_33 : memref<2000xi32, #tpu.memory_space<hbm>>) target(%arg10 : memref<2000xi32, #tpu.memory_space<vmem>>) target_semaphore(%arg21 : memref<!tpu.dma_semaphore, #tpu.memory_space<semaphore_mem>>)
    %dma_start3A_34 = arith.constant 1 : i32
    %dma_start3A_35 = tpu.memref_slice %arg2[%dma_start3A_34, %add3A_28] : memref<2x320000xi32, #tpu.memory_space<hbm>> -> memref<1x2000xi32, #tpu.memory_space<hbm>>
    %dma_start3A_36 = tpu.memref_squeeze %dma_start3A_35 : memref<1x2000xi32, #tpu.memory_space<hbm>> -> memref<2000xi32, #tpu.memory_space<hbm>>
    %dma_start3A_37 = tpu.memref_slice %arg2[%dma_start3A_34, %add3A_28] : memref<2x320000xi32, #tpu.memory_space<hbm>> -> memref<1x2000xi32, #tpu.memory_space<hbm>>
    %dma_start3A_38 = tpu.memref_squeeze %dma_start3A_37 : memref<1x2000xi32, #tpu.memory_space<hbm>> -> memref<2000xi32, #tpu.memory_space<hbm>>
    tpu.enqueue_dma source(%dma_start3A_38 : memref<2000xi32, #tpu.memory_space<hbm>>) target(%arg11 : memref<2000xi32, #tpu.memory_space<vmem>>) target_semaphore(%arg21 : memref<!tpu.dma_semaphore, #tpu.memory_space<semaphore_mem>>)
    %dma_start3A_39 = tpu.memref_slice %arg3[%add3A_28] : memref<320000xf32, #tpu.memory_space<hbm>> -> memref<2000xf32, #tpu.memory_space<hbm>>
    %dma_start3A_40 = tpu.memref_slice %arg3[%add3A_28] : memref<320000xf32, #tpu.memory_space<hbm>> -> memref<2000xf32, #tpu.memory_space<hbm>>
    tpu.enqueue_dma source(%dma_start3A_40 : memref<2000xf32, #tpu.memory_space<hbm>>) target(%arg12 : memref<2000xf32, #tpu.memory_space<vmem>>) target_semaphore(%arg21 : memref<!tpu.dma_semaphore, #tpu.memory_space<semaphore_mem>>)
    %dma_wait3A = arith.constant 0 : i32
    %dma_wait3A_41 = tpu.memref_slice %arg2[%dma_wait3A, %add3A] : memref<2x320000xi32, #tpu.memory_space<hbm>> -> memref<1x2000xi32, #tpu.memory_space<hbm>>
    %dma_wait3A_42 = tpu.memref_squeeze %dma_wait3A_41 : memref<1x2000xi32, #tpu.memory_space<hbm>> -> memref<2000xi32, #tpu.memory_space<hbm>>
    %dma_wait3A_43 = tpu.memref_slice %arg2[%dma_wait3A, %add3A] : memref<2x320000xi32, #tpu.memory_space<hbm>> -> memref<1x2000xi32, #tpu.memory_space<hbm>>
    %dma_wait3A_44 = tpu.memref_squeeze %dma_wait3A_43 : memref<1x2000xi32, #tpu.memory_space<hbm>> -> memref<2000xi32, #tpu.memory_space<hbm>>
    tpu.wait_dma2 semaphore(%arg20 : memref<!tpu.dma_semaphore, #tpu.memory_space<semaphore_mem>>) src(%dma_wait3A_44 : memref<2000xi32, #tpu.memory_space<hbm>>) dst(%arg7 : memref<2000xi32, #tpu.memory_space<vmem>>)
    %dma_wait3A_45 = arith.constant 1 : i32
    %dma_wait3A_46 = tpu.memref_slice %arg2[%dma_wait3A_45, %add3A] : memref<2x320000xi32, #tpu.memory_space<hbm>> -> memref<1x2000xi32, #tpu.memory_space<hbm>>
    %dma_wait3A_47 = tpu.memref_squeeze %dma_wait3A_46 : memref<1x2000xi32, #tpu.memory_space<hbm>> -> memref<2000xi32, #tpu.memory_space<hbm>>
    %dma_wait3A_48 = tpu.memref_slice %arg2[%dma_wait3A_45, %add3A] : memref<2x320000xi32, #tpu.memory_space<hbm>> -> memref<1x2000xi32, #tpu.memory_space<hbm>>
    %dma_wait3A_49 = tpu.memref_squeeze %dma_wait3A_48 : memref<1x2000xi32, #tpu.memory_space<hbm>> -> memref<2000xi32, #tpu.memory_space<hbm>>
    tpu.wait_dma2 semaphore(%arg20 : memref<!tpu.dma_semaphore, #tpu.memory_space<semaphore_mem>>) src(%dma_wait3A_49 : memref<2000xi32, #tpu.memory_space<hbm>>) dst(%arg8 : memref<2000xi32, #tpu.memory_space<vmem>>)
    %dma_wait3A_50 = tpu.memref_slice %arg3[%add3A] : memref<320000xf32, #tpu.memory_space<hbm>> -> memref<2000xf32, #tpu.memory_space<hbm>>
    %dma_wait3A_51 = tpu.memref_slice %arg3[%add3A] : memref<320000xf32, #tpu.memory_space<hbm>> -> memref<2000xf32, #tpu.memory_space<hbm>>
    tpu.wait_dma2 semaphore(%arg20 : memref<!tpu.dma_semaphore, #tpu.memory_space<semaphore_mem>>) src(%dma_wait3A_51 : memref<2000xf32, #tpu.memory_space<hbm>>) dst(%arg9 : memref<2000xf32, #tpu.memory_space<vmem>>)
    %scan3A_52 = arith.constant 0 : i32
    %scan3A_53 = arith.constant 25 : i32
    %scan3A_54 = arith.addi %scan3A_52, %scan3A_53 : i32
    %scan3A_55 = arith.constant 1 : i32
    scf.for %scan3A_191 = %scan3A_52 to %scan3A_54 step %scan3A_55  : i32 {
      %mul3A_192 = arith.constant 80 : i32
      %mul3A_193 = arith.muli %scan3A_191, %mul3A_192 : i32
      %add3A_194 = arith.constant 0 : i32
      %add3A_195 = arith.addi %mul3A_193, %add3A_194 : i32
      %get3A = arith.index_cast %add3A_195 : i32 to index
      %get3A_196 = tpu.vector_load %arg7[%get3A] {strides = array<i32>} : memref<2000xi32, #tpu.memory_space<vmem>>, vector<16xi32>,
      %get3A_197 = arith.index_cast %add3A_195 : i32 to index
      %get3A_198 = tpu.vector_load %arg8[%get3A_197] {strides = array<i32>} : memref<2000xi32, #tpu.memory_space<vmem>>, vector<16xi32>,
      %get3A_199 = arith.index_cast %add3A_195 : i32 to index
      %get3A_200 = tpu.vector_load %arg9[%get3A_199] {strides = array<i32>} : memref<2000xf32, #tpu.memory_space<vmem>>, vector<16xf32>,
      %gather3A = tpu.vector_load_idx %arg14[%get3A_196] : memref<10000xf32, #tpu.memory_space<vmem>>[vector<16xi32>], vector<16xf32>,
      %gather3A_201 = tpu.vector_load_idx %arg14[%get3A_198] : memref<10000xf32, #tpu.memory_space<vmem>>[vector<16xi32>], vector<16xf32>,
      %ne3A = arith.cmpi ne, %get3A_196, %get3A_198 : vector<16xi32>
      %mul3A_202 = arith.mulf %gather3A, %get3A_200 : vector<16xf32>
      %mul3A_203 = arith.mulf %mul3A_202, %gather3A_201 : vector<16xf32>
      %neg3A = arith.constant 0.000000e+00 : f32
      %neg3A_204 = vector.broadcast %neg3A : f32 to vector<16xf32>
      %neg3A_205 = arith.subf %neg3A_204, %mul3A_203 : vector<16xf32>
      %jit3A = arith.constant 0.000000e+00 : f32
      %broadcast_in_dim3A = vector.broadcast %jit3A : f32 to vector<16xf32>
      %select_n3A = arith.select %ne3A, %neg3A_205, %broadcast_in_dim3A : vector<16xi1>, vector<16xf32>
      %gather3A_206 = tpu.vector_load_idx %arg13[%get3A_196] : memref<20000xf32, #tpu.memory_space<vmem>>[vector<16xi32>], vector<16xf32>,
      %add3A_207 = arith.constant 10000 : i32
      %add3A_208 = vector.broadcast %add3A_207 : i32 to vector<16xi32>
      %add3A_209 = arith.addi %get3A_196, %add3A_208 : vector<16xi32>
      %gather3A_210 = tpu.vector_load_idx %arg13[%add3A_209] : memref<20000xf32, #tpu.memory_space<vmem>>[vector<16xi32>], vector<16xf32>,
      %mul3A_211 = arith.mulf %select_n3A, %gather3A_206 : vector<16xf32>
      tpu.vector_store_idx %arg15[%get3A_198], %mul3A_211 {add = true} : memref<20000xf32, #tpu.memory_space<vmem>>[vector<16xi32>], vector<16xf32>,
      %add3A_212 = arith.constant 10000 : i32
      %add3A_213 = vector.broadcast %add3A_212 : i32 to vector<16xi32>
      %add3A_214 = arith.addi %get3A_198, %add3A_213 : vector<16xi32>
      %mul3A_215 = arith.mulf %select_n3A, %gather3A_210 : vector<16xf32>
      tpu.vector_store_idx %arg15[%add3A_214], %mul3A_215 {add = true} : memref<20000xf32, #tpu.memory_space<vmem>>[vector<16xi32>], vector<16xf32>,
      %mul3A_216 = arith.constant 80 : i32
      %mul3A_217 = arith.muli %scan3A_191, %mul3A_216 : i32
      %add3A_218 = arith.constant 16 : i32
      %add3A_219 = arith.addi %mul3A_217, %add3A_218 : i32
      %get3A_220 = arith.index_cast %add3A_219 : i32 to index
      %get3A_221 = tpu.vector_load %arg7[%get3A_220] {strides = array<i32>} : memref<2000xi32, #tpu.memory_space<vmem>>, vector<16xi32>,
      %get3A_222 = arith.index_cast %add3A_219 : i32 to index
      %get3A_223 = tpu.vector_load %arg8[%get3A_222] {strides = array<i32>} : memref<2000xi32, #tpu.memory_space<vmem>>, vector<16xi32>,
      %get3A_224 = arith.index_cast %add3A_219 : i32 to index
      %get3A_225 = tpu.vector_load %arg9[%get3A_224] {strides = array<i32>} : memref<2000xf32, #tpu.memory_space<vmem>>, vector<16xf32>,
      %gather3A_226 = tpu.vector_load_idx %arg14[%get3A_221] : memref<10000xf32, #tpu.memory_space<vmem>>[vector<16xi32>], vector<16xf32>,
      %gather3A_227 = tpu.vector_load_idx %arg14[%get3A_223] : memref<10000xf32, #tpu.memory_space<vmem>>[vector<16xi32>], vector<16xf32>,
      %ne3A_228 = arith.cmpi ne, %get3A_221, %get3A_223 : vector<16xi32>
      %mul3A_229 = arith.mulf %gather3A_226, %get3A_225 : vector<16xf32>
      %mul3A_230 = arith.mulf %mul3A_229, %gather3A_227 : vector<16xf32>
      %neg3A_231 = arith.constant 0.000000e+00 : f32
      %neg3A_232 = vector.broadcast %neg3A_231 : f32 to vector<16xf32>
      %neg3A_233 = arith.subf %neg3A_232, %mul3A_230 : vector<16xf32>
      %jit3A_234 = arith.constant 0.000000e+00 : f32
      %broadcast_in_dim3A_235 = vector.broadcast %jit3A_234 : f32 to vector<16xf32>
      %select_n3A_236 = arith.select %ne3A_228, %neg3A_233, %broadcast_in_dim3A_235 : vector<16xi1>, vector<16xf32>
      %gather3A_237 = tpu.vector_load_idx %arg13[%get3A_221] : memref<20000xf32, #tpu.memory_space<vmem>>[vector<16xi32>], vector<16xf32>,
      %add3A_238 = arith.constant 10000 : i32
      %add3A_239 = vector.broadcast %add3A_238 : i32 to vector<16xi32>
      %add3A_240 = arith.addi %get3A_221, %add3A_239 : vector<16xi32>
      %gather3A_241 = tpu.vector_load_idx %arg13[%add3A_240] : memref<20000xf32, #tpu.memory_space<vmem>>[vector<16xi32>], vector<16xf32>,
      %mul3A_242 = arith.mulf %select_n3A_236, %gather3A_237 : vector<16xf32>
      tpu.vector_store_idx %arg15[%get3A_223], %mul3A_242 {add = true} : memref<20000xf32, #tpu.memory_space<vmem>>[vector<16xi32>], vector<16xf32>,
      %add3A_243 = arith.constant 10000 : i32
      %add3A_244 = vector.broadcast %add3A_243 : i32 to vector<16xi32>
      %add3A_245 = arith.addi %get3A_223, %add3A_244 : vector<16xi32>
      %mul3A_246 = arith.mulf %select_n3A_236, %gather3A_241 : vector<16xf32>
      tpu.vector_store_idx %arg15[%add3A_245], %mul3A_246 {add = true} : memref<20000xf32, #tpu.memory_space<vmem>>[vector<16xi32>], vector<16xf32>,
      %mul3A_247 = arith.constant 80 : i32
      %mul3A_248 = arith.muli %scan3A_191, %mul3A_247 : i32
      %add3A_249 = arith.constant 32 : i32
      %add3A_250 = arith.addi %mul3A_248, %add3A_249 : i32
      %get3A_251 = arith.index_cast %add3A_250 : i32 to index
      %get3A_252 = tpu.vector_load %arg7[%get3A_251] {strides = array<i32>} : memref<2000xi32, #tpu.memory_space<vmem>>, vector<16xi32>,
      %get3A_253 = arith.index_cast %add3A_250 : i32 to index
      %get3A_254 = tpu.vector_load %arg8[%get3A_253] {strides = array<i32>} : memref<2000xi32, #tpu.memory_space<vmem>>, vector<16xi32>,
      %get3A_255 = arith.index_cast %add3A_250 : i32 to index
      %get3A_256 = tpu.vector_load %arg9[%get3A_255] {strides = array<i32>} : memref<2000xf32, #tpu.memory_space<vmem>>, vector<16xf32>,
      %gather3A_257 = tpu.vector_load_idx %arg14[%get3A_252] : memref<10000xf32, #tpu.memory_space<vmem>>[vector<16xi32>], vector<16xf32>,
      %gather3A_258 = tpu.vector_load_idx %arg14[%get3A_254] : memref<10000xf32, #tpu.memory_space<vmem>>[vector<16xi32>], vector<16xf32>,
      %ne3A_259 = arith.cmpi ne, %get3A_252, %get3A_254 : vector<16xi32>
      %mul3A_260 = arith.mulf %gather3A_257, %get3A_256 : vector<16xf32>
      %mul3A_261 = arith.mulf %mul3A_260, %gather3A_258 : vector<16xf32>
      %neg3A_262 = arith.constant 0.000000e+00 : f32
      %neg3A_263 = vector.broadcast %neg3A_262 : f32 to vector<16xf32>
      %neg3A_264 = arith.subf %neg3A_263, %mul3A_261 : vector<16xf32>
      %jit3A_265 = arith.constant 0.000000e+00 : f32
      %broadcast_in_dim3A_266 = vector.broadcast %jit3A_265 : f32 to vector<16xf32>
      %select_n3A_267 = arith.select %ne3A_259, %neg3A_264, %broadcast_in_dim3A_266 : vector<16xi1>, vector<16xf32>
      %gather3A_268 = tpu.vector_load_idx %arg13[%get3A_252] : memref<20000xf32, #tpu.memory_space<vmem>>[vector<16xi32>], vector<16xf32>,
      %add3A_269 = arith.constant 10000 : i32
      %add3A_270 = vector.broadcast %add3A_269 : i32 to vector<16xi32>
      %add3A_271 = arith.addi %get3A_252, %add3A_270 : vector<16xi32>
      %gather3A_272 = tpu.vector_load_idx %arg13[%add3A_271] : memref<20000xf32, #tpu.memory_space<vmem>>[vector<16xi32>], vector<16xf32>,
      %mul3A_273 = arith.mulf %select_n3A_267, %gather3A_268 : vector<16xf32>
      tpu.vector_store_idx %arg15[%get3A_254], %mul3A_273 {add = true} : memref<20000xf32, #tpu.memory_space<vmem>>[vector<16xi32>], vector<16xf32>,
      %add3A_274 = arith.constant 10000 : i32
      %add3A_275 = vector.broadcast %add3A_274 : i32 to vector<16xi32>
      %add3A_276 = arith.addi %get3A_254, %add3A_275 : vector<16xi32>
      %mul3A_277 = arith.mulf %select_n3A_267, %gather3A_272 : vector<16xf32>
      tpu.vector_store_idx %arg15[%add3A_276], %mul3A_277 {add = true} : memref<20000xf32, #tpu.memory_space<vmem>>[vector<16xi32>], vector<16xf32>,
      %mul3A_278 = arith.constant 80 : i32
      %mul3A_279 = arith.muli %scan3A_191, %mul3A_278 : i32
      %add3A_280 = arith.constant 48 : i32
      %add3A_281 = arith.addi %mul3A_279, %add3A_280 : i32
      %get3A_282 = arith.index_cast %add3A_281 : i32 to index
      %get3A_283 = tpu.vector_load %arg7[%get3A_282] {strides = array<i32>} : memref<2000xi32, #tpu.memory_space<vmem>>, vector<16xi32>,
      %get3A_284 = arith.index_cast %add3A_281 : i32 to index
      %get3A_285 = tpu.vector_load %arg8[%get3A_284] {strides = array<i32>} : memref<2000xi32, #tpu.memory_space<vmem>>, vector<16xi32>,
      %get3A_286 = arith.index_cast %add3A_281 : i32 to index
      %get3A_287 = tpu.vector_load %arg9[%get3A_286] {strides = array<i32>} : memref<2000xf32, #tpu.memory_space<vmem>>, vector<16xf32>,
      %gather3A_288 = tpu.vector_load_idx %arg14[%get3A_283] : memref<10000xf32, #tpu.memory_space<vmem>>[vector<16xi32>], vector<16xf32>,
      %gather3A_289 = tpu.vector_load_idx %arg14[%get3A_285] : memref<10000xf32, #tpu.memory_space<vmem>>[vector<16xi32>], vector<16xf32>,
      %ne3A_290 = arith.cmpi ne, %get3A_283, %get3A_285 : vector<16xi32>
      %mul3A_291 = arith.mulf %gather3A_288, %get3A_287 : vector<16xf32>
      %mul3A_292 = arith.mulf %mul3A_291, %gather3A_289 : vector<16xf32>
      %neg3A_293 = arith.constant 0.000000e+00 : f32
      %neg3A_294 = vector.broadcast %neg3A_293 : f32 to vector<16xf32>
      %neg3A_295 = arith.subf %neg3A_294, %mul3A_292 : vector<16xf32>
      %jit3A_296 = arith.constant 0.000000e+00 : f32
      %broadcast_in_dim3A_297 = vector.broadcast %jit3A_296 : f32 to vector<16xf32>
      %select_n3A_298 = arith.select %ne3A_290, %neg3A_295, %broadcast_in_dim3A_297 : vector<16xi1>, vector<16xf32>
      %gather3A_299 = tpu.vector_load_idx %arg13[%get3A_283] : memref<20000xf32, #tpu.memory_space<vmem>>[vector<16xi32>], vector<16xf32>,
      %add3A_300 = arith.constant 10000 : i32
      %add3A_301 = vector.broadcast %add3A_300 : i32 to vector<16xi32>
      %add3A_302 = arith.addi %get3A_283, %add3A_301 : vector<16xi32>
      %gather3A_303 = tpu.vector_load_idx %arg13[%add3A_302] : memref<20000xf32, #tpu.memory_space<vmem>>[vector<16xi32>], vector<16xf32>,
      %mul3A_304 = arith.mulf %select_n3A_298, %gather3A_299 : vector<16xf32>
      tpu.vector_store_idx %arg15[%get3A_285], %mul3A_304 {add = true} : memref<20000xf32, #tpu.memory_space<vmem>>[vector<16xi32>], vector<16xf32>,
      %add3A_305 = arith.constant 10000 : i32
      %add3A_306 = vector.broadcast %add3A_305 : i32 to vector<16xi32>
      %add3A_307 = arith.addi %get3A_285, %add3A_306 : vector<16xi32>
      %mul3A_308 = arith.mulf %select_n3A_298, %gather3A_303 : vector<16xf32>
      tpu.vector_store_idx %arg15[%add3A_307], %mul3A_308 {add = true} : memref<20000xf32, #tpu.memory_space<vmem>>[vector<16xi32>], vector<16xf32>,
      %mul3A_309 = arith.constant 80 : i32
      %mul3A_310 = arith.muli %scan3A_191, %mul3A_309 : i32
      %add3A_311 = arith.constant 64 : i32
      %add3A_312 = arith.addi %mul3A_310, %add3A_311 : i32
      %get3A_313 = arith.index_cast %add3A_312 : i32 to index
      %get3A_314 = tpu.vector_load %arg7[%get3A_313] {strides = array<i32>} : memref<2000xi32, #tpu.memory_space<vmem>>, vector<16xi32>,
      %get3A_315 = arith.index_cast %add3A_312 : i32 to index
      %get3A_316 = tpu.vector_load %arg8[%get3A_315] {strides = array<i32>} : memref<2000xi32, #tpu.memory_space<vmem>>, vector<16xi32>,
      %get3A_317 = arith.index_cast %add3A_312 : i32 to index
      %get3A_318 = tpu.vector_load %arg9[%get3A_317] {strides = array<i32>} : memref<2000xf32, #tpu.memory_space<vmem>>, vector<16xf32>,
      %gather3A_319 = tpu.vector_load_idx %arg14[%get3A_314] : memref<10000xf32, #tpu.memory_space<vmem>>[vector<16xi32>], vector<16xf32>,
      %gather3A_320 = tpu.vector_load_idx %arg14[%get3A_316] : memref<10000xf32, #tpu.memory_space<vmem>>[vector<16xi32>], vector<16xf32>,
      %ne3A_321 = arith.cmpi ne, %get3A_314, %get3A_316 : vector<16xi32>
      %mul3A_322 = arith.mulf %gather3A_319, %get3A_318 : vector<16xf32>
      %mul3A_323 = arith.mulf %mul3A_322, %gather3A_320 : vector<16xf32>
      %neg3A_324 = arith.constant 0.000000e+00 : f32
      %neg3A_325 = vector.broadcast %neg3A_324 : f32 to vector<16xf32>
      %neg3A_326 = arith.subf %neg3A_325, %mul3A_323 : vector<16xf32>
      %jit3A_327 = arith.constant 0.000000e+00 : f32
      %broadcast_in_dim3A_328 = vector.broadcast %jit3A_327 : f32 to vector<16xf32>
      %select_n3A_329 = arith.select %ne3A_321, %neg3A_326, %broadcast_in_dim3A_328 : vector<16xi1>, vector<16xf32>
      %gather3A_330 = tpu.vector_load_idx %arg13[%get3A_314] : memref<20000xf32, #tpu.memory_space<vmem>>[vector<16xi32>], vector<16xf32>,
      %add3A_331 = arith.constant 10000 : i32
      %add3A_332 = vector.broadcast %add3A_331 : i32 to vector<16xi32>
      %add3A_333 = arith.addi %get3A_314, %add3A_332 : vector<16xi32>
      %gather3A_334 = tpu.vector_load_idx %arg13[%add3A_333] : memref<20000xf32, #tpu.memory_space<vmem>>[vector<16xi32>], vector<16xf32>,
      %mul3A_335 = arith.mulf %select_n3A_329, %gather3A_330 : vector<16xf32>
      tpu.vector_store_idx %arg15[%get3A_316], %mul3A_335 {add = true} : memref<20000xf32, #tpu.memory_space<vmem>>[vector<16xi32>], vector<16xf32>,
      %add3A_336 = arith.constant 10000 : i32
      %add3A_337 = vector.broadcast %add3A_336 : i32 to vector<16xi32>
      %add3A_338 = arith.addi %get3A_316, %add3A_337 : vector<16xi32>
      %mul3A_339 = arith.mulf %select_n3A_329, %gather3A_334 : vector<16xf32>
      tpu.vector_store_idx %arg15[%add3A_338], %mul3A_339 {add = true} : memref<20000xf32, #tpu.memory_space<vmem>>[vector<16xi32>], vector<16xf32>,
    }
    %scan3A_56 = arith.constant 25 : i32
    %add3A_57 = arith.constant 4000 : i32
    %add3A_58 = arith.addi %add3A, %add3A_57 : i32
    %dma_start3A_59 = arith.constant 0 : i32
    %dma_start3A_60 = tpu.memref_slice %arg2[%dma_start3A_59, %add3A_58] : memref<2x320000xi32, #tpu.memory_space<hbm>> -> memref<1x2000xi32, #tpu.memory_space<hbm>>
    %dma_start3A_61 = tpu.memref_squeeze %dma_start3A_60 : memref<1x2000xi32, #tpu.memory_space<hbm>> -> memref<2000xi32, #tpu.memory_space<hbm>>
    %dma_start3A_62 = tpu.memref_slice %arg2[%dma_start3A_59, %add3A_58] : memref<2x320000xi32, #tpu.memory_space<hbm>> -> memref<1x2000xi32, #tpu.memory_space<hbm>>
    %dma_start3A_63 = tpu.memref_squeeze %dma_start3A_62 : memref<1x2000xi32, #tpu.memory_space<hbm>> -> memref<2000xi32, #tpu.memory_space<hbm>>
    tpu.enqueue_dma source(%dma_start3A_63 : memref<2000xi32, #tpu.memory_space<hbm>>) target(%arg7 : memref<2000xi32, #tpu.memory_space<vmem>>) target_semaphore(%arg20 : memref<!tpu.dma_semaphore, #tpu.memory_space<semaphore_mem>>)
    %dma_start3A_64 = arith.constant 1 : i32
    %dma_start3A_65 = tpu.memref_slice %arg2[%dma_start3A_64, %add3A_58] : memref<2x320000xi32, #tpu.memory_space<hbm>> -> memref<1x2000xi32, #tpu.memory_space<hbm>>
    %dma_start3A_66 = tpu.memref_squeeze %dma_start3A_65 : memref<1x2000xi32, #tpu.memory_space<hbm>> -> memref<2000xi32, #tpu.memory_space<hbm>>
    %dma_start3A_67 = tpu.memref_slice %arg2[%dma_start3A_64, %add3A_58] : memref<2x320000xi32, #tpu.memory_space<hbm>> -> memref<1x2000xi32, #tpu.memory_space<hbm>>
    %dma_start3A_68 = tpu.memref_squeeze %dma_start3A_67 : memref<1x2000xi32, #tpu.memory_space<hbm>> -> memref<2000xi32, #tpu.memory_space<hbm>>
    tpu.enqueue_dma source(%dma_start3A_68 : memref<2000xi32, #tpu.memory_space<hbm>>) target(%arg8 : memref<2000xi32, #tpu.memory_space<vmem>>) target_semaphore(%arg20 : memref<!tpu.dma_semaphore, #tpu.memory_space<semaphore_mem>>)
    %dma_start3A_69 = tpu.memref_slice %arg3[%add3A_58] : memref<320000xf32, #tpu.memory_space<hbm>> -> memref<2000xf32, #tpu.memory_space<hbm>>
    %dma_start3A_70 = tpu.memref_slice %arg3[%add3A_58] : memref<320000xf32, #tpu.memory_space<hbm>> -> memref<2000xf32, #tpu.memory_space<hbm>>
    tpu.enqueue_dma source(%dma_start3A_70 : memref<2000xf32, #tpu.memory_space<hbm>>) target(%arg9 : memref<2000xf32, #tpu.memory_space<vmem>>) target_semaphore(%arg20 : memref<!tpu.dma_semaphore, #tpu.memory_space<semaphore_mem>>)
    %dma_wait3A_71 = arith.constant 0 : i32
    %dma_wait3A_72 = tpu.memref_slice %arg2[%dma_wait3A_71, %add3A_28] : memref<2x320000xi32, #tpu.memory_space<hbm>> -> memref<1x2000xi32, #tpu.memory_space<hbm>>
    %dma_wait3A_73 = tpu.memref_squeeze %dma_wait3A_72 : memref<1x2000xi32, #tpu.memory_space<hbm>> -> memref<2000xi32, #tpu.memory_space<hbm>>
    %dma_wait3A_74 = tpu.memref_slice %arg2[%dma_wait3A_71, %add3A_28] : memref<2x320000xi32, #tpu.memory_space<hbm>> -> memref<1x2000xi32, #tpu.memory_space<hbm>>
    %dma_wait3A_75 = tpu.memref_squeeze %dma_wait3A_74 : memref<1x2000xi32, #tpu.memory_space<hbm>> -> memref<2000xi32, #tpu.memory_space<hbm>>
    tpu.wait_dma2 semaphore(%arg21 : memref<!tpu.dma_semaphore, #tpu.memory_space<semaphore_mem>>) src(%dma_wait3A_75 : memref<2000xi32, #tpu.memory_space<hbm>>) dst(%arg10 : memref<2000xi32, #tpu.memory_space<vmem>>)
    %dma_wait3A_76 = arith.constant 1 : i32
    %dma_wait3A_77 = tpu.memref_slice %arg2[%dma_wait3A_76, %add3A_28] : memref<2x320000xi32, #tpu.memory_space<hbm>> -> memref<1x2000xi32, #tpu.memory_space<hbm>>
    %dma_wait3A_78 = tpu.memref_squeeze %dma_wait3A_77 : memref<1x2000xi32, #tpu.memory_space<hbm>> -> memref<2000xi32, #tpu.memory_space<hbm>>
    %dma_wait3A_79 = tpu.memref_slice %arg2[%dma_wait3A_76, %add3A_28] : memref<2x320000xi32, #tpu.memory_space<hbm>> -> memref<1x2000xi32, #tpu.memory_space<hbm>>
    %dma_wait3A_80 = tpu.memref_squeeze %dma_wait3A_79 : memref<1x2000xi32, #tpu.memory_space<hbm>> -> memref<2000xi32, #tpu.memory_space<hbm>>
    tpu.wait_dma2 semaphore(%arg21 : memref<!tpu.dma_semaphore, #tpu.memory_space<semaphore_mem>>) src(%dma_wait3A_80 : memref<2000xi32, #tpu.memory_space<hbm>>) dst(%arg11 : memref<2000xi32, #tpu.memory_space<vmem>>)
    %dma_wait3A_81 = tpu.memref_slice %arg3[%add3A_28] : memref<320000xf32, #tpu.memory_space<hbm>> -> memref<2000xf32, #tpu.memory_space<hbm>>
    %dma_wait3A_82 = tpu.memref_slice %arg3[%add3A_28] : memref<320000xf32, #tpu.memory_space<hbm>> -> memref<2000xf32, #tpu.memory_space<hbm>>
    tpu.wait_dma2 semaphore(%arg21 : memref<!tpu.dma_semaphore, #tpu.memory_space<semaphore_mem>>) src(%dma_wait3A_82 : memref<2000xf32, #tpu.memory_space<hbm>>) dst(%arg12 : memref<2000xf32, #tpu.memory_space<vmem>>)
    %scan3A_83 = arith.constant 0 : i32
    %scan3A_84 = arith.constant 25 : i32
    %scan3A_85 = arith.addi %scan3A_83, %scan3A_84 : i32
    %scan3A_86 = arith.constant 1 : i32
    scf.for %scan3A_191 = %scan3A_83 to %scan3A_85 step %scan3A_86  : i32 {
      %mul3A_192 = arith.constant 80 : i32
      %mul3A_193 = arith.muli %scan3A_191, %mul3A_192 : i32
      %add3A_194 = arith.constant 0 : i32
      %add3A_195 = arith.addi %mul3A_193, %add3A_194 : i32
      %get3A = arith.index_cast %add3A_195 : i32 to index
      %get3A_196 = tpu.vector_load %arg10[%get3A] {strides = array<i32>} : memref<2000xi32, #tpu.memory_space<vmem>>, vector<16xi32>,
      %get3A_197 = arith.index_cast %add3A_195 : i32 to index
      %get3A_198 = tpu.vector_load %arg11[%get3A_197] {strides = array<i32>} : memref<2000xi32, #tpu.memory_space<vmem>>, vector<16xi32>,
      %get3A_199 = arith.index_cast %add3A_195 : i32 to index
      %get3A_200 = tpu.vector_load %arg12[%get3A_199] {strides = array<i32>} : memref<2000xf32, #tpu.memory_space<vmem>>, vector<16xf32>,
      %gather3A = tpu.vector_load_idx %arg14[%get3A_196] : memref<10000xf32, #tpu.memory_space<vmem>>[vector<16xi32>], vector<16xf32>,
      %gather3A_201 = tpu.vector_load_idx %arg14[%get3A_198] : memref<10000xf32, #tpu.memory_space<vmem>>[vector<16xi32>], vector<16xf32>,
      %ne3A = arith.cmpi ne, %get3A_196, %get3A_198 : vector<16xi32>
      %mul3A_202 = arith.mulf %gather3A, %get3A_200 : vector<16xf32>
      %mul3A_203 = arith.mulf %mul3A_202, %gather3A_201 : vector<16xf32>
      %neg3A = arith.constant 0.000000e+00 : f32
      %neg3A_204 = vector.broadcast %neg3A : f32 to vector<16xf32>
      %neg3A_205 = arith.subf %neg3A_204, %mul3A_203 : vector<16xf32>
      %jit3A = arith.constant 0.000000e+00 : f32
      %broadcast_in_dim3A = vector.broadcast %jit3A : f32 to vector<16xf32>
      %select_n3A = arith.select %ne3A, %neg3A_205, %broadcast_in_dim3A : vector<16xi1>, vector<16xf32>
      %gather3A_206 = tpu.vector_load_idx %arg13[%get3A_196] : memref<20000xf32, #tpu.memory_space<vmem>>[vector<16xi32>], vector<16xf32>,
      %add3A_207 = arith.constant 10000 : i32
      %add3A_208 = vector.broadcast %add3A_207 : i32 to vector<16xi32>
      %add3A_209 = arith.addi %get3A_196, %add3A_208 : vector<16xi32>
      %gather3A_210 = tpu.vector_load_idx %arg13[%add3A_209] : memref<20000xf32, #tpu.memory_space<vmem>>[vector<16xi32>], vector<16xf32>,
      %mul3A_211 = arith.mulf %select_n3A, %gather3A_206 : vector<16xf32>
      tpu.vector_store_idx %arg15[%get3A_198], %mul3A_211 {add = true} : memref<20000xf32, #tpu.memory_space<vmem>>[vector<16xi32>], vector<16xf32>,
      %add3A_212 = arith.constant 10000 : i32
      %add3A_213 = vector.broadcast %add3A_212 : i32 to vector<16xi32>
      %add3A_214 = arith.addi %get3A_198, %add3A_213 : vector<16xi32>
      %mul3A_215 = arith.mulf %select_n3A, %gather3A_210 : vector<16xf32>
      tpu.vector_store_idx %arg15[%add3A_214], %mul3A_215 {add = true} : memref<20000xf32, #tpu.memory_space<vmem>>[vector<16xi32>], vector<16xf32>,
      %mul3A_216 = arith.constant 80 : i32
      %mul3A_217 = arith.muli %scan3A_191, %mul3A_216 : i32
      %add3A_218 = arith.constant 16 : i32
      %add3A_219 = arith.addi %mul3A_217, %add3A_218 : i32
      %get3A_220 = arith.index_cast %add3A_219 : i32 to index
      %get3A_221 = tpu.vector_load %arg10[%get3A_220] {strides = array<i32>} : memref<2000xi32, #tpu.memory_space<vmem>>, vector<16xi32>,
      %get3A_222 = arith.index_cast %add3A_219 : i32 to index
      %get3A_223 = tpu.vector_load %arg11[%get3A_222] {strides = array<i32>} : memref<2000xi32, #tpu.memory_space<vmem>>, vector<16xi32>,
      %get3A_224 = arith.index_cast %add3A_219 : i32 to index
      %get3A_225 = tpu.vector_load %arg12[%get3A_224] {strides = array<i32>} : memref<2000xf32, #tpu.memory_space<vmem>>, vector<16xf32>,
      %gather3A_226 = tpu.vector_load_idx %arg14[%get3A_221] : memref<10000xf32, #tpu.memory_space<vmem>>[vector<16xi32>], vector<16xf32>,
      %gather3A_227 = tpu.vector_load_idx %arg14[%get3A_223] : memref<10000xf32, #tpu.memory_space<vmem>>[vector<16xi32>], vector<16xf32>,
      %ne3A_228 = arith.cmpi ne, %get3A_221, %get3A_223 : vector<16xi32>
      %mul3A_229 = arith.mulf %gather3A_226, %get3A_225 : vector<16xf32>
      %mul3A_230 = arith.mulf %mul3A_229, %gather3A_227 : vector<16xf32>
      %neg3A_231 = arith.constant 0.000000e+00 : f32
      %neg3A_232 = vector.broadcast %neg3A_231 : f32 to vector<16xf32>
      %neg3A_233 = arith.subf %neg3A_232, %mul3A_230 : vector<16xf32>
      %jit3A_234 = arith.constant 0.000000e+00 : f32
      %broadcast_in_dim3A_235 = vector.broadcast %jit3A_234 : f32 to vector<16xf32>
      %select_n3A_236 = arith.select %ne3A_228, %neg3A_233, %broadcast_in_dim3A_235 : vector<16xi1>, vector<16xf32>
      %gather3A_237 = tpu.vector_load_idx %arg13[%get3A_221] : memref<20000xf32, #tpu.memory_space<vmem>>[vector<16xi32>], vector<16xf32>,
      %add3A_238 = arith.constant 10000 : i32
      %add3A_239 = vector.broadcast %add3A_238 : i32 to vector<16xi32>
      %add3A_240 = arith.addi %get3A_221, %add3A_239 : vector<16xi32>
      %gather3A_241 = tpu.vector_load_idx %arg13[%add3A_240] : memref<20000xf32, #tpu.memory_space<vmem>>[vector<16xi32>], vector<16xf32>,
      %mul3A_242 = arith.mulf %select_n3A_236, %gather3A_237 : vector<16xf32>
      tpu.vector_store_idx %arg15[%get3A_223], %mul3A_242 {add = true} : memref<20000xf32, #tpu.memory_space<vmem>>[vector<16xi32>], vector<16xf32>,
      %add3A_243 = arith.constant 10000 : i32
      %add3A_244 = vector.broadcast %add3A_243 : i32 to vector<16xi32>
      %add3A_245 = arith.addi %get3A_223, %add3A_244 : vector<16xi32>
      %mul3A_246 = arith.mulf %select_n3A_236, %gather3A_241 : vector<16xf32>
      tpu.vector_store_idx %arg15[%add3A_245], %mul3A_246 {add = true} : memref<20000xf32, #tpu.memory_space<vmem>>[vector<16xi32>], vector<16xf32>,
      %mul3A_247 = arith.constant 80 : i32
      %mul3A_248 = arith.muli %scan3A_191, %mul3A_247 : i32
      %add3A_249 = arith.constant 32 : i32
      %add3A_250 = arith.addi %mul3A_248, %add3A_249 : i32
      %get3A_251 = arith.index_cast %add3A_250 : i32 to index
      %get3A_252 = tpu.vector_load %arg10[%get3A_251] {strides = array<i32>} : memref<2000xi32, #tpu.memory_space<vmem>>, vector<16xi32>,
      %get3A_253 = arith.index_cast %add3A_250 : i32 to index
      %get3A_254 = tpu.vector_load %arg11[%get3A_253] {strides = array<i32>} : memref<2000xi32, #tpu.memory_space<vmem>>, vector<16xi32>,
      %get3A_255 = arith.index_cast %add3A_250 : i32 to index
      %get3A_256 = tpu.vector_load %arg12[%get3A_255] {strides = array<i32>} : memref<2000xf32, #tpu.memory_space<vmem>>, vector<16xf32>,
      %gather3A_257 = tpu.vector_load_idx %arg14[%get3A_252] : memref<10000xf32, #tpu.memory_space<vmem>>[vector<16xi32>], vector<16xf32>,
      %gather3A_258 = tpu.vector_load_idx %arg14[%get3A_254] : memref<10000xf32, #tpu.memory_space<vmem>>[vector<16xi32>], vector<16xf32>,
      %ne3A_259 = arith.cmpi ne, %get3A_252, %get3A_254 : vector<16xi32>
      %mul3A_260 = arith.mulf %gather3A_257, %get3A_256 : vector<16xf32>
      %mul3A_261 = arith.mulf %mul3A_260, %gather3A_258 : vector<16xf32>
      %neg3A_262 = arith.constant 0.000000e+00 : f32
      %neg3A_263 = vector.broadcast %neg3A_262 : f32 to vector<16xf32>
      %neg3A_264 = arith.subf %neg3A_263, %mul3A_261 : vector<16xf32>
      %jit3A_265 = arith.constant 0.000000e+00 : f32
      %broadcast_in_dim3A_266 = vector.broadcast %jit3A_265 : f32 to vector<16xf32>
      %select_n3A_267 = arith.select %ne3A_259, %neg3A_264, %broadcast_in_dim3A_266 : vector<16xi1>, vector<16xf32>
      %gather3A_268 = tpu.vector_load_idx %arg13[%get3A_252] : memref<20000xf32, #tpu.memory_space<vmem>>[vector<16xi32>], vector<16xf32>,
      %add3A_269 = arith.constant 10000 : i32
      %add3A_270 = vector.broadcast %add3A_269 : i32 to vector<16xi32>
      %add3A_271 = arith.addi %get3A_252, %add3A_270 : vector<16xi32>
      %gather3A_272 = tpu.vector_load_idx %arg13[%add3A_271] : memref<20000xf32, #tpu.memory_space<vmem>>[vector<16xi32>], vector<16xf32>,
      %mul3A_273 = arith.mulf %select_n3A_267, %gather3A_268 : vector<16xf32>
      tpu.vector_store_idx %arg15[%get3A_254], %mul3A_273 {add = true} : memref<20000xf32, #tpu.memory_space<vmem>>[vector<16xi32>], vector<16xf32>,
      %add3A_274 = arith.constant 10000 : i32
      %add3A_275 = vector.broadcast %add3A_274 : i32 to vector<16xi32>
      %add3A_276 = arith.addi %get3A_254, %add3A_275 : vector<16xi32>
      %mul3A_277 = arith.mulf %select_n3A_267, %gather3A_272 : vector<16xf32>
      tpu.vector_store_idx %arg15[%add3A_276], %mul3A_277 {add = true} : memref<20000xf32, #tpu.memory_space<vmem>>[vector<16xi32>], vector<16xf32>,
      %mul3A_278 = arith.constant 80 : i32
      %mul3A_279 = arith.muli %scan3A_191, %mul3A_278 : i32
      %add3A_280 = arith.constant 48 : i32
      %add3A_281 = arith.addi %mul3A_279, %add3A_280 : i32
      %get3A_282 = arith.index_cast %add3A_281 : i32 to index
      %get3A_283 = tpu.vector_load %arg10[%get3A_282] {strides = array<i32>} : memref<2000xi32, #tpu.memory_space<vmem>>, vector<16xi32>,
      %get3A_284 = arith.index_cast %add3A_281 : i32 to index
      %get3A_285 = tpu.vector_load %arg11[%get3A_284] {strides = array<i32>} : memref<2000xi32, #tpu.memory_space<vmem>>, vector<16xi32>,
      %get3A_286 = arith.index_cast %add3A_281 : i32 to index
      %get3A_287 = tpu.vector_load %arg12[%get3A_286] {strides = array<i32>} : memref<2000xf32, #tpu.memory_space<vmem>>, vector<16xf32>,
      %gather3A_288 = tpu.vector_load_idx %arg14[%get3A_283] : memref<10000xf32, #tpu.memory_space<vmem>>[vector<16xi32>], vector<16xf32>,
      %gather3A_289 = tpu.vector_load_idx %arg14[%get3A_285] : memref<10000xf32, #tpu.memory_space<vmem>>[vector<16xi32>], vector<16xf32>,
      %ne3A_290 = arith.cmpi ne, %get3A_283, %get3A_285 : vector<16xi32>
      %mul3A_291 = arith.mulf %gather3A_288, %get3A_287 : vector<16xf32>
      %mul3A_292 = arith.mulf %mul3A_291, %gather3A_289 : vector<16xf32>
      %neg3A_293 = arith.constant 0.000000e+00 : f32
      %neg3A_294 = vector.broadcast %neg3A_293 : f32 to vector<16xf32>
      %neg3A_295 = arith.subf %neg3A_294, %mul3A_292 : vector<16xf32>
      %jit3A_296 = arith.constant 0.000000e+00 : f32
      %broadcast_in_dim3A_297 = vector.broadcast %jit3A_296 : f32 to vector<16xf32>
      %select_n3A_298 = arith.select %ne3A_290, %neg3A_295, %broadcast_in_dim3A_297 : vector<16xi1>, vector<16xf32>
      %gather3A_299 = tpu.vector_load_idx %arg13[%get3A_283] : memref<20000xf32, #tpu.memory_space<vmem>>[vector<16xi32>], vector<16xf32>,
      %add3A_300 = arith.constant 10000 : i32
      %add3A_301 = vector.broadcast %add3A_300 : i32 to vector<16xi32>
      %add3A_302 = arith.addi %get3A_283, %add3A_301 : vector<16xi32>
      %gather3A_303 = tpu.vector_load_idx %arg13[%add3A_302] : memref<20000xf32, #tpu.memory_space<vmem>>[vector<16xi32>], vector<16xf32>,
      %mul3A_304 = arith.mulf %select_n3A_298, %gather3A_299 : vector<16xf32>
      tpu.vector_store_idx %arg15[%get3A_285], %mul3A_304 {add = true} : memref<20000xf32, #tpu.memory_space<vmem>>[vector<16xi32>], vector<16xf32>,
      %add3A_305 = arith.constant 10000 : i32
      %add3A_306 = vector.broadcast %add3A_305 : i32 to vector<16xi32>
      %add3A_307 = arith.addi %get3A_285, %add3A_306 : vector<16xi32>
      %mul3A_308 = arith.mulf %select_n3A_298, %gather3A_303 : vector<16xf32>
      tpu.vector_store_idx %arg15[%add3A_307], %mul3A_308 {add = true} : memref<20000xf32, #tpu.memory_space<vmem>>[vector<16xi32>], vector<16xf32>,
      %mul3A_309 = arith.constant 80 : i32
      %mul3A_310 = arith.muli %scan3A_191, %mul3A_309 : i32
      %add3A_311 = arith.constant 64 : i32
      %add3A_312 = arith.addi %mul3A_310, %add3A_311 : i32
      %get3A_313 = arith.index_cast %add3A_312 : i32 to index
      %get3A_314 = tpu.vector_load %arg10[%get3A_313] {strides = array<i32>} : memref<2000xi32, #tpu.memory_space<vmem>>, vector<16xi32>,
      %get3A_315 = arith.index_cast %add3A_312 : i32 to index
      %get3A_316 = tpu.vector_load %arg11[%get3A_315] {strides = array<i32>} : memref<2000xi32, #tpu.memory_space<vmem>>, vector<16xi32>,
      %get3A_317 = arith.index_cast %add3A_312 : i32 to index
      %get3A_318 = tpu.vector_load %arg12[%get3A_317] {strides = array<i32>} : memref<2000xf32, #tpu.memory_space<vmem>>, vector<16xf32>,
      %gather3A_319 = tpu.vector_load_idx %arg14[%get3A_314] : memref<10000xf32, #tpu.memory_space<vmem>>[vector<16xi32>], vector<16xf32>,
      %gather3A_320 = tpu.vector_load_idx %arg14[%get3A_316] : memref<10000xf32, #tpu.memory_space<vmem>>[vector<16xi32>], vector<16xf32>,
      %ne3A_321 = arith.cmpi ne, %get3A_314, %get3A_316 : vector<16xi32>
      %mul3A_322 = arith.mulf %gather3A_319, %get3A_318 : vector<16xf32>
      %mul3A_323 = arith.mulf %mul3A_322, %gather3A_320 : vector<16xf32>
      %neg3A_324 = arith.constant 0.000000e+00 : f32
      %neg3A_325 = vector.broadcast %neg3A_324 : f32 to vector<16xf32>
      %neg3A_326 = arith.subf %neg3A_325, %mul3A_323 : vector<16xf32>
      %jit3A_327 = arith.constant 0.000000e+00 : f32
      %broadcast_in_dim3A_328 = vector.broadcast %jit3A_327 : f32 to vector<16xf32>
      %select_n3A_329 = arith.select %ne3A_321, %neg3A_326, %broadcast_in_dim3A_328 : vector<16xi1>, vector<16xf32>
      %gather3A_330 = tpu.vector_load_idx %arg13[%get3A_314] : memref<20000xf32, #tpu.memory_space<vmem>>[vector<16xi32>], vector<16xf32>,
      %add3A_331 = arith.constant 10000 : i32
      %add3A_332 = vector.broadcast %add3A_331 : i32 to vector<16xi32>
      %add3A_333 = arith.addi %get3A_314, %add3A_332 : vector<16xi32>
      %gather3A_334 = tpu.vector_load_idx %arg13[%add3A_333] : memref<20000xf32, #tpu.memory_space<vmem>>[vector<16xi32>], vector<16xf32>,
      %mul3A_335 = arith.mulf %select_n3A_329, %gather3A_330 : vector<16xf32>
      tpu.vector_store_idx %arg15[%get3A_316], %mul3A_335 {add = true} : memref<20000xf32, #tpu.memory_space<vmem>>[vector<16xi32>], vector<16xf32>,
      %add3A_336 = arith.constant 10000 : i32
      %add3A_337 = vector.broadcast %add3A_336 : i32 to vector<16xi32>
      %add3A_338 = arith.addi %get3A_316, %add3A_337 : vector<16xi32>
      %mul3A_339 = arith.mulf %select_n3A_329, %gather3A_334 : vector<16xf32>
      tpu.vector_store_idx %arg15[%add3A_338], %mul3A_339 {add = true} : memref<20000xf32, #tpu.memory_space<vmem>>[vector<16xi32>], vector<16xf32>,
    }
    %scan3A_87 = arith.constant 25 : i32
    %add3A_88 = arith.constant 6000 : i32
    %add3A_89 = arith.addi %add3A, %add3A_88 : i32
    %dma_start3A_90 = arith.constant 0 : i32
    %dma_start3A_91 = tpu.memref_slice %arg2[%dma_start3A_90, %add3A_89] : memref<2x320000xi32, #tpu.memory_space<hbm>> -> memref<1x2000xi32, #tpu.memory_space<hbm>>
    %dma_start3A_92 = tpu.memref_squeeze %dma_start3A_91 : memref<1x2000xi32, #tpu.memory_space<hbm>> -> memref<2000xi32, #tpu.memory_space<hbm>>
    %dma_start3A_93 = tpu.memref_slice %arg2[%dma_start3A_90, %add3A_89] : memref<2x320000xi32, #tpu.memory_space<hbm>> -> memref<1x2000xi32, #tpu.memory_space<hbm>>
    %dma_start3A_94 = tpu.memref_squeeze %dma_start3A_93 : memref<1x2000xi32, #tpu.memory_space<hbm>> -> memref<2000xi32, #tpu.memory_space<hbm>>
    tpu.enqueue_dma source(%dma_start3A_94 : memref<2000xi32, #tpu.memory_space<hbm>>) target(%arg10 : memref<2000xi32, #tpu.memory_space<vmem>>) target_semaphore(%arg21 : memref<!tpu.dma_semaphore, #tpu.memory_space<semaphore_mem>>)
    %dma_start3A_95 = arith.constant 1 : i32
    %dma_start3A_96 = tpu.memref_slice %arg2[%dma_start3A_95, %add3A_89] : memref<2x320000xi32, #tpu.memory_space<hbm>> -> memref<1x2000xi32, #tpu.memory_space<hbm>>
    %dma_start3A_97 = tpu.memref_squeeze %dma_start3A_96 : memref<1x2000xi32, #tpu.memory_space<hbm>> -> memref<2000xi32, #tpu.memory_space<hbm>>
    %dma_start3A_98 = tpu.memref_slice %arg2[%dma_start3A_95, %add3A_89] : memref<2x320000xi32, #tpu.memory_space<hbm>> -> memref<1x2000xi32, #tpu.memory_space<hbm>>
    %dma_start3A_99 = tpu.memref_squeeze %dma_start3A_98 : memref<1x2000xi32, #tpu.memory_space<hbm>> -> memref<2000xi32, #tpu.memory_space<hbm>>
    tpu.enqueue_dma source(%dma_start3A_99 : memref<2000xi32, #tpu.memory_space<hbm>>) target(%arg11 : memref<2000xi32, #tpu.memory_space<vmem>>) target_semaphore(%arg21 : memref<!tpu.dma_semaphore, #tpu.memory_space<semaphore_mem>>)
    %dma_start3A_100 = tpu.memref_slice %arg3[%add3A_89] : memref<320000xf32, #tpu.memory_space<hbm>> -> memref<2000xf32, #tpu.memory_space<hbm>>
    %dma_start3A_101 = tpu.memref_slice %arg3[%add3A_89] : memref<320000xf32, #tpu.memory_space<hbm>> -> memref<2000xf32, #tpu.memory_space<hbm>>
    tpu.enqueue_dma source(%dma_start3A_101 : memref<2000xf32, #tpu.memory_space<hbm>>) target(%arg12 : memref<2000xf32, #tpu.memory_space<vmem>>) target_semaphore(%arg21 : memref<!tpu.dma_semaphore, #tpu.memory_space<semaphore_mem>>)
    %dma_wait3A_102 = arith.constant 0 : i32
    %dma_wait3A_103 = tpu.memref_slice %arg2[%dma_wait3A_102, %add3A_58] : memref<2x320000xi32, #tpu.memory_space<hbm>> -> memref<1x2000xi32, #tpu.memory_space<hbm>>
    %dma_wait3A_104 = tpu.memref_squeeze %dma_wait3A_103 : memref<1x2000xi32, #tpu.memory_space<hbm>> -> memref<2000xi32, #tpu.memory_space<hbm>>
    %dma_wait3A_105 = tpu.memref_slice %arg2[%dma_wait3A_102, %add3A_58] : memref<2x320000xi32, #tpu.memory_space<hbm>> -> memref<1x2000xi32, #tpu.memory_space<hbm>>
    %dma_wait3A_106 = tpu.memref_squeeze %dma_wait3A_105 : memref<1x2000xi32, #tpu.memory_space<hbm>> -> memref<2000xi32, #tpu.memory_space<hbm>>
    tpu.wait_dma2 semaphore(%arg20 : memref<!tpu.dma_semaphore, #tpu.memory_space<semaphore_mem>>) src(%dma_wait3A_106 : memref<2000xi32, #tpu.memory_space<hbm>>) dst(%arg7 : memref<2000xi32, #tpu.memory_space<vmem>>)
    %dma_wait3A_107 = arith.constant 1 : i32
    %dma_wait3A_108 = tpu.memref_slice %arg2[%dma_wait3A_107, %add3A_58] : memref<2x320000xi32, #tpu.memory_space<hbm>> -> memref<1x2000xi32, #tpu.memory_space<hbm>>
    %dma_wait3A_109 = tpu.memref_squeeze %dma_wait3A_108 : memref<1x2000xi32, #tpu.memory_space<hbm>> -> memref<2000xi32, #tpu.memory_space<hbm>>
    %dma_wait3A_110 = tpu.memref_slice %arg2[%dma_wait3A_107, %add3A_58] : memref<2x320000xi32, #tpu.memory_space<hbm>> -> memref<1x2000xi32, #tpu.memory_space<hbm>>
    %dma_wait3A_111 = tpu.memref_squeeze %dma_wait3A_110 : memref<1x2000xi32, #tpu.memory_space<hbm>> -> memref<2000xi32, #tpu.memory_space<hbm>>
    tpu.wait_dma2 semaphore(%arg20 : memref<!tpu.dma_semaphore, #tpu.memory_space<semaphore_mem>>) src(%dma_wait3A_111 : memref<2000xi32, #tpu.memory_space<hbm>>) dst(%arg8 : memref<2000xi32, #tpu.memory_space<vmem>>)
    %dma_wait3A_112 = tpu.memref_slice %arg3[%add3A_58] : memref<320000xf32, #tpu.memory_space<hbm>> -> memref<2000xf32, #tpu.memory_space<hbm>>
    %dma_wait3A_113 = tpu.memref_slice %arg3[%add3A_58] : memref<320000xf32, #tpu.memory_space<hbm>> -> memref<2000xf32, #tpu.memory_space<hbm>>
    tpu.wait_dma2 semaphore(%arg20 : memref<!tpu.dma_semaphore, #tpu.memory_space<semaphore_mem>>) src(%dma_wait3A_113 : memref<2000xf32, #tpu.memory_space<hbm>>) dst(%arg9 : memref<2000xf32, #tpu.memory_space<vmem>>)
    %scan3A_114 = arith.constant 0 : i32
    %scan3A_115 = arith.constant 25 : i32
    %scan3A_116 = arith.addi %scan3A_114, %scan3A_115 : i32
    %scan3A_117 = arith.constant 1 : i32
    scf.for %scan3A_191 = %scan3A_114 to %scan3A_116 step %scan3A_117  : i32 {
      %mul3A_192 = arith.constant 80 : i32
      %mul3A_193 = arith.muli %scan3A_191, %mul3A_192 : i32
      %add3A_194 = arith.constant 0 : i32
      %add3A_195 = arith.addi %mul3A_193, %add3A_194 : i32
      %get3A = arith.index_cast %add3A_195 : i32 to index
      %get3A_196 = tpu.vector_load %arg7[%get3A] {strides = array<i32>} : memref<2000xi32, #tpu.memory_space<vmem>>, vector<16xi32>,
      %get3A_197 = arith.index_cast %add3A_195 : i32 to index
      %get3A_198 = tpu.vector_load %arg8[%get3A_197] {strides = array<i32>} : memref<2000xi32, #tpu.memory_space<vmem>>, vector<16xi32>,
      %get3A_199 = arith.index_cast %add3A_195 : i32 to index
      %get3A_200 = tpu.vector_load %arg9[%get3A_199] {strides = array<i32>} : memref<2000xf32, #tpu.memory_space<vmem>>, vector<16xf32>,
      %gather3A = tpu.vector_load_idx %arg14[%get3A_196] : memref<10000xf32, #tpu.memory_space<vmem>>[vector<16xi32>], vector<16xf32>,
      %gather3A_201 = tpu.vector_load_idx %arg14[%get3A_198] : memref<10000xf32, #tpu.memory_space<vmem>>[vector<16xi32>], vector<16xf32>,
      %ne3A = arith.cmpi ne, %get3A_196, %get3A_198 : vector<16xi32>
      %mul3A_202 = arith.mulf %gather3A, %get3A_200 : vector<16xf32>
      %mul3A_203 = arith.mulf %mul3A_202, %gather3A_201 : vector<16xf32>
      %neg3A = arith.constant 0.000000e+00 : f32
      %neg3A_204 = vector.broadcast %neg3A : f32 to vector<16xf32>
      %neg3A_205 = arith.subf %neg3A_204, %mul3A_203 : vector<16xf32>
      %jit3A = arith.constant 0.000000e+00 : f32
      %broadcast_in_dim3A = vector.broadcast %jit3A : f32 to vector<16xf32>
      %select_n3A = arith.select %ne3A, %neg3A_205, %broadcast_in_dim3A : vector<16xi1>, vector<16xf32>
      %gather3A_206 = tpu.vector_load_idx %arg13[%get3A_196] : memref<20000xf32, #tpu.memory_space<vmem>>[vector<16xi32>], vector<16xf32>,
      %add3A_207 = arith.constant 10000 : i32
      %add3A_208 = vector.broadcast %add3A_207 : i32 to vector<16xi32>
      %add3A_209 = arith.addi %get3A_196, %add3A_208 : vector<16xi32>
      %gather3A_210 = tpu.vector_load_idx %arg13[%add3A_209] : memref<20000xf32, #tpu.memory_space<vmem>>[vector<16xi32>], vector<16xf32>,
      %mul3A_211 = arith.mulf %select_n3A, %gather3A_206 : vector<16xf32>
      tpu.vector_store_idx %arg15[%get3A_198], %mul3A_211 {add = true} : memref<20000xf32, #tpu.memory_space<vmem>>[vector<16xi32>], vector<16xf32>,
      %add3A_212 = arith.constant 10000 : i32
      %add3A_213 = vector.broadcast %add3A_212 : i32 to vector<16xi32>
      %add3A_214 = arith.addi %get3A_198, %add3A_213 : vector<16xi32>
      %mul3A_215 = arith.mulf %select_n3A, %gather3A_210 : vector<16xf32>
      tpu.vector_store_idx %arg15[%add3A_214], %mul3A_215 {add = true} : memref<20000xf32, #tpu.memory_space<vmem>>[vector<16xi32>], vector<16xf32>,
      %mul3A_216 = arith.constant 80 : i32
      %mul3A_217 = arith.muli %scan3A_191, %mul3A_216 : i32
      %add3A_218 = arith.constant 16 : i32
      %add3A_219 = arith.addi %mul3A_217, %add3A_218 : i32
      %get3A_220 = arith.index_cast %add3A_219 : i32 to index
      %get3A_221 = tpu.vector_load %arg7[%get3A_220] {strides = array<i32>} : memref<2000xi32, #tpu.memory_space<vmem>>, vector<16xi32>,
      %get3A_222 = arith.index_cast %add3A_219 : i32 to index
      %get3A_223 = tpu.vector_load %arg8[%get3A_222] {strides = array<i32>} : memref<2000xi32, #tpu.memory_space<vmem>>, vector<16xi32>,
      %get3A_224 = arith.index_cast %add3A_219 : i32 to index
      %get3A_225 = tpu.vector_load %arg9[%get3A_224] {strides = array<i32>} : memref<2000xf32, #tpu.memory_space<vmem>>, vector<16xf32>,
      %gather3A_226 = tpu.vector_load_idx %arg14[%get3A_221] : memref<10000xf32, #tpu.memory_space<vmem>>[vector<16xi32>], vector<16xf32>,
      %gather3A_227 = tpu.vector_load_idx %arg14[%get3A_223] : memref<10000xf32, #tpu.memory_space<vmem>>[vector<16xi32>], vector<16xf32>,
      %ne3A_228 = arith.cmpi ne, %get3A_221, %get3A_223 : vector<16xi32>
      %mul3A_229 = arith.mulf %gather3A_226, %get3A_225 : vector<16xf32>
      %mul3A_230 = arith.mulf %mul3A_229, %gather3A_227 : vector<16xf32>
      %neg3A_231 = arith.constant 0.000000e+00 : f32
      %neg3A_232 = vector.broadcast %neg3A_231 : f32 to vector<16xf32>
      %neg3A_233 = arith.subf %neg3A_232, %mul3A_230 : vector<16xf32>
      %jit3A_234 = arith.constant 0.000000e+00 : f32
      %broadcast_in_dim3A_235 = vector.broadcast %jit3A_234 : f32 to vector<16xf32>
      %select_n3A_236 = arith.select %ne3A_228, %neg3A_233, %broadcast_in_dim3A_235 : vector<16xi1>, vector<16xf32>
      %gather3A_237 = tpu.vector_load_idx %arg13[%get3A_221] : memref<20000xf32, #tpu.memory_space<vmem>>[vector<16xi32>], vector<16xf32>,
      %add3A_238 = arith.constant 10000 : i32
      %add3A_239 = vector.broadcast %add3A_238 : i32 to vector<16xi32>
      %add3A_240 = arith.addi %get3A_221, %add3A_239 : vector<16xi32>
      %gather3A_241 = tpu.vector_load_idx %arg13[%add3A_240] : memref<20000xf32, #tpu.memory_space<vmem>>[vector<16xi32>], vector<16xf32>,
      %mul3A_242 = arith.mulf %select_n3A_236, %gather3A_237 : vector<16xf32>
      tpu.vector_store_idx %arg15[%get3A_223], %mul3A_242 {add = true} : memref<20000xf32, #tpu.memory_space<vmem>>[vector<16xi32>], vector<16xf32>,
      %add3A_243 = arith.constant 10000 : i32
      %add3A_244 = vector.broadcast %add3A_243 : i32 to vector<16xi32>
      %add3A_245 = arith.addi %get3A_223, %add3A_244 : vector<16xi32>
      %mul3A_246 = arith.mulf %select_n3A_236, %gather3A_241 : vector<16xf32>
      tpu.vector_store_idx %arg15[%add3A_245], %mul3A_246 {add = true} : memref<20000xf32, #tpu.memory_space<vmem>>[vector<16xi32>], vector<16xf32>,
      %mul3A_247 = arith.constant 80 : i32
      %mul3A_248 = arith.muli %scan3A_191, %mul3A_247 : i32
      %add3A_249 = arith.constant 32 : i32
      %add3A_250 = arith.addi %mul3A_248, %add3A_249 : i32
      %get3A_251 = arith.index_cast %add3A_250 : i32 to index
      %get3A_252 = tpu.vector_load %arg7[%get3A_251] {strides = array<i32>} : memref<2000xi32, #tpu.memory_space<vmem>>, vector<16xi32>,
      %get3A_253 = arith.index_cast %add3A_250 : i32 to index
      %get3A_254 = tpu.vector_load %arg8[%get3A_253] {strides = array<i32>} : memref<2000xi32, #tpu.memory_space<vmem>>, vector<16xi32>,
      %get3A_255 = arith.index_cast %add3A_250 : i32 to index
      %get3A_256 = tpu.vector_load %arg9[%get3A_255] {strides = array<i32>} : memref<2000xf32, #tpu.memory_space<vmem>>, vector<16xf32>,
      %gather3A_257 = tpu.vector_load_idx %arg14[%get3A_252] : memref<10000xf32, #tpu.memory_space<vmem>>[vector<16xi32>], vector<16xf32>,
      %gather3A_258 = tpu.vector_load_idx %arg14[%get3A_254] : memref<10000xf32, #tpu.memory_space<vmem>>[vector<16xi32>], vector<16xf32>,
      %ne3A_259 = arith.cmpi ne, %get3A_252, %get3A_254 : vector<16xi32>
      %mul3A_260 = arith.mulf %gather3A_257, %get3A_256 : vector<16xf32>
      %mul3A_261 = arith.mulf %mul3A_260, %gather3A_258 : vector<16xf32>
      %neg3A_262 = arith.constant 0.000000e+00 : f32
      %neg3A_263 = vector.broadcast %neg3A_262 : f32 to vector<16xf32>
      %neg3A_264 = arith.subf %neg3A_263, %mul3A_261 : vector<16xf32>
      %jit3A_265 = arith.constant 0.000000e+00 : f32
      %broadcast_in_dim3A_266 = vector.broadcast %jit3A_265 : f32 to vector<16xf32>
      %select_n3A_267 = arith.select %ne3A_259, %neg3A_264, %broadcast_in_dim3A_266 : vector<16xi1>, vector<16xf32>
      %gather3A_268 = tpu.vector_load_idx %arg13[%get3A_252] : memref<20000xf32, #tpu.memory_space<vmem>>[vector<16xi32>], vector<16xf32>,
      %add3A_269 = arith.constant 10000 : i32
      %add3A_270 = vector.broadcast %add3A_269 : i32 to vector<16xi32>
      %add3A_271 = arith.addi %get3A_252, %add3A_270 : vector<16xi32>
      %gather3A_272 = tpu.vector_load_idx %arg13[%add3A_271] : memref<20000xf32, #tpu.memory_space<vmem>>[vector<16xi32>], vector<16xf32>,
      %mul3A_273 = arith.mulf %select_n3A_267, %gather3A_268 : vector<16xf32>
      tpu.vector_store_idx %arg15[%get3A_254], %mul3A_273 {add = true} : memref<20000xf32, #tpu.memory_space<vmem>>[vector<16xi32>], vector<16xf32>,
      %add3A_274 = arith.constant 10000 : i32
      %add3A_275 = vector.broadcast %add3A_274 : i32 to vector<16xi32>
      %add3A_276 = arith.addi %get3A_254, %add3A_275 : vector<16xi32>
      %mul3A_277 = arith.mulf %select_n3A_267, %gather3A_272 : vector<16xf32>
      tpu.vector_store_idx %arg15[%add3A_276], %mul3A_277 {add = true} : memref<20000xf32, #tpu.memory_space<vmem>>[vector<16xi32>], vector<16xf32>,
      %mul3A_278 = arith.constant 80 : i32
      %mul3A_279 = arith.muli %scan3A_191, %mul3A_278 : i32
      %add3A_280 = arith.constant 48 : i32
      %add3A_281 = arith.addi %mul3A_279, %add3A_280 : i32
      %get3A_282 = arith.index_cast %add3A_281 : i32 to index
      %get3A_283 = tpu.vector_load %arg7[%get3A_282] {strides = array<i32>} : memref<2000xi32, #tpu.memory_space<vmem>>, vector<16xi32>,
      %get3A_284 = arith.index_cast %add3A_281 : i32 to index
      %get3A_285 = tpu.vector_load %arg8[%get3A_284] {strides = array<i32>} : memref<2000xi32, #tpu.memory_space<vmem>>, vector<16xi32>,
      %get3A_286 = arith.index_cast %add3A_281 : i32 to index
      %get3A_287 = tpu.vector_load %arg9[%get3A_286] {strides = array<i32>} : memref<2000xf32, #tpu.memory_space<vmem>>, vector<16xf32>,
      %gather3A_288 = tpu.vector_load_idx %arg14[%get3A_283] : memref<10000xf32, #tpu.memory_space<vmem>>[vector<16xi32>], vector<16xf32>,
      %gather3A_289 = tpu.vector_load_idx %arg14[%get3A_285] : memref<10000xf32, #tpu.memory_space<vmem>>[vector<16xi32>], vector<16xf32>,
      %ne3A_290 = arith.cmpi ne, %get3A_283, %get3A_285 : vector<16xi32>
      %mul3A_291 = arith.mulf %gather3A_288, %get3A_287 : vector<16xf32>
      %mul3A_292 = arith.mulf %mul3A_291, %gather3A_289 : vector<16xf32>
      %neg3A_293 = arith.constant 0.000000e+00 : f32
      %neg3A_294 = vector.broadcast %neg3A_293 : f32 to vector<16xf32>
      %neg3A_295 = arith.subf %neg3A_294, %mul3A_292 : vector<16xf32>
      %jit3A_296 = arith.constant 0.000000e+00 : f32
      %broadcast_in_dim3A_297 = vector.broadcast %jit3A_296 : f32 to vector<16xf32>
      %select_n3A_298 = arith.select %ne3A_290, %neg3A_295, %broadcast_in_dim3A_297 : vector<16xi1>, vector<16xf32>
      %gather3A_299 = tpu.vector_load_idx %arg13[%get3A_283] : memref<20000xf32, #tpu.memory_space<vmem>>[vector<16xi32>], vector<16xf32>,
      %add3A_300 = arith.constant 10000 : i32
      %add3A_301 = vector.broadcast %add3A_300 : i32 to vector<16xi32>
      %add3A_302 = arith.addi %get3A_283, %add3A_301 : vector<16xi32>
      %gather3A_303 = tpu.vector_load_idx %arg13[%add3A_302] : memref<20000xf32, #tpu.memory_space<vmem>>[vector<16xi32>], vector<16xf32>,
      %mul3A_304 = arith.mulf %select_n3A_298, %gather3A_299 : vector<16xf32>
      tpu.vector_store_idx %arg15[%get3A_285], %mul3A_304 {add = true} : memref<20000xf32, #tpu.memory_space<vmem>>[vector<16xi32>], vector<16xf32>,
      %add3A_305 = arith.constant 10000 : i32
      %add3A_306 = vector.broadcast %add3A_305 : i32 to vector<16xi32>
      %add3A_307 = arith.addi %get3A_285, %add3A_306 : vector<16xi32>
      %mul3A_308 = arith.mulf %select_n3A_298, %gather3A_303 : vector<16xf32>
      tpu.vector_store_idx %arg15[%add3A_307], %mul3A_308 {add = true} : memref<20000xf32, #tpu.memory_space<vmem>>[vector<16xi32>], vector<16xf32>,
      %mul3A_309 = arith.constant 80 : i32
      %mul3A_310 = arith.muli %scan3A_191, %mul3A_309 : i32
      %add3A_311 = arith.constant 64 : i32
      %add3A_312 = arith.addi %mul3A_310, %add3A_311 : i32
      %get3A_313 = arith.index_cast %add3A_312 : i32 to index
      %get3A_314 = tpu.vector_load %arg7[%get3A_313] {strides = array<i32>} : memref<2000xi32, #tpu.memory_space<vmem>>, vector<16xi32>,
      %get3A_315 = arith.index_cast %add3A_312 : i32 to index
      %get3A_316 = tpu.vector_load %arg8[%get3A_315] {strides = array<i32>} : memref<2000xi32, #tpu.memory_space<vmem>>, vector<16xi32>,
      %get3A_317 = arith.index_cast %add3A_312 : i32 to index
      %get3A_318 = tpu.vector_load %arg9[%get3A_317] {strides = array<i32>} : memref<2000xf32, #tpu.memory_space<vmem>>, vector<16xf32>,
      %gather3A_319 = tpu.vector_load_idx %arg14[%get3A_314] : memref<10000xf32, #tpu.memory_space<vmem>>[vector<16xi32>], vector<16xf32>,
      %gather3A_320 = tpu.vector_load_idx %arg14[%get3A_316] : memref<10000xf32, #tpu.memory_space<vmem>>[vector<16xi32>], vector<16xf32>,
      %ne3A_321 = arith.cmpi ne, %get3A_314, %get3A_316 : vector<16xi32>
      %mul3A_322 = arith.mulf %gather3A_319, %get3A_318 : vector<16xf32>
      %mul3A_323 = arith.mulf %mul3A_322, %gather3A_320 : vector<16xf32>
      %neg3A_324 = arith.constant 0.000000e+00 : f32
      %neg3A_325 = vector.broadcast %neg3A_324 : f32 to vector<16xf32>
      %neg3A_326 = arith.subf %neg3A_325, %mul3A_323 : vector<16xf32>
      %jit3A_327 = arith.constant 0.000000e+00 : f32
      %broadcast_in_dim3A_328 = vector.broadcast %jit3A_327 : f32 to vector<16xf32>
      %select_n3A_329 = arith.select %ne3A_321, %neg3A_326, %broadcast_in_dim3A_328 : vector<16xi1>, vector<16xf32>
      %gather3A_330 = tpu.vector_load_idx %arg13[%get3A_314] : memref<20000xf32, #tpu.memory_space<vmem>>[vector<16xi32>], vector<16xf32>,
      %add3A_331 = arith.constant 10000 : i32
      %add3A_332 = vector.broadcast %add3A_331 : i32 to vector<16xi32>
      %add3A_333 = arith.addi %get3A_314, %add3A_332 : vector<16xi32>
      %gather3A_334 = tpu.vector_load_idx %arg13[%add3A_333] : memref<20000xf32, #tpu.memory_space<vmem>>[vector<16xi32>], vector<16xf32>,
      %mul3A_335 = arith.mulf %select_n3A_329, %gather3A_330 : vector<16xf32>
      tpu.vector_store_idx %arg15[%get3A_316], %mul3A_335 {add = true} : memref<20000xf32, #tpu.memory_space<vmem>>[vector<16xi32>], vector<16xf32>,
      %add3A_336 = arith.constant 10000 : i32
      %add3A_337 = vector.broadcast %add3A_336 : i32 to vector<16xi32>
      %add3A_338 = arith.addi %get3A_316, %add3A_337 : vector<16xi32>
      %mul3A_339 = arith.mulf %select_n3A_329, %gather3A_334 : vector<16xf32>
      tpu.vector_store_idx %arg15[%add3A_338], %mul3A_339 {add = true} : memref<20000xf32, #tpu.memory_space<vmem>>[vector<16xi32>], vector<16xf32>,
    }
    %scan3A_118 = arith.constant 25 : i32
    %add3A_119 = arith.constant 8000 : i32
    %add3A_120 = arith.addi %add3A, %add3A_119 : i32
    %dma_start3A_121 = arith.constant 0 : i32
    %dma_start3A_122 = tpu.memref_slice %arg2[%dma_start3A_121, %add3A_120] : memref<2x320000xi32, #tpu.memory_space<hbm>> -> memref<1x2000xi32, #tpu.memory_space<hbm>>
    %dma_start3A_123 = tpu.memref_squeeze %dma_start3A_122 : memref<1x2000xi32, #tpu.memory_space<hbm>> -> memref<2000xi32, #tpu.memory_space<hbm>>
    %dma_start3A_124 = tpu.memref_slice %arg2[%dma_start3A_121, %add3A_120] : memref<2x320000xi32, #tpu.memory_space<hbm>> -> memref<1x2000xi32, #tpu.memory_space<hbm>>
    %dma_start3A_125 = tpu.memref_squeeze %dma_start3A_124 : memref<1x2000xi32, #tpu.memory_space<hbm>> -> memref<2000xi32, #tpu.memory_space<hbm>>
    tpu.enqueue_dma source(%dma_start3A_125 : memref<2000xi32, #tpu.memory_space<hbm>>) target(%arg7 : memref<2000xi32, #tpu.memory_space<vmem>>) target_semaphore(%arg20 : memref<!tpu.dma_semaphore, #tpu.memory_space<semaphore_mem>>)
    %dma_start3A_126 = arith.constant 1 : i32
    %dma_start3A_127 = tpu.memref_slice %arg2[%dma_start3A_126, %add3A_120] : memref<2x320000xi32, #tpu.memory_space<hbm>> -> memref<1x2000xi32, #tpu.memory_space<hbm>>
    %dma_start3A_128 = tpu.memref_squeeze %dma_start3A_127 : memref<1x2000xi32, #tpu.memory_space<hbm>> -> memref<2000xi32, #tpu.memory_space<hbm>>
    %dma_start3A_129 = tpu.memref_slice %arg2[%dma_start3A_126, %add3A_120] : memref<2x320000xi32, #tpu.memory_space<hbm>> -> memref<1x2000xi32, #tpu.memory_space<hbm>>
    %dma_start3A_130 = tpu.memref_squeeze %dma_start3A_129 : memref<1x2000xi32, #tpu.memory_space<hbm>> -> memref<2000xi32, #tpu.memory_space<hbm>>
    tpu.enqueue_dma source(%dma_start3A_130 : memref<2000xi32, #tpu.memory_space<hbm>>) target(%arg8 : memref<2000xi32, #tpu.memory_space<vmem>>) target_semaphore(%arg20 : memref<!tpu.dma_semaphore, #tpu.memory_space<semaphore_mem>>)
    %dma_start3A_131 = tpu.memref_slice %arg3[%add3A_120] : memref<320000xf32, #tpu.memory_space<hbm>> -> memref<2000xf32, #tpu.memory_space<hbm>>
    %dma_start3A_132 = tpu.memref_slice %arg3[%add3A_120] : memref<320000xf32, #tpu.memory_space<hbm>> -> memref<2000xf32, #tpu.memory_space<hbm>>
    tpu.enqueue_dma source(%dma_start3A_132 : memref<2000xf32, #tpu.memory_space<hbm>>) target(%arg9 : memref<2000xf32, #tpu.memory_space<vmem>>) target_semaphore(%arg20 : memref<!tpu.dma_semaphore, #tpu.memory_space<semaphore_mem>>)
    %dma_wait3A_133 = arith.constant 0 : i32
    %dma_wait3A_134 = tpu.memref_slice %arg2[%dma_wait3A_133, %add3A_89] : memref<2x320000xi32, #tpu.memory_space<hbm>> -> memref<1x2000xi32, #tpu.memory_space<hbm>>
    %dma_wait3A_135 = tpu.memref_squeeze %dma_wait3A_134 : memref<1x2000xi32, #tpu.memory_space<hbm>> -> memref<2000xi32, #tpu.memory_space<hbm>>
    %dma_wait3A_136 = tpu.memref_slice %arg2[%dma_wait3A_133, %add3A_89] : memref<2x320000xi32, #tpu.memory_space<hbm>> -> memref<1x2000xi32, #tpu.memory_space<hbm>>
    %dma_wait3A_137 = tpu.memref_squeeze %dma_wait3A_136 : memref<1x2000xi32, #tpu.memory_space<hbm>> -> memref<2000xi32, #tpu.memory_space<hbm>>
    tpu.wait_dma2 semaphore(%arg21 : memref<!tpu.dma_semaphore, #tpu.memory_space<semaphore_mem>>) src(%dma_wait3A_137 : memref<2000xi32, #tpu.memory_space<hbm>>) dst(%arg10 : memref<2000xi32, #tpu.memory_space<vmem>>)
    %dma_wait3A_138 = arith.constant 1 : i32
    %dma_wait3A_139 = tpu.memref_slice %arg2[%dma_wait3A_138, %add3A_89] : memref<2x320000xi32, #tpu.memory_space<hbm>> -> memref<1x2000xi32, #tpu.memory_space<hbm>>
    %dma_wait3A_140 = tpu.memref_squeeze %dma_wait3A_139 : memref<1x2000xi32, #tpu.memory_space<hbm>> -> memref<2000xi32, #tpu.memory_space<hbm>>
    %dma_wait3A_141 = tpu.memref_slice %arg2[%dma_wait3A_138, %add3A_89] : memref<2x320000xi32, #tpu.memory_space<hbm>> -> memref<1x2000xi32, #tpu.memory_space<hbm>>
    %dma_wait3A_142 = tpu.memref_squeeze %dma_wait3A_141 : memref<1x2000xi32, #tpu.memory_space<hbm>> -> memref<2000xi32, #tpu.memory_space<hbm>>
    tpu.wait_dma2 semaphore(%arg21 : memref<!tpu.dma_semaphore, #tpu.memory_space<semaphore_mem>>) src(%dma_wait3A_142 : memref<2000xi32, #tpu.memory_space<hbm>>) dst(%arg11 : memref<2000xi32, #tpu.memory_space<vmem>>)
    %dma_wait3A_143 = tpu.memref_slice %arg3[%add3A_89] : memref<320000xf32, #tpu.memory_space<hbm>> -> memref<2000xf32, #tpu.memory_space<hbm>>
    %dma_wait3A_144 = tpu.memref_slice %arg3[%add3A_89] : memref<320000xf32, #tpu.memory_space<hbm>> -> memref<2000xf32, #tpu.memory_space<hbm>>
    tpu.wait_dma2 semaphore(%arg21 : memref<!tpu.dma_semaphore, #tpu.memory_space<semaphore_mem>>) src(%dma_wait3A_144 : memref<2000xf32, #tpu.memory_space<hbm>>) dst(%arg12 : memref<2000xf32, #tpu.memory_space<vmem>>)
    %scan3A_145 = arith.constant 0 : i32
    %scan3A_146 = arith.constant 25 : i32
    %scan3A_147 = arith.addi %scan3A_145, %scan3A_146 : i32
    %scan3A_148 = arith.constant 1 : i32
    scf.for %scan3A_191 = %scan3A_145 to %scan3A_147 step %scan3A_148  : i32 {
      %mul3A_192 = arith.constant 80 : i32
      %mul3A_193 = arith.muli %scan3A_191, %mul3A_192 : i32
      %add3A_194 = arith.constant 0 : i32
      %add3A_195 = arith.addi %mul3A_193, %add3A_194 : i32
      %get3A = arith.index_cast %add3A_195 : i32 to index
      %get3A_196 = tpu.vector_load %arg10[%get3A] {strides = array<i32>} : memref<2000xi32, #tpu.memory_space<vmem>>, vector<16xi32>,
      %get3A_197 = arith.index_cast %add3A_195 : i32 to index
      %get3A_198 = tpu.vector_load %arg11[%get3A_197] {strides = array<i32>} : memref<2000xi32, #tpu.memory_space<vmem>>, vector<16xi32>,
      %get3A_199 = arith.index_cast %add3A_195 : i32 to index
      %get3A_200 = tpu.vector_load %arg12[%get3A_199] {strides = array<i32>} : memref<2000xf32, #tpu.memory_space<vmem>>, vector<16xf32>,
      %gather3A = tpu.vector_load_idx %arg14[%get3A_196] : memref<10000xf32, #tpu.memory_space<vmem>>[vector<16xi32>], vector<16xf32>,
      %gather3A_201 = tpu.vector_load_idx %arg14[%get3A_198] : memref<10000xf32, #tpu.memory_space<vmem>>[vector<16xi32>], vector<16xf32>,
      %ne3A = arith.cmpi ne, %get3A_196, %get3A_198 : vector<16xi32>
      %mul3A_202 = arith.mulf %gather3A, %get3A_200 : vector<16xf32>
      %mul3A_203 = arith.mulf %mul3A_202, %gather3A_201 : vector<16xf32>
      %neg3A = arith.constant 0.000000e+00 : f32
      %neg3A_204 = vector.broadcast %neg3A : f32 to vector<16xf32>
      %neg3A_205 = arith.subf %neg3A_204, %mul3A_203 : vector<16xf32>
      %jit3A = arith.constant 0.000000e+00 : f32
      %broadcast_in_dim3A = vector.broadcast %jit3A : f32 to vector<16xf32>
      %select_n3A = arith.select %ne3A, %neg3A_205, %broadcast_in_dim3A : vector<16xi1>, vector<16xf32>
      %gather3A_206 = tpu.vector_load_idx %arg13[%get3A_196] : memref<20000xf32, #tpu.memory_space<vmem>>[vector<16xi32>], vector<16xf32>,
      %add3A_207 = arith.constant 10000 : i32
      %add3A_208 = vector.broadcast %add3A_207 : i32 to vector<16xi32>
      %add3A_209 = arith.addi %get3A_196, %add3A_208 : vector<16xi32>
      %gather3A_210 = tpu.vector_load_idx %arg13[%add3A_209] : memref<20000xf32, #tpu.memory_space<vmem>>[vector<16xi32>], vector<16xf32>,
      %mul3A_211 = arith.mulf %select_n3A, %gather3A_206 : vector<16xf32>
      tpu.vector_store_idx %arg15[%get3A_198], %mul3A_211 {add = true} : memref<20000xf32, #tpu.memory_space<vmem>>[vector<16xi32>], vector<16xf32>,
      %add3A_212 = arith.constant 10000 : i32
      %add3A_213 = vector.broadcast %add3A_212 : i32 to vector<16xi32>
      %add3A_214 = arith.addi %get3A_198, %add3A_213 : vector<16xi32>
      %mul3A_215 = arith.mulf %select_n3A, %gather3A_210 : vector<16xf32>
      tpu.vector_store_idx %arg15[%add3A_214], %mul3A_215 {add = true} : memref<20000xf32, #tpu.memory_space<vmem>>[vector<16xi32>], vector<16xf32>,
      %mul3A_216 = arith.constant 80 : i32
      %mul3A_217 = arith.muli %scan3A_191, %mul3A_216 : i32
      %add3A_218 = arith.constant 16 : i32
      %add3A_219 = arith.addi %mul3A_217, %add3A_218 : i32
      %get3A_220 = arith.index_cast %add3A_219 : i32 to index
      %get3A_221 = tpu.vector_load %arg10[%get3A_220] {strides = array<i32>} : memref<2000xi32, #tpu.memory_space<vmem>>, vector<16xi32>,
      %get3A_222 = arith.index_cast %add3A_219 : i32 to index
      %get3A_223 = tpu.vector_load %arg11[%get3A_222] {strides = array<i32>} : memref<2000xi32, #tpu.memory_space<vmem>>, vector<16xi32>,
      %get3A_224 = arith.index_cast %add3A_219 : i32 to index
      %get3A_225 = tpu.vector_load %arg12[%get3A_224] {strides = array<i32>} : memref<2000xf32, #tpu.memory_space<vmem>>, vector<16xf32>,
      %gather3A_226 = tpu.vector_load_idx %arg14[%get3A_221] : memref<10000xf32, #tpu.memory_space<vmem>>[vector<16xi32>], vector<16xf32>,
      %gather3A_227 = tpu.vector_load_idx %arg14[%get3A_223] : memref<10000xf32, #tpu.memory_space<vmem>>[vector<16xi32>], vector<16xf32>,
      %ne3A_228 = arith.cmpi ne, %get3A_221, %get3A_223 : vector<16xi32>
      %mul3A_229 = arith.mulf %gather3A_226, %get3A_225 : vector<16xf32>
      %mul3A_230 = arith.mulf %mul3A_229, %gather3A_227 : vector<16xf32>
      %neg3A_231 = arith.constant 0.000000e+00 : f32
      %neg3A_232 = vector.broadcast %neg3A_231 : f32 to vector<16xf32>
      %neg3A_233 = arith.subf %neg3A_232, %mul3A_230 : vector<16xf32>
      %jit3A_234 = arith.constant 0.000000e+00 : f32
      %broadcast_in_dim3A_235 = vector.broadcast %jit3A_234 : f32 to vector<16xf32>
      %select_n3A_236 = arith.select %ne3A_228, %neg3A_233, %broadcast_in_dim3A_235 : vector<16xi1>, vector<16xf32>
      %gather3A_237 = tpu.vector_load_idx %arg13[%get3A_221] : memref<20000xf32, #tpu.memory_space<vmem>>[vector<16xi32>], vector<16xf32>,
      %add3A_238 = arith.constant 10000 : i32
      %add3A_239 = vector.broadcast %add3A_238 : i32 to vector<16xi32>
      %add3A_240 = arith.addi %get3A_221, %add3A_239 : vector<16xi32>
      %gather3A_241 = tpu.vector_load_idx %arg13[%add3A_240] : memref<20000xf32, #tpu.memory_space<vmem>>[vector<16xi32>], vector<16xf32>,
      %mul3A_242 = arith.mulf %select_n3A_236, %gather3A_237 : vector<16xf32>
      tpu.vector_store_idx %arg15[%get3A_223], %mul3A_242 {add = true} : memref<20000xf32, #tpu.memory_space<vmem>>[vector<16xi32>], vector<16xf32>,
      %add3A_243 = arith.constant 10000 : i32
      %add3A_244 = vector.broadcast %add3A_243 : i32 to vector<16xi32>
      %add3A_245 = arith.addi %get3A_223, %add3A_244 : vector<16xi32>
      %mul3A_246 = arith.mulf %select_n3A_236, %gather3A_241 : vector<16xf32>
      tpu.vector_store_idx %arg15[%add3A_245], %mul3A_246 {add = true} : memref<20000xf32, #tpu.memory_space<vmem>>[vector<16xi32>], vector<16xf32>,
      %mul3A_247 = arith.constant 80 : i32
      %mul3A_248 = arith.muli %scan3A_191, %mul3A_247 : i32
      %add3A_249 = arith.constant 32 : i32
      %add3A_250 = arith.addi %mul3A_248, %add3A_249 : i32
      %get3A_251 = arith.index_cast %add3A_250 : i32 to index
      %get3A_252 = tpu.vector_load %arg10[%get3A_251] {strides = array<i32>} : memref<2000xi32, #tpu.memory_space<vmem>>, vector<16xi32>,
      %get3A_253 = arith.index_cast %add3A_250 : i32 to index
      %get3A_254 = tpu.vector_load %arg11[%get3A_253] {strides = array<i32>} : memref<2000xi32, #tpu.memory_space<vmem>>, vector<16xi32>,
      %get3A_255 = arith.index_cast %add3A_250 : i32 to index
      %get3A_256 = tpu.vector_load %arg12[%get3A_255] {strides = array<i32>} : memref<2000xf32, #tpu.memory_space<vmem>>, vector<16xf32>,
      %gather3A_257 = tpu.vector_load_idx %arg14[%get3A_252] : memref<10000xf32, #tpu.memory_space<vmem>>[vector<16xi32>], vector<16xf32>,
      %gather3A_258 = tpu.vector_load_idx %arg14[%get3A_254] : memref<10000xf32, #tpu.memory_space<vmem>>[vector<16xi32>], vector<16xf32>,
      %ne3A_259 = arith.cmpi ne, %get3A_252, %get3A_254 : vector<16xi32>
      %mul3A_260 = arith.mulf %gather3A_257, %get3A_256 : vector<16xf32>
      %mul3A_261 = arith.mulf %mul3A_260, %gather3A_258 : vector<16xf32>
      %neg3A_262 = arith.constant 0.000000e+00 : f32
      %neg3A_263 = vector.broadcast %neg3A_262 : f32 to vector<16xf32>
      %neg3A_264 = arith.subf %neg3A_263, %mul3A_261 : vector<16xf32>
      %jit3A_265 = arith.constant 0.000000e+00 : f32
      %broadcast_in_dim3A_266 = vector.broadcast %jit3A_265 : f32 to vector<16xf32>
      %select_n3A_267 = arith.select %ne3A_259, %neg3A_264, %broadcast_in_dim3A_266 : vector<16xi1>, vector<16xf32>
      %gather3A_268 = tpu.vector_load_idx %arg13[%get3A_252] : memref<20000xf32, #tpu.memory_space<vmem>>[vector<16xi32>], vector<16xf32>,
      %add3A_269 = arith.constant 10000 : i32
      %add3A_270 = vector.broadcast %add3A_269 : i32 to vector<16xi32>
      %add3A_271 = arith.addi %get3A_252, %add3A_270 : vector<16xi32>
      %gather3A_272 = tpu.vector_load_idx %arg13[%add3A_271] : memref<20000xf32, #tpu.memory_space<vmem>>[vector<16xi32>], vector<16xf32>,
      %mul3A_273 = arith.mulf %select_n3A_267, %gather3A_268 : vector<16xf32>
      tpu.vector_store_idx %arg15[%get3A_254], %mul3A_273 {add = true} : memref<20000xf32, #tpu.memory_space<vmem>>[vector<16xi32>], vector<16xf32>,
      %add3A_274 = arith.constant 10000 : i32
      %add3A_275 = vector.broadcast %add3A_274 : i32 to vector<16xi32>
      %add3A_276 = arith.addi %get3A_254, %add3A_275 : vector<16xi32>
      %mul3A_277 = arith.mulf %select_n3A_267, %gather3A_272 : vector<16xf32>
      tpu.vector_store_idx %arg15[%add3A_276], %mul3A_277 {add = true} : memref<20000xf32, #tpu.memory_space<vmem>>[vector<16xi32>], vector<16xf32>,
      %mul3A_278 = arith.constant 80 : i32
      %mul3A_279 = arith.muli %scan3A_191, %mul3A_278 : i32
      %add3A_280 = arith.constant 48 : i32
      %add3A_281 = arith.addi %mul3A_279, %add3A_280 : i32
      %get3A_282 = arith.index_cast %add3A_281 : i32 to index
      %get3A_283 = tpu.vector_load %arg10[%get3A_282] {strides = array<i32>} : memref<2000xi32, #tpu.memory_space<vmem>>, vector<16xi32>,
      %get3A_284 = arith.index_cast %add3A_281 : i32 to index
      %get3A_285 = tpu.vector_load %arg11[%get3A_284] {strides = array<i32>} : memref<2000xi32, #tpu.memory_space<vmem>>, vector<16xi32>,
      %get3A_286 = arith.index_cast %add3A_281 : i32 to index
      %get3A_287 = tpu.vector_load %arg12[%get3A_286] {strides = array<i32>} : memref<2000xf32, #tpu.memory_space<vmem>>, vector<16xf32>,
      %gather3A_288 = tpu.vector_load_idx %arg14[%get3A_283] : memref<10000xf32, #tpu.memory_space<vmem>>[vector<16xi32>], vector<16xf32>,
      %gather3A_289 = tpu.vector_load_idx %arg14[%get3A_285] : memref<10000xf32, #tpu.memory_space<vmem>>[vector<16xi32>], vector<16xf32>,
      %ne3A_290 = arith.cmpi ne, %get3A_283, %get3A_285 : vector<16xi32>
      %mul3A_291 = arith.mulf %gather3A_288, %get3A_287 : vector<16xf32>
      %mul3A_292 = arith.mulf %mul3A_291, %gather3A_289 : vector<16xf32>
      %neg3A_293 = arith.constant 0.000000e+00 : f32
      %neg3A_294 = vector.broadcast %neg3A_293 : f32 to vector<16xf32>
      %neg3A_295 = arith.subf %neg3A_294, %mul3A_292 : vector<16xf32>
      %jit3A_296 = arith.constant 0.000000e+00 : f32
      %broadcast_in_dim3A_297 = vector.broadcast %jit3A_296 : f32 to vector<16xf32>
      %select_n3A_298 = arith.select %ne3A_290, %neg3A_295, %broadcast_in_dim3A_297 : vector<16xi1>, vector<16xf32>
      %gather3A_299 = tpu.vector_load_idx %arg13[%get3A_283] : memref<20000xf32, #tpu.memory_space<vmem>>[vector<16xi32>], vector<16xf32>,
      %add3A_300 = arith.constant 10000 : i32
      %add3A_301 = vector.broadcast %add3A_300 : i32 to vector<16xi32>
      %add3A_302 = arith.addi %get3A_283, %add3A_301 : vector<16xi32>
      %gather3A_303 = tpu.vector_load_idx %arg13[%add3A_302] : memref<20000xf32, #tpu.memory_space<vmem>>[vector<16xi32>], vector<16xf32>,
      %mul3A_304 = arith.mulf %select_n3A_298, %gather3A_299 : vector<16xf32>
      tpu.vector_store_idx %arg15[%get3A_285], %mul3A_304 {add = true} : memref<20000xf32, #tpu.memory_space<vmem>>[vector<16xi32>], vector<16xf32>,
      %add3A_305 = arith.constant 10000 : i32
      %add3A_306 = vector.broadcast %add3A_305 : i32 to vector<16xi32>
      %add3A_307 = arith.addi %get3A_285, %add3A_306 : vector<16xi32>
      %mul3A_308 = arith.mulf %select_n3A_298, %gather3A_303 : vector<16xf32>
      tpu.vector_store_idx %arg15[%add3A_307], %mul3A_308 {add = true} : memref<20000xf32, #tpu.memory_space<vmem>>[vector<16xi32>], vector<16xf32>,
      %mul3A_309 = arith.constant 80 : i32
      %mul3A_310 = arith.muli %scan3A_191, %mul3A_309 : i32
      %add3A_311 = arith.constant 64 : i32
      %add3A_312 = arith.addi %mul3A_310, %add3A_311 : i32
      %get3A_313 = arith.index_cast %add3A_312 : i32 to index
      %get3A_314 = tpu.vector_load %arg10[%get3A_313] {strides = array<i32>} : memref<2000xi32, #tpu.memory_space<vmem>>, vector<16xi32>,
      %get3A_315 = arith.index_cast %add3A_312 : i32 to index
      %get3A_316 = tpu.vector_load %arg11[%get3A_315] {strides = array<i32>} : memref<2000xi32, #tpu.memory_space<vmem>>, vector<16xi32>,
      %get3A_317 = arith.index_cast %add3A_312 : i32 to index
      %get3A_318 = tpu.vector_load %arg12[%get3A_317] {strides = array<i32>} : memref<2000xf32, #tpu.memory_space<vmem>>, vector<16xf32>,
      %gather3A_319 = tpu.vector_load_idx %arg14[%get3A_314] : memref<10000xf32, #tpu.memory_space<vmem>>[vector<16xi32>], vector<16xf32>,
      %gather3A_320 = tpu.vector_load_idx %arg14[%get3A_316] : memref<10000xf32, #tpu.memory_space<vmem>>[vector<16xi32>], vector<16xf32>,
      %ne3A_321 = arith.cmpi ne, %get3A_314, %get3A_316 : vector<16xi32>
      %mul3A_322 = arith.mulf %gather3A_319, %get3A_318 : vector<16xf32>
      %mul3A_323 = arith.mulf %mul3A_322, %gather3A_320 : vector<16xf32>
      %neg3A_324 = arith.constant 0.000000e+00 : f32
      %neg3A_325 = vector.broadcast %neg3A_324 : f32 to vector<16xf32>
      %neg3A_326 = arith.subf %neg3A_325, %mul3A_323 : vector<16xf32>
      %jit3A_327 = arith.constant 0.000000e+00 : f32
      %broadcast_in_dim3A_328 = vector.broadcast %jit3A_327 : f32 to vector<16xf32>
      %select_n3A_329 = arith.select %ne3A_321, %neg3A_326, %broadcast_in_dim3A_328 : vector<16xi1>, vector<16xf32>
      %gather3A_330 = tpu.vector_load_idx %arg13[%get3A_314] : memref<20000xf32, #tpu.memory_space<vmem>>[vector<16xi32>], vector<16xf32>,
      %add3A_331 = arith.constant 10000 : i32
      %add3A_332 = vector.broadcast %add3A_331 : i32 to vector<16xi32>
      %add3A_333 = arith.addi %get3A_314, %add3A_332 : vector<16xi32>
      %gather3A_334 = tpu.vector_load_idx %arg13[%add3A_333] : memref<20000xf32, #tpu.memory_space<vmem>>[vector<16xi32>], vector<16xf32>,
      %mul3A_335 = arith.mulf %select_n3A_329, %gather3A_330 : vector<16xf32>
      tpu.vector_store_idx %arg15[%get3A_316], %mul3A_335 {add = true} : memref<20000xf32, #tpu.memory_space<vmem>>[vector<16xi32>], vector<16xf32>,
      %add3A_336 = arith.constant 10000 : i32
      %add3A_337 = vector.broadcast %add3A_336 : i32 to vector<16xi32>
      %add3A_338 = arith.addi %get3A_316, %add3A_337 : vector<16xi32>
      %mul3A_339 = arith.mulf %select_n3A_329, %gather3A_334 : vector<16xf32>
      tpu.vector_store_idx %arg15[%add3A_338], %mul3A_339 {add = true} : memref<20000xf32, #tpu.memory_space<vmem>>[vector<16xi32>], vector<16xf32>,
    }
    %scan3A_149 = arith.constant 25 : i32
    %dma_wait3A_150 = arith.constant 0 : i32
    %dma_wait3A_151 = tpu.memref_slice %arg2[%dma_wait3A_150, %add3A_120] : memref<2x320000xi32, #tpu.memory_space<hbm>> -> memref<1x2000xi32, #tpu.memory_space<hbm>>
    %dma_wait3A_152 = tpu.memref_squeeze %dma_wait3A_151 : memref<1x2000xi32, #tpu.memory_space<hbm>> -> memref<2000xi32, #tpu.memory_space<hbm>>
    %dma_wait3A_153 = tpu.memref_slice %arg2[%dma_wait3A_150, %add3A_120] : memref<2x320000xi32, #tpu.memory_space<hbm>> -> memref<1x2000xi32, #tpu.memory_space<hbm>>
    %dma_wait3A_154 = tpu.memref_squeeze %dma_wait3A_153 : memref<1x2000xi32, #tpu.memory_space<hbm>> -> memref<2000xi32, #tpu.memory_space<hbm>>
    tpu.wait_dma2 semaphore(%arg20 : memref<!tpu.dma_semaphore, #tpu.memory_space<semaphore_mem>>) src(%dma_wait3A_154 : memref<2000xi32, #tpu.memory_space<hbm>>) dst(%arg7 : memref<2000xi32, #tpu.memory_space<vmem>>)
    %dma_wait3A_155 = arith.constant 1 : i32
    %dma_wait3A_156 = tpu.memref_slice %arg2[%dma_wait3A_155, %add3A_120] : memref<2x320000xi32, #tpu.memory_space<hbm>> -> memref<1x2000xi32, #tpu.memory_space<hbm>>
    %dma_wait3A_157 = tpu.memref_squeeze %dma_wait3A_156 : memref<1x2000xi32, #tpu.memory_space<hbm>> -> memref<2000xi32, #tpu.memory_space<hbm>>
    %dma_wait3A_158 = tpu.memref_slice %arg2[%dma_wait3A_155, %add3A_120] : memref<2x320000xi32, #tpu.memory_space<hbm>> -> memref<1x2000xi32, #tpu.memory_space<hbm>>
    %dma_wait3A_159 = tpu.memref_squeeze %dma_wait3A_158 : memref<1x2000xi32, #tpu.memory_space<hbm>> -> memref<2000xi32, #tpu.memory_space<hbm>>
    tpu.wait_dma2 semaphore(%arg20 : memref<!tpu.dma_semaphore, #tpu.memory_space<semaphore_mem>>) src(%dma_wait3A_159 : memref<2000xi32, #tpu.memory_space<hbm>>) dst(%arg8 : memref<2000xi32, #tpu.memory_space<vmem>>)
    %dma_wait3A_160 = tpu.memref_slice %arg3[%add3A_120] : memref<320000xf32, #tpu.memory_space<hbm>> -> memref<2000xf32, #tpu.memory_space<hbm>>
    %dma_wait3A_161 = tpu.memref_slice %arg3[%add3A_120] : memref<320000xf32, #tpu.memory_space<hbm>> -> memref<2000xf32, #tpu.memory_space<hbm>>
    tpu.wait_dma2 semaphore(%arg20 : memref<!tpu.dma_semaphore, #tpu.memory_space<semaphore_mem>>) src(%dma_wait3A_161 : memref<2000xf32, #tpu.memory_space<hbm>>) dst(%arg9 : memref<2000xf32, #tpu.memory_space<vmem>>)
    %scan3A_162 = arith.constant 0 : i32
    %scan3A_163 = arith.constant 25 : i32
    %scan3A_164 = arith.addi %scan3A_162, %scan3A_163 : i32
    %scan3A_165 = arith.constant 1 : i32
    scf.for %scan3A_191 = %scan3A_162 to %scan3A_164 step %scan3A_165  : i32 {
      %mul3A_192 = arith.constant 80 : i32
      %mul3A_193 = arith.muli %scan3A_191, %mul3A_192 : i32
      %add3A_194 = arith.constant 0 : i32
      %add3A_195 = arith.addi %mul3A_193, %add3A_194 : i32
      %get3A = arith.index_cast %add3A_195 : i32 to index
      %get3A_196 = tpu.vector_load %arg7[%get3A] {strides = array<i32>} : memref<2000xi32, #tpu.memory_space<vmem>>, vector<16xi32>,
      %get3A_197 = arith.index_cast %add3A_195 : i32 to index
      %get3A_198 = tpu.vector_load %arg8[%get3A_197] {strides = array<i32>} : memref<2000xi32, #tpu.memory_space<vmem>>, vector<16xi32>,
      %get3A_199 = arith.index_cast %add3A_195 : i32 to index
      %get3A_200 = tpu.vector_load %arg9[%get3A_199] {strides = array<i32>} : memref<2000xf32, #tpu.memory_space<vmem>>, vector<16xf32>,
      %gather3A = tpu.vector_load_idx %arg14[%get3A_196] : memref<10000xf32, #tpu.memory_space<vmem>>[vector<16xi32>], vector<16xf32>,
      %gather3A_201 = tpu.vector_load_idx %arg14[%get3A_198] : memref<10000xf32, #tpu.memory_space<vmem>>[vector<16xi32>], vector<16xf32>,
      %ne3A = arith.cmpi ne, %get3A_196, %get3A_198 : vector<16xi32>
      %mul3A_202 = arith.mulf %gather3A, %get3A_200 : vector<16xf32>
      %mul3A_203 = arith.mulf %mul3A_202, %gather3A_201 : vector<16xf32>
      %neg3A = arith.constant 0.000000e+00 : f32
      %neg3A_204 = vector.broadcast %neg3A : f32 to vector<16xf32>
      %neg3A_205 = arith.subf %neg3A_204, %mul3A_203 : vector<16xf32>
      %jit3A = arith.constant 0.000000e+00 : f32
      %broadcast_in_dim3A = vector.broadcast %jit3A : f32 to vector<16xf32>
      %select_n3A = arith.select %ne3A, %neg3A_205, %broadcast_in_dim3A : vector<16xi1>, vector<16xf32>
      %gather3A_206 = tpu.vector_load_idx %arg13[%get3A_196] : memref<20000xf32, #tpu.memory_space<vmem>>[vector<16xi32>], vector<16xf32>,
      %add3A_207 = arith.constant 10000 : i32
      %add3A_208 = vector.broadcast %add3A_207 : i32 to vector<16xi32>
      %add3A_209 = arith.addi %get3A_196, %add3A_208 : vector<16xi32>
      %gather3A_210 = tpu.vector_load_idx %arg13[%add3A_209] : memref<20000xf32, #tpu.memory_space<vmem>>[vector<16xi32>], vector<16xf32>,
      %mul3A_211 = arith.mulf %select_n3A, %gather3A_206 : vector<16xf32>
      tpu.vector_store_idx %arg15[%get3A_198], %mul3A_211 {add = true} : memref<20000xf32, #tpu.memory_space<vmem>>[vector<16xi32>], vector<16xf32>,
      %add3A_212 = arith.constant 10000 : i32
      %add3A_213 = vector.broadcast %add3A_212 : i32 to vector<16xi32>
      %add3A_214 = arith.addi %get3A_198, %add3A_213 : vector<16xi32>
      %mul3A_215 = arith.mulf %select_n3A, %gather3A_210 : vector<16xf32>
      tpu.vector_store_idx %arg15[%add3A_214], %mul3A_215 {add = true} : memref<20000xf32, #tpu.memory_space<vmem>>[vector<16xi32>], vector<16xf32>,
      %mul3A_216 = arith.constant 80 : i32
      %mul3A_217 = arith.muli %scan3A_191, %mul3A_216 : i32
      %add3A_218 = arith.constant 16 : i32
      %add3A_219 = arith.addi %mul3A_217, %add3A_218 : i32
      %get3A_220 = arith.index_cast %add3A_219 : i32 to index
      %get3A_221 = tpu.vector_load %arg7[%get3A_220] {strides = array<i32>} : memref<2000xi32, #tpu.memory_space<vmem>>, vector<16xi32>,
      %get3A_222 = arith.index_cast %add3A_219 : i32 to index
      %get3A_223 = tpu.vector_load %arg8[%get3A_222] {strides = array<i32>} : memref<2000xi32, #tpu.memory_space<vmem>>, vector<16xi32>,
      %get3A_224 = arith.index_cast %add3A_219 : i32 to index
      %get3A_225 = tpu.vector_load %arg9[%get3A_224] {strides = array<i32>} : memref<2000xf32, #tpu.memory_space<vmem>>, vector<16xf32>,
      %gather3A_226 = tpu.vector_load_idx %arg14[%get3A_221] : memref<10000xf32, #tpu.memory_space<vmem>>[vector<16xi32>], vector<16xf32>,
      %gather3A_227 = tpu.vector_load_idx %arg14[%get3A_223] : memref<10000xf32, #tpu.memory_space<vmem>>[vector<16xi32>], vector<16xf32>,
      %ne3A_228 = arith.cmpi ne, %get3A_221, %get3A_223 : vector<16xi32>
      %mul3A_229 = arith.mulf %gather3A_226, %get3A_225 : vector<16xf32>
      %mul3A_230 = arith.mulf %mul3A_229, %gather3A_227 : vector<16xf32>
      %neg3A_231 = arith.constant 0.000000e+00 : f32
      %neg3A_232 = vector.broadcast %neg3A_231 : f32 to vector<16xf32>
      %neg3A_233 = arith.subf %neg3A_232, %mul3A_230 : vector<16xf32>
      %jit3A_234 = arith.constant 0.000000e+00 : f32
      %broadcast_in_dim3A_235 = vector.broadcast %jit3A_234 : f32 to vector<16xf32>
      %select_n3A_236 = arith.select %ne3A_228, %neg3A_233, %broadcast_in_dim3A_235 : vector<16xi1>, vector<16xf32>
      %gather3A_237 = tpu.vector_load_idx %arg13[%get3A_221] : memref<20000xf32, #tpu.memory_space<vmem>>[vector<16xi32>], vector<16xf32>,
      %add3A_238 = arith.constant 10000 : i32
      %add3A_239 = vector.broadcast %add3A_238 : i32 to vector<16xi32>
      %add3A_240 = arith.addi %get3A_221, %add3A_239 : vector<16xi32>
      %gather3A_241 = tpu.vector_load_idx %arg13[%add3A_240] : memref<20000xf32, #tpu.memory_space<vmem>>[vector<16xi32>], vector<16xf32>,
      %mul3A_242 = arith.mulf %select_n3A_236, %gather3A_237 : vector<16xf32>
      tpu.vector_store_idx %arg15[%get3A_223], %mul3A_242 {add = true} : memref<20000xf32, #tpu.memory_space<vmem>>[vector<16xi32>], vector<16xf32>,
      %add3A_243 = arith.constant 10000 : i32
      %add3A_244 = vector.broadcast %add3A_243 : i32 to vector<16xi32>
      %add3A_245 = arith.addi %get3A_223, %add3A_244 : vector<16xi32>
      %mul3A_246 = arith.mulf %select_n3A_236, %gather3A_241 : vector<16xf32>
      tpu.vector_store_idx %arg15[%add3A_245], %mul3A_246 {add = true} : memref<20000xf32, #tpu.memory_space<vmem>>[vector<16xi32>], vector<16xf32>,
      %mul3A_247 = arith.constant 80 : i32
      %mul3A_248 = arith.muli %scan3A_191, %mul3A_247 : i32
      %add3A_249 = arith.constant 32 : i32
      %add3A_250 = arith.addi %mul3A_248, %add3A_249 : i32
      %get3A_251 = arith.index_cast %add3A_250 : i32 to index
      %get3A_252 = tpu.vector_load %arg7[%get3A_251] {strides = array<i32>} : memref<2000xi32, #tpu.memory_space<vmem>>, vector<16xi32>,
      %get3A_253 = arith.index_cast %add3A_250 : i32 to index
      %get3A_254 = tpu.vector_load %arg8[%get3A_253] {strides = array<i32>} : memref<2000xi32, #tpu.memory_space<vmem>>, vector<16xi32>,
      %get3A_255 = arith.index_cast %add3A_250 : i32 to index
      %get3A_256 = tpu.vector_load %arg9[%get3A_255] {strides = array<i32>} : memref<2000xf32, #tpu.memory_space<vmem>>, vector<16xf32>,
      %gather3A_257 = tpu.vector_load_idx %arg14[%get3A_252] : memref<10000xf32, #tpu.memory_space<vmem>>[vector<16xi32>], vector<16xf32>,
      %gather3A_258 = tpu.vector_load_idx %arg14[%get3A_254] : memref<10000xf32, #tpu.memory_space<vmem>>[vector<16xi32>], vector<16xf32>,
      %ne3A_259 = arith.cmpi ne, %get3A_252, %get3A_254 : vector<16xi32>
      %mul3A_260 = arith.mulf %gather3A_257, %get3A_256 : vector<16xf32>
      %mul3A_261 = arith.mulf %mul3A_260, %gather3A_258 : vector<16xf32>
      %neg3A_262 = arith.constant 0.000000e+00 : f32
      %neg3A_263 = vector.broadcast %neg3A_262 : f32 to vector<16xf32>
      %neg3A_264 = arith.subf %neg3A_263, %mul3A_261 : vector<16xf32>
      %jit3A_265 = arith.constant 0.000000e+00 : f32
      %broadcast_in_dim3A_266 = vector.broadcast %jit3A_265 : f32 to vector<16xf32>
      %select_n3A_267 = arith.select %ne3A_259, %neg3A_264, %broadcast_in_dim3A_266 : vector<16xi1>, vector<16xf32>
      %gather3A_268 = tpu.vector_load_idx %arg13[%get3A_252] : memref<20000xf32, #tpu.memory_space<vmem>>[vector<16xi32>], vector<16xf32>,
      %add3A_269 = arith.constant 10000 : i32
      %add3A_270 = vector.broadcast %add3A_269 : i32 to vector<16xi32>
      %add3A_271 = arith.addi %get3A_252, %add3A_270 : vector<16xi32>
      %gather3A_272 = tpu.vector_load_idx %arg13[%add3A_271] : memref<20000xf32, #tpu.memory_space<vmem>>[vector<16xi32>], vector<16xf32>,
      %mul3A_273 = arith.mulf %select_n3A_267, %gather3A_268 : vector<16xf32>
      tpu.vector_store_idx %arg15[%get3A_254], %mul3A_273 {add = true} : memref<20000xf32, #tpu.memory_space<vmem>>[vector<16xi32>], vector<16xf32>,
      %add3A_274 = arith.constant 10000 : i32
      %add3A_275 = vector.broadcast %add3A_274 : i32 to vector<16xi32>
      %add3A_276 = arith.addi %get3A_254, %add3A_275 : vector<16xi32>
      %mul3A_277 = arith.mulf %select_n3A_267, %gather3A_272 : vector<16xf32>
      tpu.vector_store_idx %arg15[%add3A_276], %mul3A_277 {add = true} : memref<20000xf32, #tpu.memory_space<vmem>>[vector<16xi32>], vector<16xf32>,
      %mul3A_278 = arith.constant 80 : i32
      %mul3A_279 = arith.muli %scan3A_191, %mul3A_278 : i32
      %add3A_280 = arith.constant 48 : i32
      %add3A_281 = arith.addi %mul3A_279, %add3A_280 : i32
      %get3A_282 = arith.index_cast %add3A_281 : i32 to index
      %get3A_283 = tpu.vector_load %arg7[%get3A_282] {strides = array<i32>} : memref<2000xi32, #tpu.memory_space<vmem>>, vector<16xi32>,
      %get3A_284 = arith.index_cast %add3A_281 : i32 to index
      %get3A_285 = tpu.vector_load %arg8[%get3A_284] {strides = array<i32>} : memref<2000xi32, #tpu.memory_space<vmem>>, vector<16xi32>,
      %get3A_286 = arith.index_cast %add3A_281 : i32 to index
      %get3A_287 = tpu.vector_load %arg9[%get3A_286] {strides = array<i32>} : memref<2000xf32, #tpu.memory_space<vmem>>, vector<16xf32>,
      %gather3A_288 = tpu.vector_load_idx %arg14[%get3A_283] : memref<10000xf32, #tpu.memory_space<vmem>>[vector<16xi32>], vector<16xf32>,
      %gather3A_289 = tpu.vector_load_idx %arg14[%get3A_285] : memref<10000xf32, #tpu.memory_space<vmem>>[vector<16xi32>], vector<16xf32>,
      %ne3A_290 = arith.cmpi ne, %get3A_283, %get3A_285 : vector<16xi32>
      %mul3A_291 = arith.mulf %gather3A_288, %get3A_287 : vector<16xf32>
      %mul3A_292 = arith.mulf %mul3A_291, %gather3A_289 : vector<16xf32>
      %neg3A_293 = arith.constant 0.000000e+00 : f32
      %neg3A_294 = vector.broadcast %neg3A_293 : f32 to vector<16xf32>
      %neg3A_295 = arith.subf %neg3A_294, %mul3A_292 : vector<16xf32>
      %jit3A_296 = arith.constant 0.000000e+00 : f32
      %broadcast_in_dim3A_297 = vector.broadcast %jit3A_296 : f32 to vector<16xf32>
      %select_n3A_298 = arith.select %ne3A_290, %neg3A_295, %broadcast_in_dim3A_297 : vector<16xi1>, vector<16xf32>
      %gather3A_299 = tpu.vector_load_idx %arg13[%get3A_283] : memref<20000xf32, #tpu.memory_space<vmem>>[vector<16xi32>], vector<16xf32>,
      %add3A_300 = arith.constant 10000 : i32
      %add3A_301 = vector.broadcast %add3A_300 : i32 to vector<16xi32>
      %add3A_302 = arith.addi %get3A_283, %add3A_301 : vector<16xi32>
      %gather3A_303 = tpu.vector_load_idx %arg13[%add3A_302] : memref<20000xf32, #tpu.memory_space<vmem>>[vector<16xi32>], vector<16xf32>,
      %mul3A_304 = arith.mulf %select_n3A_298, %gather3A_299 : vector<16xf32>
      tpu.vector_store_idx %arg15[%get3A_285], %mul3A_304 {add = true} : memref<20000xf32, #tpu.memory_space<vmem>>[vector<16xi32>], vector<16xf32>,
      %add3A_305 = arith.constant 10000 : i32
      %add3A_306 = vector.broadcast %add3A_305 : i32 to vector<16xi32>
      %add3A_307 = arith.addi %get3A_285, %add3A_306 : vector<16xi32>
      %mul3A_308 = arith.mulf %select_n3A_298, %gather3A_303 : vector<16xf32>
      tpu.vector_store_idx %arg15[%add3A_307], %mul3A_308 {add = true} : memref<20000xf32, #tpu.memory_space<vmem>>[vector<16xi32>], vector<16xf32>,
      %mul3A_309 = arith.constant 80 : i32
      %mul3A_310 = arith.muli %scan3A_191, %mul3A_309 : i32
      %add3A_311 = arith.constant 64 : i32
      %add3A_312 = arith.addi %mul3A_310, %add3A_311 : i32
      %get3A_313 = arith.index_cast %add3A_312 : i32 to index
      %get3A_314 = tpu.vector_load %arg7[%get3A_313] {strides = array<i32>} : memref<2000xi32, #tpu.memory_space<vmem>>, vector<16xi32>,
      %get3A_315 = arith.index_cast %add3A_312 : i32 to index
      %get3A_316 = tpu.vector_load %arg8[%get3A_315] {strides = array<i32>} : memref<2000xi32, #tpu.memory_space<vmem>>, vector<16xi32>,
      %get3A_317 = arith.index_cast %add3A_312 : i32 to index
      %get3A_318 = tpu.vector_load %arg9[%get3A_317] {strides = array<i32>} : memref<2000xf32, #tpu.memory_space<vmem>>, vector<16xf32>,
      %gather3A_319 = tpu.vector_load_idx %arg14[%get3A_314] : memref<10000xf32, #tpu.memory_space<vmem>>[vector<16xi32>], vector<16xf32>,
      %gather3A_320 = tpu.vector_load_idx %arg14[%get3A_316] : memref<10000xf32, #tpu.memory_space<vmem>>[vector<16xi32>], vector<16xf32>,
      %ne3A_321 = arith.cmpi ne, %get3A_314, %get3A_316 : vector<16xi32>
      %mul3A_322 = arith.mulf %gather3A_319, %get3A_318 : vector<16xf32>
      %mul3A_323 = arith.mulf %mul3A_322, %gather3A_320 : vector<16xf32>
      %neg3A_324 = arith.constant 0.000000e+00 : f32
      %neg3A_325 = vector.broadcast %neg3A_324 : f32 to vector<16xf32>
      %neg3A_326 = arith.subf %neg3A_325, %mul3A_323 : vector<16xf32>
      %jit3A_327 = arith.constant 0.000000e+00 : f32
      %broadcast_in_dim3A_328 = vector.broadcast %jit3A_327 : f32 to vector<16xf32>
      %select_n3A_329 = arith.select %ne3A_321, %neg3A_326, %broadcast_in_dim3A_328 : vector<16xi1>, vector<16xf32>
      %gather3A_330 = tpu.vector_load_idx %arg13[%get3A_314] : memref<20000xf32, #tpu.memory_space<vmem>>[vector<16xi32>], vector<16xf32>,
      %add3A_331 = arith.constant 10000 : i32
      %add3A_332 = vector.broadcast %add3A_331 : i32 to vector<16xi32>
      %add3A_333 = arith.addi %get3A_314, %add3A_332 : vector<16xi32>
      %gather3A_334 = tpu.vector_load_idx %arg13[%add3A_333] : memref<20000xf32, #tpu.memory_space<vmem>>[vector<16xi32>], vector<16xf32>,
      %mul3A_335 = arith.mulf %select_n3A_329, %gather3A_330 : vector<16xf32>
      tpu.vector_store_idx %arg15[%get3A_316], %mul3A_335 {add = true} : memref<20000xf32, #tpu.memory_space<vmem>>[vector<16xi32>], vector<16xf32>,
      %add3A_336 = arith.constant 10000 : i32
      %add3A_337 = vector.broadcast %add3A_336 : i32 to vector<16xi32>
      %add3A_338 = arith.addi %get3A_316, %add3A_337 : vector<16xi32>
      %mul3A_339 = arith.mulf %select_n3A_329, %gather3A_334 : vector<16xf32>
      tpu.vector_store_idx %arg15[%add3A_338], %mul3A_339 {add = true} : memref<20000xf32, #tpu.memory_space<vmem>>[vector<16xi32>], vector<16xf32>,
    }
    %scan3A_166 = arith.constant 25 : i32
    %run_scoped3A = arith.constant 0 : i32
    "tpu.region"() ({
      %run_scoped3A_191 = tpu.sem_alloc : memref<!tpu.dma_semaphore, #tpu.memory_space<semaphore_mem>>
      %dma_start3A_192 = arith.constant 0 : i32
      %dma_start3A_193 = tpu.memref_slice %arg15[%dma_start3A_192] : memref<20000xf32, #tpu.memory_space<vmem>> -> memref<10000xf32, #tpu.memory_space<vmem>>
      %dma_start3A_194 = arith.constant 0 : i32
      %dma_start3A_195 = tpu.memref_slice %arg23[%arg1, %run_scoped3A, %dma_start3A_194] : memref<16x2x10240xf32, #tpu.memory_space<vmem_shared>> -> memref<1x1x10000xf32, #tpu.memory_space<vmem_shared>>
      %dma_start3A_196 = tpu.memref_squeeze %dma_start3A_195 : memref<1x1x10000xf32, #tpu.memory_space<vmem_shared>> -> memref<10000xf32, #tpu.memory_space<vmem_shared>>
      %dma_start3A_197 = arith.constant 0 : i32
      %dma_start3A_198 = tpu.memref_slice %arg23[%arg1, %run_scoped3A, %dma_start3A_197] : memref<16x2x10240xf32, #tpu.memory_space<vmem_shared>> -> memref<1x1x10000xf32, #tpu.memory_space<vmem_shared>>
      %dma_start3A_199 = tpu.memref_squeeze %dma_start3A_198 : memref<1x1x10000xf32, #tpu.memory_space<vmem_shared>> -> memref<10000xf32, #tpu.memory_space<vmem_shared>>
      %dma_start3A_200 = arith.constant 0 : i32
      %dma_start3A_201 = tpu.memref_slice %arg15[%dma_start3A_200] : memref<20000xf32, #tpu.memory_space<vmem>> -> memref<10000xf32, #tpu.memory_space<vmem>>
      tpu.enqueue_dma source(%dma_start3A_201 : memref<10000xf32, #tpu.memory_space<vmem>>) target(%dma_start3A_199 : memref<10000xf32, #tpu.memory_space<vmem_shared>>) target_semaphore(%run_scoped3A_191 : memref<!tpu.dma_semaphore, #tpu.memory_space<semaphore_mem>>)
      %dma_wait3A_202 = arith.constant 0 : i32
      %dma_wait3A_203 = tpu.memref_slice %arg15[%dma_wait3A_202] : memref<20000xf32, #tpu.memory_space<vmem>> -> memref<10000xf32, #tpu.memory_space<vmem>>
      %dma_wait3A_204 = arith.constant 0 : i32
      %dma_wait3A_205 = tpu.memref_slice %arg23[%arg1, %run_scoped3A, %dma_wait3A_204] : memref<16x2x10240xf32, #tpu.memory_space<vmem_shared>> -> memref<1x1x10000xf32, #tpu.memory_space<vmem_shared>>
      %dma_wait3A_206 = tpu.memref_squeeze %dma_wait3A_205 : memref<1x1x10000xf32, #tpu.memory_space<vmem_shared>> -> memref<10000xf32, #tpu.memory_space<vmem_shared>>
      %dma_wait3A_207 = arith.constant 0 : i32
      %dma_wait3A_208 = tpu.memref_slice %arg23[%arg1, %run_scoped3A, %dma_wait3A_207] : memref<16x2x10240xf32, #tpu.memory_space<vmem_shared>> -> memref<1x1x10000xf32, #tpu.memory_space<vmem_shared>>
      %dma_wait3A_209 = tpu.memref_squeeze %dma_wait3A_208 : memref<1x1x10000xf32, #tpu.memory_space<vmem_shared>> -> memref<10000xf32, #tpu.memory_space<vmem_shared>>
      %dma_wait3A_210 = arith.constant 0 : i32
      %dma_wait3A_211 = tpu.memref_slice %arg15[%dma_wait3A_210] : memref<20000xf32, #tpu.memory_space<vmem>> -> memref<10000xf32, #tpu.memory_space<vmem>>
      tpu.wait_dma2 semaphore(%run_scoped3A_191 : memref<!tpu.dma_semaphore, #tpu.memory_space<semaphore_mem>>) src(%dma_wait3A_211 : memref<10000xf32, #tpu.memory_space<vmem>>) dst(%dma_wait3A_209 : memref<10000xf32, #tpu.memory_space<vmem_shared>>)
      tpu.yield
    }) : () -> ()
    %run_scoped3A_167 = arith.constant 1 : i32
    "tpu.region"() ({
      %run_scoped3A_191 = tpu.sem_alloc : memref<!tpu.dma_semaphore, #tpu.memory_space<semaphore_mem>>
      %dma_start3A_192 = arith.constant 10000 : i32
      %dma_start3A_193 = tpu.memref_slice %arg15[%dma_start3A_192] : memref<20000xf32, #tpu.memory_space<vmem>> -> memref<10000xf32, #tpu.memory_space<vmem>>
      %dma_start3A_194 = arith.constant 0 : i32
      %dma_start3A_195 = tpu.memref_slice %arg23[%arg1, %run_scoped3A_167, %dma_start3A_194] : memref<16x2x10240xf32, #tpu.memory_space<vmem_shared>> -> memref<1x1x10000xf32, #tpu.memory_space<vmem_shared>>
      %dma_start3A_196 = tpu.memref_squeeze %dma_start3A_195 : memref<1x1x10000xf32, #tpu.memory_space<vmem_shared>> -> memref<10000xf32, #tpu.memory_space<vmem_shared>>
      %dma_start3A_197 = arith.constant 0 : i32
      %dma_start3A_198 = tpu.memref_slice %arg23[%arg1, %run_scoped3A_167, %dma_start3A_197] : memref<16x2x10240xf32, #tpu.memory_space<vmem_shared>> -> memref<1x1x10000xf32, #tpu.memory_space<vmem_shared>>
      %dma_start3A_199 = tpu.memref_squeeze %dma_start3A_198 : memref<1x1x10000xf32, #tpu.memory_space<vmem_shared>> -> memref<10000xf32, #tpu.memory_space<vmem_shared>>
      %dma_start3A_200 = arith.constant 10000 : i32
      %dma_start3A_201 = tpu.memref_slice %arg15[%dma_start3A_200] : memref<20000xf32, #tpu.memory_space<vmem>> -> memref<10000xf32, #tpu.memory_space<vmem>>
      tpu.enqueue_dma source(%dma_start3A_201 : memref<10000xf32, #tpu.memory_space<vmem>>) target(%dma_start3A_199 : memref<10000xf32, #tpu.memory_space<vmem_shared>>) target_semaphore(%run_scoped3A_191 : memref<!tpu.dma_semaphore, #tpu.memory_space<semaphore_mem>>)
      %dma_wait3A_202 = arith.constant 10000 : i32
      %dma_wait3A_203 = tpu.memref_slice %arg15[%dma_wait3A_202] : memref<20000xf32, #tpu.memory_space<vmem>> -> memref<10000xf32, #tpu.memory_space<vmem>>
      %dma_wait3A_204 = arith.constant 0 : i32
      %dma_wait3A_205 = tpu.memref_slice %arg23[%arg1, %run_scoped3A_167, %dma_wait3A_204] : memref<16x2x10240xf32, #tpu.memory_space<vmem_shared>> -> memref<1x1x10000xf32, #tpu.memory_space<vmem_shared>>
      %dma_wait3A_206 = tpu.memref_squeeze %dma_wait3A_205 : memref<1x1x10000xf32, #tpu.memory_space<vmem_shared>> -> memref<10000xf32, #tpu.memory_space<vmem_shared>>
      %dma_wait3A_207 = arith.constant 0 : i32
      %dma_wait3A_208 = tpu.memref_slice %arg23[%arg1, %run_scoped3A_167, %dma_wait3A_207] : memref<16x2x10240xf32, #tpu.memory_space<vmem_shared>> -> memref<1x1x10000xf32, #tpu.memory_space<vmem_shared>>
      %dma_wait3A_209 = tpu.memref_squeeze %dma_wait3A_208 : memref<1x1x10000xf32, #tpu.memory_space<vmem_shared>> -> memref<10000xf32, #tpu.memory_space<vmem_shared>>
      %dma_wait3A_210 = arith.constant 10000 : i32
      %dma_wait3A_211 = tpu.memref_slice %arg15[%dma_wait3A_210] : memref<20000xf32, #tpu.memory_space<vmem>> -> memref<10000xf32, #tpu.memory_space<vmem>>
      tpu.wait_dma2 semaphore(%run_scoped3A_191 : memref<!tpu.dma_semaphore, #tpu.memory_space<semaphore_mem>>) src(%dma_wait3A_211 : memref<10000xf32, #tpu.memory_space<vmem>>) dst(%dma_wait3A_209 : memref<10000xf32, #tpu.memory_space<vmem_shared>>)
      tpu.yield
    }) : () -> ()
    %barrier3A_168 = arith.constant 0 : index
    tpu.barrier barrier_id(%barrier3A_168)
    %mul3A_169 = arith.constant 640 : i32
    %mul3A_170 = arith.muli %arg1, %mul3A_169 : i32
    %run_scoped3A_171 = arith.constant 0 : i32
    "tpu.region"() ({
      %run_scoped3A_191 = tpu.sem_alloc : memref<!tpu.dma_semaphore, #tpu.memory_space<semaphore_mem>>
      %dma_start3A_192 = arith.constant 0 : i32
      %dma_start3A_193 = tpu.memref_slice %arg23[%dma_start3A_192, %run_scoped3A_171, %mul3A_170] : memref<16x2x10240xf32, #tpu.memory_space<vmem_shared>> -> memref<16x1x640xf32, #tpu.memory_space<vmem_shared>>
      %dma_start3A_194 = tpu.memref_squeeze %dma_start3A_193 : memref<16x1x640xf32, #tpu.memory_space<vmem_shared>> -> memref<16x640xf32, #tpu.memory_space<vmem_shared>>
      %dma_start3A_195 = arith.constant 0 : i32
      %dma_start3A_196 = tpu.memref_slice %arg23[%dma_start3A_195, %run_scoped3A_171, %mul3A_170] : memref<16x2x10240xf32, #tpu.memory_space<vmem_shared>> -> memref<16x1x640xf32, #tpu.memory_space<vmem_shared>>
      %dma_start3A_197 = tpu.memref_squeeze %dma_start3A_196 : memref<16x1x640xf32, #tpu.memory_space<vmem_shared>> -> memref<16x640xf32, #tpu.memory_space<vmem_shared>>
      tpu.enqueue_dma source(%dma_start3A_197 : memref<16x640xf32, #tpu.memory_space<vmem_shared>>) target(%arg16 : memref<16x640xf32, #tpu.memory_space<vmem>>) target_semaphore(%run_scoped3A_191 : memref<!tpu.dma_semaphore, #tpu.memory_space<semaphore_mem>>)
      %dma_wait3A_198 = arith.constant 0 : i32
      %dma_wait3A_199 = tpu.memref_slice %arg23[%dma_wait3A_198, %run_scoped3A_171, %mul3A_170] : memref<16x2x10240xf32, #tpu.memory_space<vmem_shared>> -> memref<16x1x640xf32, #tpu.memory_space<vmem_shared>>
      %dma_wait3A_200 = tpu.memref_squeeze %dma_wait3A_199 : memref<16x1x640xf32, #tpu.memory_space<vmem_shared>> -> memref<16x640xf32, #tpu.memory_space<vmem_shared>>
      %dma_wait3A_201 = arith.constant 0 : i32
      %dma_wait3A_202 = tpu.memref_slice %arg23[%dma_wait3A_201, %run_scoped3A_171, %mul3A_170] : memref<16x2x10240xf32, #tpu.memory_space<vmem_shared>> -> memref<16x1x640xf32, #tpu.memory_space<vmem_shared>>
      %dma_wait3A_203 = tpu.memref_squeeze %dma_wait3A_202 : memref<16x1x640xf32, #tpu.memory_space<vmem_shared>> -> memref<16x640xf32, #tpu.memory_space<vmem_shared>>
      tpu.wait_dma2 semaphore(%run_scoped3A_191 : memref<!tpu.dma_semaphore, #tpu.memory_space<semaphore_mem>>) src(%dma_wait3A_203 : memref<16x640xf32, #tpu.memory_space<vmem_shared>>) dst(%arg16 : memref<16x640xf32, #tpu.memory_space<vmem>>)
      tpu.yield
    }) : () -> ()
    %scan3A_172 = arith.constant 0 : i32
    %scan3A_173 = arith.constant 40 : i32
    %scan3A_174 = arith.addi %scan3A_172, %scan3A_173 : i32
    %scan3A_175 = arith.constant 1 : i32
    scf.for %scan3A_191 = %scan3A_172 to %scan3A_174 step %scan3A_175  : i32 {
      %mul3A_192 = arith.constant 16 : i32
      %mul3A_193 = arith.muli %scan3A_191, %mul3A_192 : i32
      %get3A = arith.constant 0 : i32
      %get3A_194 = arith.index_cast %get3A : i32 to index
      %get3A_195 = arith.index_cast %mul3A_193 : i32 to index
      %get3A_196 = tpu.vector_load %arg16[%get3A_194, %get3A_195] {strides = array<i32>} : memref<16x640xf32, #tpu.memory_space<vmem>>, vector<16xf32>,
      %mul3A_197 = arith.constant 16 : i32
      %mul3A_198 = arith.muli %scan3A_191, %mul3A_197 : i32
      %get3A_199 = arith.constant 1 : i32
      %get3A_200 = arith.index_cast %get3A_199 : i32 to index
      %get3A_201 = arith.index_cast %mul3A_198 : i32 to index
      %get3A_202 = tpu.vector_load %arg16[%get3A_200, %get3A_201] {strides = array<i32>} : memref<16x640xf32, #tpu.memory_space<vmem>>, vector<16xf32>,
      %add3A_203 = arith.addf %get3A_196, %get3A_202 : vector<16xf32>
      %mul3A_204 = arith.constant 16 : i32
      %mul3A_205 = arith.muli %scan3A_191, %mul3A_204 : i32
      %get3A_206 = arith.constant 2 : i32
      %get3A_207 = arith.index_cast %get3A_206 : i32 to index
      %get3A_208 = arith.index_cast %mul3A_205 : i32 to index
      %get3A_209 = tpu.vector_load %arg16[%get3A_207, %get3A_208] {strides = array<i32>} : memref<16x640xf32, #tpu.memory_space<vmem>>, vector<16xf32>,
      %add3A_210 = arith.addf %add3A_203, %get3A_209 : vector<16xf32>
      %mul3A_211 = arith.constant 16 : i32
      %mul3A_212 = arith.muli %scan3A_191, %mul3A_211 : i32
      %get3A_213 = arith.constant 3 : i32
      %get3A_214 = arith.index_cast %get3A_213 : i32 to index
      %get3A_215 = arith.index_cast %mul3A_212 : i32 to index
      %get3A_216 = tpu.vector_load %arg16[%get3A_214, %get3A_215] {strides = array<i32>} : memref<16x640xf32, #tpu.memory_space<vmem>>, vector<16xf32>,
      %add3A_217 = arith.addf %add3A_210, %get3A_216 : vector<16xf32>
      %mul3A_218 = arith.constant 16 : i32
      %mul3A_219 = arith.muli %scan3A_191, %mul3A_218 : i32
      %get3A_220 = arith.constant 4 : i32
      %get3A_221 = arith.index_cast %get3A_220 : i32 to index
      %get3A_222 = arith.index_cast %mul3A_219 : i32 to index
      %get3A_223 = tpu.vector_load %arg16[%get3A_221, %get3A_222] {strides = array<i32>} : memref<16x640xf32, #tpu.memory_space<vmem>>, vector<16xf32>,
      %add3A_224 = arith.addf %add3A_217, %get3A_223 : vector<16xf32>
      %mul3A_225 = arith.constant 16 : i32
      %mul3A_226 = arith.muli %scan3A_191, %mul3A_225 : i32
      %get3A_227 = arith.constant 5 : i32
      %get3A_228 = arith.index_cast %get3A_227 : i32 to index
      %get3A_229 = arith.index_cast %mul3A_226 : i32 to index
      %get3A_230 = tpu.vector_load %arg16[%get3A_228, %get3A_229] {strides = array<i32>} : memref<16x640xf32, #tpu.memory_space<vmem>>, vector<16xf32>,
      %add3A_231 = arith.addf %add3A_224, %get3A_230 : vector<16xf32>
      %mul3A_232 = arith.constant 16 : i32
      %mul3A_233 = arith.muli %scan3A_191, %mul3A_232 : i32
      %get3A_234 = arith.constant 6 : i32
      %get3A_235 = arith.index_cast %get3A_234 : i32 to index
      %get3A_236 = arith.index_cast %mul3A_233 : i32 to index
      %get3A_237 = tpu.vector_load %arg16[%get3A_235, %get3A_236] {strides = array<i32>} : memref<16x640xf32, #tpu.memory_space<vmem>>, vector<16xf32>,
      %add3A_238 = arith.addf %add3A_231, %get3A_237 : vector<16xf32>
      %mul3A_239 = arith.constant 16 : i32
      %mul3A_240 = arith.muli %scan3A_191, %mul3A_239 : i32
      %get3A_241 = arith.constant 7 : i32
      %get3A_242 = arith.index_cast %get3A_241 : i32 to index
      %get3A_243 = arith.index_cast %mul3A_240 : i32 to index
      %get3A_244 = tpu.vector_load %arg16[%get3A_242, %get3A_243] {strides = array<i32>} : memref<16x640xf32, #tpu.memory_space<vmem>>, vector<16xf32>,
      %add3A_245 = arith.addf %add3A_238, %get3A_244 : vector<16xf32>
      %mul3A_246 = arith.constant 16 : i32
      %mul3A_247 = arith.muli %scan3A_191, %mul3A_246 : i32
      %get3A_248 = arith.constant 8 : i32
      %get3A_249 = arith.index_cast %get3A_248 : i32 to index
      %get3A_250 = arith.index_cast %mul3A_247 : i32 to index
      %get3A_251 = tpu.vector_load %arg16[%get3A_249, %get3A_250] {strides = array<i32>} : memref<16x640xf32, #tpu.memory_space<vmem>>, vector<16xf32>,
      %add3A_252 = arith.addf %add3A_245, %get3A_251 : vector<16xf32>
      %mul3A_253 = arith.constant 16 : i32
      %mul3A_254 = arith.muli %scan3A_191, %mul3A_253 : i32
      %get3A_255 = arith.constant 9 : i32
      %get3A_256 = arith.index_cast %get3A_255 : i32 to index
      %get3A_257 = arith.index_cast %mul3A_254 : i32 to index
      %get3A_258 = tpu.vector_load %arg16[%get3A_256, %get3A_257] {strides = array<i32>} : memref<16x640xf32, #tpu.memory_space<vmem>>, vector<16xf32>,
      %add3A_259 = arith.addf %add3A_252, %get3A_258 : vector<16xf32>
      %mul3A_260 = arith.constant 16 : i32
      %mul3A_261 = arith.muli %scan3A_191, %mul3A_260 : i32
      %get3A_262 = arith.constant 10 : i32
      %get3A_263 = arith.index_cast %get3A_262 : i32 to index
      %get3A_264 = arith.index_cast %mul3A_261 : i32 to index
      %get3A_265 = tpu.vector_load %arg16[%get3A_263, %get3A_264] {strides = array<i32>} : memref<16x640xf32, #tpu.memory_space<vmem>>, vector<16xf32>,
      %add3A_266 = arith.addf %add3A_259, %get3A_265 : vector<16xf32>
      %mul3A_267 = arith.constant 16 : i32
      %mul3A_268 = arith.muli %scan3A_191, %mul3A_267 : i32
      %get3A_269 = arith.constant 11 : i32
      %get3A_270 = arith.index_cast %get3A_269 : i32 to index
      %get3A_271 = arith.index_cast %mul3A_268 : i32 to index
      %get3A_272 = tpu.vector_load %arg16[%get3A_270, %get3A_271] {strides = array<i32>} : memref<16x640xf32, #tpu.memory_space<vmem>>, vector<16xf32>,
      %add3A_273 = arith.addf %add3A_266, %get3A_272 : vector<16xf32>
      %mul3A_274 = arith.constant 16 : i32
      %mul3A_275 = arith.muli %scan3A_191, %mul3A_274 : i32
      %get3A_276 = arith.constant 12 : i32
      %get3A_277 = arith.index_cast %get3A_276 : i32 to index
      %get3A_278 = arith.index_cast %mul3A_275 : i32 to index
      %get3A_279 = tpu.vector_load %arg16[%get3A_277, %get3A_278] {strides = array<i32>} : memref<16x640xf32, #tpu.memory_space<vmem>>, vector<16xf32>,
      %add3A_280 = arith.addf %add3A_273, %get3A_279 : vector<16xf32>
      %mul3A_281 = arith.constant 16 : i32
      %mul3A_282 = arith.muli %scan3A_191, %mul3A_281 : i32
      %get3A_283 = arith.constant 13 : i32
      %get3A_284 = arith.index_cast %get3A_283 : i32 to index
      %get3A_285 = arith.index_cast %mul3A_282 : i32 to index
      %get3A_286 = tpu.vector_load %arg16[%get3A_284, %get3A_285] {strides = array<i32>} : memref<16x640xf32, #tpu.memory_space<vmem>>, vector<16xf32>,
      %add3A_287 = arith.addf %add3A_280, %get3A_286 : vector<16xf32>
      %mul3A_288 = arith.constant 16 : i32
      %mul3A_289 = arith.muli %scan3A_191, %mul3A_288 : i32
      %get3A_290 = arith.constant 14 : i32
      %get3A_291 = arith.index_cast %get3A_290 : i32 to index
      %get3A_292 = arith.index_cast %mul3A_289 : i32 to index
      %get3A_293 = tpu.vector_load %arg16[%get3A_291, %get3A_292] {strides = array<i32>} : memref<16x640xf32, #tpu.memory_space<vmem>>, vector<16xf32>,
      %add3A_294 = arith.addf %add3A_287, %get3A_293 : vector<16xf32>
      %mul3A_295 = arith.constant 16 : i32
      %mul3A_296 = arith.muli %scan3A_191, %mul3A_295 : i32
      %get3A_297 = arith.constant 15 : i32
      %get3A_298 = arith.index_cast %get3A_297 : i32 to index
      %get3A_299 = arith.index_cast %mul3A_296 : i32 to index
      %get3A_300 = tpu.vector_load %arg16[%get3A_298, %get3A_299] {strides = array<i32>} : memref<16x640xf32, #tpu.memory_space<vmem>>, vector<16xf32>,
      %add3A_301 = arith.addf %add3A_294, %get3A_300 : vector<16xf32>
      %mul3A_302 = arith.constant 16 : i32
      %mul3A_303 = arith.muli %scan3A_191, %mul3A_302 : i32
      %swap3A = arith.index_cast %mul3A_303 : i32 to index
      %swap3A_304 = tpu.vector_load %arg17[%swap3A] {strides = array<i32>} : memref<640xf32, #tpu.memory_space<vmem>>, vector<16xf32>,
      tpu.vector_store %arg17[%swap3A], %add3A_301 {strides = array<i32>} : memref<640xf32, #tpu.memory_space<vmem>>, vector<16xf32>,
    }
    %scan3A_176 = arith.constant 40 : i32
    %mul3A_177 = arith.constant 640 : i32
    %mul3A_178 = arith.muli %arg1, %mul3A_177 : i32
    %run_scoped3A_179 = arith.constant 0 : i32
    "tpu.region"() ({
      %run_scoped3A_191 = tpu.sem_alloc : memref<!tpu.dma_semaphore, #tpu.memory_space<semaphore_mem>>
      %dma_start3A_192 = tpu.memref_slice %arg6[%run_scoped3A_179, %arg0, %mul3A_178] : memref<2x2x10240xf32, #tpu.memory_space<hbm>> -> memref<1x1x640xf32, #tpu.memory_space<hbm>>
      %dma_start3A_193 = tpu.memref_squeeze %dma_start3A_192 : memref<1x1x640xf32, #tpu.memory_space<hbm>> -> memref<640xf32, #tpu.memory_space<hbm>>
      %dma_start3A_194 = tpu.memref_slice %arg6[%run_scoped3A_179, %arg0, %mul3A_178] : memref<2x2x10240xf32, #tpu.memory_space<hbm>> -> memref<1x1x640xf32, #tpu.memory_space<hbm>>
      %dma_start3A_195 = tpu.memref_squeeze %dma_start3A_194 : memref<1x1x640xf32, #tpu.memory_space<hbm>> -> memref<640xf32, #tpu.memory_space<hbm>>
      tpu.enqueue_dma source(%arg17 : memref<640xf32, #tpu.memory_space<vmem>>) target(%dma_start3A_195 : memref<640xf32, #tpu.memory_space<hbm>>) target_semaphore(%run_scoped3A_191 : memref<!tpu.dma_semaphore, #tpu.memory_space<semaphore_mem>>)
      %dma_wait3A_196 = tpu.memref_slice %arg6[%run_scoped3A_179, %arg0, %mul3A_178] : memref<2x2x10240xf32, #tpu.memory_space<hbm>> -> memref<1x1x640xf32, #tpu.memory_space<hbm>>
      %dma_wait3A_197 = tpu.memref_squeeze %dma_wait3A_196 : memref<1x1x640xf32, #tpu.memory_space<hbm>> -> memref<640xf32, #tpu.memory_space<hbm>>
      %dma_wait3A_198 = tpu.memref_slice %arg6[%run_scoped3A_179, %arg0, %mul3A_178] : memref<2x2x10240xf32, #tpu.memory_space<hbm>> -> memref<1x1x640xf32, #tpu.memory_space<hbm>>
      %dma_wait3A_199 = tpu.memref_squeeze %dma_wait3A_198 : memref<1x1x640xf32, #tpu.memory_space<hbm>> -> memref<640xf32, #tpu.memory_space<hbm>>
      tpu.wait_dma2 semaphore(%run_scoped3A_191 : memref<!tpu.dma_semaphore, #tpu.memory_space<semaphore_mem>>) src(%arg17 : memref<640xf32, #tpu.memory_space<vmem>>) dst(%dma_wait3A_199 : memref<640xf32, #tpu.memory_space<hbm>>)
      tpu.yield
    }) : () -> ()
    %mul3A_180 = arith.constant 640 : i32
    %mul3A_181 = arith.muli %arg1, %mul3A_180 : i32
    %run_scoped3A_182 = arith.constant 1 : i32
    "tpu.region"() ({
      %run_scoped3A_191 = tpu.sem_alloc : memref<!tpu.dma_semaphore, #tpu.memory_space<semaphore_mem>>
      %dma_start3A_192 = arith.constant 0 : i32
      %dma_start3A_193 = tpu.memref_slice %arg23[%dma_start3A_192, %run_scoped3A_182, %mul3A_181] : memref<16x2x10240xf32, #tpu.memory_space<vmem_shared>> -> memref<16x1x640xf32, #tpu.memory_space<vmem_shared>>
      %dma_start3A_194 = tpu.memref_squeeze %dma_start3A_193 : memref<16x1x640xf32, #tpu.memory_space<vmem_shared>> -> memref<16x640xf32, #tpu.memory_space<vmem_shared>>
      %dma_start3A_195 = arith.constant 0 : i32
      %dma_start3A_196 = tpu.memref_slice %arg23[%dma_start3A_195, %run_scoped3A_182, %mul3A_181] : memref<16x2x10240xf32, #tpu.memory_space<vmem_shared>> -> memref<16x1x640xf32, #tpu.memory_space<vmem_shared>>
      %dma_start3A_197 = tpu.memref_squeeze %dma_start3A_196 : memref<16x1x640xf32, #tpu.memory_space<vmem_shared>> -> memref<16x640xf32, #tpu.memory_space<vmem_shared>>
      tpu.enqueue_dma source(%dma_start3A_197 : memref<16x640xf32, #tpu.memory_space<vmem_shared>>) target(%arg16 : memref<16x640xf32, #tpu.memory_space<vmem>>) target_semaphore(%run_scoped3A_191 : memref<!tpu.dma_semaphore, #tpu.memory_space<semaphore_mem>>)
      %dma_wait3A_198 = arith.constant 0 : i32
      %dma_wait3A_199 = tpu.memref_slice %arg23[%dma_wait3A_198, %run_scoped3A_182, %mul3A_181] : memref<16x2x10240xf32, #tpu.memory_space<vmem_shared>> -> memref<16x1x640xf32, #tpu.memory_space<vmem_shared>>
      %dma_wait3A_200 = tpu.memref_squeeze %dma_wait3A_199 : memref<16x1x640xf32, #tpu.memory_space<vmem_shared>> -> memref<16x640xf32, #tpu.memory_space<vmem_shared>>
      %dma_wait3A_201 = arith.constant 0 : i32
      %dma_wait3A_202 = tpu.memref_slice %arg23[%dma_wait3A_201, %run_scoped3A_182, %mul3A_181] : memref<16x2x10240xf32, #tpu.memory_space<vmem_shared>> -> memref<16x1x640xf32, #tpu.memory_space<vmem_shared>>
      %dma_wait3A_203 = tpu.memref_squeeze %dma_wait3A_202 : memref<16x1x640xf32, #tpu.memory_space<vmem_shared>> -> memref<16x640xf32, #tpu.memory_space<vmem_shared>>
      tpu.wait_dma2 semaphore(%run_scoped3A_191 : memref<!tpu.dma_semaphore, #tpu.memory_space<semaphore_mem>>) src(%dma_wait3A_203 : memref<16x640xf32, #tpu.memory_space<vmem_shared>>) dst(%arg16 : memref<16x640xf32, #tpu.memory_space<vmem>>)
      tpu.yield
    }) : () -> ()
    %scan3A_183 = arith.constant 0 : i32
    %scan3A_184 = arith.constant 40 : i32
    %scan3A_185 = arith.addi %scan3A_183, %scan3A_184 : i32
    %scan3A_186 = arith.constant 1 : i32
    scf.for %scan3A_191 = %scan3A_183 to %scan3A_185 step %scan3A_186  : i32 {
      %mul3A_192 = arith.constant 16 : i32
      %mul3A_193 = arith.muli %scan3A_191, %mul3A_192 : i32
      %get3A = arith.constant 0 : i32
      %get3A_194 = arith.index_cast %get3A : i32 to index
      %get3A_195 = arith.index_cast %mul3A_193 : i32 to index
      %get3A_196 = tpu.vector_load %arg16[%get3A_194, %get3A_195] {strides = array<i32>} : memref<16x640xf32, #tpu.memory_space<vmem>>, vector<16xf32>,
      %mul3A_197 = arith.constant 16 : i32
      %mul3A_198 = arith.muli %scan3A_191, %mul3A_197 : i32
      %get3A_199 = arith.constant 1 : i32
      %get3A_200 = arith.index_cast %get3A_199 : i32 to index
      %get3A_201 = arith.index_cast %mul3A_198 : i32 to index
      %get3A_202 = tpu.vector_load %arg16[%get3A_200, %get3A_201] {strides = array<i32>} : memref<16x640xf32, #tpu.memory_space<vmem>>, vector<16xf32>,
      %add3A_203 = arith.addf %get3A_196, %get3A_202 : vector<16xf32>
      %mul3A_204 = arith.constant 16 : i32
      %mul3A_205 = arith.muli %scan3A_191, %mul3A_204 : i32
      %get3A_206 = arith.constant 2 : i32
      %get3A_207 = arith.index_cast %get3A_206 : i32 to index
      %get3A_208 = arith.index_cast %mul3A_205 : i32 to index
      %get3A_209 = tpu.vector_load %arg16[%get3A_207, %get3A_208] {strides = array<i32>} : memref<16x640xf32, #tpu.memory_space<vmem>>, vector<16xf32>,
      %add3A_210 = arith.addf %add3A_203, %get3A_209 : vector<16xf32>
      %mul3A_211 = arith.constant 16 : i32
      %mul3A_212 = arith.muli %scan3A_191, %mul3A_211 : i32
      %get3A_213 = arith.constant 3 : i32
      %get3A_214 = arith.index_cast %get3A_213 : i32 to index
      %get3A_215 = arith.index_cast %mul3A_212 : i32 to index
      %get3A_216 = tpu.vector_load %arg16[%get3A_214, %get3A_215] {strides = array<i32>} : memref<16x640xf32, #tpu.memory_space<vmem>>, vector<16xf32>,
      %add3A_217 = arith.addf %add3A_210, %get3A_216 : vector<16xf32>
      %mul3A_218 = arith.constant 16 : i32
      %mul3A_219 = arith.muli %scan3A_191, %mul3A_218 : i32
      %get3A_220 = arith.constant 4 : i32
      %get3A_221 = arith.index_cast %get3A_220 : i32 to index
      %get3A_222 = arith.index_cast %mul3A_219 : i32 to index
      %get3A_223 = tpu.vector_load %arg16[%get3A_221, %get3A_222] {strides = array<i32>} : memref<16x640xf32, #tpu.memory_space<vmem>>, vector<16xf32>,
      %add3A_224 = arith.addf %add3A_217, %get3A_223 : vector<16xf32>
      %mul3A_225 = arith.constant 16 : i32
      %mul3A_226 = arith.muli %scan3A_191, %mul3A_225 : i32
      %get3A_227 = arith.constant 5 : i32
      %get3A_228 = arith.index_cast %get3A_227 : i32 to index
      %get3A_229 = arith.index_cast %mul3A_226 : i32 to index
      %get3A_230 = tpu.vector_load %arg16[%get3A_228, %get3A_229] {strides = array<i32>} : memref<16x640xf32, #tpu.memory_space<vmem>>, vector<16xf32>,
      %add3A_231 = arith.addf %add3A_224, %get3A_230 : vector<16xf32>
      %mul3A_232 = arith.constant 16 : i32
      %mul3A_233 = arith.muli %scan3A_191, %mul3A_232 : i32
      %get3A_234 = arith.constant 6 : i32
      %get3A_235 = arith.index_cast %get3A_234 : i32 to index
      %get3A_236 = arith.index_cast %mul3A_233 : i32 to index
      %get3A_237 = tpu.vector_load %arg16[%get3A_235, %get3A_236] {strides = array<i32>} : memref<16x640xf32, #tpu.memory_space<vmem>>, vector<16xf32>,
      %add3A_238 = arith.addf %add3A_231, %get3A_237 : vector<16xf32>
      %mul3A_239 = arith.constant 16 : i32
      %mul3A_240 = arith.muli %scan3A_191, %mul3A_239 : i32
      %get3A_241 = arith.constant 7 : i32
      %get3A_242 = arith.index_cast %get3A_241 : i32 to index
      %get3A_243 = arith.index_cast %mul3A_240 : i32 to index
      %get3A_244 = tpu.vector_load %arg16[%get3A_242, %get3A_243] {strides = array<i32>} : memref<16x640xf32, #tpu.memory_space<vmem>>, vector<16xf32>,
      %add3A_245 = arith.addf %add3A_238, %get3A_244 : vector<16xf32>
      %mul3A_246 = arith.constant 16 : i32
      %mul3A_247 = arith.muli %scan3A_191, %mul3A_246 : i32
      %get3A_248 = arith.constant 8 : i32
      %get3A_249 = arith.index_cast %get3A_248 : i32 to index
      %get3A_250 = arith.index_cast %mul3A_247 : i32 to index
      %get3A_251 = tpu.vector_load %arg16[%get3A_249, %get3A_250] {strides = array<i32>} : memref<16x640xf32, #tpu.memory_space<vmem>>, vector<16xf32>,
      %add3A_252 = arith.addf %add3A_245, %get3A_251 : vector<16xf32>
      %mul3A_253 = arith.constant 16 : i32
      %mul3A_254 = arith.muli %scan3A_191, %mul3A_253 : i32
      %get3A_255 = arith.constant 9 : i32
      %get3A_256 = arith.index_cast %get3A_255 : i32 to index
      %get3A_257 = arith.index_cast %mul3A_254 : i32 to index
      %get3A_258 = tpu.vector_load %arg16[%get3A_256, %get3A_257] {strides = array<i32>} : memref<16x640xf32, #tpu.memory_space<vmem>>, vector<16xf32>,
      %add3A_259 = arith.addf %add3A_252, %get3A_258 : vector<16xf32>
      %mul3A_260 = arith.constant 16 : i32
      %mul3A_261 = arith.muli %scan3A_191, %mul3A_260 : i32
      %get3A_262 = arith.constant 10 : i32
      %get3A_263 = arith.index_cast %get3A_262 : i32 to index
      %get3A_264 = arith.index_cast %mul3A_261 : i32 to index
      %get3A_265 = tpu.vector_load %arg16[%get3A_263, %get3A_264] {strides = array<i32>} : memref<16x640xf32, #tpu.memory_space<vmem>>, vector<16xf32>,
      %add3A_266 = arith.addf %add3A_259, %get3A_265 : vector<16xf32>
      %mul3A_267 = arith.constant 16 : i32
      %mul3A_268 = arith.muli %scan3A_191, %mul3A_267 : i32
      %get3A_269 = arith.constant 11 : i32
      %get3A_270 = arith.index_cast %get3A_269 : i32 to index
      %get3A_271 = arith.index_cast %mul3A_268 : i32 to index
      %get3A_272 = tpu.vector_load %arg16[%get3A_270, %get3A_271] {strides = array<i32>} : memref<16x640xf32, #tpu.memory_space<vmem>>, vector<16xf32>,
      %add3A_273 = arith.addf %add3A_266, %get3A_272 : vector<16xf32>
      %mul3A_274 = arith.constant 16 : i32
      %mul3A_275 = arith.muli %scan3A_191, %mul3A_274 : i32
      %get3A_276 = arith.constant 12 : i32
      %get3A_277 = arith.index_cast %get3A_276 : i32 to index
      %get3A_278 = arith.index_cast %mul3A_275 : i32 to index
      %get3A_279 = tpu.vector_load %arg16[%get3A_277, %get3A_278] {strides = array<i32>} : memref<16x640xf32, #tpu.memory_space<vmem>>, vector<16xf32>,
      %add3A_280 = arith.addf %add3A_273, %get3A_279 : vector<16xf32>
      %mul3A_281 = arith.constant 16 : i32
      %mul3A_282 = arith.muli %scan3A_191, %mul3A_281 : i32
      %get3A_283 = arith.constant 13 : i32
      %get3A_284 = arith.index_cast %get3A_283 : i32 to index
      %get3A_285 = arith.index_cast %mul3A_282 : i32 to index
      %get3A_286 = tpu.vector_load %arg16[%get3A_284, %get3A_285] {strides = array<i32>} : memref<16x640xf32, #tpu.memory_space<vmem>>, vector<16xf32>,
      %add3A_287 = arith.addf %add3A_280, %get3A_286 : vector<16xf32>
      %mul3A_288 = arith.constant 16 : i32
      %mul3A_289 = arith.muli %scan3A_191, %mul3A_288 : i32
      %get3A_290 = arith.constant 14 : i32
      %get3A_291 = arith.index_cast %get3A_290 : i32 to index
      %get3A_292 = arith.index_cast %mul3A_289 : i32 to index
      %get3A_293 = tpu.vector_load %arg16[%get3A_291, %get3A_292] {strides = array<i32>} : memref<16x640xf32, #tpu.memory_space<vmem>>, vector<16xf32>,
      %add3A_294 = arith.addf %add3A_287, %get3A_293 : vector<16xf32>
      %mul3A_295 = arith.constant 16 : i32
      %mul3A_296 = arith.muli %scan3A_191, %mul3A_295 : i32
      %get3A_297 = arith.constant 15 : i32
      %get3A_298 = arith.index_cast %get3A_297 : i32 to index
      %get3A_299 = arith.index_cast %mul3A_296 : i32 to index
      %get3A_300 = tpu.vector_load %arg16[%get3A_298, %get3A_299] {strides = array<i32>} : memref<16x640xf32, #tpu.memory_space<vmem>>, vector<16xf32>,
      %add3A_301 = arith.addf %add3A_294, %get3A_300 : vector<16xf32>
      %mul3A_302 = arith.constant 16 : i32
      %mul3A_303 = arith.muli %scan3A_191, %mul3A_302 : i32
      %swap3A = arith.index_cast %mul3A_303 : i32 to index
      %swap3A_304 = tpu.vector_load %arg17[%swap3A] {strides = array<i32>} : memref<640xf32, #tpu.memory_space<vmem>>, vector<16xf32>,
      tpu.vector_store %arg17[%swap3A], %add3A_301 {strides = array<i32>} : memref<640xf32, #tpu.memory_space<vmem>>, vector<16xf32>,
    }
    %scan3A_187 = arith.constant 40 : i32
    %mul3A_188 = arith.constant 640 : i32
    %mul3A_189 = arith.muli %arg1, %mul3A_188 : i32
    %run_scoped3A_190 = arith.constant 1 : i32
    "tpu.region"() ({
      %run_scoped3A_191 = tpu.sem_alloc : memref<!tpu.dma_semaphore, #tpu.memory_space<semaphore_mem>>
      %dma_start3A_192 = tpu.memref_slice %arg6[%run_scoped3A_190, %arg0, %mul3A_189] : memref<2x2x10240xf32, #tpu.memory_space<hbm>> -> memref<1x1x640xf32, #tpu.memory_space<hbm>>
      %dma_start3A_193 = tpu.memref_squeeze %dma_start3A_192 : memref<1x1x640xf32, #tpu.memory_space<hbm>> -> memref<640xf32, #tpu.memory_space<hbm>>
      %dma_start3A_194 = tpu.memref_slice %arg6[%run_scoped3A_190, %arg0, %mul3A_189] : memref<2x2x10240xf32, #tpu.memory_space<hbm>> -> memref<1x1x640xf32, #tpu.memory_space<hbm>>
      %dma_start3A_195 = tpu.memref_squeeze %dma_start3A_194 : memref<1x1x640xf32, #tpu.memory_space<hbm>> -> memref<640xf32, #tpu.memory_space<hbm>>
      tpu.enqueue_dma source(%arg17 : memref<640xf32, #tpu.memory_space<vmem>>) target(%dma_start3A_195 : memref<640xf32, #tpu.memory_space<hbm>>) target_semaphore(%run_scoped3A_191 : memref<!tpu.dma_semaphore, #tpu.memory_space<semaphore_mem>>)
      %dma_wait3A_196 = tpu.memref_slice %arg6[%run_scoped3A_190, %arg0, %mul3A_189] : memref<2x2x10240xf32, #tpu.memory_space<hbm>> -> memref<1x1x640xf32, #tpu.memory_space<hbm>>
      %dma_wait3A_197 = tpu.memref_squeeze %dma_wait3A_196 : memref<1x1x640xf32, #tpu.memory_space<hbm>> -> memref<640xf32, #tpu.memory_space<hbm>>
      %dma_wait3A_198 = tpu.memref_slice %arg6[%run_scoped3A_190, %arg0, %mul3A_189] : memref<2x2x10240xf32, #tpu.memory_space<hbm>> -> memref<1x1x640xf32, #tpu.memory_space<hbm>>
      %dma_wait3A_199 = tpu.memref_squeeze %dma_wait3A_198 : memref<1x1x640xf32, #tpu.memory_space<hbm>> -> memref<640xf32, #tpu.memory_space<hbm>>
      tpu.wait_dma2 semaphore(%run_scoped3A_191 : memref<!tpu.dma_semaphore, #tpu.memory_space<semaphore_mem>>) src(%arg17 : memref<640xf32, #tpu.memory_space<vmem>>) dst(%dma_wait3A_199 : memref<640xf32, #tpu.memory_space<hbm>>)
      tpu.yield
    }) : () -> ()
    return
  }
}

module attributes {stable_mosaic.version = 14 : i64} {
  func.func @_mv_body(%arg0: i32, %arg1: memref<2000x128xf32, #tpu.memory_space<vmem>>, %arg2: memref<128x1xf32, #tpu.memory_space<vmem>>, %arg3: memref<128x1xf32, #tpu.memory_space<vmem>>, %arg4: memref<1x1x2000xf32, #tpu.memory_space<vmem>>, %arg5: memref<1x1x2000xf32, #tpu.memory_space<vmem>>) attributes {dimension_semantics = [#tpu.dimension_semantics<arbitrary>], iteration_bounds = array<i64: 10>, scalar_prefetch = 0 : i64, scratch_operands = 0 : i64, tpu.core_type = #tpu.core_type<tc>, window_params = [{transform_indices = @transform_0, window_bounds = array<i64: 2000, 128>}, {pipeline_mode = #tpu.pipeline_mode<synchronous>, transform_indices = @transform_1, window_bounds = array<i64: 128, 1>}, {pipeline_mode = #tpu.pipeline_mode<synchronous>, transform_indices = @transform_2, window_bounds = array<i64: 128, 1>}, {transform_indices = @transform_3, window_bounds = array<i64: 1, 1, 2000>}, {transform_indices = @transform_4, window_bounds = array<i64: 1, 1, 2000>}]} {
    %get3A = arith.constant 0 : index
    %get3A_0 = arith.constant 0 : index
    %get3A_1 = vector.load %arg1[%get3A, %get3A_0] : memref<2000x128xf32, #tpu.memory_space<vmem>>, vector<2000x128xf32>
    %get3A_2 = arith.constant 0 : index
    %get3A_3 = arith.constant 0 : index
    %get3A_4 = vector.load %arg2[%get3A_2, %get3A_3] : memref<128x1xf32, #tpu.memory_space<vmem>>, vector<128x1xf32>
    %get3A_5 = arith.constant 0 : index
    %get3A_6 = arith.constant 0 : index
    %get3A_7 = vector.load %arg3[%get3A_5, %get3A_6] : memref<128x1xf32, #tpu.memory_space<vmem>>, vector<128x1xf32>
    %concatenate3A = tpu.concatenate %get3A_4, %get3A_7 in 1 : vector<128x1xf32>, vector<128x1xf32> -> vector<128x2xf32>
    %dot_general3A = arith.constant dense<0.000000e+00> : vector<2x2000xf32>
    %dot_general3A_8 = tpu.matmul %concatenate3A, %get3A_1, %dot_general3A {dimension_numbers = #tpu.dot_dimension_numbers<[0], [1], [1], [0], [0, 1, 1, 0], [], []>, transpose_lhs_hint = false} : vector<128x2xf32>, vector<2000x128xf32>, vector<2x2000xf32> -> vector<2x2000xf32>
    %slice3A = vector.extract_strided_slice %dot_general3A_8 {offsets = [0, 0], sizes = [1, 2000], strides = [1, 1]} : vector<2x2000xf32> to vector<1x2000xf32>
    %squeeze3A = vector.shape_cast %slice3A : vector<1x2000xf32> to vector<2000xf32>
    %swap3A = arith.constant 0 : index
    %swap3A_9 = arith.constant 0 : index
    %swap3A_10 = arith.constant 0 : index
    %swap3A_11 = vector.load %arg4[%swap3A, %swap3A_9, %swap3A_10] : memref<1x1x2000xf32, #tpu.memory_space<vmem>>, vector<1x1x2000xf32>
    %swap3A_12 = vector.shape_cast %swap3A_11 : vector<1x1x2000xf32> to vector<2000xf32>
    %swap3A_13 = vector.shape_cast %squeeze3A : vector<2000xf32> to vector<1x1x2000xf32>
    tpu.vector_store %arg4[%swap3A, %swap3A_9, %swap3A_10], %swap3A_13 {strides = array<i32>} : memref<1x1x2000xf32, #tpu.memory_space<vmem>>, vector<1x1x2000xf32>,
    %slice3A_14 = vector.extract_strided_slice %dot_general3A_8 {offsets = [1, 0], sizes = [1, 2000], strides = [1, 1]} : vector<2x2000xf32> to vector<1x2000xf32>
    %squeeze3A_15 = vector.shape_cast %slice3A_14 : vector<1x2000xf32> to vector<2000xf32>
    %swap3A_16 = arith.constant 0 : index
    %swap3A_17 = arith.constant 0 : index
    %swap3A_18 = arith.constant 0 : index
    %swap3A_19 = vector.load %arg5[%swap3A_16, %swap3A_17, %swap3A_18] : memref<1x1x2000xf32, #tpu.memory_space<vmem>>, vector<1x1x2000xf32>
    %swap3A_20 = vector.shape_cast %swap3A_19 : vector<1x1x2000xf32> to vector<2000xf32>
    %swap3A_21 = vector.shape_cast %squeeze3A_15 : vector<2000xf32> to vector<1x1x2000xf32>
    tpu.vector_store %arg5[%swap3A_16, %swap3A_17, %swap3A_18], %swap3A_21 {strides = array<i32>} : memref<1x1x2000xf32, #tpu.memory_space<vmem>>, vector<1x1x2000xf32>,
    return
  }
  func.func @transform_0(%arg0: i32) -> (i32, i32) {
    %c0_i32 = arith.constant 0 : i32
    %c0_i32_0 = arith.constant 0 : i32
    return %arg0, %c0_i32 : i32, i32
  }
  func.func @transform_1(%arg0: i32) -> (i32, i32) {
    %c0_i32 = arith.constant 0 : i32
    %c0_i32_0 = arith.constant 0 : i32
    %c0_i32_1 = arith.constant 0 : i32
    return %c0_i32, %c0_i32_0 : i32, i32
  }
  func.func @transform_2(%arg0: i32) -> (i32, i32) {
    %c0_i32 = arith.constant 0 : i32
    %c0_i32_0 = arith.constant 0 : i32
    %c0_i32_1 = arith.constant 0 : i32
    return %c0_i32, %c0_i32_0 : i32, i32
  }
  func.func @transform_3(%arg0: i32) -> (i32, i32, i32) {
    %c0_i32 = arith.constant 0 : i32
    %c0_i32_0 = arith.constant 0 : i32
    %c0_i32_1 = arith.constant 0 : i32
    return %arg0, %c0_i32, %c0_i32_0 : i32, i32, i32
  }
  func.func @transform_4(%arg0: i32) -> (i32, i32, i32) {
    %c0_i32 = arith.constant 0 : i32
    %c0_i32_0 = arith.constant 0 : i32
    %c0_i32_1 = arith.constant 0 : i32
    return %arg0, %c0_i32, %c0_i32_0 : i32, i32, i32
  }
}

module attributes {stable_mosaic.version = 14 : i64} {
  func.func @_y_body(%arg0: i32, %arg1: memref<1x1x10000xf32, #tpu.memory_space<vmem>>, %arg2: memref<1x2x10240xf32, #tpu.memory_space<vmem>>, %arg3: memref<1xf32, #tpu.memory_space<vmem>>, %arg4: memref<1x1x10000xf32, #tpu.memory_space<vmem>>) attributes {dimension_semantics = [#tpu.dimension_semantics<arbitrary>], iteration_bounds = array<i64: 2>, scalar_prefetch = 0 : i64, scratch_operands = 0 : i64, tpu.core_type = #tpu.core_type<tc>, window_params = [{transform_indices = @transform_0, window_bounds = array<i64: 1, 1, 10000>}, {transform_indices = @transform_1, window_bounds = array<i64: 1, 2, 10240>}, {pipeline_mode = #tpu.pipeline_mode<synchronous>, transform_indices = @transform_2, window_bounds = array<i64: 1>}, {transform_indices = @transform_3, window_bounds = array<i64: 1, 1, 10000>}]} {
    %get3A = arith.constant 0 : index
    %get3A_0 = arith.constant 0 : index
    %get3A_1 = arith.constant 0 : index
    %get3A_2 = vector.load %arg1[%get3A, %get3A_0, %get3A_1] : memref<1x1x10000xf32, #tpu.memory_space<vmem>>, vector<1x1x10000xf32>
    %get3A_3 = vector.shape_cast %get3A_2 : vector<1x1x10000xf32> to vector<10000xf32>
    %get3A_4 = arith.constant 0 : index
    %get3A_5 = arith.constant 0 : index
    %get3A_6 = arith.constant 0 : index
    %get3A_7 = vector.load %arg2[%get3A_4, %get3A_5, %get3A_6] : memref<1x2x10240xf32, #tpu.memory_space<vmem>>, vector<1x1x10000xf32>
    %get3A_8 = vector.shape_cast %get3A_7 : vector<1x1x10000xf32> to vector<10000xf32>
    %add3A = arith.addf %get3A_3, %get3A_8 : vector<10000xf32>
    %get3A_9 = arith.constant 0 : index
    %get3A_10 = arith.constant 1 : index
    %get3A_11 = arith.constant 0 : index
    %get3A_12 = vector.load %arg2[%get3A_9, %get3A_10, %get3A_11] : memref<1x2x10240xf32, #tpu.memory_space<vmem>>, vector<1x1x10000xf32>
    %get3A_13 = vector.shape_cast %get3A_12 : vector<1x1x10000xf32> to vector<10000xf32>
    %add3A_14 = arith.addf %add3A, %get3A_13 : vector<10000xf32>
    %get3A_15 = arith.constant 0 : index
    %get3A_16 = vector.load %arg3[%get3A_15] : memref<1xf32, #tpu.memory_space<vmem>>, vector<1xf32>
    %get3A_17 = vector.extract %get3A_16[0] : f32 from vector<1xf32>
    %add3A_18 = vector.broadcast %get3A_17 : f32 to vector<10000xf32>
    %add3A_19 = arith.addf %add3A_14, %add3A_18 : vector<10000xf32>
    %logistic3A = arith.negf %add3A_19 : vector<10000xf32>
    %logistic3A_20 = math.exp %logistic3A : vector<10000xf32>
    %logistic3A_21 = arith.constant 1.000000e+00 : f32
    %logistic3A_22 = vector.broadcast %logistic3A_21 : f32 to vector<10000xf32>
    %logistic3A_23 = arith.addf %logistic3A_22, %logistic3A_20 : vector<10000xf32>
    %logistic3A_24 = arith.divf %logistic3A_22, %logistic3A_23 : vector<10000xf32>
    %swap3A = arith.constant 0 : index
    %swap3A_25 = arith.constant 0 : index
    %swap3A_26 = arith.constant 0 : index
    %swap3A_27 = vector.load %arg4[%swap3A, %swap3A_25, %swap3A_26] : memref<1x1x10000xf32, #tpu.memory_space<vmem>>, vector<1x1x10000xf32>
    %swap3A_28 = vector.shape_cast %swap3A_27 : vector<1x1x10000xf32> to vector<10000xf32>
    %swap3A_29 = vector.shape_cast %logistic3A_24 : vector<10000xf32> to vector<1x1x10000xf32>
    tpu.vector_store %arg4[%swap3A, %swap3A_25, %swap3A_26], %swap3A_29 {strides = array<i32>} : memref<1x1x10000xf32, #tpu.memory_space<vmem>>, vector<1x1x10000xf32>,
    return
  }
  func.func @transform_0(%arg0: i32) -> (i32, i32, i32) {
    %c0_i32 = arith.constant 0 : i32
    %c0_i32_0 = arith.constant 0 : i32
    %c0_i32_1 = arith.constant 0 : i32
    return %arg0, %c0_i32, %c0_i32_0 : i32, i32, i32
  }
  func.func @transform_1(%arg0: i32) -> (i32, i32, i32) {
    %c0_i32 = arith.constant 0 : i32
    %c0_i32_0 = arith.constant 0 : i32
    %c0_i32_1 = arith.constant 0 : i32
    return %arg0, %c0_i32, %c0_i32_0 : i32, i32, i32
  }
  func.func @transform_2(%arg0: i32) -> i32 {
    %c0_i32 = arith.constant 0 : i32
    %c0_i32_0 = arith.constant 0 : i32
    return %c0_i32 : i32
  }
  func.func @transform_3(%arg0: i32) -> (i32, i32, i32) {
    %c0_i32 = arith.constant 0 : i32
    %c0_i32_0 = arith.constant 0 : i32
    %c0_i32_1 = arith.constant 0 : i32
    return %arg0, %c0_i32, %c0_i32_0 : i32, i32, i32
  }
}

</mosaic_0001>

<sc_bundles>
// kernel: kernel.6.cloned.1.call-start
scs
__scs_entry_jumppad:
0x0: {  	(pc) =	sbr.rel $0x88, $3  }
0x1: {  	(tag) =	ssettag $0x0;
	lr =	simm.s32 $0x1  }
0x2: {  	[smem:$0x3F9B] =	sst lr;
	_ =	strace $0xD0000000  }
0x3: {  	_ = 	snop  }
0x4: {  	_ = 	snop  }
0x5: {  	_ = 	snop  }
0x6: {  	_ = 	snop  }
0x7: {  	_ = 	snop  }
__scs_overlays_trampoline_lowered:
0x8: {  	[smem:$0x3FAA] =	sst s0  }
0x9: {  	[smem:$0x3FAB] =	sst s1  }
0xa: {  	[smem:$0x3FAC] =	sst s2  }
0xb: {  	[smem:$0x3FAD] =	sst s3  }
0xc: {  	[smem:$0x3FAE] =	sst s4  }
0xd: {  	[smem:$0x3FAF] =	sst s5  }
0xe: {  	[smem:$0x3FB0] =	sst s6  }
0xf: {  	[smem:$0x3FB1] =	sst s7  }
0x10: {  	[smem:$0x3FB2] =	sst s8  }
0x11: {  	[smem:$0x3FB3] =	sst s9;
	s0 =	simm.s32 @!p0 $0x0  }
0x12: {  	s1 =	sld [smem:$0x3F99];
	s0 =	simm.s32 @p0 $0x1  }
0x13: {  	[smem:$0x3FB4] =	sst s0;
	s0 =	simm.s32 @!p1 $0x0  }
0x14: {  	s2 =	sld [smem:$0x3F98];
	s0 =	simm.s32 @p1 $0x1  }
0x15: {  	[smem:$0x3FB5] =	sst s0;
	s0 =	simm.s32 @!p2 $0x0  }
0x16: {  	s3 =	sld [smem:$0x3FDB];
	s0 =	simm.s32 @p2 $0x1  }
0x17: {  	s4 =	simm.s32 $0x1BF5;
	[smem:$0x3FB7] =	sst s0  }
0x18: {  	s0 =	sld [smem:$0x3F9A];
	_ =	swait.ge [sflag:s4], $0x0  }
0x19: {  	s7 =	sld [smem:$0x3F9B]  }
0x1a: {  	s8 =	sadd.s32 $0xFFFFE003, lr  }
0x1b: {  	s9 =	sadd.s32 $0xFFFFFEF7, lr;
	s5 =	simm.s32 $0xFFFFFFFF;
	p2 =	slt.u32 s8, $0xFFFFF086  }
0x1c: {  	p1 =	slt.u32 s9, $0xF7A;
	s5 =	simm.s32 @!p2 $0x0  }
0x1d: {  	s5 =	simm.s32 @p1 $0x1;
	p0 =	seq.s32 s7, s2  }
0x1e: {  	s7 =	smul.u32 @!p0 $0xF7A, s2;
	p2 =	seq.s32 @!p0 s5, $0x0  }
0x1f: {  	s9 =	smul.u32 $0xF7A, s1;
	s8 =	simm.s32 @!p0 $0x1BF5;
	p2 =	por !p2, p0  }
0x20: {  	[sflag:s8] =	ssyncset.s32 @!p0 $0xFFFFF086;
	s6 =	sadd.s32 @!p0 s3, s7;
	s7 =	simm.s32 @!p0 $0x108  }
0x21: {  	s3 =	sadd.s32 s3, s9;
	s6 =	sadd.s32 @!p0 $0x88, s6;
	s7 =	simm.s32 @p2 $0x1082  }
0x22: {  	[simem:s7], [sflag:s8] =	dma.local @!p0 [hbm:s6], $0xF7A  }
0x23: {  	s9 =	sor.u32 $0xD0000000, s2;
	s6 =	simm.s32 $0x108;
	_ =	swait.ge @!p0 [sflag:s8], $0x0  }
0x24: {  	s3 =	sadd.s32 $0x88, s3;
	s6 =	simm.s32 @!p1 $0x1082;
	[sflag:s4] =	ssyncset.s32 $0xFFFFF086  }
0x25: {  	[simem:s6], [sflag:s4] =	dma.local [hbm:s3], $0xF7A  }
0x26: {  	[smem:$0x3F9B] =	sst s1;
	(tag) =	ssettag s2;
	_ =	strace s9  }
0x27: {  	s1 =	sld [smem:$0x3FAB]  }
0x28: {  	s2 =	sld [smem:$0x3FAC]  }
0x29: {  	s4 =	sld [smem:$0x3FAE]  }
0x2a: {  	p0 =	seq.s32 s5, $0x0;
	s5 =	sld [smem:$0x3FAF]  }
0x2b: {  	s6 =	sld [smem:$0x3FB0]  }
0x2c: {  	s7 =	sld [smem:$0x3FB1]  }
0x2d: {  	s3 =	simm.s32 $0x108;
	s8 =	sld [smem:$0x3FB2]  }
0x2e: {  	s3 =	simm.s32 @!p0 $0x1082;
	s9 =	sld [smem:$0x3FB3]  }
0x2f: {  	lr =	sadd.s32 s0, s3;
	s0 =	sld [smem:$0x3FAA]  }
0x30: {  	s3 =	sld [smem:$0x3FAD]  }
0x31: {  	[smem:$0x3FB6] =	sst s10  }
0x32: {  	s10 =	sld [smem:$0x3FB4];
	_ =	sdelay $0x3  }
0x33: {  	p0 =	seq.s32 s10, $0x1;
	s10 =	sld [smem:$0x3FB6];
	_ =	sdelay $0x3  }
0x34: {  	[smem:$0x3FB6] =	sst s10  }
0x35: {  	s10 =	sld [smem:$0x3FB5];
	_ =	sdelay $0x3  }
0x36: {  	p1 =	seq.s32 s10, $0x1;
	s10 =	sld [smem:$0x3FB6];
	_ =	sdelay $0x3  }
0x37: {  	[smem:$0x3FB6] =	sst s10  }
0x38: {  	s10 =	sld [smem:$0x3FB7]  }
0x39: {  	_ = 	snop;
	(pc) =	sbr.ind lr, $3  }
0x3a: {  	_ = 	snop  }
0x3b: {  	_ = 	snop  }
0x3c: {  	p2 =	seq.s32 s10, $0x1;
	s10 =	sld [smem:$0x3FB6]  }
0x3d: {  	_ =	shalt  }
0x3e: {  	_ =	shalt  }
0x3f: {  	_ =	shalt  }
0x40: {  	_ =	shalt  }
0x41: {  	_ =	shalt  }
0x42: {  	_ =	shalt  }
0x43: {  	_ =	shalt  }
0x44: {  	_ =	shalt  }
0x45: {  	_ =	shalt  }
0x46: {  	_ =	shalt  }
0x47: {  	_ =	shalt  }
0x48: {  	_ =	shalt  }
0x49: {  	_ =	shalt  }
0x4a: {  	_ =	shalt  }
0x4b: {  	_ =	shalt  }
0x4c: {  	_ =	shalt  }
0x4d: {  	_ =	shalt  }
0x4e: {  	_ =	shalt  }
0x4f: {  	_ =	shalt  }
0x50: {  	_ =	shalt  }
0x51: {  	_ =	shalt  }
0x52: {  	_ =	shalt  }
0x53: {  	_ =	shalt  }
0x54: {  	_ =	shalt  }
0x55: {  	_ =	shalt  }
0x56: {  	_ =	shalt  }
0x57: {  	_ =	shalt  }
0x58: {  	_ =	shalt  }
0x59: {  	_ =	shalt  }
0x5a: {  	_ =	shalt  }
0x5b: {  	_ =	shalt  }
0x5c: {  	_ =	shalt  }
0x5d: {  	_ =	shalt  }
0x5e: {  	_ =	shalt  }
0x5f: {  	_ =	shalt  }
0x60: {  	_ =	shalt  }
0x61: {  	_ =	shalt  }
0x62: {  	_ =	shalt  }
0x63: {  	_ =	shalt  }
0x64: {  	_ =	shalt  }
0x65: {  	_ =	shalt  }
0x66: {  	_ =	shalt  }
0x67: {  	_ =	shalt  }
0x68: {  	_ =	shalt  }
0x69: {  	_ =	shalt  }
0x6a: {  	_ =	shalt  }
0x6b: {  	_ =	shalt  }
0x6c: {  	_ =	shalt  }
0x6d: {  	_ =	shalt  }
0x6e: {  	_ =	shalt  }
0x6f: {  	_ =	shalt  }
0x70: {  	_ =	shalt  }
0x71: {  	_ =	shalt  }
0x72: {  	_ =	shalt  }
0x73: {  	_ =	shalt  }
0x74: {  	_ =	shalt  }
0x75: {  	_ =	shalt  }
0x76: {  	_ =	shalt  }
0x77: {  	_ =	shalt  }
0x78: {  	_ =	shalt  }
0x79: {  	_ =	shalt  }
0x7a: {  	_ =	shalt  }
0x7b: {  	_ =	shalt  }
0x7c: {  	_ =	shalt  }
0x7d: {  	_ =	shalt  }
0x7e: {  	_ =	shalt  }
0x7f: {  	_ =	shalt  }
0x80: {  	_ =	shalt  }
0x81: {  	_ =	shalt  }
0x82: {  	_ =	shalt  }
0x83: {  	_ =	shalt  }
0x84: {  	_ =	shalt  }
0x85: {  	_ =	shalt  }
0x86: {  	_ =	shalt  }
0x87: {  	_ =	shalt  }
.Lfunc_end0:
.L_simem_size_0:
called_computation_lowered:
.L_overlay_start_0:
0x88: {  	s2 =	sld [smem:$0x3FD9]  }
0x89: {  	s3 =	sld [smem:$0x3FFE];
	_ =	sdelay $0x1  }
0x8a: {  	s1 =	srdreg.scid  }
0x8b: {  	s0 =	sand.u32 $0x1, s1  }
0x8c: {  	s17 =	sshll.u32 s0, $0xA;
	s2 =	sadd.s32 s3, s2  }
0x8d: {  	s2 =	sadd.s32 s2, s17  }
0x8e: {  	[smem:$0x3FC2] =	sst s2  }
0x8f: {  	_ = 	snop  }
0x90: {  	s2 =	sld [smem:$0x3FC7]  }
0x91: {  	s18 =	sld [smem:$0x3FD0];
	(tm) =	ssettm $0x1  }
0x92: {  	s4 =	sld [smem:$0x3FFB];
	_ =	sdelay $0x3  }
0x93: {  	_ =	strace s4  }
0x94: {  	s4 =	sld [smem:$0x3FFC];
	_ =	sdelay $0x3  }
0x95: {  	_ =	strace s4  }
0x96: {  	s4 =	sld [smem:$0x3FFD];
	_ =	sdelay $0x3  }
0x97: {  	_ =	strace s4  }
0x98: {  	_ =	strace $0x8FFFFFFF  }
0x99: {  	s19 =	sld [smem:$0x3FDB];
	_ =	sdelay $0x1  }
0x9a: {  	s5 =	simm.s32 $_scs_section_size  }
0x9b: {  	s6 =	simm.s32 $_size__tile_overlayer_lowered;
	s7 =	simm.s32 $_tile_overlayer_lowered  }
0x9c: {  	s22 =	simm.s32 $0x1BFF;
	s21 =	sshll.u32 s7, $0x1;
	s4 =	sadd.s32 s5, s19  }
0x9d: {  	s8 =	simm.s32 $0x0;
	s20 =	sshll.u32 s6, $0x1;
	s6 =	sadd.s32 s21, s4  }
0x9e: {  	[timem:s8], [sflag:s22] =	dma.local [hbm:s6], s20  }
0x9f: {  	_ =	swait.ge [sflag:s22], s20  }
0xa0: {  	s5 =	ssub.s32 $0x0, s20;
	[sflag:s22] =	ssyncset.done $0x0  }
0xa1: {  	[sflag:s22] =	ssyncadd.s32 s5;
	_ =	sdelay $0x1  }
0xa2: {  	s23 =	simm.s32 $0x1B8B  }
0xa3: {  	_ =	swait.ge [sflag:s23], $0x1  }
0xa4: {  	[sflag:s23] =	ssyncset.done $0x0  }
0xa5: {  	s25 =	simm.s32 $0x1B8E;
	s24 =	sld [smem:$0x3FFE];
	[sflag:s23] =	ssyncadd.s32 $0xFFFFFFFF  }
0xa6: {  	s26 =	simm.s32 $execute0_lowered;
	[smem:$0x3FD2] =	sst s25  }
0xa7: {  	s6 =	sshll.u32 s26, $0x1;
	_ =	strace $0x80000046;
	[dreg:$0x1] =	wrdreg $0xFFFFFFFF  }
0xa8: {  	s28 =	simm.s32 $_size_execute0_lowered;
	s4 =	sadd.s32 s4, s6;
	[dreg:$0x0] =	wrdreg $0x0  }
0xa9: {  	s6 =	sshll.u32 s28, $0x1;
	[dreg:$0x2] =	wrdreg s4  }
0xaa: {  	[dreg:$0x3] =	wrdreg s6  }
0xab: {  	[dreg:$0x4] =	wrdreg $0xC0  }
0xac: {  	_ =	task [dreg:s8], $0x5FFFF  }
0xad: {  	[dreg:$0x1] =	wrdreg $0xFFFFFFFF  }
0xae: {  	[dreg:$0x0] =	wrdreg $0x60  }
0xaf: {  	[dreg:$0x2] =	wrdreg s18  }
0xb0: {  	[dreg:$0x3] =	wrdreg s2  }
0xb1: {  	[dreg:$0x4] =	wrdreg s24  }
0xb2: {  	[dreg:$0x5] =	wrdreg $0x80700  }
0xb3: {  	[dreg:$0x6] =	wrdreg $0x9  }
0xb4: {  	_ =	task.clear_ibuf [dreg:s8], $0x7FFFF;
	_ =	strace $0x90000046  }
0xb5: {  	s29 =	simm.s32 $0x9;
	_ =	strace $0x80000048  }
0xb6: {  	_ =	swait.ge [sflag:s29], $0x1  }
0xb7: {  	[sflag:s29] =	ssyncadd.s32 $0xFFFFFFFF  }
0xb8: {  	_ =	strace $0x90000048  }
0xb9: {  	_ =	sfence  }
0xba: {  	s30 =	sld [smem:$0x0];
	_ =	sdelay $0x2  }
0xbb: {  	s31 =	sshll.u32 s1, $0xD;
	s1 =	sshrl.u32 s1, $0x2  }
0xbc: {  	s3 =	sand.u32 $0x4000, s31;
	s1 =	sadd.s32 s1, s30  }
0xbd: {  	s0 =	sor.u32 s3, s0;
	s1 =	sshll.u32 s1, $0x11  }
0xbe: {  	s0 =	sor.u32 s1, s0  }
0xbf: {  	s0 =	sadd.s32 $0x8F2B, s0  }
0xc0: {  	[sflag:s0] =	ssyncadd.remote.s32 $0x1  }
0xc1: {  	_ =	sfence.sel $0xFFFF  }
0xc2: {  	[dreg:$0x0] =	wrdreg $0xFFFFFFFF;
	(pc) =	sbr.abs _section_cstart, $3  }
0xc3: {  	[dreg:$0x1] =	wrdreg $0xFFFFFFFF  }
0xc4: {  	_ =	task.clear_ibuf [dreg:s8], $0x2FFFF;
	_ =	strace $0x9FFFFFFF  }
0xc5: {  	(tm) =	ssettm $0x7FFFFFFF  }
tec
execute0_lowered:
.L_overlay_start_1:
0x0: {  	(tag) =	ssettag $0x1  }
0x1: {  	s0 =	rddreg [dreg:$0x0];
	s1 =	srdreg.scid  }
0x2: {  	s15 =	stileid.u32;
	s4 =	rddreg [dreg:$0x1]  }
0x3: {  	s3 =	rddreg [dreg:$0x2];
	s5 =	smul.u32 $0x280, s15  }
0x4: {  	s19 =	rddreg [dreg:$0x3];
	s2 =	simm.s32 $0x0;
	s7 =	smul.u32 $0x4E20, s15  }
0x5: {  	s28 =	simm.s32 $0x1;
	s1 =	sand.u32 $0x1, s1;
	s18 =	smul.u32 $0xA000, s15  }
0x6: {  	s29 =	simm.s32 $0x2EE0;
	s30 =	simm.s32 $0x2;
	s6 =	smul.u32 $0x2800, s1  }
0x7: {  	[smem:$0x7FF] =	sst s2;
	s8 =	smul.u32 $0x2710, s1;
	s1 =	ssub.s32 $0x2, s1  }
0x8: {  	s31 =	simm.s32 $0x3;
	_ =	strace $0x80000047;
	s21 =	sshrl.u32 s1, $0x1  }
0x9: {  	s26 =	sshrl.u32 s18, $0x2;
	s6 =	sadd.s32 s5, s6;
	s7 =	sadd.s32 s8, s7  }
0xa: {  	s1 =	ssub.s32 s1, s21;
	s18 =	sadd.s32 s26, s19;
	s19 =	sadd.s32 s5, s19  }
0xb: {  	s26 =	simm.s32 $0x2710;
	s6 =	sshrl.u32 s6, $0x3;
	s13 =	sshrl.u32 s7, $0x3  }
0xc: {  	s21 =	smax.u32 s1, $0x1;
	s1 =	simm.s32 $0x0;
	s6 =	sadd.s32 s6, s3  }
0xd: {  	s3 =	sadd.s32 s0, s13;
	s23 =	sadd.s32 $0xFA, s13;
	s24 =	sadd.s32 s4, s13  }
0xe: {  	s11 =	sadd.s32 $0x1F4, s13;
	s14 =	sadd.s32 $0x2EE, s13;
	s17 =	sadd.s32 $0x3E8, s13  }
0xf: {  	s22 =	sadd.s32 $0x9C40, s3;
	[dreg:$0x6] =	wrdreg s24;
	s25 =	sadd.s32 s0, s23  }
0x10: {  	s7 =	sadd.s32 $0x9D3A, s3;
	s8 =	sadd.s32 s4, s23;
	s9 =	sadd.s32 s0, s11  }
0x11: {  	s10 =	sadd.s32 $0x9E34, s3;
	s11 =	sadd.s32 s4, s11;
	s12 =	sadd.s32 s0, s14  }
0x12: {  	s13 =	sadd.s32 $0x9F2E, s3;
	s14 =	sadd.s32 s4, s14;
	s15 =	sadd.s32 s0, s17  }
0x13: {  	s16 =	sadd.s32 $0xA028, s3;
	s17 =	sadd.s32 s4, s17;
	s20 =	sadd.s32 $0x600, s6  }
0x14: {  	s23 =	simm.s32 $0xFA0;
	s24 =	simm.s32 $0x1770;
	[dreg:$0x5] =	wrdreg s22  }
0x15: {  	v0 =	vimm.f32 $0.0e+00;
	[dreg:$0x7] =	wrdreg s25;
	s22 =	simm.s32 $0x7D0;
	s25 =	simm.s32 $0x1F40  }
.LBB2_1:
0x16: {  	[tilespmem:s2], [sflag:$0x1] =	stream.linear.gather [hbm4b:s3+s2], $0x7D0, $0x38;
	[tilespmem:$0xA870] =	vst v63  }
0x17: {  	s0 =	rddreg [dreg:$0x5]  }
0x18: {  	[tilespmem:s22], [sflag:$0x1] =	stream.linear.gather [hbm4b:s0+s2], $0x7D0, $0x38;
	[tilespmem:$0xA870] =	vst v63  }
0x19: {  	s6 =	rddreg [dreg:$0x6];
	s4 =	simm.s32 $0x140;
	s0 =	simm.s32 $0x0  }
0x1a: {  	[tilespmem:s23], [sflag:$0x1] =	stream.linear.gather [hbm4b:s6+s2], $0x7D0, $0x38;
	[tilespmem:$0xA870] =	vst v63  }
.LBB2_2:
0x1b: {  	p0 =	sne.s32 s4, $0x9B00;
	[tilespmem:s0+$0x2F20] =	vst v0;
	s5 =	smov.u32 s4;
	s4 =	sadd.s32 $0x140, s4  }
.Ltmp0:
0x1c: {  	[tilespmem:s0+$0x2F10] =	vst v0;
	(pc) =	sbr.rel @p0 .LBB2_2-.Ltmp0, $4  }
0x1d: {  	[tilespmem:s0+$0x2F00] =	vst v0  }
0x1e: {  	[tilespmem:s0+$0x2EE0] =	vst v0  }
0x1f: {  	[tilespmem:s0+$0x2EF0] =	vst v0  }
0x20: {  	s0 =	sshra.s32 s5, $0x2  }
0x21: {  	[tilespmem:s0+$0x2F20] =	vst v0  }
0x22: {  	[tilespmem:s0+$0x2F10] =	vst v0  }
0x23: {  	[tilespmem:s0+$0x2F00] =	vst v0  }
0x24: {  	[tilespmem:s0+$0x2EE0] =	vst v0  }
0x25: {  	[tilespmem:s0+$0x2EF0] =	vst v0;
	s5 =	simm.s32 $0x0;
	s4 =	rddreg [dreg:$0x7]  }
0x26: {  	[tilespmem:s24], [sflag:$0x2] =	stream.linear.gather [hbm4b:s4+s5], $0x7D0, $0x38;
	[tilespmem:$0xA870] =	vst v63  }
0x27: {  	_ = 	snop  }
0x28: {  	[tilespmem:s25], [sflag:$0x2] =	stream.linear.gather [hbm4b:s7+s5], $0x7D0, $0x38;
	[tilespmem:$0xA870] =	vst v63  }
0x29: {  	_ = 	snop  }
0x2a: {  	[tilespmem:s26], [sflag:$0x2] =	stream.linear.gather [hbm4b:s8+s5], $0x7D0, $0x38;
	[tilespmem:$0xA870] =	vst v63  }
0x2b: {  	_ =	swait.ge [sflag:s28], $0x7D0  }
0x2c: {  	[sflag:s28] =	ssyncset.done $0x0  }
0x2d: {  	[sflag:s28] =	ssyncadd.s32 $0xFFFFF830  }
0x2e: {  	_ =	swait.ge [sflag:s28], $0x7D0  }
0x2f: {  	[sflag:s28] =	ssyncset.done $0x0  }
0x30: {  	[sflag:s28] =	ssyncadd.s32 $0xFFFFF830  }
0x31: {  	_ =	swait.ge [sflag:s28], $0x7D0  }
0x32: {  	[sflag:s28] =	ssyncset.done $0x0  }
0x33: {  	s6 =	simm.s32 $0x0;
	[sflag:s28] =	ssyncadd.s32 $0xFFFFF830  }
0x34: {  	v1 =	vld [tilespmem:s6+$0x0]  }
0x35: {  	v2 =	vld [tilespmem:s6+$0x7D0]  }
0x36: {  	v3 =	vld [tilespmem:s6+$0xFA0];
	_ =	sdelay $0x3  }
0x37: {  	vm0 =	veq.s32 v1, v2  }
0x38: {  	v2 =	vsel vm0, $0x0, v3  }
0x39: {  	[tilespmem:v1+s29+$0x0] =	vst.idx.add.f32.msk $0xffff, v2  }
0x3a: {  	v1 =	vld [tilespmem:s6+$0x10]  }
0x3b: {  	v2 =	vld [tilespmem:s6+$0x7E0]  }
0x3c: {  	v3 =	vld [tilespmem:s6+$0xFB0];
	_ =	sdelay $0x3  }
0x3d: {  	vm12 =	veq.s32 v1, v2  }
0x3e: {  	v2 =	vsel vm12, $0x0, v3  }
0x3f: {  	[tilespmem:v1+s29+$0x0] =	vst.idx.add.f32.msk $0xffff, v2  }
0x40: {  	v1 =	vld [tilespmem:s6+$0x20]  }
0x41: {  	v2 =	vld [tilespmem:s6+$0x7F0]  }
0x42: {  	v3 =	vld [tilespmem:s6+$0xFC0];
	_ =	sdelay $0x3  }
0x43: {  	vm13 =	veq.s32 v1, v2  }
0x44: {  	v2 =	vsel vm13, $0x0, v3  }
0x45: {  	[tilespmem:v1+s29+$0x0] =	vst.idx.add.f32.msk $0xffff, v2  }
0x46: {  	v1 =	vld [tilespmem:s6+$0x30]  }
0x47: {  	v2 =	vld [tilespmem:s6+$0x800]  }
0x48: {  	v3 =	vld [tilespmem:s6+$0xFD0];
	_ =	sdelay $0x3  }
0x49: {  	vm14 =	veq.s32 v1, v2  }
0x4a: {  	v2 =	vsel vm14, $0x0, v3  }
0x4b: {  	[tilespmem:v1+s29+$0x0] =	vst.idx.add.f32.msk $0xffff, v2  }
0x4c: {  	v1 =	vld [tilespmem:s6+$0x40]  }
0x4d: {  	v2 =	vld [tilespmem:s6+$0x810]  }
0x4e: {  	v3 =	vld [tilespmem:s6+$0xFE0];
	_ =	sdelay $0x3  }
0x4f: {  	vm15 =	veq.s32 v1, v2  }
0x50: {  	s0 =	simm.s32 $0x140;
	s4 =	simm.s32 $0x280;
	v2 =	vsel vm15, $0x0, v3  }
.LBB2_4:
0x51: {  	p0 =	sne.s32 s4, $0x1E00  }
0x52: {  	s5 =	sshra.s32 s0, $0x2;
	[tilespmem:v1+s29+$0x0] =	vst.idx.add.f32.msk $0xffff, v2;
	s0 =	smov.u32 s4;
	s4 =	sadd.s32 $0x140, s4  }
0x53: {  	v1 =	vld [tilespmem:s5+$0x0]  }
0x54: {  	v2 =	vld [tilespmem:s5+$0x7D0]  }
0x55: {  	v3 =	vld [tilespmem:s5+$0xFA0];
	_ =	sdelay $0x3  }
0x56: {  	vm0 =	veq.s32 v1, v2  }
0x57: {  	v2 =	vsel vm0, $0x0, v3  }
0x58: {  	[tilespmem:v1+s29+$0x0] =	vst.idx.add.f32.msk $0xffff, v2  }
0x59: {  	v1 =	vld [tilespmem:s5+$0x10]  }
0x5a: {  	v2 =	vld [tilespmem:s5+$0x7E0]  }
0x5b: {  	v3 =	vld [tilespmem:s5+$0xFB0];
	_ =	sdelay $0x3  }
0x5c: {  	vm0 =	veq.s32 v1, v2  }
0x5d: {  	v2 =	vsel vm0, $0x0, v3  }
0x5e: {  	[tilespmem:v1+s29+$0x0] =	vst.idx.add.f32.msk $0xffff, v2  }
0x5f: {  	v1 =	vld [tilespmem:s5+$0x20]  }
0x60: {  	v2 =	vld [tilespmem:s5+$0x7F0]  }
0x61: {  	v3 =	vld [tilespmem:s5+$0xFC0];
	_ =	sdelay $0x3  }
0x62: {  	vm0 =	veq.s32 v1, v2  }
0x63: {  	v2 =	vsel vm0, $0x0, v3  }
0x64: {  	[tilespmem:v1+s29+$0x0] =	vst.idx.add.f32.msk $0xffff, v2  }
0x65: {  	v1 =	vld [tilespmem:s5+$0x30]  }
0x66: {  	v2 =	vld [tilespmem:s5+$0x800]  }
0x67: {  	v3 =	vld [tilespmem:s5+$0xFD0];
	_ =	sdelay $0x3  }
0x68: {  	vm0 =	veq.s32 v1, v2  }
0x69: {  	v2 =	vsel vm0, $0x0, v3  }
0x6a: {  	[tilespmem:v1+s29+$0x0] =	vst.idx.add.f32.msk $0xffff, v2  }
0x6b: {  	v1 =	vld [tilespmem:s5+$0x40]  }
0x6c: {  	v2 =	vld [tilespmem:s5+$0x810]  }
0x6d: {  	v3 =	vld [tilespmem:s5+$0xFE0]  }
.Ltmp1:
0x6e: {  	(pc) =	sbr.rel @p0 .LBB2_4-.Ltmp1, $3  }
0x6f: {  	_ =	sdelay $0x1  }
0x70: {  	vm0 =	veq.s32 v1, v2  }
0x71: {  	v2 =	vsel vm0, $0x0, v3  }
0x72: {  	_ =	sdelay $0x3  }
0x73: {  	s0 =	sshra.s32 s0, $0x2;
	[tilespmem:v1+s29+$0x0] =	vst.idx.add.f32.msk $0xffff, v2  }
0x74: {  	v1 =	vld [tilespmem:s0+$0x0]  }
0x75: {  	v2 =	vld [tilespmem:s0+$0x7D0]  }
0x76: {  	v3 =	vld [tilespmem:s0+$0xFA0];
	_ =	sdelay $0x3  }
0x77: {  	vm0 =	veq.s32 v1, v2  }
0x78: {  	v2 =	vsel vm0, $0x0, v3  }
0x79: {  	[tilespmem:v1+s29+$0x0] =	vst.idx.add.f32.msk $0xffff, v2  }
0x7a: {  	v1 =	vld [tilespmem:s0+$0x10]  }
0x7b: {  	v2 =	vld [tilespmem:s0+$0x7E0]  }
0x7c: {  	v3 =	vld [tilespmem:s0+$0xFB0];
	_ =	sdelay $0x3  }
0x7d: {  	vm7 =	veq.s32 v1, v2  }
0x7e: {  	v2 =	vsel vm7, $0x0, v3  }
0x7f: {  	[tilespmem:v1+s29+$0x0] =	vst.idx.add.f32.msk $0xffff, v2  }
0x80: {  	v1 =	vld [tilespmem:s0+$0x20]  }
0x81: {  	v2 =	vld [tilespmem:s0+$0x7F0]  }
0x82: {  	v3 =	vld [tilespmem:s0+$0xFC0];
	_ =	sdelay $0x3  }
0x83: {  	vm8 =	veq.s32 v1, v2  }
0x84: {  	v2 =	vsel vm8, $0x0, v3  }
0x85: {  	[tilespmem:v1+s29+$0x0] =	vst.idx.add.f32.msk $0xffff, v2  }
0x86: {  	v1 =	vld [tilespmem:s0+$0x30]  }
0x87: {  	v2 =	vld [tilespmem:s0+$0x800]  }
0x88: {  	v3 =	vld [tilespmem:s0+$0xFD0];
	_ =	sdelay $0x3  }
0x89: {  	vm9 =	veq.s32 v1, v2  }
0x8a: {  	v2 =	vsel vm9, $0x0, v3  }
0x8b: {  	[tilespmem:v1+s29+$0x0] =	vst.idx.add.f32.msk $0xffff, v2  }
0x8c: {  	v1 =	vld [tilespmem:s0+$0x40]  }
0x8d: {  	v2 =	vld [tilespmem:s0+$0x810]  }
0x8e: {  	v3 =	vld [tilespmem:s0+$0xFE0];
	_ =	sdelay $0x3  }
0x8f: {  	vm10 =	veq.s32 v1, v2  }
0x90: {  	v2 =	vsel vm10, $0x0, v3  }
0x91: {  	s5 =	simm.s32 $0x0;
	[tilespmem:v1+s29+$0x0] =	vst.idx.add.f32.msk $0xffff, v2  }
0x92: {  	[tilespmem:s5], [sflag:$0x1] =	stream.linear.gather [hbm4b:s9+s5], $0x7D0, $0x38;
	[tilespmem:$0xA870] =	vst v63  }
0x93: {  	_ = 	snop  }
0x94: {  	[tilespmem:s22], [sflag:$0x1] =	stream.linear.gather [hbm4b:s10+s5], $0x7D0, $0x38;
	[tilespmem:$0xA870] =	vst v63  }
0x95: {  	_ = 	snop  }
0x96: {  	[tilespmem:s23], [sflag:$0x1] =	stream.linear.gather [hbm4b:s11+s5], $0x7D0, $0x38;
	[tilespmem:$0xA870] =	vst v63  }
0x97: {  	_ =	swait.ge [sflag:s30], $0x7D0  }
0x98: {  	[sflag:s30] =	ssyncset.done $0x0  }
0x99: {  	[sflag:s30] =	ssyncadd.s32 $0xFFFFF830  }
0x9a: {  	_ =	swait.ge [sflag:s30], $0x7D0  }
0x9b: {  	[sflag:s30] =	ssyncset.done $0x0  }
0x9c: {  	[sflag:s30] =	ssyncadd.s32 $0xFFFFF830  }
0x9d: {  	_ =	swait.ge [sflag:s30], $0x7D0  }
0x9e: {  	[sflag:s30] =	ssyncset.done $0x0  }
0x9f: {  	s6 =	simm.s32 $0x0;
	[sflag:s30] =	ssyncadd.s32 $0xFFFFF830  }
0xa0: {  	v1 =	vld [tilespmem:s6+$0x1770]  }
0xa1: {  	v2 =	vld [tilespmem:s6+$0x1F40]  }
0xa2: {  	v3 =	vld [tilespmem:s6+$0x2710];
	_ =	sdelay $0x3  }
0xa3: {  	vm11 =	veq.s32 v1, v2  }
0xa4: {  	v2 =	vsel vm11, $0x0, v3  }
0xa5: {  	[tilespmem:v1+s29+$0x0] =	vst.idx.add.f32.msk $0xffff, v2  }
0xa6: {  	v1 =	vld [tilespmem:s6+$0x1780]  }
0xa7: {  	v2 =	vld [tilespmem:s6+$0x1F50]  }
0xa8: {  	v3 =	vld [tilespmem:s6+$0x2720];
	_ =	sdelay $0x3  }
0xa9: {  	vm12 =	veq.s32 v1, v2  }
0xaa: {  	v2 =	vsel vm12, $0x0, v3  }
0xab: {  	[tilespmem:v1+s29+$0x0] =	vst.idx.add.f32.msk $0xffff, v2  }
0xac: {  	v1 =	vld [tilespmem:s6+$0x1790]  }
0xad: {  	v2 =	vld [tilespmem:s6+$0x1F60]  }
0xae: {  	v3 =	vld [tilespmem:s6+$0x2730];
	_ =	sdelay $0x3  }
0xaf: {  	vm13 =	veq.s32 v1, v2  }
0xb0: {  	v2 =	vsel vm13, $0x0, v3  }
0xb1: {  	[tilespmem:v1+s29+$0x0] =	vst.idx.add.f32.msk $0xffff, v2  }
0xb2: {  	v1 =	vld [tilespmem:s6+$0x17A0]  }
0xb3: {  	v2 =	vld [tilespmem:s6+$0x1F70]  }
0xb4: {  	v3 =	vld [tilespmem:s6+$0x2740];
	_ =	sdelay $0x3  }
0xb5: {  	vm14 =	veq.s32 v1, v2  }
0xb6: {  	v2 =	vsel vm14, $0x0, v3  }
0xb7: {  	[tilespmem:v1+s29+$0x0] =	vst.idx.add.f32.msk $0xffff, v2  }
0xb8: {  	v1 =	vld [tilespmem:s6+$0x17B0]  }
0xb9: {  	v2 =	vld [tilespmem:s6+$0x1F80]  }
0xba: {  	v3 =	vld [tilespmem:s6+$0x2750];
	_ =	sdelay $0x3  }
0xbb: {  	vm15 =	veq.s32 v1, v2  }
0xbc: {  	s4 =	simm.s32 $0x280;
	s0 =	simm.s32 $0x140;
	v2 =	vsel vm15, $0x0, v3  }
.LBB2_6:
0xbd: {  	p0 =	sne.s32 s4, $0x1E00  }
0xbe: {  	s5 =	sshra.s32 s0, $0x2;
	[tilespmem:v1+s29+$0x0] =	vst.idx.add.f32.msk $0xffff, v2;
	s0 =	smov.u32 s4;
	s4 =	sadd.s32 $0x140, s4  }
0xbf: {  	v1 =	vld [tilespmem:s5+$0x1770]  }
0xc0: {  	v2 =	vld [tilespmem:s5+$0x1F40]  }
0xc1: {  	v3 =	vld [tilespmem:s5+$0x2710];
	_ =	sdelay $0x3  }
0xc2: {  	vm0 =	veq.s32 v1, v2  }
0xc3: {  	v2 =	vsel vm0, $0x0, v3  }
0xc4: {  	[tilespmem:v1+s29+$0x0] =	vst.idx.add.f32.msk $0xffff, v2  }
0xc5: {  	v1 =	vld [tilespmem:s5+$0x1780]  }
0xc6: {  	v2 =	vld [tilespmem:s5+$0x1F50]  }
0xc7: {  	v3 =	vld [tilespmem:s5+$0x2720];
	_ =	sdelay $0x3  }
0xc8: {  	vm0 =	veq.s32 v1, v2  }
0xc9: {  	v2 =	vsel vm0, $0x0, v3  }
0xca: {  	[tilespmem:v1+s29+$0x0] =	vst.idx.add.f32.msk $0xffff, v2  }
0xcb: {  	v1 =	vld [tilespmem:s5+$0x1790]  }
0xcc: {  	v2 =	vld [tilespmem:s5+$0x1F60]  }
0xcd: {  	v3 =	vld [tilespmem:s5+$0x2730];
	_ =	sdelay $0x3  }
0xce: {  	vm0 =	veq.s32 v1, v2  }
0xcf: {  	v2 =	vsel vm0, $0x0, v3  }
0xd0: {  	[tilespmem:v1+s29+$0x0] =	vst.idx.add.f32.msk $0xffff, v2  }
0xd1: {  	v1 =	vld [tilespmem:s5+$0x17A0]  }
0xd2: {  	v2 =	vld [tilespmem:s5+$0x1F70]  }
0xd3: {  	v3 =	vld [tilespmem:s5+$0x2740];
	_ =	sdelay $0x3  }
0xd4: {  	vm0 =	veq.s32 v1, v2  }
0xd5: {  	v2 =	vsel vm0, $0x0, v3  }
0xd6: {  	[tilespmem:v1+s29+$0x0] =	vst.idx.add.f32.msk $0xffff, v2  }
0xd7: {  	v1 =	vld [tilespmem:s5+$0x17B0]  }
0xd8: {  	v2 =	vld [tilespmem:s5+$0x1F80]  }
0xd9: {  	v3 =	vld [tilespmem:s5+$0x2750]  }
.Ltmp2:
0xda: {  	(pc) =	sbr.rel @p0 .LBB2_6-.Ltmp2, $3  }
0xdb: {  	_ =	sdelay $0x1  }
0xdc: {  	vm0 =	veq.s32 v1, v2  }
0xdd: {  	v2 =	vsel vm0, $0x0, v3  }
0xde: {  	_ =	sdelay $0x3  }
0xdf: {  	s0 =	sshra.s32 s0, $0x2;
	[tilespmem:v1+s29+$0x0] =	vst.idx.add.f32.msk $0xffff, v2  }
0xe0: {  	v1 =	vld [tilespmem:s0+$0x1770]  }
0xe1: {  	v2 =	vld [tilespmem:s0+$0x1F40]  }
0xe2: {  	v3 =	vld [tilespmem:s0+$0x2710];
	_ =	sdelay $0x3  }
0xe3: {  	vm0 =	veq.s32 v1, v2  }
0xe4: {  	v2 =	vsel vm0, $0x0, v3  }
0xe5: {  	[tilespmem:v1+s29+$0x0] =	vst.idx.add.f32.msk $0xffff, v2  }
0xe6: {  	v1 =	vld [tilespmem:s0+$0x1780]  }
0xe7: {  	v2 =	vld [tilespmem:s0+$0x1F50]  }
0xe8: {  	v3 =	vld [tilespmem:s0+$0x2720];
	_ =	sdelay $0x3  }
0xe9: {  	vm7 =	veq.s32 v1, v2  }
0xea: {  	v2 =	vsel vm7, $0x0, v3  }
0xeb: {  	[tilespmem:v1+s29+$0x0] =	vst.idx.add.f32.msk $0xffff, v2  }
0xec: {  	v1 =	vld [tilespmem:s0+$0x1790]  }
0xed: {  	v2 =	vld [tilespmem:s0+$0x1F60]  }
0xee: {  	v3 =	vld [tilespmem:s0+$0x2730];
	_ =	sdelay $0x3  }
0xef: {  	vm8 =	veq.s32 v1, v2  }
0xf0: {  	v2 =	vsel vm8, $0x0, v3  }
0xf1: {  	[tilespmem:v1+s29+$0x0] =	vst.idx.add.f32.msk $0xffff, v2  }
0xf2: {  	v1 =	vld [tilespmem:s0+$0x17A0]  }
0xf3: {  	v2 =	vld [tilespmem:s0+$0x1F70]  }
0xf4: {  	v3 =	vld [tilespmem:s0+$0x2740];
	_ =	sdelay $0x3  }
0xf5: {  	vm9 =	veq.s32 v1, v2  }
0xf6: {  	v2 =	vsel vm9, $0x0, v3  }
0xf7: {  	[tilespmem:v1+s29+$0x0] =	vst.idx.add.f32.msk $0xffff, v2  }
0xf8: {  	v1 =	vld [tilespmem:s0+$0x17B0]  }
0xf9: {  	v2 =	vld [tilespmem:s0+$0x1F80]  }
0xfa: {  	v3 =	vld [tilespmem:s0+$0x2750];
	_ =	sdelay $0x3  }
0xfb: {  	vm10 =	veq.s32 v1, v2  }
0xfc: {  	v2 =	vsel vm10, $0x0, v3  }
0xfd: {  	s5 =	simm.s32 $0x0;
	[tilespmem:v1+s29+$0x0] =	vst.idx.add.f32.msk $0xffff, v2  }
0xfe: {  	[tilespmem:s24], [sflag:$0x2] =	stream.linear.gather [hbm4b:s12+s5], $0x7D0, $0x38;
	[tilespmem:$0xA870] =	vst v63  }
0xff: {  	_ = 	snop  }
0x100: {  	[tilespmem:s25], [sflag:$0x2] =	stream.linear.gather [hbm4b:s13+s5], $0x7D0, $0x38;
	[tilespmem:$0xA870] =	vst v63  }
0x101: {  	_ = 	snop  }
0x102: {  	[tilespmem:s26], [sflag:$0x2] =	stream.linear.gather [hbm4b:s14+s5], $0x7D0, $0x38;
	[tilespmem:$0xA870] =	vst v63  }
0x103: {  	_ =	swait.ge [sflag:s28], $0x7D0  }
0x104: {  	[sflag:s28] =	ssyncset.done $0x0  }
0x105: {  	[sflag:s28] =	ssyncadd.s32 $0xFFFFF830  }
0x106: {  	_ =	swait.ge [sflag:s28], $0x7D0  }
0x107: {  	[sflag:s28] =	ssyncset.done $0x0  }
0x108: {  	[sflag:s28] =	ssyncadd.s32 $0xFFFFF830  }
0x109: {  	_ =	swait.ge [sflag:s28], $0x7D0  }
0x10a: {  	[sflag:s28] =	ssyncset.done $0x0  }
0x10b: {  	s6 =	simm.s32 $0x0;
	[sflag:s28] =	ssyncadd.s32 $0xFFFFF830  }
0x10c: {  	v1 =	vld [tilespmem:s6+$0x0]  }
0x10d: {  	v2 =	vld [tilespmem:s6+$0x7D0]  }
0x10e: {  	v3 =	vld [tilespmem:s6+$0xFA0];
	_ =	sdelay $0x3  }
0x10f: {  	vm11 =	veq.s32 v1, v2  }
0x110: {  	v2 =	vsel vm11, $0x0, v3  }
0x111: {  	[tilespmem:v1+s29+$0x0] =	vst.idx.add.f32.msk $0xffff, v2  }
0x112: {  	v1 =	vld [tilespmem:s6+$0x10]  }
0x113: {  	v2 =	vld [tilespmem:s6+$0x7E0]  }
0x114: {  	v3 =	vld [tilespmem:s6+$0xFB0];
	_ =	sdelay $0x3  }
0x115: {  	vm12 =	veq.s32 v1, v2  }
0x116: {  	v2 =	vsel vm12, $0x0, v3  }
0x117: {  	[tilespmem:v1+s29+$0x0] =	vst.idx.add.f32.msk $0xffff, v2  }
0x118: {  	v1 =	vld [tilespmem:s6+$0x20]  }
0x119: {  	v2 =	vld [tilespmem:s6+$0x7F0]  }
0x11a: {  	v3 =	vld [tilespmem:s6+$0xFC0];
	_ =	sdelay $0x3  }
0x11b: {  	vm13 =	veq.s32 v1, v2  }
0x11c: {  	v2 =	vsel vm13, $0x0, v3  }
0x11d: {  	[tilespmem:v1+s29+$0x0] =	vst.idx.add.f32.msk $0xffff, v2  }
0x11e: {  	v1 =	vld [tilespmem:s6+$0x30]  }
0x11f: {  	v2 =	vld [tilespmem:s6+$0x800]  }
0x120: {  	v3 =	vld [tilespmem:s6+$0xFD0];
	_ =	sdelay $0x3  }
0x121: {  	vm14 =	veq.s32 v1, v2  }
0x122: {  	v2 =	vsel vm14, $0x0, v3  }
0x123: {  	[tilespmem:v1+s29+$0x0] =	vst.idx.add.f32.msk $0xffff, v2  }
0x124: {  	v1 =	vld [tilespmem:s6+$0x40]  }
0x125: {  	v2 =	vld [tilespmem:s6+$0x810]  }
0x126: {  	v3 =	vld [tilespmem:s6+$0xFE0];
	_ =	sdelay $0x3  }
0x127: {  	vm15 =	veq.s32 v1, v2  }
0x128: {  	s4 =	simm.s32 $0x280;
	s0 =	simm.s32 $0x140;
	v2 =	vsel vm15, $0x0, v3  }
.LBB2_8:
0x129: {  	p0 =	sne.s32 s4, $0x1E00  }
0x12a: {  	s5 =	sshra.s32 s0, $0x2;
	[tilespmem:v1+s29+$0x0] =	vst.idx.add.f32.msk $0xffff, v2;
	s0 =	smov.u32 s4;
	s4 =	sadd.s32 $0x140, s4  }
0x12b: {  	v1 =	vld [tilespmem:s5+$0x0]  }
0x12c: {  	v2 =	vld [tilespmem:s5+$0x7D0]  }
0x12d: {  	v3 =	vld [tilespmem:s5+$0xFA0];
	_ =	sdelay $0x3  }
0x12e: {  	vm0 =	veq.s32 v1, v2  }
0x12f: {  	v2 =	vsel vm0, $0x0, v3  }
0x130: {  	[tilespmem:v1+s29+$0x0] =	vst.idx.add.f32.msk $0xffff, v2  }
0x131: {  	v1 =	vld [tilespmem:s5+$0x10]  }
0x132: {  	v2 =	vld [tilespmem:s5+$0x7E0]  }
0x133: {  	v3 =	vld [tilespmem:s5+$0xFB0];
	_ =	sdelay $0x3  }
0x134: {  	vm0 =	veq.s32 v1, v2  }
0x135: {  	v2 =	vsel vm0, $0x0, v3  }
0x136: {  	[tilespmem:v1+s29+$0x0] =	vst.idx.add.f32.msk $0xffff, v2  }
0x137: {  	v1 =	vld [tilespmem:s5+$0x20]  }
0x138: {  	v2 =	vld [tilespmem:s5+$0x7F0]  }
0x139: {  	v3 =	vld [tilespmem:s5+$0xFC0];
	_ =	sdelay $0x3  }
0x13a: {  	vm0 =	veq.s32 v1, v2  }
0x13b: {  	v2 =	vsel vm0, $0x0, v3  }
0x13c: {  	[tilespmem:v1+s29+$0x0] =	vst.idx.add.f32.msk $0xffff, v2  }
0x13d: {  	v1 =	vld [tilespmem:s5+$0x30]  }
0x13e: {  	v2 =	vld [tilespmem:s5+$0x800]  }
0x13f: {  	v3 =	vld [tilespmem:s5+$0xFD0];
	_ =	sdelay $0x3  }
0x140: {  	vm0 =	veq.s32 v1, v2  }
0x141: {  	v2 =	vsel vm0, $0x0, v3  }
0x142: {  	[tilespmem:v1+s29+$0x0] =	vst.idx.add.f32.msk $0xffff, v2  }
0x143: {  	v1 =	vld [tilespmem:s5+$0x40]  }
0x144: {  	v2 =	vld [tilespmem:s5+$0x810]  }
0x145: {  	v3 =	vld [tilespmem:s5+$0xFE0]  }
.Ltmp3:
0x146: {  	(pc) =	sbr.rel @p0 .LBB2_8-.Ltmp3, $3  }
0x147: {  	_ =	sdelay $0x1  }
0x148: {  	vm0 =	veq.s32 v1, v2  }
0x149: {  	v2 =	vsel vm0, $0x0, v3  }
0x14a: {  	_ =	sdelay $0x3  }
0x14b: {  	s0 =	sshra.s32 s0, $0x2;
	[tilespmem:v1+s29+$0x0] =	vst.idx.add.f32.msk $0xffff, v2  }
0x14c: {  	v1 =	vld [tilespmem:s0+$0x0]  }
0x14d: {  	v2 =	vld [tilespmem:s0+$0x7D0]  }
0x14e: {  	v3 =	vld [tilespmem:s0+$0xFA0];
	_ =	sdelay $0x3  }
0x14f: {  	vm0 =	veq.s32 v1, v2  }
0x150: {  	v2 =	vsel vm0, $0x0, v3  }
0x151: {  	[tilespmem:v1+s29+$0x0] =	vst.idx.add.f32.msk $0xffff, v2  }
0x152: {  	v1 =	vld [tilespmem:s0+$0x10]  }
0x153: {  	v2 =	vld [tilespmem:s0+$0x7E0]  }
0x154: {  	v3 =	vld [tilespmem:s0+$0xFB0];
	_ =	sdelay $0x3  }
0x155: {  	vm7 =	veq.s32 v1, v2  }
0x156: {  	v2 =	vsel vm7, $0x0, v3  }
0x157: {  	[tilespmem:v1+s29+$0x0] =	vst.idx.add.f32.msk $0xffff, v2  }
0x158: {  	v1 =	vld [tilespmem:s0+$0x20]  }
0x159: {  	v2 =	vld [tilespmem:s0+$0x7F0]  }
0x15a: {  	v3 =	vld [tilespmem:s0+$0xFC0];
	_ =	sdelay $0x3  }
0x15b: {  	vm8 =	veq.s32 v1, v2  }
0x15c: {  	v2 =	vsel vm8, $0x0, v3  }
0x15d: {  	[tilespmem:v1+s29+$0x0] =	vst.idx.add.f32.msk $0xffff, v2  }
0x15e: {  	v1 =	vld [tilespmem:s0+$0x30]  }
0x15f: {  	v2 =	vld [tilespmem:s0+$0x800]  }
0x160: {  	v3 =	vld [tilespmem:s0+$0xFD0];
	_ =	sdelay $0x3  }
0x161: {  	vm9 =	veq.s32 v1, v2  }
0x162: {  	v2 =	vsel vm9, $0x0, v3  }
0x163: {  	[tilespmem:v1+s29+$0x0] =	vst.idx.add.f32.msk $0xffff, v2  }
0x164: {  	v1 =	vld [tilespmem:s0+$0x40]  }
0x165: {  	v2 =	vld [tilespmem:s0+$0x810]  }
0x166: {  	v3 =	vld [tilespmem:s0+$0xFE0];
	_ =	sdelay $0x3  }
0x167: {  	vm10 =	veq.s32 v1, v2  }
0x168: {  	v2 =	vsel vm10, $0x0, v3  }
0x169: {  	s5 =	simm.s32 $0x0;
	[tilespmem:v1+s29+$0x0] =	vst.idx.add.f32.msk $0xffff, v2  }
0x16a: {  	[tilespmem:s5], [sflag:$0x1] =	stream.linear.gather [hbm4b:s15+s5], $0x7D0, $0x38;
	[tilespmem:$0xA870] =	vst v63  }
0x16b: {  	_ = 	snop  }
0x16c: {  	[tilespmem:s22], [sflag:$0x1] =	stream.linear.gather [hbm4b:s16+s5], $0x7D0, $0x38;
	[tilespmem:$0xA870] =	vst v63  }
0x16d: {  	_ = 	snop  }
0x16e: {  	[tilespmem:s23], [sflag:$0x1] =	stream.linear.gather [hbm4b:s17+s5], $0x7D0, $0x38;
	[tilespmem:$0xA870] =	vst v63  }
0x16f: {  	_ =	swait.ge [sflag:s30], $0x7D0  }
0x170: {  	[sflag:s30] =	ssyncset.done $0x0  }
0x171: {  	[sflag:s30] =	ssyncadd.s32 $0xFFFFF830  }
0x172: {  	_ =	swait.ge [sflag:s30], $0x7D0  }
0x173: {  	[sflag:s30] =	ssyncset.done $0x0  }
0x174: {  	[sflag:s30] =	ssyncadd.s32 $0xFFFFF830  }
0x175: {  	_ =	swait.ge [sflag:s30], $0x7D0  }
0x176: {  	[sflag:s30] =	ssyncset.done $0x0  }
0x177: {  	s6 =	simm.s32 $0x0;
	[sflag:s30] =	ssyncadd.s32 $0xFFFFF830  }
0x178: {  	v1 =	vld [tilespmem:s6+$0x1770]  }
0x179: {  	v2 =	vld [tilespmem:s6+$0x1F40]  }
0x17a: {  	v3 =	vld [tilespmem:s6+$0x2710];
	_ =	sdelay $0x3  }
0x17b: {  	vm11 =	veq.s32 v1, v2  }
0x17c: {  	v2 =	vsel vm11, $0x0, v3  }
0x17d: {  	[tilespmem:v1+s29+$0x0] =	vst.idx.add.f32.msk $0xffff, v2  }
0x17e: {  	v1 =	vld [tilespmem:s6+$0x1780]  }
0x17f: {  	v2 =	vld [tilespmem:s6+$0x1F50]  }
0x180: {  	v3 =	vld [tilespmem:s6+$0x2720];
	_ =	sdelay $0x3  }
0x181: {  	vm12 =	veq.s32 v1, v2  }
0x182: {  	v2 =	vsel vm12, $0x0, v3  }
0x183: {  	[tilespmem:v1+s29+$0x0] =	vst.idx.add.f32.msk $0xffff, v2  }
0x184: {  	v1 =	vld [tilespmem:s6+$0x1790]  }
0x185: {  	v2 =	vld [tilespmem:s6+$0x1F60]  }
0x186: {  	v3 =	vld [tilespmem:s6+$0x2730];
	_ =	sdelay $0x3  }
0x187: {  	vm13 =	veq.s32 v1, v2  }
0x188: {  	v2 =	vsel vm13, $0x0, v3  }
0x189: {  	[tilespmem:v1+s29+$0x0] =	vst.idx.add.f32.msk $0xffff, v2  }
0x18a: {  	v1 =	vld [tilespmem:s6+$0x17A0]  }
0x18b: {  	v2 =	vld [tilespmem:s6+$0x1F70]  }
0x18c: {  	v3 =	vld [tilespmem:s6+$0x2740];
	_ =	sdelay $0x3  }
0x18d: {  	vm14 =	veq.s32 v1, v2  }
0x18e: {  	v2 =	vsel vm14, $0x0, v3  }
0x18f: {  	[tilespmem:v1+s29+$0x0] =	vst.idx.add.f32.msk $0xffff, v2  }
0x190: {  	v1 =	vld [tilespmem:s6+$0x17B0]  }
0x191: {  	v2 =	vld [tilespmem:s6+$0x1F80]  }
0x192: {  	v3 =	vld [tilespmem:s6+$0x2750];
	_ =	sdelay $0x3  }
0x193: {  	vm15 =	veq.s32 v1, v2  }
0x194: {  	s4 =	simm.s32 $0x280;
	s0 =	simm.s32 $0x140;
	v2 =	vsel vm15, $0x0, v3  }
.LBB2_10:
0x195: {  	p0 =	sne.s32 s4, $0x1E00  }
0x196: {  	s5 =	sshra.s32 s0, $0x2;
	[tilespmem:v1+s29+$0x0] =	vst.idx.add.f32.msk $0xffff, v2;
	s0 =	smov.u32 s4;
	s4 =	sadd.s32 $0x140, s4  }
0x197: {  	v1 =	vld [tilespmem:s5+$0x1770]  }
0x198: {  	v2 =	vld [tilespmem:s5+$0x1F40]  }
0x199: {  	v3 =	vld [tilespmem:s5+$0x2710];
	_ =	sdelay $0x3  }
0x19a: {  	vm0 =	veq.s32 v1, v2  }
0x19b: {  	v2 =	vsel vm0, $0x0, v3  }
0x19c: {  	[tilespmem:v1+s29+$0x0] =	vst.idx.add.f32.msk $0xffff, v2  }
0x19d: {  	v1 =	vld [tilespmem:s5+$0x1780]  }
0x19e: {  	v2 =	vld [tilespmem:s5+$0x1F50]  }
0x19f: {  	v3 =	vld [tilespmem:s5+$0x2720];
	_ =	sdelay $0x3  }
0x1a0: {  	vm0 =	veq.s32 v1, v2  }
0x1a1: {  	v2 =	vsel vm0, $0x0, v3  }
0x1a2: {  	[tilespmem:v1+s29+$0x0] =	vst.idx.add.f32.msk $0xffff, v2  }
0x1a3: {  	v1 =	vld [tilespmem:s5+$0x1790]  }
0x1a4: {  	v2 =	vld [tilespmem:s5+$0x1F60]  }
0x1a5: {  	v3 =	vld [tilespmem:s5+$0x2730];
	_ =	sdelay $0x3  }
0x1a6: {  	vm0 =	veq.s32 v1, v2  }
0x1a7: {  	v2 =	vsel vm0, $0x0, v3  }
0x1a8: {  	[tilespmem:v1+s29+$0x0] =	vst.idx.add.f32.msk $0xffff, v2  }
0x1a9: {  	v1 =	vld [tilespmem:s5+$0x17A0]  }
0x1aa: {  	v2 =	vld [tilespmem:s5+$0x1F70]  }
0x1ab: {  	v3 =	vld [tilespmem:s5+$0x2740];
	_ =	sdelay $0x3  }
0x1ac: {  	vm0 =	veq.s32 v1, v2  }
0x1ad: {  	v2 =	vsel vm0, $0x0, v3  }
0x1ae: {  	[tilespmem:v1+s29+$0x0] =	vst.idx.add.f32.msk $0xffff, v2  }
0x1af: {  	v1 =	vld [tilespmem:s5+$0x17B0]  }
0x1b0: {  	v2 =	vld [tilespmem:s5+$0x1F80]  }
0x1b1: {  	v3 =	vld [tilespmem:s5+$0x2750]  }
.Ltmp4:
0x1b2: {  	(pc) =	sbr.rel @p0 .LBB2_10-.Ltmp4, $3  }
0x1b3: {  	_ =	sdelay $0x1  }
0x1b4: {  	vm0 =	veq.s32 v1, v2  }
0x1b5: {  	v2 =	vsel vm0, $0x0, v3  }
0x1b6: {  	_ =	sdelay $0x3  }
0x1b7: {  	s0 =	sshra.s32 s0, $0x2;
	[tilespmem:v1+s29+$0x0] =	vst.idx.add.f32.msk $0xffff, v2  }
0x1b8: {  	v1 =	vld [tilespmem:s0+$0x1770]  }
0x1b9: {  	v2 =	vld [tilespmem:s0+$0x1F40]  }
0x1ba: {  	v3 =	vld [tilespmem:s0+$0x2710];
	_ =	sdelay $0x3  }
0x1bb: {  	vm0 =	veq.s32 v1, v2  }
0x1bc: {  	v2 =	vsel vm0, $0x0, v3  }
0x1bd: {  	[tilespmem:v1+s29+$0x0] =	vst.idx.add.f32.msk $0xffff, v2  }
0x1be: {  	v1 =	vld [tilespmem:s0+$0x1780]  }
0x1bf: {  	v2 =	vld [tilespmem:s0+$0x1F50]  }
0x1c0: {  	v3 =	vld [tilespmem:s0+$0x2720];
	_ =	sdelay $0x3  }
0x1c1: {  	vm7 =	veq.s32 v1, v2  }
0x1c2: {  	v2 =	vsel vm7, $0x0, v3  }
0x1c3: {  	[tilespmem:v1+s29+$0x0] =	vst.idx.add.f32.msk $0xffff, v2  }
0x1c4: {  	v1 =	vld [tilespmem:s0+$0x1790]  }
0x1c5: {  	v2 =	vld [tilespmem:s0+$0x1F60]  }
0x1c6: {  	v3 =	vld [tilespmem:s0+$0x2730];
	_ =	sdelay $0x3  }
0x1c7: {  	vm8 =	veq.s32 v1, v2  }
0x1c8: {  	v2 =	vsel vm8, $0x0, v3  }
0x1c9: {  	[tilespmem:v1+s29+$0x0] =	vst.idx.add.f32.msk $0xffff, v2  }
0x1ca: {  	v1 =	vld [tilespmem:s0+$0x17A0]  }
0x1cb: {  	v2 =	vld [tilespmem:s0+$0x1F70]  }
0x1cc: {  	v3 =	vld [tilespmem:s0+$0x2740];
	_ =	sdelay $0x3  }
0x1cd: {  	vm9 =	veq.s32 v1, v2  }
0x1ce: {  	v2 =	vsel vm9, $0x0, v3  }
0x1cf: {  	[tilespmem:v1+s29+$0x0] =	vst.idx.add.f32.msk $0xffff, v2  }
0x1d0: {  	v1 =	vld [tilespmem:s0+$0x17B0]  }
0x1d1: {  	v2 =	vld [tilespmem:s0+$0x1F80]  }
0x1d2: {  	v3 =	vld [tilespmem:s0+$0x2750];
	_ =	sdelay $0x3  }
0x1d3: {  	vm10 =	veq.s32 v1, v2  }
0x1d4: {  	v2 =	vsel vm10, $0x0, v3  }
0x1d5: {  	[tilespmem:v1+s29+$0x0] =	vst.idx.add.f32.msk $0xffff, v2  }
0x1d6: {  	_ =	swait.ge [sflag:s28], $0x7D0  }
0x1d7: {  	[sflag:s28] =	ssyncset.done $0x0  }
0x1d8: {  	[sflag:s28] =	ssyncadd.s32 $0xFFFFF830  }
0x1d9: {  	_ =	swait.ge [sflag:s28], $0x7D0  }
0x1da: {  	[sflag:s28] =	ssyncset.done $0x0  }
0x1db: {  	[sflag:s28] =	ssyncadd.s32 $0xFFFFF830  }
0x1dc: {  	_ =	swait.ge [sflag:s28], $0x7D0  }
0x1dd: {  	[sflag:s28] =	ssyncset.done $0x0  }
0x1de: {  	s6 =	simm.s32 $0x0;
	[sflag:s28] =	ssyncadd.s32 $0xFFFFF830  }
0x1df: {  	v1 =	vld [tilespmem:s6+$0x0]  }
0x1e0: {  	v2 =	vld [tilespmem:s6+$0x7D0]  }
0x1e1: {  	v3 =	vld [tilespmem:s6+$0xFA0];
	_ =	sdelay $0x3  }
0x1e2: {  	vm11 =	veq.s32 v1, v2  }
0x1e3: {  	v2 =	vsel vm11, $0x0, v3  }
0x1e4: {  	[tilespmem:v1+s29+$0x0] =	vst.idx.add.f32.msk $0xffff, v2  }
0x1e5: {  	v1 =	vld [tilespmem:s6+$0x10]  }
0x1e6: {  	v2 =	vld [tilespmem:s6+$0x7E0]  }
0x1e7: {  	v3 =	vld [tilespmem:s6+$0xFB0];
	_ =	sdelay $0x3  }
0x1e8: {  	vm12 =	veq.s32 v1, v2  }
0x1e9: {  	v2 =	vsel vm12, $0x0, v3  }
0x1ea: {  	[tilespmem:v1+s29+$0x0] =	vst.idx.add.f32.msk $0xffff, v2  }
0x1eb: {  	v1 =	vld [tilespmem:s6+$0x20]  }
0x1ec: {  	v2 =	vld [tilespmem:s6+$0x7F0]  }
0x1ed: {  	v3 =	vld [tilespmem:s6+$0xFC0];
	_ =	sdelay $0x3  }
0x1ee: {  	vm13 =	veq.s32 v1, v2  }
0x1ef: {  	v2 =	vsel vm13, $0x0, v3  }
0x1f0: {  	[tilespmem:v1+s29+$0x0] =	vst.idx.add.f32.msk $0xffff, v2  }
0x1f1: {  	v1 =	vld [tilespmem:s6+$0x30]  }
0x1f2: {  	v2 =	vld [tilespmem:s6+$0x800]  }
0x1f3: {  	v3 =	vld [tilespmem:s6+$0xFD0];
	_ =	sdelay $0x3  }
0x1f4: {  	vm14 =	veq.s32 v1, v2  }
0x1f5: {  	v2 =	vsel vm14, $0x0, v3  }
0x1f6: {  	[tilespmem:v1+s29+$0x0] =	vst.idx.add.f32.msk $0xffff, v2  }
0x1f7: {  	v1 =	vld [tilespmem:s6+$0x40]  }
0x1f8: {  	v2 =	vld [tilespmem:s6+$0x810]  }
0x1f9: {  	v3 =	vld [tilespmem:s6+$0xFE0];
	_ =	sdelay $0x3  }
0x1fa: {  	vm15 =	veq.s32 v1, v2  }
0x1fb: {  	s4 =	simm.s32 $0x280;
	s0 =	simm.s32 $0x140;
	v2 =	vsel vm15, $0x0, v3  }
.LBB2_12:
0x1fc: {  	p0 =	sne.s32 s4, $0x1E00  }
0x1fd: {  	s5 =	sshra.s32 s0, $0x2;
	[tilespmem:v1+s29+$0x0] =	vst.idx.add.f32.msk $0xffff, v2;
	s0 =	smov.u32 s4;
	s4 =	sadd.s32 $0x140, s4  }
0x1fe: {  	v1 =	vld [tilespmem:s5+$0x0]  }
0x1ff: {  	v2 =	vld [tilespmem:s5+$0x7D0]  }
0x200: {  	v3 =	vld [tilespmem:s5+$0xFA0];
	_ =	sdelay $0x3  }
0x201: {  	vm0 =	veq.s32 v1, v2  }
0x202: {  	v2 =	vsel vm0, $0x0, v3  }
0x203: {  	[tilespmem:v1+s29+$0x0] =	vst.idx.add.f32.msk $0xffff, v2  }
0x204: {  	v1 =	vld [tilespmem:s5+$0x10]  }
0x205: {  	v2 =	vld [tilespmem:s5+$0x7E0]  }
0x206: {  	v3 =	vld [tilespmem:s5+$0xFB0];
	_ =	sdelay $0x3  }
0x207: {  	vm0 =	veq.s32 v1, v2  }
0x208: {  	v2 =	vsel vm0, $0x0, v3  }
0x209: {  	[tilespmem:v1+s29+$0x0] =	vst.idx.add.f32.msk $0xffff, v2  }
0x20a: {  	v1 =	vld [tilespmem:s5+$0x20]  }
0x20b: {  	v2 =	vld [tilespmem:s5+$0x7F0]  }
0x20c: {  	v3 =	vld [tilespmem:s5+$0xFC0];
	_ =	sdelay $0x3  }
0x20d: {  	vm0 =	veq.s32 v1, v2  }
0x20e: {  	v2 =	vsel vm0, $0x0, v3  }
0x20f: {  	[tilespmem:v1+s29+$0x0] =	vst.idx.add.f32.msk $0xffff, v2  }
0x210: {  	v1 =	vld [tilespmem:s5+$0x30]  }
0x211: {  	v2 =	vld [tilespmem:s5+$0x800]  }
0x212: {  	v3 =	vld [tilespmem:s5+$0xFD0];
	_ =	sdelay $0x3  }
0x213: {  	vm0 =	veq.s32 v1, v2  }
0x214: {  	v2 =	vsel vm0, $0x0, v3  }
0x215: {  	[tilespmem:v1+s29+$0x0] =	vst.idx.add.f32.msk $0xffff, v2  }
0x216: {  	v1 =	vld [tilespmem:s5+$0x40]  }
0x217: {  	v2 =	vld [tilespmem:s5+$0x810]  }
0x218: {  	v3 =	vld [tilespmem:s5+$0xFE0]  }
.Ltmp5:
0x219: {  	(pc) =	sbr.rel @p0 .LBB2_12-.Ltmp5, $3  }
0x21a: {  	_ =	sdelay $0x1  }
0x21b: {  	vm0 =	veq.s32 v1, v2  }
0x21c: {  	v2 =	vsel vm0, $0x0, v3  }
0x21d: {  	_ =	sdelay $0x3  }
0x21e: {  	s0 =	sshra.s32 s0, $0x2;
	[tilespmem:v1+s29+$0x0] =	vst.idx.add.f32.msk $0xffff, v2  }
0x21f: {  	v1 =	vld [tilespmem:s0+$0x0]  }
0x220: {  	v2 =	vld [tilespmem:s0+$0x7D0]  }
0x221: {  	v3 =	vld [tilespmem:s0+$0xFA0];
	_ =	sdelay $0x3  }
0x222: {  	vm0 =	veq.s32 v1, v2  }
0x223: {  	v2 =	vsel vm0, $0x0, v3  }
0x224: {  	[tilespmem:v1+s29+$0x0] =	vst.idx.add.f32.msk $0xffff, v2  }
0x225: {  	v1 =	vld [tilespmem:s0+$0x10]  }
0x226: {  	v2 =	vld [tilespmem:s0+$0x7E0]  }
0x227: {  	v3 =	vld [tilespmem:s0+$0xFB0];
	_ =	sdelay $0x3  }
0x228: {  	vm12 =	veq.s32 v1, v2  }
0x229: {  	v2 =	vsel vm12, $0x0, v3  }
0x22a: {  	[tilespmem:v1+s29+$0x0] =	vst.idx.add.f32.msk $0xffff, v2  }
0x22b: {  	v1 =	vld [tilespmem:s0+$0x20]  }
0x22c: {  	v2 =	vld [tilespmem:s0+$0x7F0]  }
0x22d: {  	v3 =	vld [tilespmem:s0+$0xFC0];
	_ =	sdelay $0x3  }
0x22e: {  	vm13 =	veq.s32 v1, v2  }
0x22f: {  	v2 =	vsel vm13, $0x0, v3  }
0x230: {  	[tilespmem:v1+s29+$0x0] =	vst.idx.add.f32.msk $0xffff, v2  }
0x231: {  	v1 =	vld [tilespmem:s0+$0x30]  }
0x232: {  	v2 =	vld [tilespmem:s0+$0x800]  }
0x233: {  	v3 =	vld [tilespmem:s0+$0xFD0];
	_ =	sdelay $0x3  }
0x234: {  	vm14 =	veq.s32 v1, v2  }
0x235: {  	v2 =	vsel vm14, $0x0, v3  }
0x236: {  	[tilespmem:v1+s29+$0x0] =	vst.idx.add.f32.msk $0xffff, v2  }
0x237: {  	v1 =	vld [tilespmem:s0+$0x40]  }
0x238: {  	v2 =	vld [tilespmem:s0+$0x810]  }
0x239: {  	v3 =	vld [tilespmem:s0+$0xFE0];
	_ =	sdelay $0x3  }
0x23a: {  	vm15 =	veq.s32 v1, v2  }
0x23b: {  	v2 =	vsel vm15, $0x0, v3  }
0x23c: {  	[tilespmem:v1+s29+$0x0] =	vst.idx.add.f32.msk $0xffff, v2  }
0x23d: {  	[spmem:s18] =	stream.linear.scatter [tilespmem:s29], [sflag:$0x3], $0x2710, $0x38;
	[tilespmem:$0xA870] =	vst v63  }
0x23e: {  	_ =	swait.ge [sflag:s31], $0x2710  }
0x23f: {  	[sflag:s31] =	ssyncset.done $0x0  }
0x240: {  	s6 =	simm.s32 $0x280;
	[sflag:s31] =	ssyncadd.s32 $0xFFFFD8F0  }
0x241: {  	s4 =	simm.s32 $0x2800;
	s5 =	simm.s32 $0x55F0;
	[bflag:$0x0] =	sbarrier.arrive $0xFFFF  }
0x242: {  	[tilespmem:s5], [sflag:$0x3] =	stream.strided.gather [spmem:s19], $0x2800, s4, s6, $0x38;
	[tilespmem:$0xA870] =	vst v63  }
0x243: {  	_ =	swait.ge [sflag:s31], $0x2800  }
0x244: {  	[sflag:s31] =	ssyncset.done $0x0  }
0x245: {  	s4 =	simm.s32 $0x0;
	[sflag:s31] =	ssyncadd.s32 $0xFFFFD800  }
0x246: {  	v1 =	vld [tilespmem:s4+$0x55F0]  }
0x247: {  	v2 =	vld [tilespmem:s4+$0x5870];
	_ =	sdelay $0x1  }
0x248: {  	v3 =	vld [tilespmem:s4+$0x5AF0];
	_ =	sdelay $0x1  }
0x249: {  	v4 =	vld [tilespmem:s4+$0x5D70]  }
0x24a: {  	v1 =	vadd.f32 v2, v1  }
0x24b: {  	v2 =	vld [tilespmem:s4+$0x5FF0]  }
0x24c: {  	v1 =	vadd.f32 v3, v1  }
0x24d: {  	v3 =	vld [tilespmem:s4+$0x6270]  }
0x24e: {  	v1 =	vadd.f32 v4, v1  }
0x24f: {  	v4 =	vld [tilespmem:s4+$0x64F0]  }
0x250: {  	v1 =	vadd.f32 v2, v1  }
0x251: {  	v2 =	vld [tilespmem:s4+$0x6770]  }
0x252: {  	s0 =	simm.s32 $0x10;
	v5 =	vld [tilespmem:s4+$0x69F0];
	v1 =	vadd.f32 v3, v1  }
0x253: {  	v6 =	vld [tilespmem:s0+$0x55F0]  }
0x254: {  	v3 =	vld [tilespmem:s4+$0x6C70];
	v1 =	vadd.f32 v4, v1  }
0x255: {  	v4 =	vld [tilespmem:s0+$0x5870]  }
0x256: {  	v7 =	vld [tilespmem:s0+$0x5AF0];
	v1 =	vadd.f32 v2, v1  }
0x257: {  	v2 =	vld [tilespmem:s4+$0x6EF0]  }
0x258: {  	v8 =	vld [tilespmem:s0+$0x5D70];
	v1 =	vadd.f32 v5, v1  }
0x259: {  	v5 =	vld [tilespmem:s4+$0x7170]  }
0x25a: {  	v4 =	vadd.f32 v4, v6;
	v6 =	vld [tilespmem:s0+$0x5FF0];
	v1 =	vadd.f32 v3, v1  }
0x25b: {  	v3 =	vld [tilespmem:s4+$0x73F0]  }
0x25c: {  	v4 =	vadd.f32 v7, v4;
	v7 =	vld [tilespmem:s0+$0x6270];
	v1 =	vadd.f32 v2, v1  }
0x25d: {  	v2 =	vld [tilespmem:s4+$0x7670]  }
0x25e: {  	v9 =	vld [tilespmem:s0+$0x64F0];
	v4 =	vadd.f32 v8, v4;
	v1 =	vadd.f32 v5, v1  }
0x25f: {  	v8 =	vld [tilespmem:s4+$0x78F0]  }
0x260: {  	v5 =	vadd.f32 v6, v4;
	v4 =	vld [tilespmem:s0+$0x6770];
	v6 =	vadd.f32 v3, v1  }
0x261: {  	v3 =	vld [tilespmem:s4+$0x7B70]  }
0x262: {  	v1 =	vld [tilespmem:s0+$0x6C70];
	v7 =	vadd.f32 v7, v5;
	v10 =	vadd.f32 v2, v6  }
0x263: {  	s5 =	simm.s32 $0x20;
	v5 =	vld [tilespmem:s0+$0x69F0]  }
0x264: {  	s6 =	simm.s32 $0xC0;
	v2 =	vld [tilespmem:s5+$0x55F0];
	v6 =	vadd.f32 v9, v7;
	v7 =	vadd.f32 v8, v10  }
.LBB2_14:
0x265: {  	p0 =	sne.s32 s6, $0x9C0;
	v8 =	vld [tilespmem:s5+$0x5870]  }
0x266: {  	v4 =	vadd.f32 v4, v6;
	v6 =	vld [tilespmem:s0+$0x6EF0];
	v3 =	vadd.f32 v3, v7  }
0x267: {  	v7 =	vld [tilespmem:s5+$0x5AF0]  }
0x268: {  	v4 =	vadd.f32 v5, v4;
	v5 =	vld [tilespmem:s0+$0x7170];
	[tilespmem:s4+$0x7DF0] =	vst v3;
	s4 =	smov.u32 s0;
	s0 =	smov.u32 s5  }
0x269: {  	v3 =	vld [tilespmem:s0+$0x5D70]  }
0x26a: {  	v2 =	vadd.f32 v8, v2;
	v1 =	vadd.f32 v1, v4;
	v4 =	vld [tilespmem:s4+$0x73F0]  }
0x26b: {  	v8 =	vld [tilespmem:s0+$0x5FF0]  }
0x26c: {  	v2 =	vadd.f32 v7, v2;
	v1 =	vadd.f32 v6, v1;
	v6 =	vld [tilespmem:s4+$0x7670]  }
0x26d: {  	v7 =	vld [tilespmem:s0+$0x6270]  }
0x26e: {  	v2 =	vadd.f32 v3, v2;
	v1 =	vadd.f32 v5, v1;
	v9 =	vld [tilespmem:s4+$0x78F0]  }
0x26f: {  	v10 =	vld [tilespmem:s0+$0x64F0]  }
.Ltmp6:
0x270: {  	v2 =	vadd.f32 v8, v2;
	v5 =	vadd.f32 v4, v1;
	v3 =	vld [tilespmem:s4+$0x7B70];
	(pc) =	sbr.rel @p0 .LBB2_14-.Ltmp6, $4  }
0x271: {  	v4 =	vld [tilespmem:s0+$0x6770]  }
0x272: {  	v7 =	vadd.f32 v7, v2;
	v1 =	vld [tilespmem:s0+$0x6C70];
	v8 =	vadd.f32 v6, v5  }
0x273: {  	s5 =	sshra.s32 s6, $0x2;
	v5 =	vld [tilespmem:s0+$0x69F0]  }
0x274: {  	s6 =	sadd.s32 $0x40, s6;
	v2 =	vld [tilespmem:s5+$0x55F0];
	v6 =	vadd.f32 v10, v7;
	v7 =	vadd.f32 v9, v8  }
0x275: {  	v8 =	vld [tilespmem:s5+$0x5870]  }
0x276: {  	v9 =	vld [tilespmem:s0+$0x6EF0];
	v3 =	vadd.f32 v3, v7  }
0x277: {  	v52 =	vld [tilespmem:s5+$0x5AF0]  }
0x278: {  	v10 =	vld [tilespmem:s0+$0x7170];
	v4 =	vadd.f32 v4, v6;
	[tilespmem:s4+$0x7DF0] =	vst v3  }
0x279: {  	v3 =	vld [tilespmem:s5+$0x5D70]  }
0x27a: {  	v4 =	vadd.f32 v5, v4;
	v2 =	vadd.f32 v8, v2  }
0x27b: {  	v53 =	vld [tilespmem:s5+$0x5FF0]  }
0x27c: {  	v54 =	vld [tilespmem:s0+$0x73F0];
	v1 =	vadd.f32 v1, v4;
	v2 =	vadd.f32 v52, v2  }
0x27d: {  	v55 =	vld [tilespmem:s5+$0x6270]  }
0x27e: {  	v56 =	vld [tilespmem:s0+$0x7670];
	v1 =	vadd.f32 v9, v1;
	v2 =	vadd.f32 v3, v2  }
0x27f: {  	v3 =	vld [tilespmem:s5+$0x64F0]  }
0x280: {  	v57 =	vld [tilespmem:s0+$0x78F0];
	v1 =	vadd.f32 v10, v1;
	v2 =	vadd.f32 v53, v2  }
0x281: {  	v58 =	vld [tilespmem:s5+$0x6770]  }
0x282: {  	v59 =	vld [tilespmem:s0+$0x7B70];
	v1 =	vadd.f32 v54, v1;
	v2 =	vadd.f32 v55, v2  }
0x283: {  	v60 =	vld [tilespmem:s5+$0x69F0]  }
0x284: {  	v1 =	vadd.f32 v56, v1;
	v2 =	vadd.f32 v3, v2  }
0x285: {  	v3 =	vld [tilespmem:s5+$0x6C70]  }
0x286: {  	v1 =	vadd.f32 v57, v1;
	v2 =	vadd.f32 v58, v2  }
0x287: {  	v61 =	vld [tilespmem:s5+$0x6EF0]  }
0x288: {  	v1 =	vadd.f32 v59, v1;
	v2 =	vadd.f32 v60, v2  }
0x289: {  	v62 =	vld [tilespmem:s5+$0x7170]  }
0x28a: {  	[tilespmem:s0+$0x7DF0] =	vst v1;
	v1 =	vadd.f32 v3, v2  }
0x28b: {  	v2 =	vld [tilespmem:s5+$0x73F0]  }
0x28c: {  	v1 =	vadd.f32 v61, v1  }
0x28d: {  	v3 =	vld [tilespmem:s5+$0x7670]  }
0x28e: {  	v1 =	vadd.f32 v62, v1  }
0x28f: {  	v63 =	vld [tilespmem:s5+$0x78F0]  }
0x290: {  	v1 =	vadd.f32 v2, v1  }
0x291: {  	v2 =	vld [tilespmem:s5+$0x7B70]  }
0x292: {  	v1 =	vadd.f32 v3, v1;
	_ =	sdelay $0x1  }
0x293: {  	v1 =	vadd.f32 v63, v1;
	_ =	sdelay $0x1  }
0x294: {  	s1 =	sadd.s32 $0x1, s1;
	v1 =	vadd.f32 v2, v1  }
0x295: {  	p0 =	sne.s32 s1, s21  }
.Ltmp7:
0x296: {  	s6 =	simm.s32 $0x7DF0;
	[tilespmem:s5+$0x7DF0] =	vst v1;
	(pc) =	sbr.rel @p0 .LBB2_1-.Ltmp7, $4  }
0x297: {  	[hbm4b:s20+s2] =	stream.linear.scatter [tilespmem:s6], [sflag:$0x3], $0x280, $0x38;
	[tilespmem:$0xA870] =	vst v63  }
0x298: {  	_ =	swait.ge [sflag:s31], $0x280  }
0x299: {  	[sflag:s31] =	ssyncset.done $0x0  }
0x29a: {  	[sflag:s31] =	ssyncadd.s32 $0xFFFFFD80  }
0x29b: {  	_ =	sfence.sel $0x180000  }
0x29c: {  	[bflag:$0x0] =	sbarrier.arrive $0xFFFF  }
0x29d: {  	_ =	strace $0x90000047  }
0x29e: {  	s0 =	stileid.u32;
	[bflag:$0x2] =	sbarrier.arrive $0xFFFF  }
0x29f: {  	p0 =	sne.s32 s0, $0x0;
	s0 =	rddreg [dreg:$0x4]  }
0x2a0: {  	s0 =	sadd.s32 @!p0 $0x100000, s0  }
0x2a1: {  	[sflag:s0] =	ssyncadd.tile.s32 @!p0 $0x1;
	_ =	shalt  }
.Lfunc_end2:
_tile_overlayer_lowered:
.L_overlay_start_2:
0x2a2: {  	(tag) =	ssettag $0x2  }
0x2a3: {  	s0 =	rddreg [dreg:$0x0];
	s2 =	stileid.u32  }
0x2a4: {  	s1 =	rddreg [dreg:$0x1];
	p0 =	sne.s32 s2, $0x0  }
0x2a5: {  	s3 =	rddreg [dreg:$0x2];
	[bflag:$0x3] =	sbarrier.arrive $0xFFFF;
	s2 =	simm.s32 @!p0 $0x1C03  }
0x2a6: {  	[timem:s3], [sflag:s2] =	dma.local @!p0 [hbm:s0], s1  }
0x2a7: {  	s0 =	simm.s32 @!p0 $0x3  }
0x2a8: {  	_ =	swait.ge @!p0 [sflag:s0], s1  }
0x2a9: {  	s1 =	ssub.s32 @!p0 $0x0, s1;
	[sflag:s0] =	ssyncset.done @!p0 $0x0  }
0x2aa: {  	[sflag:s0] =	ssyncadd.s32 @!p0 s1  }
0x2ab: {  	[bflag:$0x3] =	sbarrier.arrive $0xFFFF  }
0x2ac: {  	_ =	shalt  }

// kernel: kernel.9.cloned.1.call-start
scs
__scs_entry_jumppad:
0x0: {  	(pc) =	sbr.rel $0x88, $3  }
0x1: {  	(tag) =	ssettag $0x0;
	lr =	simm.s32 $0x1  }
0x2: {  	[smem:$0x3F9B] =	sst lr;
	_ =	strace $0xD0000000  }
0x3: {  	_ = 	snop  }
0x4: {  	_ = 	snop  }
0x5: {  	_ = 	snop  }
0x6: {  	_ = 	snop  }
0x7: {  	_ = 	snop  }
__scs_overlays_trampoline_lowered:
0x8: {  	[smem:$0x3FAA] =	sst s0  }
0x9: {  	[smem:$0x3FAB] =	sst s1  }
0xa: {  	[smem:$0x3FAC] =	sst s2  }
0xb: {  	[smem:$0x3FAD] =	sst s3  }
0xc: {  	[smem:$0x3FAE] =	sst s4  }
0xd: {  	[smem:$0x3FAF] =	sst s5  }
0xe: {  	[smem:$0x3FB0] =	sst s6  }
0xf: {  	[smem:$0x3FB1] =	sst s7  }
0x10: {  	[smem:$0x3FB2] =	sst s8  }
0x11: {  	[smem:$0x3FB3] =	sst s9;
	s0 =	simm.s32 @!p0 $0x0  }
0x12: {  	s1 =	sld [smem:$0x3F99];
	s0 =	simm.s32 @p0 $0x1  }
0x13: {  	[smem:$0x3FB4] =	sst s0;
	s0 =	simm.s32 @!p1 $0x0  }
0x14: {  	s2 =	sld [smem:$0x3F98];
	s0 =	simm.s32 @p1 $0x1  }
0x15: {  	[smem:$0x3FB5] =	sst s0;
	s0 =	simm.s32 @!p2 $0x0  }
0x16: {  	s3 =	sld [smem:$0x3FDB];
	s0 =	simm.s32 @p2 $0x1  }
0x17: {  	s4 =	simm.s32 $0x1BF5;
	[smem:$0x3FB7] =	sst s0  }
0x18: {  	s0 =	sld [smem:$0x3F9A];
	_ =	swait.ge [sflag:s4], $0x0  }
0x19: {  	s7 =	sld [smem:$0x3F9B]  }
0x1a: {  	s8 =	sadd.s32 $0xFFFFE003, lr  }
0x1b: {  	s9 =	sadd.s32 $0xFFFFFEF7, lr;
	s5 =	simm.s32 $0xFFFFFFFF;
	p2 =	slt.u32 s8, $0xFFFFF086  }
0x1c: {  	p1 =	slt.u32 s9, $0xF7A;
	s5 =	simm.s32 @!p2 $0x0  }
0x1d: {  	s5 =	simm.s32 @p1 $0x1;
	p0 =	seq.s32 s7, s2  }
0x1e: {  	s7 =	smul.u32 @!p0 $0xF7A, s2;
	p2 =	seq.s32 @!p0 s5, $0x0  }
0x1f: {  	s9 =	smul.u32 $0xF7A, s1;
	s8 =	simm.s32 @!p0 $0x1BF5;
	p2 =	por !p2, p0  }
0x20: {  	[sflag:s8] =	ssyncset.s32 @!p0 $0xFFFFF086;
	s6 =	sadd.s32 @!p0 s3, s7;
	s7 =	simm.s32 @!p0 $0x108  }
0x21: {  	s3 =	sadd.s32 s3, s9;
	s6 =	sadd.s32 @!p0 $0x88, s6;
	s7 =	simm.s32 @p2 $0x1082  }
0x22: {  	[simem:s7], [sflag:s8] =	dma.local @!p0 [hbm:s6], $0xF7A  }
0x23: {  	s9 =	sor.u32 $0xD0000000, s2;
	s6 =	simm.s32 $0x108;
	_ =	swait.ge @!p0 [sflag:s8], $0x0  }
0x24: {  	s3 =	sadd.s32 $0x88, s3;
	s6 =	simm.s32 @!p1 $0x1082;
	[sflag:s4] =	ssyncset.s32 $0xFFFFF086  }
0x25: {  	[simem:s6], [sflag:s4] =	dma.local [hbm:s3], $0xF7A  }
0x26: {  	[smem:$0x3F9B] =	sst s1;
	(tag) =	ssettag s2;
	_ =	strace s9  }
0x27: {  	s1 =	sld [smem:$0x3FAB]  }
0x28: {  	s2 =	sld [smem:$0x3FAC]  }
0x29: {  	s4 =	sld [smem:$0x3FAE]  }
0x2a: {  	p0 =	seq.s32 s5, $0x0;
	s5 =	sld [smem:$0x3FAF]  }
0x2b: {  	s6 =	sld [smem:$0x3FB0]  }
0x2c: {  	s7 =	sld [smem:$0x3FB1]  }
0x2d: {  	s3 =	simm.s32 $0x108;
	s8 =	sld [smem:$0x3FB2]  }
0x2e: {  	s3 =	simm.s32 @!p0 $0x1082;
	s9 =	sld [smem:$0x3FB3]  }
0x2f: {  	lr =	sadd.s32 s0, s3;
	s0 =	sld [smem:$0x3FAA]  }
0x30: {  	s3 =	sld [smem:$0x3FAD]  }
0x31: {  	[smem:$0x3FB6] =	sst s10  }
0x32: {  	s10 =	sld [smem:$0x3FB4];
	_ =	sdelay $0x3  }
0x33: {  	p0 =	seq.s32 s10, $0x1;
	s10 =	sld [smem:$0x3FB6];
	_ =	sdelay $0x3  }
0x34: {  	[smem:$0x3FB6] =	sst s10  }
0x35: {  	s10 =	sld [smem:$0x3FB5];
	_ =	sdelay $0x3  }
0x36: {  	p1 =	seq.s32 s10, $0x1;
	s10 =	sld [smem:$0x3FB6];
	_ =	sdelay $0x3  }
0x37: {  	[smem:$0x3FB6] =	sst s10  }
0x38: {  	s10 =	sld [smem:$0x3FB7]  }
0x39: {  	_ = 	snop;
	(pc) =	sbr.ind lr, $3  }
0x3a: {  	_ = 	snop  }
0x3b: {  	_ = 	snop  }
0x3c: {  	p2 =	seq.s32 s10, $0x1;
	s10 =	sld [smem:$0x3FB6]  }
0x3d: {  	_ =	shalt  }
0x3e: {  	_ =	shalt  }
0x3f: {  	_ =	shalt  }
0x40: {  	_ =	shalt  }
0x41: {  	_ =	shalt  }
0x42: {  	_ =	shalt  }
0x43: {  	_ =	shalt  }
0x44: {  	_ =	shalt  }
0x45: {  	_ =	shalt  }
0x46: {  	_ =	shalt  }
0x47: {  	_ =	shalt  }
0x48: {  	_ =	shalt  }
0x49: {  	_ =	shalt  }
0x4a: {  	_ =	shalt  }
0x4b: {  	_ =	shalt  }
0x4c: {  	_ =	shalt  }
0x4d: {  	_ =	shalt  }
0x4e: {  	_ =	shalt  }
0x4f: {  	_ =	shalt  }
0x50: {  	_ =	shalt  }
0x51: {  	_ =	shalt  }
0x52: {  	_ =	shalt  }
0x53: {  	_ =	shalt  }
0x54: {  	_ =	shalt  }
0x55: {  	_ =	shalt  }
0x56: {  	_ =	shalt  }
0x57: {  	_ =	shalt  }
0x58: {  	_ =	shalt  }
0x59: {  	_ =	shalt  }
0x5a: {  	_ =	shalt  }
0x5b: {  	_ =	shalt  }
0x5c: {  	_ =	shalt  }
0x5d: {  	_ =	shalt  }
0x5e: {  	_ =	shalt  }
0x5f: {  	_ =	shalt  }
0x60: {  	_ =	shalt  }
0x61: {  	_ =	shalt  }
0x62: {  	_ =	shalt  }
0x63: {  	_ =	shalt  }
0x64: {  	_ =	shalt  }
0x65: {  	_ =	shalt  }
0x66: {  	_ =	shalt  }
0x67: {  	_ =	shalt  }
0x68: {  	_ =	shalt  }
0x69: {  	_ =	shalt  }
0x6a: {  	_ =	shalt  }
0x6b: {  	_ =	shalt  }
0x6c: {  	_ =	shalt  }
0x6d: {  	_ =	shalt  }
0x6e: {  	_ =	shalt  }
0x6f: {  	_ =	shalt  }
0x70: {  	_ =	shalt  }
0x71: {  	_ =	shalt  }
0x72: {  	_ =	shalt  }
0x73: {  	_ =	shalt  }
0x74: {  	_ =	shalt  }
0x75: {  	_ =	shalt  }
0x76: {  	_ =	shalt  }
0x77: {  	_ =	shalt  }
0x78: {  	_ =	shalt  }
0x79: {  	_ =	shalt  }
0x7a: {  	_ =	shalt  }
0x7b: {  	_ =	shalt  }
0x7c: {  	_ =	shalt  }
0x7d: {  	_ =	shalt  }
0x7e: {  	_ =	shalt  }
0x7f: {  	_ =	shalt  }
0x80: {  	_ =	shalt  }
0x81: {  	_ =	shalt  }
0x82: {  	_ =	shalt  }
0x83: {  	_ =	shalt  }
0x84: {  	_ =	shalt  }
0x85: {  	_ =	shalt  }
0x86: {  	_ =	shalt  }
0x87: {  	_ =	shalt  }
.Lfunc_end0:
.L_simem_size_0:
called_computation.1_lowered:
.L_overlay_start_0:
0x88: {  	s2 =	sld [smem:$0x3FD9]  }
0x89: {  	s3 =	sld [smem:$0x3FFE];
	_ =	sdelay $0x1  }
0x8a: {  	s1 =	srdreg.scid  }
0x8b: {  	s0 =	sand.u32 $0x1, s1  }
0x8c: {  	s17 =	sshll.u32 s0, $0xA;
	s2 =	sadd.s32 s3, s2  }
0x8d: {  	s2 =	sadd.s32 s2, s17  }
0x8e: {  	[smem:$0x3FC2] =	sst s2  }
0x8f: {  	_ = 	snop  }
0x90: {  	s2 =	sld [smem:$0x3FC7]  }
0x91: {  	s18 =	sld [smem:$0x3FD0];
	(tm) =	ssettm $0x1  }
0x92: {  	s4 =	sld [smem:$0x3FFB];
	_ =	sdelay $0x3  }
0x93: {  	_ =	strace s4  }
0x94: {  	s4 =	sld [smem:$0x3FFC];
	_ =	sdelay $0x3  }
0x95: {  	_ =	strace s4  }
0x96: {  	s4 =	sld [smem:$0x3FFD];
	_ =	sdelay $0x3  }
0x97: {  	_ =	strace s4  }
0x98: {  	_ =	strace $0x8FFFFFFF  }
0x99: {  	s19 =	sld [smem:$0x3FDB];
	_ =	sdelay $0x1  }
0x9a: {  	s5 =	simm.s32 $_scs_section_size  }
0x9b: {  	s6 =	simm.s32 $_size__tile_overlayer_lowered;
	s7 =	simm.s32 $_tile_overlayer_lowered  }
0x9c: {  	s22 =	simm.s32 $0x1BFF;
	s21 =	sshll.u32 s7, $0x1;
	s4 =	sadd.s32 s5, s19  }
0x9d: {  	s8 =	simm.s32 $0x0;
	s20 =	sshll.u32 s6, $0x1;
	s6 =	sadd.s32 s21, s4  }
0x9e: {  	[timem:s8], [sflag:s22] =	dma.local [hbm:s6], s20  }
0x9f: {  	_ =	swait.ge [sflag:s22], s20  }
0xa0: {  	s5 =	ssub.s32 $0x0, s20;
	[sflag:s22] =	ssyncset.done $0x0  }
0xa1: {  	[sflag:s22] =	ssyncadd.s32 s5;
	_ =	sdelay $0x1  }
0xa2: {  	s23 =	simm.s32 $0x1B8B  }
0xa3: {  	_ =	swait.ge [sflag:s23], $0x1  }
0xa4: {  	[sflag:s23] =	ssyncset.done $0x0  }
0xa5: {  	s25 =	simm.s32 $0x1B8E;
	s24 =	sld [smem:$0x3FFE];
	[sflag:s23] =	ssyncadd.s32 $0xFFFFFFFF  }
0xa6: {  	s26 =	simm.s32 $execute0_lowered;
	[smem:$0x3FD2] =	sst s25  }
0xa7: {  	s6 =	sshll.u32 s26, $0x1;
	_ =	strace $0x80000049;
	[dreg:$0x1] =	wrdreg $0xFFFFFFFF  }
0xa8: {  	s28 =	simm.s32 $_size_execute0_lowered;
	s4 =	sadd.s32 s4, s6;
	[dreg:$0x0] =	wrdreg $0x0  }
0xa9: {  	s6 =	sshll.u32 s28, $0x1;
	[dreg:$0x2] =	wrdreg s4  }
0xaa: {  	[dreg:$0x3] =	wrdreg s6  }
0xab: {  	[dreg:$0x4] =	wrdreg $0xC0  }
0xac: {  	_ =	task [dreg:s8], $0x5FFFF  }
0xad: {  	[dreg:$0x1] =	wrdreg $0xFFFFFFFF  }
0xae: {  	[dreg:$0x0] =	wrdreg $0x60  }
0xaf: {  	[dreg:$0x2] =	wrdreg s18  }
0xb0: {  	[dreg:$0x3] =	wrdreg s2  }
0xb1: {  	[dreg:$0x4] =	wrdreg s24  }
0xb2: {  	[dreg:$0x5] =	wrdreg $0x121B00  }
0xb3: {  	[dreg:$0x6] =	wrdreg $0x124300  }
0xb4: {  	[dreg:$0x7] =	wrdreg $0x9  }
0xb5: {  	_ =	task.clear_ibuf [dreg:s8], $0x8FFFF;
	_ =	strace $0x90000049  }
0xb6: {  	s29 =	simm.s32 $0x9;
	_ =	strace $0x8000004B  }
0xb7: {  	_ =	swait.ge [sflag:s29], $0x1  }
0xb8: {  	[sflag:s29] =	ssyncadd.s32 $0xFFFFFFFF  }
0xb9: {  	_ =	strace $0x9000004B  }
0xba: {  	_ =	sfence  }
0xbb: {  	s30 =	sld [smem:$0x0];
	_ =	sdelay $0x2  }
0xbc: {  	s31 =	sshll.u32 s1, $0xD;
	s1 =	sshrl.u32 s1, $0x2  }
0xbd: {  	s3 =	sand.u32 $0x4000, s31;
	s1 =	sadd.s32 s1, s30  }
0xbe: {  	s0 =	sor.u32 s3, s0;
	s1 =	sshll.u32 s1, $0x11  }
0xbf: {  	s0 =	sor.u32 s1, s0  }
0xc0: {  	s0 =	sadd.s32 $0x8F2B, s0  }
0xc1: {  	[sflag:s0] =	ssyncadd.remote.s32 $0x1  }
0xc2: {  	_ =	sfence.sel $0xFFFF  }
0xc3: {  	[dreg:$0x0] =	wrdreg $0xFFFFFFFF;
	(pc) =	sbr.abs _section_cstart, $3  }
0xc4: {  	[dreg:$0x1] =	wrdreg $0xFFFFFFFF  }
0xc5: {  	_ =	task.clear_ibuf [dreg:s8], $0x2FFFF;
	_ =	strace $0x9FFFFFFF  }
0xc6: {  	(tm) =	ssettm $0x7FFFFFFF  }
0xc7: {  	_ =	shalt  }
tec
execute0_lowered:
.L_overlay_start_1:
0x0: {  	(tag) =	ssettag $0x1  }
0x1: {  	s0 =	rddreg [dreg:$0x0]  }
0x2: {  	s1 =	rddreg [dreg:$0x1]  }
0x3: {  	s2 =	rddreg [dreg:$0x2]  }
0x4: {  	s13 =	rddreg [dreg:$0x3]  }
0x5: {  	s4 =	rddreg [dreg:$0x4];
	s12 =	stileid.u32  }
0x6: {  	s5 =	srdreg.scid;
	s6 =	smul.u32 $0x280, s12  }
0x7: {  	s3 =	simm.s32 $0x0;
	s30 =	simm.s32 $0x7D0;
	s7 =	smul.u32 $0x4E20, s12  }
0x8: {  	s31 =	simm.s32 $0xFA0;
	s5 =	sand.u32 $0x1, s5;
	s20 =	smul.u32 $0x14000, s12  }
0x9: {  	[smem:$0x7FF] =	sst s3;
	s11 =	sadd.s32 $0x1000, s2;
	s8 =	smul.u32 $0x2710, s5  }
0xa: {  	s12 =	simm.s32 $0xA410;
	_ =	strace $0x8000004A;
	s10 =	smul.u32 $0x2800, s5  }
0xb: {  	[dreg:$0x6] =	wrdreg s11;
	s22 =	ssub.s32 $0x2, s5;
	s11 =	simm.s32 $0x2  }
0xc: {  	s9 =	sshrl.u32 s6, $0x3;
	s23 =	sshrl.u32 s22, $0x1;
	s13 =	sadd.s32 s6, s13  }
0xd: {  	s9 =	sadd.s32 s9, s2;
	s7 =	sadd.s32 s8, s7;
	s21 =	sadd.s32 s6, s10  }
0xe: {  	[dreg:$0xa] =	wrdreg s13;
	s13 =	simm.s32 $0x3;
	s7 =	sshrl.u32 s7, $0x3  }
0xf: {  	s8 =	sshrl.u32 s21, $0x3;
	s9 =	sadd.s32 $0x600, s9;
	s5 =	sadd.s32 s0, s7  }
0x10: {  	s2 =	sadd.s32 s8, s2;
	s25 =	sadd.s32 s1, s7;
	[dreg:$0x9] =	wrdreg s9  }
0x11: {  	s26 =	sadd.s32 $0xFA, s7;
	s24 =	sadd.s32 $0x9C40, s5;
	[dreg:$0x8] =	wrdreg s25  }
0x12: {  	s8 =	ssub.s32 s22, s23;
	s14 =	sadd.s32 s0, s26;
	[dreg:$0x7] =	wrdreg s24  }
0x13: {  	s15 =	sadd.s32 $0x1F4, s7;
	s16 =	sadd.s32 $0x9D3A, s5;
	[dreg:$0xb] =	wrdreg s14  }
0x14: {  	s19 =	sadd.s32 $0x2EE, s7;
	s9 =	sadd.s32 s1, s26;
	[dreg:$0xc] =	wrdreg s16  }
0x15: {  	s7 =	sadd.s32 $0x3E8, s7;
	s17 =	sadd.s32 s0, s15;
	[dreg:$0xd] =	wrdreg s9  }
0x16: {  	s22 =	sshrl.u32 s20, $0x2;
	s18 =	sadd.s32 $0x9E34, s5;
	[dreg:$0xe] =	wrdreg s17  }
0x17: {  	s10 =	sadd.s32 s1, s15;
	s21 =	sadd.s32 s0, s19;
	[dreg:$0xf] =	wrdreg s18  }
0x18: {  	s0 =	sadd.s32 s0, s7;
	s23 =	sadd.s32 $0x9F2E, s5;
	[dreg:$0x10] =	wrdreg s10  }
0x19: {  	s25 =	sadd.s32 $0x2400, s2;
	s26 =	smax.u32 s8, $0x1;
	[dreg:$0x11] =	wrdreg s21  }
0x1a: {  	s15 =	simm.s32 $0xF230;
	s9 =	sadd.s32 s1, s19;
	[dreg:$0x13] =	wrdreg s0  }
0x1b: {  	s1 =	sadd.s32 s1, s7;
	[dreg:$0x15] =	wrdreg s23;
	s21 =	sadd.s32 s22, s4  }
0x1c: {  	s22 =	sadd.s32 s6, s4;
	s24 =	sadd.s32 $0x1A00, s2;
	[dreg:$0x17] =	wrdreg s25  }
0x1d: {  	[dreg:$0x18] =	wrdreg s26;
	s26 =	sadd.s32 $0xA028, s5;
	s0 =	simm.s32 $0x2EE0  }
0x1e: {  	s2 =	simm.s32 $0x4;
	s4 =	simm.s32 $0x11A30;
	[dreg:$0x12] =	wrdreg s9  }
0x1f: {  	s6 =	simm.s32 $0x7D00;
	s7 =	simm.s32 $0x1;
	[dreg:$0x14] =	wrdreg s1  }
0x20: {  	s14 =	simm.s32 $0x5000;
	s16 =	simm.s32 $0x0;
	[dreg:$0x16] =	wrdreg s24  }
0x21: {  	v0 =	vimm.f32 $0.0e+00;
	s28 =	sadd.s32 $0x2800, s21;
	s29 =	sadd.s32 $0x2800, s22;
	s1 =	simm.s32 $0x280  }
.LBB2_1:
0x22: {  	[tilespmem:s3], [sflag:$0x2] =	stream.linear.gather [hbm4b:s5+s3], $0x7D0, $0x38;
	[tilespmem:$0x17430] =	vst v63  }
0x23: {  	s8 =	rddreg [dreg:$0x7]  }
0x24: {  	[tilespmem:s30], [sflag:$0x2] =	stream.linear.gather [hbm4b:s8+s3], $0x7D0, $0x38;
	[tilespmem:$0x17430] =	vst v63  }
0x25: {  	s23 =	rddreg [dreg:$0x8]  }
0x26: {  	[tilespmem:s31], [sflag:$0x2] =	stream.linear.gather [hbm4b:s23+s3], $0x7D0, $0x38;
	[tilespmem:$0x17430] =	vst v63  }
0x27: {  	s24 =	rddreg [dreg:$0x6]  }
0x28: {  	[tilespmem:s0], [sflag:$0x1] =	stream.linear.gather [hbm4b:s24+s3], $0x4E20, $0x38;
	[tilespmem:$0x17430] =	vst v63  }
0x29: {  	s25 =	rddreg [dreg:$0x9];
	s9 =	simm.s32 $0x2800;
	s10 =	simm.s32 $0x11CB0  }
0x2a: {  	[tilespmem:s10], [sflag:$0x4] =	stream.strided.gather [hbm4b:s25+s1], $0x500, s9, s1, $0x38;
	[tilespmem:$0x17430] =	vst v63  }
0x2b: {  	_ =	swait.ge [sflag:s2], $0x500  }
0x2c: {  	[sflag:s2] =	ssyncset.done $0x0  }
0x2d: {  	s19 =	simm.s32 $0x0;
	[sflag:s2] =	ssyncadd.s32 $0xFFFFFB00  }
0x2e: {  	v1 =	vld [tilespmem:s19+$0x11CB0]  }
0x2f: {  	v2 =	vld [tilespmem:s19+$0x11F30];
	_ =	sdelay $0x2  }
0x30: {  	s17 =	simm.s32 $0x10  }
0x31: {  	v4 =	vld [tilespmem:s17+$0x11CB0]  }
0x32: {  	v3 =	vadd.f32 v2, v1;
	v1 =	vld [tilespmem:s17+$0x11F30];
	_ =	sdelay $0x1  }
0x33: {  	v2 =	vshra.s32 v3, $0x1;
	v8 =	vmul.f32 $5.000000000e-01, v3  }
0x34: {  	s18 =	simm.s32 $0x20;
	v5 =	vsub.s32 $0x5F3759DF, v2  }
0x35: {  	v6 =	vld [tilespmem:s18+$0x11CB0];
	v7 =	vmul.f32 v5, v8  }
0x36: {  	v2 =	vadd.f32 v1, v4;
	v1 =	vld [tilespmem:s18+$0x11F30]  }
0x37: {  	v4 =	vmul.f32 v5, v7  }
0x38: {  	v7 =	vshra.s32 v2, $0x1;
	v10 =	vmul.f32 $5.000000000e-01, v2  }
0x39: {  	s20 =	simm.s32 $0x30;
	v7 =	vsub.s32 $0x5F3759DF, v7;
	v4 =	vsub.f32 $1.500000000e+00, v4  }
0x3a: {  	v9 =	vld [tilespmem:s20+$0x11CB0];
	v11 =	vmul.f32 v7, v10  }
0x3b: {  	v12 =	vld [tilespmem:s20+$0x11F30];
	v1 =	vadd.f32 v1, v6;
	v5 =	vmul.f32 v5, v4  }
0x3c: {  	v4 =	vmul.f32 v7, v11  }
0x3d: {  	s8 =	simm.s32 $0x40;
	v11 =	vshra.s32 v1, $0x1;
	v6 =	vmul.f32 $5.000000000e-01, v1;
	v13 =	vmul.f32 v5, v8  }
0x3e: {  	v15 =	vld [tilespmem:s8+$0x11CB0];
	v14 =	vsub.s32 $0x5F3759DF, v11;
	v11 =	vsub.f32 $1.500000000e+00, v4  }
0x3f: {  	v17 =	vld [tilespmem:s8+$0x11F30];
	v16 =	vmul.f32 v14, v6;
	v13 =	vmul.f32 v13, v5  }
0x40: {  	v4 =	vadd.f32 v12, v9;
	v18 =	vmul.f32 v7, v11  }
0x41: {  	v9 =	vsub.f32 $1.500000000e+00, v13;
	v11 =	vmul.f32 v14, v16  }
0x42: {  	s9 =	simm.s32 $0x50;
	v12 =	vshra.s32 v4, $0x1;
	v7 =	vmul.f32 $5.000000000e-01, v4;
	v13 =	vmul.f32 v18, v10  }
0x43: {  	v19 =	vld [tilespmem:s9+$0x11CB0];
	v16 =	vsub.s32 $0x5F3759DF, v12;
	v12 =	vsub.f32 $1.500000000e+00, v11;
	v11 =	vmul.f32 v9, v5  }
0x44: {  	v5 =	vadd.f32 v17, v15;
	v9 =	vmul.f32 v16, v7;
	v15 =	vld [tilespmem:s9+$0x11F30];
	v13 =	vmul.f32 v13, v18  }
0x45: {  	v12 =	vmul.f32 v14, v12;
	v8 =	vmul.f32 v11, v8  }
0x46: {  	v14 =	vshra.s32 v5, $0x1;
	v17 =	vmul.f32 v16, v9;
	v13 =	vsub.f32 $1.500000000e+00, v13  }
0x47: {  	v9 =	vmul.f32 $5.000000000e-01, v5;
	v14 =	vsub.s32 $0x5F3759DF, v14;
	v20 =	vmul.f32 v12, v6  }
0x48: {  	v21 =	vmul.f32 v8, v11;
	v22 =	vsub.f32 $1.500000000e+00, v17;
	v13 =	vmul.f32 v13, v18  }
0x49: {  	s10 =	simm.s32 $0x60;
	v23 =	vmul.f32 v14, v9;
	v8 =	vadd.f32 v15, v19;
	v19 =	vmul.f32 v20, v12  }
0x4a: {  	v18 =	vld [tilespmem:s10+$0x11CB0];
	v17 =	vsub.f32 $1.500000000e+00, v21;
	v15 =	vmul.f32 v16, v22;
	v20 =	vmul.f32 v13, v10  }
0x4b: {  	v21 =	vld [tilespmem:s10+$0x11F30];
	v22 =	vmul.f32 v14, v23;
	v16 =	vshra.s32 v8, $0x1;
	v10 =	vmul.f32 $5.000000000e-01, v8  }
0x4c: {  	s23 =	simm.s32 $0x1C0;
	v19 =	vsub.f32 $1.500000000e+00, v19;
	v16 =	vsub.s32 $0x5F3759DF, v16;
	v20 =	vmul.f32 v20, v13  }
.LBB2_2:
0x4d: {  	p0 =	sne.s32 s23, $0x9C0;
	v23 =	vmul.f32 v15, v7;
	v24 =	vmul.f32 v17, v11;
	vm0 =	vgt.f32 v3, $0.0e+00;
	v11 =	vmovc v13  }
0x4e: {  	v3 =	vmovc v2;
	v2 =	vmovc v1;
	v1 =	vmov v4;
	v4 =	vmov v5;
	v5 =	vmov v8;
	s24 =	smov.u32 s23;
	s23 =	sadd.s32 $0x40, s23;
	s25 =	smov.u32 s10  }
.Ltmp0:
0x4f: {  	v13 =	vmul.f32 v19, v12;
	v12 =	vmovc v15;
	s10 =	sshra.s32 s24, $0x2;
	v22 =	vsub.f32 $1.500000000e+00, v22;
	v17 =	vsub.f32 $1.500000000e+00, v20;
	(pc) =	sbr.rel @p0 .LBB2_2-.Ltmp0, $4  }
0x50: {  	v20 =	vmul.f32 v16, v10;
	v8 =	vadd.f32 v21, v18;
	v18 =	vld [tilespmem:s10+$0x11CB0];
	v19 =	vmul.f32 v23, v12  }
0x51: {  	v23 =	vmul.f32 v13, v6;
	v24 =	vnsel vm0, $0x0, v24;
	v6 =	vmovc v7;
	v7 =	vmovc v9;
	v21 =	vld [tilespmem:s10+$0x11F30];
	v15 =	vmul.f32 v14, v22  }
0x52: {  	v9 =	vmovc v10;
	v14 =	vmovc v16;
	v22 =	vshra.s32 v8, $0x1;
	v19 =	vsub.f32 $1.500000000e+00, v19;
	[tilespmem:s19+$0x11A30] =	vst v24;
	v10 =	vmul.f32 $5.000000000e-01, v8;
	s19 =	smov.u32 s17;
	s17 =	smov.u32 s18;
	s18 =	smov.u32 s20  }
0x53: {  	s20 =	smov.u32 s8;
	s8 =	smov.u32 s9;
	s9 =	smov.u32 s25;
	v16 =	vsub.s32 $0x5F3759DF, v22;
	v22 =	vmul.f32 v14, v20;
	v20 =	vmul.f32 v23, v13  }
0x54: {  	_ =	sdelay $0x1  }
0x55: {  	v18 =	vadd.f32 v21, v18;
	_ =	sdelay $0x1  }
0x56: {  	v21 =	vshra.s32 v18, $0x1;
	v23 =	vmul.f32 $5.000000000e-01, v18  }
0x57: {  	v24 =	vmul.f32 v16, v10;
	v21 =	vsub.s32 $0x5F3759DF, v21  }
0x58: {  	v25 =	vmul.f32 v21, v23  }
0x59: {  	v24 =	vmul.f32 v16, v24  }
0x5a: {  	v22 =	vsub.f32 $1.500000000e+00, v22;
	v25 =	vmul.f32 v21, v25  }
0x5b: {  	v26 =	vmul.f32 v15, v7;
	v24 =	vsub.f32 $1.500000000e+00, v24  }
0x5c: {  	v11 =	vmul.f32 v17, v11;
	v14 =	vmul.f32 v14, v22;
	v50 =	vsub.f32 $1.500000000e+00, v25  }
0x5d: {  	v12 =	vmul.f32 v19, v12;
	v52 =	vmul.f32 v16, v24  }
0x5e: {  	v22 =	vmul.f32 v14, v9;
	v17 =	vmul.f32 v21, v50  }
0x5f: {  	v26 =	vmul.f32 v26, v15;
	v54 =	vmul.f32 v52, v10  }
0x60: {  	vm0 =	vgt.f32 v3, $0.0e+00;
	v55 =	vmul.f32 v22, v14;
	v56 =	vmul.f32 v17, v23  }
0x61: {  	vm10 =	vgt.f32 v2, $0.0e+00;
	v51 =	vsub.f32 $1.500000000e+00, v26;
	v19 =	vmul.f32 v54, v52  }
0x62: {  	v6 =	vmul.f32 v12, v6;
	v21 =	vsub.f32 $1.500000000e+00, v55;
	v22 =	vmul.f32 v56, v17  }
0x63: {  	vm11 =	vgt.f32 v1, $0.0e+00;
	v53 =	vmul.f32 v51, v15;
	v57 =	vsub.f32 $1.500000000e+00, v19  }
0x64: {  	v3 =	vmul.f32 v6, v12;
	v14 =	vmul.f32 v21, v14;
	v58 =	vsub.f32 $1.500000000e+00, v22  }
0x65: {  	vm12 =	vgt.f32 v4, $0.0e+00;
	v59 =	vmul.f32 v53, v7;
	v6 =	vmul.f32 v57, v52  }
0x66: {  	v20 =	vsub.f32 $1.500000000e+00, v20;
	v2 =	vmul.f32 v14, v9;
	v60 =	vmul.f32 v58, v17  }
0x67: {  	v11 =	vnsel vm0, $0x0, v11;
	v7 =	vmul.f32 v59, v53;
	v61 =	vmul.f32 v6, v10  }
0x68: {  	v3 =	vsub.f32 $1.500000000e+00, v3;
	v2 =	vmul.f32 v2, v14;
	v62 =	vmul.f32 v60, v23  }
0x69: {  	v13 =	vmul.f32 v20, v13;
	v7 =	vsub.f32 $1.500000000e+00, v7;
	v10 =	vmul.f32 v61, v6  }
0x6a: {  	v3 =	vmul.f32 v3, v12;
	v1 =	vsub.f32 $1.500000000e+00, v2;
	v2 =	vmul.f32 v62, v60  }
0x6b: {  	[tilespmem:s19+$0x11A30] =	vst v11;
	v13 =	vnsel vm10, $0x0, v13;
	v7 =	vmul.f32 v7, v53;
	v10 =	vsub.f32 $1.500000000e+00, v10  }
0x6c: {  	[tilespmem:s17+$0x11A30] =	vst v13;
	v3 =	vnsel vm11, $0x0, v3;
	v1 =	vmul.f32 v1, v14;
	v2 =	vsub.f32 $1.500000000e+00, v2  }
0x6d: {  	vm13 =	vgt.f32 v5, $0.0e+00;
	[tilespmem:s18+$0x11A30] =	vst v3;
	v3 =	vnsel vm12, $0x0, v7;
	v63 =	vmul.f32 v10, v6  }
0x6e: {  	vm14 =	vgt.f32 v8, $0.0e+00;
	[tilespmem:s20+$0x11A30] =	vst v3;
	v1 =	vnsel vm13, $0x0, v1;
	v2 =	vmul.f32 v2, v60  }
0x6f: {  	vm15 =	vgt.f32 v18, $0.0e+00;
	[tilespmem:s8+$0x11A30] =	vst v1;
	v1 =	vnsel vm14, $0x0, v63  }
0x70: {  	[tilespmem:s9+$0x11A30] =	vst v1;
	v1 =	vnsel vm15, $0x0, v2  }
0x71: {  	s25 =	rddreg [dreg:$0xa];
	[tilespmem:s10+$0x11A30] =	vst v1  }
0x72: {  	[spmem:s25] =	stream.linear.scatter [tilespmem:s4], [sflag:$0x4], $0x280, $0x38;
	[tilespmem:$0x17430] =	vst v63  }
0x73: {  	_ =	swait.ge [sflag:s2], $0x280  }
0x74: {  	[sflag:s2] =	ssyncset.done $0x0  }
0x75: {  	s8 =	simm.s32 $0x0;
	s9 =	simm.s32 $0x140;
	[sflag:s2] =	ssyncadd.s32 $0xFFFFFD80  }
.LBB2_4:
0x76: {  	p0 =	sne.s32 s9, $0x13740;
	[tilespmem:s8+$0xA450] =	vst v0;
	s10 =	smov.u32 s9;
	s9 =	sadd.s32 $0x140, s9  }
.Ltmp1:
0x77: {  	[tilespmem:s8+$0xA440] =	vst v0;
	(pc) =	sbr.rel @p0 .LBB2_4-.Ltmp1, $4  }
0x78: {  	[tilespmem:s8+$0xA430] =	vst v0  }
0x79: {  	[tilespmem:s8+$0xA410] =	vst v0  }
0x7a: {  	[tilespmem:s8+$0xA420] =	vst v0  }
0x7b: {  	s8 =	sshra.s32 s10, $0x2  }
0x7c: {  	[tilespmem:s8+$0xA450] =	vst v0  }
0x7d: {  	[tilespmem:s8+$0xA440] =	vst v0  }
0x7e: {  	[tilespmem:s8+$0xA430] =	vst v0  }
0x7f: {  	[tilespmem:s8+$0xA410] =	vst v0  }
0x80: {  	[tilespmem:s8+$0xA420] =	vst v0  }
0x81: {  	[bflag:$0x0] =	sbarrier.arrive $0xFFFF  }
0x82: {  	s23 =	rddreg [dreg:$0x3]  }
0x83: {  	[tilespmem:s6], [sflag:$0x4] =	stream.linear.gather [spmem:s23], $0x2710, $0x38;
	[tilespmem:$0x17430] =	vst v63  }
0x84: {  	_ =	swait.ge [sflag:s2], $0x2710  }
0x85: {  	[sflag:s2] =	ssyncset.done $0x0  }
0x86: {  	[sflag:s2] =	ssyncadd.s32 $0xFFFFD8F0  }
0x87: {  	_ =	swait.ge [sflag:s7], $0x4E20  }
0x88: {  	s8 =	simm.s32 $0x0;
	[sflag:s7] =	ssyncset.done $0x0  }
0x89: {  	s10 =	simm.s32 $0x1770;
	s9 =	rddreg [dreg:$0xb];
	[sflag:s7] =	ssyncadd.s32 $0xFFFFB1E0  }
0x8a: {  	[tilespmem:s10], [sflag:$0x3] =	stream.linear.gather [hbm4b:s9+s8], $0x7D0, $0x38;
	[tilespmem:$0x17430] =	vst v63  }
0x8b: {  	s17 =	simm.s32 $0x1F40;
	s24 =	rddreg [dreg:$0xc]  }
0x8c: {  	[tilespmem:s17], [sflag:$0x3] =	stream.linear.gather [hbm4b:s24+s8], $0x7D0, $0x38;
	[tilespmem:$0x17430] =	vst v63  }
0x8d: {  	s18 =	simm.s32 $0x2710;
	s25 =	rddreg [dreg:$0xd]  }
0x8e: {  	[tilespmem:s18], [sflag:$0x3] =	stream.linear.gather [hbm4b:s25+s8], $0x7D0, $0x38;
	[tilespmem:$0x17430] =	vst v63  }
0x8f: {  	_ =	swait.ge [sflag:s11], $0x7D0  }
0x90: {  	[sflag:s11] =	ssyncset.done $0x0  }
0x91: {  	[sflag:s11] =	ssyncadd.s32 $0xFFFFF830  }
0x92: {  	_ =	swait.ge [sflag:s11], $0x7D0  }
0x93: {  	[sflag:s11] =	ssyncset.done $0x0  }
0x94: {  	[sflag:s11] =	ssyncadd.s32 $0xFFFFF830  }
0x95: {  	_ =	swait.ge [sflag:s11], $0x7D0  }
0x96: {  	[sflag:s11] =	ssyncset.done $0x0  }
0x97: {  	[sflag:s11] =	ssyncadd.s32 $0xFFFFF830  }
.LBB2_6:
0x98: {  	s9 =	sshra.s32 s8, $0x2  }
0x99: {  	v1 =	vld [tilespmem:s9+$0x0];
	_ =	sdelay $0x1  }
0x9a: {  	v2 =	vld [tilespmem:s9+$0x7D0];
	_ =	sdelay $0x4  }
0x9b: {  	v3 =	vld [tilespmem:s9+$0xFA0]  }
0x9c: {  	v4 =	vld.idx.msk [tilespmem:v1+s6+$0x0], $0xffff;
	_ =	sdelay $0x1  }
0x9d: {  	v5 =	vld.idx.msk [tilespmem:v2+s6+$0x0], $0xffff  }
0x9e: {  	v6 =	vadd.s32 $0x2710, v1;
	_ =	sdelay $0x1  }
0x9f: {  	v3 =	vmul.f32 v4, v3;
	_ =	sdelay $0x1  }
0xa0: {  	v46 =	vld.idx.msk [tilespmem:v1+s0+$0x0], $0xffff;
	v3 =	vmul.f32 v5, v3  }
0xa1: {  	v47 =	vld.idx.msk [tilespmem:v6+s0+$0x0], $0xffff  }
0xa2: {  	v3 =	vsub.f32 $0.0e+00, v3  }
0xa3: {  	vm0 =	veq.s32 v1, v2;
	v1 =	vadd.s32 $0x2710, v2  }
0xa4: {  	v3 =	vsel vm0, $0x0, v3  }
0xa5: {  	v4 =	vmul.f32 v3, v46  }
0xa6: {  	v3 =	vmul.f32 v3, v47  }
0xa7: {  	[tilespmem:v2+s12+$0x0] =	vst.idx.add.f32.msk $0xffff, v4  }
0xa8: {  	[tilespmem:v1+s12+$0x0] =	vst.idx.add.f32.msk $0xffff, v3  }
0xa9: {  	v1 =	vld [tilespmem:s9+$0x10];
	_ =	sdelay $0x1  }
0xaa: {  	v2 =	vld [tilespmem:s9+$0x7E0];
	_ =	sdelay $0x4  }
0xab: {  	v3 =	vld [tilespmem:s9+$0xFB0]  }
0xac: {  	v4 =	vld.idx.msk [tilespmem:v1+s6+$0x0], $0xffff;
	_ =	sdelay $0x1  }
0xad: {  	v48 =	vld.idx.msk [tilespmem:v2+s6+$0x0], $0xffff  }
0xae: {  	v49 =	vadd.s32 $0x2710, v1;
	_ =	sdelay $0x1  }
0xaf: {  	v3 =	vmul.f32 v4, v3;
	_ =	sdelay $0x1  }
0xb0: {  	v50 =	vld.idx.msk [tilespmem:v1+s0+$0x0], $0xffff;
	v3 =	vmul.f32 v48, v3  }
0xb1: {  	v51 =	vld.idx.msk [tilespmem:v49+s0+$0x0], $0xffff  }
0xb2: {  	v3 =	vsub.f32 $0.0e+00, v3  }
0xb3: {  	vm12 =	veq.s32 v1, v2;
	v1 =	vadd.s32 $0x2710, v2  }
0xb4: {  	v3 =	vsel vm12, $0x0, v3  }
0xb5: {  	v4 =	vmul.f32 v3, v50  }
0xb6: {  	v3 =	vmul.f32 v3, v51  }
0xb7: {  	[tilespmem:v2+s12+$0x0] =	vst.idx.add.f32.msk $0xffff, v4  }
0xb8: {  	[tilespmem:v1+s12+$0x0] =	vst.idx.add.f32.msk $0xffff, v3  }
0xb9: {  	v1 =	vld [tilespmem:s9+$0x20];
	_ =	sdelay $0x1  }
0xba: {  	v2 =	vld [tilespmem:s9+$0x7F0];
	_ =	sdelay $0x4  }
0xbb: {  	v3 =	vld [tilespmem:s9+$0xFC0]  }
0xbc: {  	v4 =	vld.idx.msk [tilespmem:v1+s6+$0x0], $0xffff;
	_ =	sdelay $0x1  }
0xbd: {  	v52 =	vld.idx.msk [tilespmem:v2+s6+$0x0], $0xffff  }
0xbe: {  	v53 =	vadd.s32 $0x2710, v1;
	_ =	sdelay $0x1  }
0xbf: {  	v3 =	vmul.f32 v4, v3;
	_ =	sdelay $0x1  }
0xc0: {  	v54 =	vld.idx.msk [tilespmem:v1+s0+$0x0], $0xffff;
	v3 =	vmul.f32 v52, v3  }
0xc1: {  	v55 =	vld.idx.msk [tilespmem:v53+s0+$0x0], $0xffff  }
0xc2: {  	v3 =	vsub.f32 $0.0e+00, v3  }
0xc3: {  	vm13 =	veq.s32 v1, v2;
	v1 =	vadd.s32 $0x2710, v2  }
0xc4: {  	v3 =	vsel vm13, $0x0, v3  }
0xc5: {  	v4 =	vmul.f32 v3, v54  }
0xc6: {  	v3 =	vmul.f32 v3, v55  }
0xc7: {  	[tilespmem:v2+s12+$0x0] =	vst.idx.add.f32.msk $0xffff, v4  }
0xc8: {  	[tilespmem:v1+s12+$0x0] =	vst.idx.add.f32.msk $0xffff, v3  }
0xc9: {  	v1 =	vld [tilespmem:s9+$0x30];
	_ =	sdelay $0x1  }
0xca: {  	v2 =	vld [tilespmem:s9+$0x800];
	_ =	sdelay $0x4  }
0xcb: {  	v3 =	vld [tilespmem:s9+$0xFD0]  }
0xcc: {  	v4 =	vld.idx.msk [tilespmem:v1+s6+$0x0], $0xffff;
	_ =	sdelay $0x1  }
0xcd: {  	v56 =	vld.idx.msk [tilespmem:v2+s6+$0x0], $0xffff  }
0xce: {  	v57 =	vadd.s32 $0x2710, v1;
	_ =	sdelay $0x1  }
0xcf: {  	v3 =	vmul.f32 v4, v3;
	_ =	sdelay $0x1  }
0xd0: {  	v58 =	vld.idx.msk [tilespmem:v1+s0+$0x0], $0xffff;
	v3 =	vmul.f32 v56, v3  }
0xd1: {  	v59 =	vld.idx.msk [tilespmem:v57+s0+$0x0], $0xffff  }
0xd2: {  	v3 =	vsub.f32 $0.0e+00, v3  }
0xd3: {  	vm14 =	veq.s32 v1, v2;
	v1 =	vadd.s32 $0x2710, v2  }
0xd4: {  	v3 =	vsel vm14, $0x0, v3  }
0xd5: {  	v4 =	vmul.f32 v3, v58  }
0xd6: {  	v3 =	vmul.f32 v3, v59  }
0xd7: {  	[tilespmem:v2+s12+$0x0] =	vst.idx.add.f32.msk $0xffff, v4  }
0xd8: {  	[tilespmem:v1+s12+$0x0] =	vst.idx.add.f32.msk $0xffff, v3  }
0xd9: {  	v1 =	vld [tilespmem:s9+$0x40];
	_ =	sdelay $0x1  }
0xda: {  	v2 =	vld [tilespmem:s9+$0x810];
	_ =	sdelay $0x4  }
0xdb: {  	v3 =	vld [tilespmem:s9+$0xFE0]  }
0xdc: {  	v4 =	vld.idx.msk [tilespmem:v1+s6+$0x0], $0xffff;
	_ =	sdelay $0x1  }
0xdd: {  	v60 =	vld.idx.msk [tilespmem:v2+s6+$0x0], $0xffff  }
0xde: {  	v61 =	vadd.s32 $0x2710, v1;
	_ =	sdelay $0x1  }
0xdf: {  	v3 =	vmul.f32 v4, v3;
	_ =	sdelay $0x1  }
0xe0: {  	v62 =	vld.idx.msk [tilespmem:v1+s0+$0x0], $0xffff;
	v3 =	vmul.f32 v60, v3  }
0xe1: {  	v63 =	vld.idx.msk [tilespmem:v61+s0+$0x0], $0xffff  }
0xe2: {  	v3 =	vsub.f32 $0.0e+00, v3  }
0xe3: {  	p0 =	sne.s32 s8, $0x1E00;
	vm15 =	veq.s32 v1, v2;
	v1 =	vadd.s32 $0x2710, v2  }
.Ltmp2:
0xe4: {  	v3 =	vsel vm15, $0x0, v3;
	(pc) =	sbr.rel @p0 .LBB2_6-.Ltmp2, $4  }
0xe5: {  	v4 =	vmul.f32 v3, v62  }
0xe6: {  	v3 =	vmul.f32 v3, v63  }
0xe7: {  	[tilespmem:v2+s12+$0x0] =	vst.idx.add.f32.msk $0xffff, v4  }
0xe8: {  	s8 =	sadd.s32 $0x140, s8;
	[tilespmem:v1+s12+$0x0] =	vst.idx.add.f32.msk $0xffff, v3  }
0xe9: {  	s8 =	simm.s32 $0x0;
	s9 =	rddreg [dreg:$0xe]  }
0xea: {  	[tilespmem:s8], [sflag:$0x2] =	stream.linear.gather [hbm4b:s9+s8], $0x7D0, $0x38;
	[tilespmem:$0x17430] =	vst v63  }
0xeb: {  	s24 =	rddreg [dreg:$0xf]  }
0xec: {  	[tilespmem:s30], [sflag:$0x2] =	stream.linear.gather [hbm4b:s24+s8], $0x7D0, $0x38;
	[tilespmem:$0x17430] =	vst v63  }
0xed: {  	s25 =	rddreg [dreg:$0x10]  }
0xee: {  	[tilespmem:s31], [sflag:$0x2] =	stream.linear.gather [hbm4b:s25+s8], $0x7D0, $0x38;
	[tilespmem:$0x17430] =	vst v63  }
0xef: {  	_ =	swait.ge [sflag:s13], $0x7D0  }
0xf0: {  	[sflag:s13] =	ssyncset.done $0x0  }
0xf1: {  	[sflag:s13] =	ssyncadd.s32 $0xFFFFF830  }
0xf2: {  	_ =	swait.ge [sflag:s13], $0x7D0  }
0xf3: {  	[sflag:s13] =	ssyncset.done $0x0  }
0xf4: {  	[sflag:s13] =	ssyncadd.s32 $0xFFFFF830  }
0xf5: {  	_ =	swait.ge [sflag:s13], $0x7D0  }
0xf6: {  	[sflag:s13] =	ssyncset.done $0x0  }
0xf7: {  	[sflag:s13] =	ssyncadd.s32 $0xFFFFF830  }
.LBB2_8:
0xf8: {  	s9 =	sshra.s32 s8, $0x2  }
0xf9: {  	v1 =	vld [tilespmem:s9+$0x1770];
	_ =	sdelay $0x1  }
0xfa: {  	v2 =	vld [tilespmem:s9+$0x1F40];
	_ =	sdelay $0x4  }
0xfb: {  	v3 =	vld [tilespmem:s9+$0x2710]  }
0xfc: {  	v4 =	vld.idx.msk [tilespmem:v1+s6+$0x0], $0xffff;
	_ =	sdelay $0x1  }
0xfd: {  	v5 =	vld.idx.msk [tilespmem:v2+s6+$0x0], $0xffff  }
0xfe: {  	v6 =	vadd.s32 $0x2710, v1;
	_ =	sdelay $0x1  }
0xff: {  	v3 =	vmul.f32 v4, v3;
	_ =	sdelay $0x1  }
0x100: {  	v46 =	vld.idx.msk [tilespmem:v1+s0+$0x0], $0xffff;
	v3 =	vmul.f32 v5, v3  }
0x101: {  	v47 =	vld.idx.msk [tilespmem:v6+s0+$0x0], $0xffff  }
0x102: {  	v3 =	vsub.f32 $0.0e+00, v3  }
0x103: {  	vm0 =	veq.s32 v1, v2;
	v1 =	vadd.s32 $0x2710, v2  }
0x104: {  	v3 =	vsel vm0, $0x0, v3  }
0x105: {  	v4 =	vmul.f32 v3, v46  }
0x106: {  	v3 =	vmul.f32 v3, v47  }
0x107: {  	[tilespmem:v2+s12+$0x0] =	vst.idx.add.f32.msk $0xffff, v4  }
0x108: {  	[tilespmem:v1+s12+$0x0] =	vst.idx.add.f32.msk $0xffff, v3  }
0x109: {  	v1 =	vld [tilespmem:s9+$0x1780];
	_ =	sdelay $0x1  }
0x10a: {  	v2 =	vld [tilespmem:s9+$0x1F50];
	_ =	sdelay $0x4  }
0x10b: {  	v3 =	vld [tilespmem:s9+$0x2720]  }
0x10c: {  	v4 =	vld.idx.msk [tilespmem:v1+s6+$0x0], $0xffff;
	_ =	sdelay $0x1  }
0x10d: {  	v48 =	vld.idx.msk [tilespmem:v2+s6+$0x0], $0xffff  }
0x10e: {  	v49 =	vadd.s32 $0x2710, v1;
	_ =	sdelay $0x1  }
0x10f: {  	v3 =	vmul.f32 v4, v3;
	_ =	sdelay $0x1  }
0x110: {  	v50 =	vld.idx.msk [tilespmem:v1+s0+$0x0], $0xffff;
	v3 =	vmul.f32 v48, v3  }
0x111: {  	v51 =	vld.idx.msk [tilespmem:v49+s0+$0x0], $0xffff  }
0x112: {  	v3 =	vsub.f32 $0.0e+00, v3  }
0x113: {  	vm12 =	veq.s32 v1, v2;
	v1 =	vadd.s32 $0x2710, v2  }
0x114: {  	v3 =	vsel vm12, $0x0, v3  }
0x115: {  	v4 =	vmul.f32 v3, v50  }
0x116: {  	v3 =	vmul.f32 v3, v51  }
0x117: {  	[tilespmem:v2+s12+$0x0] =	vst.idx.add.f32.msk $0xffff, v4  }
0x118: {  	[tilespmem:v1+s12+$0x0] =	vst.idx.add.f32.msk $0xffff, v3  }
0x119: {  	v1 =	vld [tilespmem:s9+$0x1790];
	_ =	sdelay $0x1  }
0x11a: {  	v2 =	vld [tilespmem:s9+$0x1F60];
	_ =	sdelay $0x4  }
0x11b: {  	v3 =	vld [tilespmem:s9+$0x2730]  }
0x11c: {  	v4 =	vld.idx.msk [tilespmem:v1+s6+$0x0], $0xffff;
	_ =	sdelay $0x1  }
0x11d: {  	v52 =	vld.idx.msk [tilespmem:v2+s6+$0x0], $0xffff  }
0x11e: {  	v53 =	vadd.s32 $0x2710, v1;
	_ =	sdelay $0x1  }
0x11f: {  	v3 =	vmul.f32 v4, v3;
	_ =	sdelay $0x1  }
0x120: {  	v54 =	vld.idx.msk [tilespmem:v1+s0+$0x0], $0xffff;
	v3 =	vmul.f32 v52, v3  }
0x121: {  	v55 =	vld.idx.msk [tilespmem:v53+s0+$0x0], $0xffff  }
0x122: {  	v3 =	vsub.f32 $0.0e+00, v3  }
0x123: {  	vm13 =	veq.s32 v1, v2;
	v1 =	vadd.s32 $0x2710, v2  }
0x124: {  	v3 =	vsel vm13, $0x0, v3  }
0x125: {  	v4 =	vmul.f32 v3, v54  }
0x126: {  	v3 =	vmul.f32 v3, v55  }
0x127: {  	[tilespmem:v2+s12+$0x0] =	vst.idx.add.f32.msk $0xffff, v4  }
0x128: {  	[tilespmem:v1+s12+$0x0] =	vst.idx.add.f32.msk $0xffff, v3  }
0x129: {  	v1 =	vld [tilespmem:s9+$0x17A0];
	_ =	sdelay $0x1  }
0x12a: {  	v2 =	vld [tilespmem:s9+$0x1F70];
	_ =	sdelay $0x4  }
0x12b: {  	v3 =	vld [tilespmem:s9+$0x2740]  }
0x12c: {  	v4 =	vld.idx.msk [tilespmem:v1+s6+$0x0], $0xffff;
	_ =	sdelay $0x1  }
0x12d: {  	v56 =	vld.idx.msk [tilespmem:v2+s6+$0x0], $0xffff  }
0x12e: {  	v57 =	vadd.s32 $0x2710, v1;
	_ =	sdelay $0x1  }
0x12f: {  	v3 =	vmul.f32 v4, v3;
	_ =	sdelay $0x1  }
0x130: {  	v58 =	vld.idx.msk [tilespmem:v1+s0+$0x0], $0xffff;
	v3 =	vmul.f32 v56, v3  }
0x131: {  	v59 =	vld.idx.msk [tilespmem:v57+s0+$0x0], $0xffff  }
0x132: {  	v3 =	vsub.f32 $0.0e+00, v3  }
0x133: {  	vm14 =	veq.s32 v1, v2;
	v1 =	vadd.s32 $0x2710, v2  }
0x134: {  	v3 =	vsel vm14, $0x0, v3  }
0x135: {  	v4 =	vmul.f32 v3, v58  }
0x136: {  	v3 =	vmul.f32 v3, v59  }
0x137: {  	[tilespmem:v2+s12+$0x0] =	vst.idx.add.f32.msk $0xffff, v4  }
0x138: {  	[tilespmem:v1+s12+$0x0] =	vst.idx.add.f32.msk $0xffff, v3  }
0x139: {  	v1 =	vld [tilespmem:s9+$0x17B0];
	_ =	sdelay $0x1  }
0x13a: {  	v2 =	vld [tilespmem:s9+$0x1F80];
	_ =	sdelay $0x4  }
0x13b: {  	v3 =	vld [tilespmem:s9+$0x2750]  }
0x13c: {  	v4 =	vld.idx.msk [tilespmem:v1+s6+$0x0], $0xffff;
	_ =	sdelay $0x1  }
0x13d: {  	v60 =	vld.idx.msk [tilespmem:v2+s6+$0x0], $0xffff  }
0x13e: {  	v61 =	vadd.s32 $0x2710, v1;
	_ =	sdelay $0x1  }
0x13f: {  	v3 =	vmul.f32 v4, v3;
	_ =	sdelay $0x1  }
0x140: {  	v62 =	vld.idx.msk [tilespmem:v1+s0+$0x0], $0xffff;
	v3 =	vmul.f32 v60, v3  }
0x141: {  	v63 =	vld.idx.msk [tilespmem:v61+s0+$0x0], $0xffff  }
0x142: {  	v3 =	vsub.f32 $0.0e+00, v3  }
0x143: {  	p0 =	sne.s32 s8, $0x1E00;
	vm15 =	veq.s32 v1, v2;
	v1 =	vadd.s32 $0x2710, v2  }
.Ltmp3:
0x144: {  	v3 =	vsel vm15, $0x0, v3;
	(pc) =	sbr.rel @p0 .LBB2_8-.Ltmp3, $4  }
0x145: {  	v4 =	vmul.f32 v3, v62  }
0x146: {  	v3 =	vmul.f32 v3, v63  }
0x147: {  	[tilespmem:v2+s12+$0x0] =	vst.idx.add.f32.msk $0xffff, v4  }
0x148: {  	s8 =	sadd.s32 $0x140, s8;
	[tilespmem:v1+s12+$0x0] =	vst.idx.add.f32.msk $0xffff, v3  }
0x149: {  	s8 =	simm.s32 $0x0;
	s9 =	rddreg [dreg:$0x11]  }
0x14a: {  	[tilespmem:s10], [sflag:$0x3] =	stream.linear.gather [hbm4b:s9+s8], $0x7D0, $0x38;
	[tilespmem:$0x17430] =	vst v63  }
0x14b: {  	s24 =	rddreg [dreg:$0x15]  }
0x14c: {  	[tilespmem:s17], [sflag:$0x3] =	stream.linear.gather [hbm4b:s24+s8], $0x7D0, $0x38;
	[tilespmem:$0x17430] =	vst v63  }
0x14d: {  	s25 =	rddreg [dreg:$0x12]  }
0x14e: {  	[tilespmem:s18], [sflag:$0x3] =	stream.linear.gather [hbm4b:s25+s8], $0x7D0, $0x38;
	[tilespmem:$0x17430] =	vst v63  }
0x14f: {  	_ =	swait.ge [sflag:s11], $0x7D0  }
0x150: {  	[sflag:s11] =	ssyncset.done $0x0  }
0x151: {  	[sflag:s11] =	ssyncadd.s32 $0xFFFFF830  }
0x152: {  	_ =	swait.ge [sflag:s11], $0x7D0  }
0x153: {  	[sflag:s11] =	ssyncset.done $0x0  }
0x154: {  	[sflag:s11] =	ssyncadd.s32 $0xFFFFF830  }
0x155: {  	_ =	swait.ge [sflag:s11], $0x7D0  }
0x156: {  	[sflag:s11] =	ssyncset.done $0x0  }
0x157: {  	[sflag:s11] =	ssyncadd.s32 $0xFFFFF830  }
.LBB2_10:
0x158: {  	s9 =	sshra.s32 s8, $0x2  }
0x159: {  	v1 =	vld [tilespmem:s9+$0x0];
	_ =	sdelay $0x1  }
0x15a: {  	v2 =	vld [tilespmem:s9+$0x7D0];
	_ =	sdelay $0x4  }
0x15b: {  	v3 =	vld [tilespmem:s9+$0xFA0]  }
0x15c: {  	v4 =	vld.idx.msk [tilespmem:v1+s6+$0x0], $0xffff;
	_ =	sdelay $0x1  }
0x15d: {  	v5 =	vld.idx.msk [tilespmem:v2+s6+$0x0], $0xffff  }
0x15e: {  	v6 =	vadd.s32 $0x2710, v1;
	_ =	sdelay $0x1  }
0x15f: {  	v3 =	vmul.f32 v4, v3;
	_ =	sdelay $0x1  }
0x160: {  	v46 =	vld.idx.msk [tilespmem:v1+s0+$0x0], $0xffff;
	v3 =	vmul.f32 v5, v3  }
0x161: {  	v47 =	vld.idx.msk [tilespmem:v6+s0+$0x0], $0xffff  }
0x162: {  	v3 =	vsub.f32 $0.0e+00, v3  }
0x163: {  	vm0 =	veq.s32 v1, v2;
	v1 =	vadd.s32 $0x2710, v2  }
0x164: {  	v3 =	vsel vm0, $0x0, v3  }
0x165: {  	v4 =	vmul.f32 v3, v46  }
0x166: {  	v3 =	vmul.f32 v3, v47  }
0x167: {  	[tilespmem:v2+s12+$0x0] =	vst.idx.add.f32.msk $0xffff, v4  }
0x168: {  	[tilespmem:v1+s12+$0x0] =	vst.idx.add.f32.msk $0xffff, v3  }
0x169: {  	v1 =	vld [tilespmem:s9+$0x10];
	_ =	sdelay $0x1  }
0x16a: {  	v2 =	vld [tilespmem:s9+$0x7E0];
	_ =	sdelay $0x4  }
0x16b: {  	v3 =	vld [tilespmem:s9+$0xFB0]  }
0x16c: {  	v4 =	vld.idx.msk [tilespmem:v1+s6+$0x0], $0xffff;
	_ =	sdelay $0x1  }
0x16d: {  	v48 =	vld.idx.msk [tilespmem:v2+s6+$0x0], $0xffff  }
0x16e: {  	v49 =	vadd.s32 $0x2710, v1;
	_ =	sdelay $0x1  }
0x16f: {  	v3 =	vmul.f32 v4, v3;
	_ =	sdelay $0x1  }
0x170: {  	v50 =	vld.idx.msk [tilespmem:v1+s0+$0x0], $0xffff;
	v3 =	vmul.f32 v48, v3  }
0x171: {  	v51 =	vld.idx.msk [tilespmem:v49+s0+$0x0], $0xffff  }
0x172: {  	v3 =	vsub.f32 $0.0e+00, v3  }
0x173: {  	vm12 =	veq.s32 v1, v2;
	v1 =	vadd.s32 $0x2710, v2  }
0x174: {  	v3 =	vsel vm12, $0x0, v3  }
0x175: {  	v4 =	vmul.f32 v3, v50  }
0x176: {  	v3 =	vmul.f32 v3, v51  }
0x177: {  	[tilespmem:v2+s12+$0x0] =	vst.idx.add.f32.msk $0xffff, v4  }
0x178: {  	[tilespmem:v1+s12+$0x0] =	vst.idx.add.f32.msk $0xffff, v3  }
0x179: {  	v1 =	vld [tilespmem:s9+$0x20];
	_ =	sdelay $0x1  }
0x17a: {  	v2 =	vld [tilespmem:s9+$0x7F0];
	_ =	sdelay $0x4  }
0x17b: {  	v3 =	vld [tilespmem:s9+$0xFC0]  }
0x17c: {  	v4 =	vld.idx.msk [tilespmem:v1+s6+$0x0], $0xffff;
	_ =	sdelay $0x1  }
0x17d: {  	v52 =	vld.idx.msk [tilespmem:v2+s6+$0x0], $0xffff  }
0x17e: {  	v53 =	vadd.s32 $0x2710, v1;
	_ =	sdelay $0x1  }
0x17f: {  	v3 =	vmul.f32 v4, v3;
	_ =	sdelay $0x1  }
0x180: {  	v54 =	vld.idx.msk [tilespmem:v1+s0+$0x0], $0xffff;
	v3 =	vmul.f32 v52, v3  }
0x181: {  	v55 =	vld.idx.msk [tilespmem:v53+s0+$0x0], $0xffff  }
0x182: {  	v3 =	vsub.f32 $0.0e+00, v3  }
0x183: {  	vm13 =	veq.s32 v1, v2;
	v1 =	vadd.s32 $0x2710, v2  }
0x184: {  	v3 =	vsel vm13, $0x0, v3  }
0x185: {  	v4 =	vmul.f32 v3, v54  }
0x186: {  	v3 =	vmul.f32 v3, v55  }
0x187: {  	[tilespmem:v2+s12+$0x0] =	vst.idx.add.f32.msk $0xffff, v4  }
0x188: {  	[tilespmem:v1+s12+$0x0] =	vst.idx.add.f32.msk $0xffff, v3  }
0x189: {  	v1 =	vld [tilespmem:s9+$0x30];
	_ =	sdelay $0x1  }
0x18a: {  	v2 =	vld [tilespmem:s9+$0x800];
	_ =	sdelay $0x4  }
0x18b: {  	v3 =	vld [tilespmem:s9+$0xFD0]  }
0x18c: {  	v4 =	vld.idx.msk [tilespmem:v1+s6+$0x0], $0xffff;
	_ =	sdelay $0x1  }
0x18d: {  	v56 =	vld.idx.msk [tilespmem:v2+s6+$0x0], $0xffff  }
0x18e: {  	v57 =	vadd.s32 $0x2710, v1;
	_ =	sdelay $0x1  }
0x18f: {  	v3 =	vmul.f32 v4, v3;
	_ =	sdelay $0x1  }
0x190: {  	v58 =	vld.idx.msk [tilespmem:v1+s0+$0x0], $0xffff;
	v3 =	vmul.f32 v56, v3  }
0x191: {  	v59 =	vld.idx.msk [tilespmem:v57+s0+$0x0], $0xffff  }
0x192: {  	v3 =	vsub.f32 $0.0e+00, v3  }
0x193: {  	vm14 =	veq.s32 v1, v2;
	v1 =	vadd.s32 $0x2710, v2  }
0x194: {  	v3 =	vsel vm14, $0x0, v3  }
0x195: {  	v4 =	vmul.f32 v3, v58  }
0x196: {  	v3 =	vmul.f32 v3, v59  }
0x197: {  	[tilespmem:v2+s12+$0x0] =	vst.idx.add.f32.msk $0xffff, v4  }
0x198: {  	[tilespmem:v1+s12+$0x0] =	vst.idx.add.f32.msk $0xffff, v3  }
0x199: {  	v1 =	vld [tilespmem:s9+$0x40];
	_ =	sdelay $0x1  }
0x19a: {  	v2 =	vld [tilespmem:s9+$0x810];
	_ =	sdelay $0x4  }
0x19b: {  	v3 =	vld [tilespmem:s9+$0xFE0]  }
0x19c: {  	v4 =	vld.idx.msk [tilespmem:v1+s6+$0x0], $0xffff;
	_ =	sdelay $0x1  }
0x19d: {  	v60 =	vld.idx.msk [tilespmem:v2+s6+$0x0], $0xffff  }
0x19e: {  	v61 =	vadd.s32 $0x2710, v1;
	_ =	sdelay $0x1  }
0x19f: {  	v3 =	vmul.f32 v4, v3;
	_ =	sdelay $0x1  }
0x1a0: {  	v62 =	vld.idx.msk [tilespmem:v1+s0+$0x0], $0xffff;
	v3 =	vmul.f32 v60, v3  }
0x1a1: {  	v63 =	vld.idx.msk [tilespmem:v61+s0+$0x0], $0xffff  }
0x1a2: {  	v3 =	vsub.f32 $0.0e+00, v3  }
0x1a3: {  	p0 =	sne.s32 s8, $0x1E00;
	vm15 =	veq.s32 v1, v2;
	v1 =	vadd.s32 $0x2710, v2  }
.Ltmp4:
0x1a4: {  	v3 =	vsel vm15, $0x0, v3;
	(pc) =	sbr.rel @p0 .LBB2_10-.Ltmp4, $4  }
0x1a5: {  	v4 =	vmul.f32 v3, v62  }
0x1a6: {  	v3 =	vmul.f32 v3, v63  }
0x1a7: {  	[tilespmem:v2+s12+$0x0] =	vst.idx.add.f32.msk $0xffff, v4  }
0x1a8: {  	s8 =	sadd.s32 $0x140, s8;
	[tilespmem:v1+s12+$0x0] =	vst.idx.add.f32.msk $0xffff, v3  }
0x1a9: {  	s8 =	simm.s32 $0x0;
	s9 =	rddreg [dreg:$0x13]  }
0x1aa: {  	[tilespmem:s8], [sflag:$0x2] =	stream.linear.gather [hbm4b:s9+s8], $0x7D0, $0x38;
	[tilespmem:$0x17430] =	vst v63  }
0x1ab: {  	_ = 	snop  }
0x1ac: {  	[tilespmem:s30], [sflag:$0x2] =	stream.linear.gather [hbm4b:s26+s8], $0x7D0, $0x38;
	[tilespmem:$0x17430] =	vst v63  }
0x1ad: {  	s25 =	rddreg [dreg:$0x14]  }
0x1ae: {  	[tilespmem:s31], [sflag:$0x2] =	stream.linear.gather [hbm4b:s25+s8], $0x7D0, $0x38;
	[tilespmem:$0x17430] =	vst v63  }
0x1af: {  	_ =	swait.ge [sflag:s13], $0x7D0  }
0x1b0: {  	[sflag:s13] =	ssyncset.done $0x0  }
0x1b1: {  	[sflag:s13] =	ssyncadd.s32 $0xFFFFF830  }
0x1b2: {  	_ =	swait.ge [sflag:s13], $0x7D0  }
0x1b3: {  	[sflag:s13] =	ssyncset.done $0x0  }
0x1b4: {  	[sflag:s13] =	ssyncadd.s32 $0xFFFFF830  }
0x1b5: {  	_ =	swait.ge [sflag:s13], $0x7D0  }
0x1b6: {  	[sflag:s13] =	ssyncset.done $0x0  }
0x1b7: {  	[sflag:s13] =	ssyncadd.s32 $0xFFFFF830  }
.LBB2_12:
0x1b8: {  	s9 =	sshra.s32 s8, $0x2  }
0x1b9: {  	v1 =	vld [tilespmem:s9+$0x1770];
	_ =	sdelay $0x1  }
0x1ba: {  	v2 =	vld [tilespmem:s9+$0x1F40];
	_ =	sdelay $0x4  }
0x1bb: {  	v3 =	vld [tilespmem:s9+$0x2710]  }
0x1bc: {  	v4 =	vld.idx.msk [tilespmem:v1+s6+$0x0], $0xffff;
	_ =	sdelay $0x1  }
0x1bd: {  	v5 =	vld.idx.msk [tilespmem:v2+s6+$0x0], $0xffff  }
0x1be: {  	v6 =	vadd.s32 $0x2710, v1;
	_ =	sdelay $0x1  }
0x1bf: {  	v3 =	vmul.f32 v4, v3;
	_ =	sdelay $0x1  }
0x1c0: {  	v46 =	vld.idx.msk [tilespmem:v1+s0+$0x0], $0xffff;
	v3 =	vmul.f32 v5, v3  }
0x1c1: {  	v47 =	vld.idx.msk [tilespmem:v6+s0+$0x0], $0xffff  }
0x1c2: {  	v3 =	vsub.f32 $0.0e+00, v3  }
0x1c3: {  	vm0 =	veq.s32 v1, v2;
	v1 =	vadd.s32 $0x2710, v2  }
0x1c4: {  	v3 =	vsel vm0, $0x0, v3  }
0x1c5: {  	v4 =	vmul.f32 v3, v46  }
0x1c6: {  	v3 =	vmul.f32 v3, v47  }
0x1c7: {  	[tilespmem:v2+s12+$0x0] =	vst.idx.add.f32.msk $0xffff, v4  }
0x1c8: {  	[tilespmem:v1+s12+$0x0] =	vst.idx.add.f32.msk $0xffff, v3  }
0x1c9: {  	v1 =	vld [tilespmem:s9+$0x1780];
	_ =	sdelay $0x1  }
0x1ca: {  	v2 =	vld [tilespmem:s9+$0x1F50];
	_ =	sdelay $0x4  }
0x1cb: {  	v3 =	vld [tilespmem:s9+$0x2720]  }
0x1cc: {  	v4 =	vld.idx.msk [tilespmem:v1+s6+$0x0], $0xffff;
	_ =	sdelay $0x1  }
0x1cd: {  	v48 =	vld.idx.msk [tilespmem:v2+s6+$0x0], $0xffff  }
0x1ce: {  	v49 =	vadd.s32 $0x2710, v1;
	_ =	sdelay $0x1  }
0x1cf: {  	v3 =	vmul.f32 v4, v3;
	_ =	sdelay $0x1  }
0x1d0: {  	v50 =	vld.idx.msk [tilespmem:v1+s0+$0x0], $0xffff;
	v3 =	vmul.f32 v48, v3  }
0x1d1: {  	v51 =	vld.idx.msk [tilespmem:v49+s0+$0x0], $0xffff  }
0x1d2: {  	v3 =	vsub.f32 $0.0e+00, v3  }
0x1d3: {  	vm12 =	veq.s32 v1, v2;
	v1 =	vadd.s32 $0x2710, v2  }
0x1d4: {  	v3 =	vsel vm12, $0x0, v3  }
0x1d5: {  	v4 =	vmul.f32 v3, v50  }
0x1d6: {  	v3 =	vmul.f32 v3, v51  }
0x1d7: {  	[tilespmem:v2+s12+$0x0] =	vst.idx.add.f32.msk $0xffff, v4  }
0x1d8: {  	[tilespmem:v1+s12+$0x0] =	vst.idx.add.f32.msk $0xffff, v3  }
0x1d9: {  	v1 =	vld [tilespmem:s9+$0x1790];
	_ =	sdelay $0x1  }
0x1da: {  	v2 =	vld [tilespmem:s9+$0x1F60];
	_ =	sdelay $0x4  }
0x1db: {  	v3 =	vld [tilespmem:s9+$0x2730]  }
0x1dc: {  	v4 =	vld.idx.msk [tilespmem:v1+s6+$0x0], $0xffff;
	_ =	sdelay $0x1  }
0x1dd: {  	v52 =	vld.idx.msk [tilespmem:v2+s6+$0x0], $0xffff  }
0x1de: {  	v53 =	vadd.s32 $0x2710, v1;
	_ =	sdelay $0x1  }
0x1df: {  	v3 =	vmul.f32 v4, v3;
	_ =	sdelay $0x1  }
0x1e0: {  	v54 =	vld.idx.msk [tilespmem:v1+s0+$0x0], $0xffff;
	v3 =	vmul.f32 v52, v3  }
0x1e1: {  	v55 =	vld.idx.msk [tilespmem:v53+s0+$0x0], $0xffff  }
0x1e2: {  	v3 =	vsub.f32 $0.0e+00, v3  }
0x1e3: {  	vm13 =	veq.s32 v1, v2;
	v1 =	vadd.s32 $0x2710, v2  }
0x1e4: {  	v3 =	vsel vm13, $0x0, v3  }
0x1e5: {  	v4 =	vmul.f32 v3, v54  }
0x1e6: {  	v3 =	vmul.f32 v3, v55  }
0x1e7: {  	[tilespmem:v2+s12+$0x0] =	vst.idx.add.f32.msk $0xffff, v4  }
0x1e8: {  	[tilespmem:v1+s12+$0x0] =	vst.idx.add.f32.msk $0xffff, v3  }
0x1e9: {  	v1 =	vld [tilespmem:s9+$0x17A0];
	_ =	sdelay $0x1  }
0x1ea: {  	v2 =	vld [tilespmem:s9+$0x1F70];
	_ =	sdelay $0x4  }
0x1eb: {  	v3 =	vld [tilespmem:s9+$0x2740]  }
0x1ec: {  	v4 =	vld.idx.msk [tilespmem:v1+s6+$0x0], $0xffff;
	_ =	sdelay $0x1  }
0x1ed: {  	v56 =	vld.idx.msk [tilespmem:v2+s6+$0x0], $0xffff  }
0x1ee: {  	v57 =	vadd.s32 $0x2710, v1;
	_ =	sdelay $0x1  }
0x1ef: {  	v3 =	vmul.f32 v4, v3;
	_ =	sdelay $0x1  }
0x1f0: {  	v58 =	vld.idx.msk [tilespmem:v1+s0+$0x0], $0xffff;
	v3 =	vmul.f32 v56, v3  }
0x1f1: {  	v59 =	vld.idx.msk [tilespmem:v57+s0+$0x0], $0xffff  }
0x1f2: {  	v3 =	vsub.f32 $0.0e+00, v3  }
0x1f3: {  	vm14 =	veq.s32 v1, v2;
	v1 =	vadd.s32 $0x2710, v2  }
0x1f4: {  	v3 =	vsel vm14, $0x0, v3  }
0x1f5: {  	v4 =	vmul.f32 v3, v58  }
0x1f6: {  	v3 =	vmul.f32 v3, v59  }
0x1f7: {  	[tilespmem:v2+s12+$0x0] =	vst.idx.add.f32.msk $0xffff, v4  }
0x1f8: {  	[tilespmem:v1+s12+$0x0] =	vst.idx.add.f32.msk $0xffff, v3  }
0x1f9: {  	v1 =	vld [tilespmem:s9+$0x17B0];
	_ =	sdelay $0x1  }
0x1fa: {  	v2 =	vld [tilespmem:s9+$0x1F80];
	_ =	sdelay $0x4  }
0x1fb: {  	v3 =	vld [tilespmem:s9+$0x2750]  }
0x1fc: {  	v4 =	vld.idx.msk [tilespmem:v1+s6+$0x0], $0xffff;
	_ =	sdelay $0x1  }
0x1fd: {  	v60 =	vld.idx.msk [tilespmem:v2+s6+$0x0], $0xffff  }
0x1fe: {  	v61 =	vadd.s32 $0x2710, v1;
	_ =	sdelay $0x1  }
0x1ff: {  	v3 =	vmul.f32 v4, v3;
	_ =	sdelay $0x1  }
0x200: {  	v62 =	vld.idx.msk [tilespmem:v1+s0+$0x0], $0xffff;
	v3 =	vmul.f32 v60, v3  }
0x201: {  	v63 =	vld.idx.msk [tilespmem:v61+s0+$0x0], $0xffff  }
0x202: {  	v3 =	vsub.f32 $0.0e+00, v3  }
0x203: {  	p0 =	sne.s32 s8, $0x1E00;
	vm15 =	veq.s32 v1, v2;
	v1 =	vadd.s32 $0x2710, v2  }
.Ltmp5:
0x204: {  	v3 =	vsel vm15, $0x0, v3;
	(pc) =	sbr.rel @p0 .LBB2_12-.Ltmp5, $4  }
0x205: {  	v4 =	vmul.f32 v3, v62  }
0x206: {  	v3 =	vmul.f32 v3, v63  }
0x207: {  	[tilespmem:v2+s12+$0x0] =	vst.idx.add.f32.msk $0xffff, v4  }
0x208: {  	s8 =	sadd.s32 $0x140, s8;
	[tilespmem:v1+s12+$0x0] =	vst.idx.add.f32.msk $0xffff, v3  }
0x209: {  	_ =	swait.ge [sflag:s11], $0x7D0  }
0x20a: {  	[sflag:s11] =	ssyncset.done $0x0  }
0x20b: {  	[sflag:s11] =	ssyncadd.s32 $0xFFFFF830  }
0x20c: {  	_ =	swait.ge [sflag:s11], $0x7D0  }
0x20d: {  	[sflag:s11] =	ssyncset.done $0x0  }
0x20e: {  	[sflag:s11] =	ssyncadd.s32 $0xFFFFF830  }
0x20f: {  	_ =	swait.ge [sflag:s11], $0x7D0  }
0x210: {  	[sflag:s11] =	ssyncset.done $0x0  }
0x211: {  	s8 =	simm.s32 $0x0;
	[sflag:s11] =	ssyncadd.s32 $0xFFFFF830  }
.LBB2_14:
0x212: {  	s9 =	sshra.s32 s8, $0x2  }
0x213: {  	v1 =	vld [tilespmem:s9+$0x0];
	_ =	sdelay $0x1  }
0x214: {  	v2 =	vld [tilespmem:s9+$0x7D0];
	_ =	sdelay $0x4  }
0x215: {  	v3 =	vld [tilespmem:s9+$0xFA0]  }
0x216: {  	v4 =	vld.idx.msk [tilespmem:v1+s6+$0x0], $0xffff;
	_ =	sdelay $0x1  }
0x217: {  	v5 =	vld.idx.msk [tilespmem:v2+s6+$0x0], $0xffff  }
0x218: {  	v6 =	vadd.s32 $0x2710, v1;
	_ =	sdelay $0x1  }
0x219: {  	v3 =	vmul.f32 v4, v3;
	_ =	sdelay $0x1  }
0x21a: {  	v46 =	vld.idx.msk [tilespmem:v1+s0+$0x0], $0xffff;
	v3 =	vmul.f32 v5, v3  }
0x21b: {  	v47 =	vld.idx.msk [tilespmem:v6+s0+$0x0], $0xffff  }
0x21c: {  	v3 =	vsub.f32 $0.0e+00, v3  }
0x21d: {  	vm0 =	veq.s32 v1, v2;
	v1 =	vadd.s32 $0x2710, v2  }
0x21e: {  	v3 =	vsel vm0, $0x0, v3  }
0x21f: {  	v4 =	vmul.f32 v3, v46  }
0x220: {  	v3 =	vmul.f32 v3, v47  }
0x221: {  	[tilespmem:v2+s12+$0x0] =	vst.idx.add.f32.msk $0xffff, v4  }
0x222: {  	[tilespmem:v1+s12+$0x0] =	vst.idx.add.f32.msk $0xffff, v3  }
0x223: {  	v1 =	vld [tilespmem:s9+$0x10];
	_ =	sdelay $0x1  }
0x224: {  	v2 =	vld [tilespmem:s9+$0x7E0];
	_ =	sdelay $0x4  }
0x225: {  	v3 =	vld [tilespmem:s9+$0xFB0]  }
0x226: {  	v4 =	vld.idx.msk [tilespmem:v1+s6+$0x0], $0xffff;
	_ =	sdelay $0x1  }
0x227: {  	v48 =	vld.idx.msk [tilespmem:v2+s6+$0x0], $0xffff  }
0x228: {  	v49 =	vadd.s32 $0x2710, v1;
	_ =	sdelay $0x1  }
0x229: {  	v3 =	vmul.f32 v4, v3;
	_ =	sdelay $0x1  }
0x22a: {  	v50 =	vld.idx.msk [tilespmem:v1+s0+$0x0], $0xffff;
	v3 =	vmul.f32 v48, v3  }
0x22b: {  	v51 =	vld.idx.msk [tilespmem:v49+s0+$0x0], $0xffff  }
0x22c: {  	v3 =	vsub.f32 $0.0e+00, v3  }
0x22d: {  	vm12 =	veq.s32 v1, v2;
	v1 =	vadd.s32 $0x2710, v2  }
0x22e: {  	v3 =	vsel vm12, $0x0, v3  }
0x22f: {  	v4 =	vmul.f32 v3, v50  }
0x230: {  	v3 =	vmul.f32 v3, v51  }
0x231: {  	[tilespmem:v2+s12+$0x0] =	vst.idx.add.f32.msk $0xffff, v4  }
0x232: {  	[tilespmem:v1+s12+$0x0] =	vst.idx.add.f32.msk $0xffff, v3  }
0x233: {  	v1 =	vld [tilespmem:s9+$0x20];
	_ =	sdelay $0x1  }
0x234: {  	v2 =	vld [tilespmem:s9+$0x7F0];
	_ =	sdelay $0x4  }
0x235: {  	v3 =	vld [tilespmem:s9+$0xFC0]  }
0x236: {  	v4 =	vld.idx.msk [tilespmem:v1+s6+$0x0], $0xffff;
	_ =	sdelay $0x1  }
0x237: {  	v52 =	vld.idx.msk [tilespmem:v2+s6+$0x0], $0xffff  }
0x238: {  	v53 =	vadd.s32 $0x2710, v1;
	_ =	sdelay $0x1  }
0x239: {  	v3 =	vmul.f32 v4, v3;
	_ =	sdelay $0x1  }
0x23a: {  	v54 =	vld.idx.msk [tilespmem:v1+s0+$0x0], $0xffff;
	v3 =	vmul.f32 v52, v3  }
0x23b: {  	v55 =	vld.idx.msk [tilespmem:v53+s0+$0x0], $0xffff  }
0x23c: {  	v3 =	vsub.f32 $0.0e+00, v3  }
0x23d: {  	vm13 =	veq.s32 v1, v2;
	v1 =	vadd.s32 $0x2710, v2  }
0x23e: {  	v3 =	vsel vm13, $0x0, v3  }
0x23f: {  	v4 =	vmul.f32 v3, v54  }
0x240: {  	v3 =	vmul.f32 v3, v55  }
0x241: {  	[tilespmem:v2+s12+$0x0] =	vst.idx.add.f32.msk $0xffff, v4  }
0x242: {  	[tilespmem:v1+s12+$0x0] =	vst.idx.add.f32.msk $0xffff, v3  }
0x243: {  	v1 =	vld [tilespmem:s9+$0x30];
	_ =	sdelay $0x1  }
0x244: {  	v2 =	vld [tilespmem:s9+$0x800];
	_ =	sdelay $0x4  }
0x245: {  	v3 =	vld [tilespmem:s9+$0xFD0]  }
0x246: {  	v4 =	vld.idx.msk [tilespmem:v1+s6+$0x0], $0xffff;
	_ =	sdelay $0x1  }
0x247: {  	v56 =	vld.idx.msk [tilespmem:v2+s6+$0x0], $0xffff  }
0x248: {  	v57 =	vadd.s32 $0x2710, v1;
	_ =	sdelay $0x1  }
0x249: {  	v3 =	vmul.f32 v4, v3;
	_ =	sdelay $0x1  }
0x24a: {  	v58 =	vld.idx.msk [tilespmem:v1+s0+$0x0], $0xffff;
	v3 =	vmul.f32 v56, v3  }
0x24b: {  	v59 =	vld.idx.msk [tilespmem:v57+s0+$0x0], $0xffff  }
0x24c: {  	v3 =	vsub.f32 $0.0e+00, v3  }
0x24d: {  	vm14 =	veq.s32 v1, v2;
	v1 =	vadd.s32 $0x2710, v2  }
0x24e: {  	v3 =	vsel vm14, $0x0, v3  }
0x24f: {  	v4 =	vmul.f32 v3, v58  }
0x250: {  	v3 =	vmul.f32 v3, v59  }
0x251: {  	[tilespmem:v2+s12+$0x0] =	vst.idx.add.f32.msk $0xffff, v4  }
0x252: {  	[tilespmem:v1+s12+$0x0] =	vst.idx.add.f32.msk $0xffff, v3  }
0x253: {  	v1 =	vld [tilespmem:s9+$0x40];
	_ =	sdelay $0x1  }
0x254: {  	v2 =	vld [tilespmem:s9+$0x810];
	_ =	sdelay $0x4  }
0x255: {  	v3 =	vld [tilespmem:s9+$0xFE0]  }
0x256: {  	v4 =	vld.idx.msk [tilespmem:v1+s6+$0x0], $0xffff;
	_ =	sdelay $0x1  }
0x257: {  	v60 =	vld.idx.msk [tilespmem:v2+s6+$0x0], $0xffff  }
0x258: {  	v61 =	vadd.s32 $0x2710, v1;
	_ =	sdelay $0x1  }
0x259: {  	v3 =	vmul.f32 v4, v3;
	_ =	sdelay $0x1  }
0x25a: {  	v62 =	vld.idx.msk [tilespmem:v1+s0+$0x0], $0xffff;
	v3 =	vmul.f32 v60, v3  }
0x25b: {  	v63 =	vld.idx.msk [tilespmem:v61+s0+$0x0], $0xffff  }
0x25c: {  	v3 =	vsub.f32 $0.0e+00, v3  }
0x25d: {  	p0 =	sne.s32 s8, $0x1E00;
	vm15 =	veq.s32 v1, v2;
	v1 =	vadd.s32 $0x2710, v2  }
.Ltmp6:
0x25e: {  	v3 =	vsel vm15, $0x0, v3;
	(pc) =	sbr.rel @p0 .LBB2_14-.Ltmp6, $4  }
0x25f: {  	v4 =	vmul.f32 v3, v62  }
0x260: {  	v3 =	vmul.f32 v3, v63  }
0x261: {  	[tilespmem:v2+s12+$0x0] =	vst.idx.add.f32.msk $0xffff, v4  }
0x262: {  	s8 =	sadd.s32 $0x140, s8;
	[tilespmem:v1+s12+$0x0] =	vst.idx.add.f32.msk $0xffff, v3  }
0x263: {  	[spmem:s21] =	stream.linear.scatter [tilespmem:s12], [sflag:$0x4], $0x2710, $0x38;
	[tilespmem:$0x17430] =	vst v63  }
0x264: {  	_ =	swait.ge [sflag:s2], $0x2710  }
0x265: {  	[sflag:s2] =	ssyncset.done $0x0  }
0x266: {  	s8 =	simm.s32 $0xCB20;
	[sflag:s2] =	ssyncadd.s32 $0xFFFFD8F0  }
0x267: {  	[spmem:s28] =	stream.linear.scatter [tilespmem:s8], [sflag:$0x4], $0x2710, $0x38;
	[tilespmem:$0x17430] =	vst v63  }
0x268: {  	_ =	swait.ge [sflag:s2], $0x2710  }
0x269: {  	[sflag:s2] =	ssyncset.done $0x0  }
0x26a: {  	[sflag:s2] =	ssyncadd.s32 $0xFFFFD8F0  }
0x26b: {  	[bflag:$0x0] =	sbarrier.arrive $0xFFFF  }
0x26c: {  	[tilespmem:s15], [sflag:$0x4] =	stream.strided.gather [spmem:s22], $0x2800, s14, s1, $0x38;
	[tilespmem:$0x17430] =	vst v63  }
0x26d: {  	_ =	swait.ge [sflag:s2], $0x2800  }
0x26e: {  	[sflag:s2] =	ssyncset.done $0x0  }
0x26f: {  	s9 =	simm.s32 $0x0;
	[sflag:s2] =	ssyncadd.s32 $0xFFFFD800  }
0x270: {  	v1 =	vld [tilespmem:s9+$0xF230]  }
0x271: {  	v2 =	vld [tilespmem:s9+$0xF4B0];
	_ =	sdelay $0x1  }
0x272: {  	v3 =	vld [tilespmem:s9+$0xF730];
	_ =	sdelay $0x1  }
0x273: {  	v4 =	vld [tilespmem:s9+$0xF9B0]  }
0x274: {  	v1 =	vadd.f32 v2, v1  }
0x275: {  	v2 =	vld [tilespmem:s9+$0xFC30]  }
0x276: {  	v1 =	vadd.f32 v3, v1  }
0x277: {  	v3 =	vld [tilespmem:s9+$0xFEB0]  }
0x278: {  	v1 =	vadd.f32 v4, v1  }
0x279: {  	v4 =	vld [tilespmem:s9+$0x10130]  }
0x27a: {  	v1 =	vadd.f32 v2, v1  }
0x27b: {  	v2 =	vld [tilespmem:s9+$0x103B0]  }
0x27c: {  	s8 =	simm.s32 $0x10;
	v5 =	vld [tilespmem:s9+$0x10630];
	v1 =	vadd.f32 v3, v1  }
0x27d: {  	v6 =	vld [tilespmem:s8+$0xF230]  }
0x27e: {  	v3 =	vld [tilespmem:s9+$0x108B0];
	v1 =	vadd.f32 v4, v1  }
0x27f: {  	v4 =	vld [tilespmem:s8+$0xF4B0]  }
0x280: {  	v7 =	vld [tilespmem:s8+$0xF730];
	v1 =	vadd.f32 v2, v1  }
0x281: {  	v2 =	vld [tilespmem:s9+$0x10B30]  }
0x282: {  	v8 =	vld [tilespmem:s8+$0xF9B0];
	v1 =	vadd.f32 v5, v1  }
0x283: {  	v5 =	vld [tilespmem:s9+$0x10DB0]  }
0x284: {  	v4 =	vadd.f32 v4, v6;
	v6 =	vld [tilespmem:s8+$0xFC30];
	v1 =	vadd.f32 v3, v1  }
0x285: {  	v3 =	vld [tilespmem:s9+$0x11030]  }
0x286: {  	v4 =	vadd.f32 v7, v4;
	v7 =	vld [tilespmem:s8+$0xFEB0];
	v1 =	vadd.f32 v2, v1  }
0x287: {  	v2 =	vld [tilespmem:s9+$0x112B0]  }
0x288: {  	v9 =	vld [tilespmem:s8+$0x10130];
	v4 =	vadd.f32 v8, v4;
	v1 =	vadd.f32 v5, v1  }
0x289: {  	v8 =	vld [tilespmem:s9+$0x11530]  }
0x28a: {  	v5 =	vadd.f32 v6, v4;
	v4 =	vld [tilespmem:s8+$0x103B0];
	v6 =	vadd.f32 v3, v1  }
0x28b: {  	v3 =	vld [tilespmem:s9+$0x117B0]  }
0x28c: {  	v1 =	vld [tilespmem:s8+$0x108B0];
	v7 =	vadd.f32 v7, v5;
	v10 =	vadd.f32 v2, v6  }
0x28d: {  	s10 =	simm.s32 $0x20;
	v5 =	vld [tilespmem:s8+$0x10630]  }
0x28e: {  	s17 =	simm.s32 $0xC0;
	v2 =	vld [tilespmem:s10+$0xF230];
	v6 =	vadd.f32 v9, v7;
	v7 =	vadd.f32 v8, v10  }
.LBB2_16:
0x28f: {  	p0 =	sne.s32 s17, $0x9C0;
	v8 =	vld [tilespmem:s10+$0xF4B0]  }
0x290: {  	v4 =	vadd.f32 v4, v6;
	v6 =	vld [tilespmem:s8+$0x10B30];
	v3 =	vadd.f32 v3, v7  }
0x291: {  	v7 =	vld [tilespmem:s10+$0xF730]  }
0x292: {  	v4 =	vadd.f32 v5, v4;
	v5 =	vld [tilespmem:s8+$0x10DB0];
	[tilespmem:s9+$0x11A30] =	vst v3;
	s9 =	smov.u32 s8;
	s8 =	smov.u32 s10  }
0x293: {  	v3 =	vld [tilespmem:s8+$0xF9B0]  }
0x294: {  	v2 =	vadd.f32 v8, v2;
	v1 =	vadd.f32 v1, v4;
	v4 =	vld [tilespmem:s9+$0x11030]  }
0x295: {  	v8 =	vld [tilespmem:s8+$0xFC30]  }
0x296: {  	v2 =	vadd.f32 v7, v2;
	v1 =	vadd.f32 v6, v1;
	v6 =	vld [tilespmem:s9+$0x112B0]  }
0x297: {  	v7 =	vld [tilespmem:s8+$0xFEB0]  }
0x298: {  	v2 =	vadd.f32 v3, v2;
	v1 =	vadd.f32 v5, v1;
	v9 =	vld [tilespmem:s9+$0x11530]  }
0x299: {  	v10 =	vld [tilespmem:s8+$0x10130]  }
.Ltmp7:
0x29a: {  	v2 =	vadd.f32 v8, v2;
	v5 =	vadd.f32 v4, v1;
	v3 =	vld [tilespmem:s9+$0x117B0];
	(pc) =	sbr.rel @p0 .LBB2_16-.Ltmp7, $4  }
0x29b: {  	v4 =	vld [tilespmem:s8+$0x103B0]  }
0x29c: {  	v7 =	vadd.f32 v7, v2;
	v1 =	vld [tilespmem:s8+$0x108B0];
	v8 =	vadd.f32 v6, v5  }
0x29d: {  	s10 =	sshra.s32 s17, $0x2;
	v5 =	vld [tilespmem:s8+$0x10630]  }
0x29e: {  	s17 =	sadd.s32 $0x40, s17;
	v2 =	vld [tilespmem:s10+$0xF230];
	v6 =	vadd.f32 v10, v7;
	v7 =	vadd.f32 v9, v8  }
0x29f: {  	v8 =	vld [tilespmem:s10+$0xF4B0]  }
0x2a0: {  	v9 =	vld [tilespmem:s8+$0x10B30];
	v3 =	vadd.f32 v3, v7  }
0x2a1: {  	v7 =	vld [tilespmem:s10+$0xF730]  }
0x2a2: {  	v10 =	vld [tilespmem:s8+$0x10DB0];
	v4 =	vadd.f32 v4, v6;
	[tilespmem:s9+$0x11A30] =	vst v3  }
0x2a3: {  	v3 =	vld [tilespmem:s10+$0xF9B0]  }
0x2a4: {  	v4 =	vadd.f32 v5, v4;
	v2 =	vadd.f32 v8, v2  }
0x2a5: {  	v5 =	vld [tilespmem:s10+$0xFC30]  }
0x2a6: {  	v6 =	vld [tilespmem:s10+$0xFEB0];
	v1 =	vadd.f32 v1, v4;
	v2 =	vadd.f32 v7, v2  }
0x2a7: {  	v4 =	vld [tilespmem:s8+$0x11030]  }
0x2a8: {  	v1 =	vadd.f32 v9, v1;
	v7 =	vld [tilespmem:s8+$0x112B0];
	v2 =	vadd.f32 v3, v2  }
0x2a9: {  	v3 =	vld [tilespmem:s10+$0x10130]  }
0x2aa: {  	v8 =	vld [tilespmem:s8+$0x11530];
	v1 =	vadd.f32 v10, v1;
	v2 =	vadd.f32 v5, v2  }
0x2ab: {  	v5 =	vld [tilespmem:s10+$0x103B0]  }
0x2ac: {  	v1 =	vadd.f32 v4, v1;
	v4 =	vld [tilespmem:s8+$0x117B0];
	v2 =	vadd.f32 v6, v2  }
0x2ad: {  	v6 =	vld [tilespmem:s10+$0x10630]  }
0x2ae: {  	v1 =	vadd.f32 v7, v1;
	v2 =	vadd.f32 v3, v2  }
0x2af: {  	v3 =	vld [tilespmem:s10+$0x108B0]  }
0x2b0: {  	v1 =	vadd.f32 v8, v1;
	v2 =	vadd.f32 v5, v2  }
0x2b1: {  	v5 =	vld [tilespmem:s10+$0x10B30]  }
0x2b2: {  	v1 =	vadd.f32 v4, v1;
	v2 =	vadd.f32 v6, v2  }
0x2b3: {  	v4 =	vld [tilespmem:s10+$0x10DB0]  }
0x2b4: {  	[tilespmem:s8+$0x11A30] =	vst v1;
	v1 =	vadd.f32 v3, v2  }
0x2b5: {  	v2 =	vld [tilespmem:s10+$0x11030]  }
0x2b6: {  	v1 =	vadd.f32 v5, v1  }
0x2b7: {  	v3 =	vld [tilespmem:s10+$0x112B0]  }
0x2b8: {  	v1 =	vadd.f32 v4, v1  }
0x2b9: {  	v4 =	vld [tilespmem:s10+$0x11530]  }
0x2ba: {  	v1 =	vadd.f32 v2, v1  }
0x2bb: {  	v2 =	vld [tilespmem:s10+$0x117B0]  }
0x2bc: {  	v1 =	vadd.f32 v3, v1;
	_ =	sdelay $0x1  }
0x2bd: {  	v1 =	vadd.f32 v4, v1;
	_ =	sdelay $0x1  }
0x2be: {  	v1 =	vadd.f32 v2, v1;
	_ =	sdelay $0x1  }
0x2bf: {  	s24 =	simm.s32 $0x0;
	s25 =	rddreg [dreg:$0x16];
	[tilespmem:s10+$0x11A30] =	vst v1  }
0x2c0: {  	[hbm4b:s25+s24] =	stream.linear.scatter [tilespmem:s4], [sflag:$0x4], $0x280, $0x38;
	[tilespmem:$0x17430] =	vst v63  }
0x2c1: {  	_ =	swait.ge [sflag:s2], $0x280  }
0x2c2: {  	[sflag:s2] =	ssyncset.done $0x0  }
0x2c3: {  	[sflag:s2] =	ssyncadd.s32 $0xFFFFFD80  }
0x2c4: {  	[tilespmem:s15], [sflag:$0x4] =	stream.strided.gather [spmem:s29], $0x2800, s14, s1, $0x38;
	[tilespmem:$0x17430] =	vst v63  }
0x2c5: {  	_ =	swait.ge [sflag:s2], $0x2800  }
0x2c6: {  	[sflag:s2] =	ssyncset.done $0x0  }
0x2c7: {  	s9 =	simm.s32 $0x0;
	[sflag:s2] =	ssyncadd.s32 $0xFFFFD800  }
0x2c8: {  	v1 =	vld [tilespmem:s9+$0xF230]  }
0x2c9: {  	v2 =	vld [tilespmem:s9+$0xF4B0];
	_ =	sdelay $0x1  }
0x2ca: {  	v3 =	vld [tilespmem:s9+$0xF730];
	_ =	sdelay $0x1  }
0x2cb: {  	v4 =	vld [tilespmem:s9+$0xF9B0]  }
0x2cc: {  	v1 =	vadd.f32 v2, v1  }
0x2cd: {  	v2 =	vld [tilespmem:s9+$0xFC30]  }
0x2ce: {  	v1 =	vadd.f32 v3, v1  }
0x2cf: {  	v3 =	vld [tilespmem:s9+$0xFEB0]  }
0x2d0: {  	v1 =	vadd.f32 v4, v1  }
0x2d1: {  	v4 =	vld [tilespmem:s9+$0x10130]  }
0x2d2: {  	v1 =	vadd.f32 v2, v1  }
0x2d3: {  	v2 =	vld [tilespmem:s9+$0x103B0]  }
0x2d4: {  	s8 =	simm.s32 $0x10;
	v5 =	vld [tilespmem:s9+$0x10630];
	v1 =	vadd.f32 v3, v1  }
0x2d5: {  	v6 =	vld [tilespmem:s8+$0xF230]  }
0x2d6: {  	v3 =	vld [tilespmem:s9+$0x108B0];
	v1 =	vadd.f32 v4, v1  }
0x2d7: {  	v4 =	vld [tilespmem:s8+$0xF4B0]  }
0x2d8: {  	v7 =	vld [tilespmem:s8+$0xF730];
	v1 =	vadd.f32 v2, v1  }
0x2d9: {  	v2 =	vld [tilespmem:s9+$0x10B30]  }
0x2da: {  	v8 =	vld [tilespmem:s8+$0xF9B0];
	v1 =	vadd.f32 v5, v1  }
0x2db: {  	v5 =	vld [tilespmem:s9+$0x10DB0]  }
0x2dc: {  	v4 =	vadd.f32 v4, v6;
	v6 =	vld [tilespmem:s8+$0xFC30];
	v1 =	vadd.f32 v3, v1  }
0x2dd: {  	v3 =	vld [tilespmem:s9+$0x11030]  }
0x2de: {  	v4 =	vadd.f32 v7, v4;
	v7 =	vld [tilespmem:s8+$0xFEB0];
	v1 =	vadd.f32 v2, v1  }
0x2df: {  	v2 =	vld [tilespmem:s9+$0x112B0]  }
0x2e0: {  	v62 =	vld [tilespmem:s8+$0x10130];
	v4 =	vadd.f32 v8, v4;
	v1 =	vadd.f32 v5, v1  }
0x2e1: {  	v8 =	vld [tilespmem:s9+$0x11530]  }
0x2e2: {  	v5 =	vadd.f32 v6, v4;
	v4 =	vld [tilespmem:s8+$0x103B0];
	v6 =	vadd.f32 v3, v1  }
0x2e3: {  	v3 =	vld [tilespmem:s9+$0x117B0]  }
0x2e4: {  	v1 =	vld [tilespmem:s8+$0x108B0];
	v7 =	vadd.f32 v7, v5;
	v63 =	vadd.f32 v2, v6  }
0x2e5: {  	s10 =	simm.s32 $0x20;
	v5 =	vld [tilespmem:s8+$0x10630]  }
0x2e6: {  	s17 =	simm.s32 $0xC0;
	v2 =	vld [tilespmem:s10+$0xF230];
	v6 =	vadd.f32 v62, v7;
	v7 =	vadd.f32 v8, v63  }
.LBB2_18:
0x2e7: {  	p0 =	sne.s32 s17, $0x9C0;
	v8 =	vld [tilespmem:s10+$0xF4B0]  }
0x2e8: {  	v4 =	vadd.f32 v4, v6;
	v6 =	vld [tilespmem:s8+$0x10B30];
	v3 =	vadd.f32 v3, v7  }
0x2e9: {  	v7 =	vld [tilespmem:s10+$0xF730]  }
0x2ea: {  	v4 =	vadd.f32 v5, v4;
	v5 =	vld [tilespmem:s8+$0x10DB0];
	[tilespmem:s9+$0x11A30] =	vst v3;
	s9 =	smov.u32 s8;
	s8 =	smov.u32 s10  }
0x2eb: {  	v3 =	vld [tilespmem:s8+$0xF9B0]  }
0x2ec: {  	v2 =	vadd.f32 v8, v2;
	v1 =	vadd.f32 v1, v4;
	v4 =	vld [tilespmem:s9+$0x11030]  }
0x2ed: {  	v8 =	vld [tilespmem:s8+$0xFC30]  }
0x2ee: {  	v2 =	vadd.f32 v7, v2;
	v1 =	vadd.f32 v6, v1;
	v6 =	vld [tilespmem:s9+$0x112B0]  }
0x2ef: {  	v7 =	vld [tilespmem:s8+$0xFEB0]  }
0x2f0: {  	v2 =	vadd.f32 v3, v2;
	v1 =	vadd.f32 v5, v1;
	v9 =	vld [tilespmem:s9+$0x11530]  }
0x2f1: {  	v10 =	vld [tilespmem:s8+$0x10130]  }
.Ltmp8:
0x2f2: {  	v2 =	vadd.f32 v8, v2;
	v5 =	vadd.f32 v4, v1;
	v3 =	vld [tilespmem:s9+$0x117B0];
	(pc) =	sbr.rel @p0 .LBB2_18-.Ltmp8, $4  }
0x2f3: {  	v4 =	vld [tilespmem:s8+$0x103B0]  }
0x2f4: {  	v7 =	vadd.f32 v7, v2;
	v1 =	vld [tilespmem:s8+$0x108B0];
	v8 =	vadd.f32 v6, v5  }
0x2f5: {  	s10 =	sshra.s32 s17, $0x2;
	v5 =	vld [tilespmem:s8+$0x10630]  }
0x2f6: {  	s17 =	sadd.s32 $0x40, s17;
	v2 =	vld [tilespmem:s10+$0xF230];
	v6 =	vadd.f32 v10, v7;
	v7 =	vadd.f32 v9, v8  }
0x2f7: {  	v8 =	vld [tilespmem:s10+$0xF4B0]  }
0x2f8: {  	v9 =	vld [tilespmem:s8+$0x10B30];
	v3 =	vadd.f32 v3, v7  }
0x2f9: {  	v52 =	vld [tilespmem:s10+$0xF730]  }
0x2fa: {  	v10 =	vld [tilespmem:s8+$0x10DB0];
	v4 =	vadd.f32 v4, v6;
	[tilespmem:s9+$0x11A30] =	vst v3  }
0x2fb: {  	v3 =	vld [tilespmem:s10+$0xF9B0]  }
0x2fc: {  	v4 =	vadd.f32 v5, v4;
	v2 =	vadd.f32 v8, v2  }
0x2fd: {  	v53 =	vld [tilespmem:s10+$0xFC30]  }
0x2fe: {  	v54 =	vld [tilespmem:s8+$0x11030];
	v1 =	vadd.f32 v1, v4;
	v2 =	vadd.f32 v52, v2  }
0x2ff: {  	v55 =	vld [tilespmem:s10+$0xFEB0]  }
0x300: {  	v56 =	vld [tilespmem:s8+$0x112B0];
	v1 =	vadd.f32 v9, v1;
	v2 =	vadd.f32 v3, v2  }
0x301: {  	v3 =	vld [tilespmem:s10+$0x10130]  }
0x302: {  	v57 =	vld [tilespmem:s8+$0x11530];
	v1 =	vadd.f32 v10, v1;
	v2 =	vadd.f32 v53, v2  }
0x303: {  	v58 =	vld [tilespmem:s10+$0x103B0]  }
0x304: {  	v59 =	vld [tilespmem:s8+$0x117B0];
	v1 =	vadd.f32 v54, v1;
	v2 =	vadd.f32 v55, v2  }
0x305: {  	v60 =	vld [tilespmem:s10+$0x10630]  }
0x306: {  	v1 =	vadd.f32 v56, v1;
	v2 =	vadd.f32 v3, v2  }
0x307: {  	v3 =	vld [tilespmem:s10+$0x108B0]  }
0x308: {  	v1 =	vadd.f32 v57, v1;
	v2 =	vadd.f32 v58, v2  }
0x309: {  	v61 =	vld [tilespmem:s10+$0x10B30]  }
0x30a: {  	v1 =	vadd.f32 v59, v1;
	v2 =	vadd.f32 v60, v2  }
0x30b: {  	v62 =	vld [tilespmem:s10+$0x10DB0]  }
0x30c: {  	[tilespmem:s8+$0x11A30] =	vst v1;
	v1 =	vadd.f32 v3, v2  }
0x30d: {  	v2 =	vld [tilespmem:s10+$0x11030]  }
0x30e: {  	v1 =	vadd.f32 v61, v1  }
0x30f: {  	v3 =	vld [tilespmem:s10+$0x112B0]  }
0x310: {  	v1 =	vadd.f32 v62, v1  }
0x311: {  	v63 =	vld [tilespmem:s10+$0x11530]  }
0x312: {  	v1 =	vadd.f32 v2, v1  }
0x313: {  	v2 =	vld [tilespmem:s10+$0x117B0]  }
0x314: {  	v1 =	vadd.f32 v3, v1;
	_ =	sdelay $0x1  }
0x315: {  	v1 =	vadd.f32 v63, v1;
	_ =	sdelay $0x1  }
0x316: {  	v1 =	vadd.f32 v2, v1;
	_ =	sdelay $0x1  }
0x317: {  	s24 =	rddreg [dreg:$0x17];
	[tilespmem:s10+$0x11A30] =	vst v1  }
0x318: {  	[hbm4b:s24+s3] =	stream.linear.scatter [tilespmem:s4], [sflag:$0x4], $0x280, $0x38;
	[tilespmem:$0x17430] =	vst v63  }
0x319: {  	_ =	swait.ge [sflag:s2], $0x280  }
0x31a: {  	s16 =	sadd.s32 $0x1, s16;
	s25 =	rddreg [dreg:$0x18]  }
0x31b: {  	p0 =	sne.s32 s16, s25  }
.Ltmp9:
0x31c: {  	_ = 	snop;
	(pc) =	sbr.rel @p0 .LBB2_1-.Ltmp9, $3  }
0x31d: {  	_ =	sdelay $0x1  }
0x31e: {  	[sflag:s2] =	ssyncset.done $0x0  }
0x31f: {  	[sflag:s2] =	ssyncadd.s32 $0xFFFFFD80  }
0x320: {  	_ =	sfence.sel $0x180000  }
0x321: {  	[bflag:$0x0] =	sbarrier.arrive $0xFFFF  }
0x322: {  	_ =	strace $0x9000004A  }
0x323: {  	s0 =	stileid.u32;
	[bflag:$0x2] =	sbarrier.arrive $0xFFFF  }
0x324: {  	p0 =	sne.s32 s0, $0x0;
	s0 =	rddreg [dreg:$0x5]  }
0x325: {  	s0 =	sadd.s32 @!p0 $0x100000, s0  }
0x326: {  	[sflag:s0] =	ssyncadd.tile.s32 @!p0 $0x1;
	_ =	shalt  }
.Lfunc_end2:
_tile_overlayer_lowered:
.L_overlay_start_2:
0x327: {  	(tag) =	ssettag $0x2  }
0x328: {  	s0 =	rddreg [dreg:$0x0];
	s2 =	stileid.u32  }
0x329: {  	s1 =	rddreg [dreg:$0x1];
	p0 =	sne.s32 s2, $0x0  }
0x32a: {  	s3 =	rddreg [dreg:$0x2];
	[bflag:$0x3] =	sbarrier.arrive $0xFFFF;
	s2 =	simm.s32 @!p0 $0x1C04  }
0x32b: {  	[timem:s3], [sflag:s2] =	dma.local @!p0 [hbm:s0], s1  }
0x32c: {  	s0 =	simm.s32 @!p0 $0x4  }
0x32d: {  	_ =	swait.ge @!p0 [sflag:s0], s1  }
0x32e: {  	s1 =	ssub.s32 @!p0 $0x0, s1;
	[sflag:s0] =	ssyncset.done @!p0 $0x0  }
0x32f: {  	[sflag:s0] =	ssyncadd.s32 @!p0 s1  }
0x330: {  	[bflag:$0x3] =	sbarrier.arrive $0xFFFF  }
0x331: {  	_ =	shalt  }

</sc_bundles>
